<compile_context>
chip_gen: v7x
topology: tpu7x:2x2x1
jax: 0.10.2.dev20260603
libtpu: 0.0.44.dev20260713+nightly
codegen_flags: <defaults>
</compile_context>

<pallas_src>
import functools

import jax
import jax.numpy as jnp
from jax import lax
from jax.experimental import pallas as pl
from jax.experimental.pallas import tpu as pltpu
from jax.experimental.pallas import tpu_sc as plsc

DIM = 64
_info = plsc.get_sparse_core_info()
NC, NS = _info.num_cores, _info.num_subcores
NW = NC * NS

BLK = 128
SEQ_LEN = 200
BT = 4096 // BLK
N_BLOCKS = SEQ_LEN * BT
BLOCKS_PER_W = N_BLOCKS // NW
CHUNK = 2 * BLK
CHUNKS_PER_W = BLOCKS_PER_W // 2

VOCAB_PAD = 1000064
VTILES = VOCAB_PAD // BLK
VT_PER_W = (VTILES + NW - 1) // NW


def _fmt_body(tt_hbm, out_hbm, in0, in1, ob0, ob1, sem_i, sem_o):
  wid = lax.axis_index("s") * NC + lax.axis_index("c")

  iota16 = lax.iota(jnp.int32, 16)
  rvecs = [jnp.full((16,), r0, jnp.int32) + iota16 for r0 in range(0, BLK, 16)]
  rconsts = [jnp.left_shift(rv, 6) for rv in rvecs]

  ins = (in0, in1)
  obs = (ob0, ob1)

  def start_load(c, slot):
    pltpu.make_async_copy(tt_hbm.at[:, pl.ds(c * BLK, BLK)], ins[slot],
                          sem_i.at[slot]).start()

  def wait_load(slot):
    pltpu.make_async_copy(tt_hbm.at[:, pl.ds(0, BLK)], ins[slot],
                          sem_i.at[slot]).wait()

  def transpose(in_ref, ob_ref):
    @plsc.parallel_loop(0, DIM)
    def dstep(d):
      t = jnp.bitwise_and(iota16 + d, DIM - 1)
      for g in range(8):
        v = plsc.load_gather(in_ref, [t, rvecs[g]])
        plsc.store_scatter(ob_ref, [rconsts[g] + t], v)

  NB = DIM * BLK

  def start_store(c, slot):
    pltpu.make_async_copy(obs[slot], out_hbm.at[pl.ds(c * NB, NB)],
                          sem_o.at[slot]).start()

  def wait_store(slot):
    pltpu.make_async_copy(obs[slot], out_hbm.at[pl.ds(0, NB)],
                          sem_o.at[slot]).wait()

  def cglobal(k):
    return jnp.minimum(wid * VT_PER_W + k, VTILES - 1)

  start_load(cglobal(0), 0)

  def pair_body(p, _):
    k0 = 2 * p
    for q in range(2):
      k = k0 + q
      start_load(cglobal(k + 1), 1 - q)
      wait_load(q)

      @pl.when(p > 0)
      def _():
        wait_store(q)

      transpose(ins[q], obs[q])
      start_store(cglobal(k), q)
    return 0

  lax.fori_loop(0, VT_PER_W // 2, pair_body, 0, unroll=False)
  wait_load(0)
  wait_store(0)
  transpose(ins[0], obs[0])
  start_store(cglobal(VT_PER_W - 1), 0)
  for q in range(2):
    wait_store(q)


def _gather_body(idx_hbm, tab_hbm, out_hbm,
                 idx_all, rows0, rows1, blk0, blk1,
                 sem_g, sem_s):
  wid = lax.axis_index("s") * NC + lax.axis_index("c")
  base_blk = wid * BLOCKS_PER_W
  base_idx = base_blk * BLK

  pltpu.sync_copy(idx_hbm.at[pl.ds(base_idx, BLOCKS_PER_W * BLK)], idx_all)

  iota16 = lax.iota(jnp.int32, 16)
  jvecs = [jnp.full((16,), j0, jnp.int32) + iota16 for j0 in range(0, CHUNK, 16)]
  jconsts = [jvecs[sub * 8 + jg] + (sub * 7 * BLK)
             for sub in range(2) for jg in range(8)]

  rows = (rows0, rows1)
  blks = (blk0, blk1)

  def start_gather(c, slot):
    pltpu.make_async_copy(tab_hbm.at[idx_all.at[pl.ds(c * CHUNK, CHUNK)]],
                          rows[slot], sem_g.at[slot]).start()

  def wait_gather(slot):
    pltpu.make_async_copy(tab_hbm.at[idx_all.at[pl.ds(0, CHUNK)]],
                          rows[slot], sem_g.at[slot]).wait()

  def transpose(c, rows_ref, blk_ref):
    del c

    @plsc.parallel_loop(0, DIM)
    def dstep(d):
      t = jnp.bitwise_and(iota16 + d, DIM - 1)
      tpart = jnp.left_shift(jnp.right_shift(t, 3), 11) + jnp.left_shift(
          jnp.bitwise_and(t, 7), 7)
      for g in range(16):
        v = plsc.load_gather(rows_ref, [jvecs[g], t])
        plsc.store_scatter(blk_ref, [tpart + jconsts[g]], v)

  def start_store(c, blk_ref, slot):
    g = base_blk + 2 * c
    s = lax.div(g, BT)
    bt = lax.rem(g, BT)
    for d8 in range(8):
      off = ((s * 8 + d8) * BT + bt) * (8 * BLK)
      pltpu.make_async_copy(blk_ref.at[pl.ds(d8 * 2 * 8 * BLK, 2 * 8 * BLK)],
                            out_hbm.at[pl.ds(off, 2 * 8 * BLK)],
                            sem_s.at[slot]).start()

  def wait_store(blk_ref, slot):
    for d8 in range(8):
      pltpu.make_async_copy(blk_ref.at[pl.ds(d8 * 2 * 8 * BLK, 2 * 8 * BLK)],
                            out_hbm.at[pl.ds(0, 2 * 8 * BLK)],
                            sem_s.at[slot]).wait()

  start_gather(0, 0)

  def pair_body(p, _):
    c0 = 2 * p
    for q in range(2):
      c = c0 + q
      start_gather(c + 1, 1 - q)
      wait_gather(q)

      @pl.when(p > 0)
      def _():
        wait_store(blks[q], q)

      transpose(c, rows[q], blks[q])
      start_store(c, blks[q], q)
    return 0

  lax.fori_loop(0, CHUNKS_PER_W // 2 - 1, pair_body, 0, unroll=False)
  for q in range(2):
    c = CHUNKS_PER_W - 2 + q
    if q == 0:
      start_gather(c + 1, 1)
    wait_gather(q)
    wait_store(blks[q], q)
    transpose(c, rows[q], blks[q])
    start_store(c, blks[q], q)
  for q in range(2):
    wait_store(blks[q], q)


def kernel(indices, table):
  batch, seq = indices.shape
  n = batch * seq

  idx_t = indices.T.reshape(n).astype(jnp.int32)
  tt = table.T

  mesh = plsc.VectorSubcoreMesh(core_axis_name="c", subcore_axis_name="s")
  cp = pltpu.CompilerParams(needs_layout_passes=False,
                            disable_bounds_checks=True)

  fmt = functools.partial(
      pl.kernel,
      mesh=mesh,
      out_type=jax.ShapeDtypeStruct((VOCAB_PAD * DIM,), jnp.float32),
      scratch_types=[
          pltpu.VMEM((DIM, BLK), jnp.float32),
          pltpu.VMEM((DIM, BLK), jnp.float32),
          pltpu.VMEM((DIM * BLK,), jnp.float32),
          pltpu.VMEM((DIM * BLK,), jnp.float32),
          pltpu.SemaphoreType.DMA((2,)),
          pltpu.SemaphoreType.DMA((2,)),
      ],
      compiler_params=cp,
  )(_fmt_body)

  tab2 = fmt(tt).reshape(VOCAB_PAD, DIM)

  g = functools.partial(
      pl.kernel,
      mesh=mesh,
      out_type=jax.ShapeDtypeStruct((n * DIM,), jnp.float32),
      scratch_types=[
          pltpu.VMEM((BLOCKS_PER_W * BLK,), jnp.int32),
          pltpu.VMEM((CHUNK, DIM), jnp.float32),
          pltpu.VMEM((CHUNK, DIM), jnp.float32),
          pltpu.VMEM((2 * DIM * BLK,), jnp.float32),
          pltpu.VMEM((2 * DIM * BLK,), jnp.float32),
          pltpu.SemaphoreType.DMA((2,)),
          pltpu.SemaphoreType.DMA((2,)),
      ],
      compiler_params=pltpu.CompilerParams(
          use_tc_tiling_on_sc=False, needs_layout_passes=False,
          disable_bounds_checks=True),
  )(_gather_body)

  out_flat = g(idx_t, tab2)
  out5 = out_flat.reshape(seq, DIM // 8, batch // BLK, 8, BLK)
  return out5.transpose(2, 4, 0, 1, 3).reshape(batch, seq, DIM)

# --- scband reference (transcript-rebuilt; emitter-appended) ---
"""Pipeline reference for scband-cnn2-858993459651 (READ-ONLY COPY).

The authoritative reference and input builder live on the scoring server;
editing this copy changes nothing except your own understanding.
"""

import jax, jax.numpy as jnp
import numpy as np

VOCAB_WORD = 1000000
DIM = 64
BATCH = 4096
SEQ = 200
PAD_IDX = VOCAB_WORD + 1


def setup_inputs(seed: int = 0) -> dict:
    key = jax.random.key(seed)
    k_idx, k_tab = jax.random.split(key)
    # word indices; values in [0, VOCAB_WORD) so they never hit the padding row
    indices = jax.random.randint(k_idx, (BATCH, SEQ), 0, VOCAB_WORD, dtype=jnp.int64)
    # pretrained word-vector matrix (wv_maritx copied into nn.Embedding.weight)
    table = jax.random.normal(k_tab, (VOCAB_WORD + 2, DIM), dtype=jnp.float32) * 0.02
    # padding_idx row is conventionally zero in nn.Embedding
    table = table.at[PAD_IDX].set(0.0)
    return {"indices": indices, "table": table}


def reference(indices, table):
    # nn.Embedding forward: row gather from the embedding table
    out = jnp.take(table, indices, axis=0)  # [BATCH, SEQ, DIM]
    return out

if __name__ == "__main__":
    import jax
    _d = setup_inputs()
    print(jax.jit(kernel)(*tuple(_d.values())))

</pallas_src>

<mosaic_0001>
#map = affine_map<(d0, d1) -> (0)>
#map1 = affine_map<(d0, d1) -> (0, 0)>
module attributes {stable_mosaic.version = 14 : i64} {
  func.func @_gather_body(%arg0: i32, %arg1: i32, %arg2: memref<819200xi32, #tpu.memory_space<hbm>>, %arg3: memref<1000064x64xf32, #tpu.memory_space<hbm>>, %arg4: memref<52428800xf32, #tpu.memory_space<hbm>>, %arg5: memref<25600xi32, #tpu.memory_space<vmem>>, %arg6: memref<256x64xf32, #tpu.memory_space<vmem>>, %arg7: memref<256x64xf32, #tpu.memory_space<vmem>>, %arg8: memref<16384xf32, #tpu.memory_space<vmem>>, %arg9: memref<16384xf32, #tpu.memory_space<vmem>>, %arg10: memref<2x!tpu.dma_semaphore, #tpu.memory_space<semaphore_mem>>, %arg11: memref<2x!tpu.dma_semaphore, #tpu.memory_space<semaphore_mem>>) attributes {dimension_semantics = [#tpu.dimension_semantics<core_parallel>, #tpu.dimension_semantics<subcore_parallel>], iteration_bounds = array<i64: 2, 16>, scalar_prefetch = 0 : i64, scratch_operands = 7 : i64, tpu.core_type = #tpu.core_type<sc_vector_subcore>, window_params = [{transform_indices = #map}, {transform_indices = #map1}, {transform_indices = #map}]} {
    %mul3A = arith.constant 2 : i32
    %mul3A_0 = arith.muli %arg1, %mul3A : i32
    %add3A = arith.addi %mul3A_0, %arg0 : i32
    %mul3A_1 = arith.constant 200 : i32
    %mul3A_2 = arith.muli %add3A, %mul3A_1 : i32
    %mul3A_3 = arith.constant 128 : i32
    %mul3A_4 = arith.muli %mul3A_2, %mul3A_3 : i32
    "tpu.region"() ({
      %run_scoped3A = tpu.sem_alloc : memref<!tpu.dma_semaphore, #tpu.memory_space<semaphore_mem>>
      %dma_start3A_791 = tpu.memref_slice %arg2[%mul3A_4] : memref<819200xi32, #tpu.memory_space<hbm>> -> memref<25600xi32, #tpu.memory_space<hbm>>
      %dma_start3A_792 = tpu.memref_slice %arg2[%mul3A_4] : memref<819200xi32, #tpu.memory_space<hbm>> -> memref<25600xi32, #tpu.memory_space<hbm>>
      tpu.enqueue_dma source(%dma_start3A_792 : memref<25600xi32, #tpu.memory_space<hbm>>) target(%arg5 : memref<25600xi32, #tpu.memory_space<vmem>>) target_semaphore(%run_scoped3A : memref<!tpu.dma_semaphore, #tpu.memory_space<semaphore_mem>>)
      %dma_wait3A_793 = tpu.memref_slice %arg2[%mul3A_4] : memref<819200xi32, #tpu.memory_space<hbm>> -> memref<25600xi32, #tpu.memory_space<hbm>>
      %dma_wait3A_794 = tpu.memref_slice %arg2[%mul3A_4] : memref<819200xi32, #tpu.memory_space<hbm>> -> memref<25600xi32, #tpu.memory_space<hbm>>
      tpu.wait_dma2 semaphore(%run_scoped3A : memref<!tpu.dma_semaphore, #tpu.memory_space<semaphore_mem>>) src(%dma_wait3A_794 : memref<25600xi32, #tpu.memory_space<hbm>>) dst(%arg5 : memref<25600xi32, #tpu.memory_space<vmem>>)
      tpu.yield
    }) : () -> ()
    %iota3A = tpu.iota {dimensions = array<i32: 0>} : vector<16xi32>
    %broadcast_in_dim3A = arith.constant 0 : i32
    %broadcast_in_dim3A_5 = vector.broadcast %broadcast_in_dim3A : i32 to vector<16xi32>
    %add3A_6 = arith.addi %broadcast_in_dim3A_5, %iota3A : vector<16xi32>
    %broadcast_in_dim3A_7 = arith.constant 16 : i32
    %broadcast_in_dim3A_8 = vector.broadcast %broadcast_in_dim3A_7 : i32 to vector<16xi32>
    %add3A_9 = arith.addi %broadcast_in_dim3A_8, %iota3A : vector<16xi32>
    %broadcast_in_dim3A_10 = arith.constant 32 : i32
    %broadcast_in_dim3A_11 = vector.broadcast %broadcast_in_dim3A_10 : i32 to vector<16xi32>
    %add3A_12 = arith.addi %broadcast_in_dim3A_11, %iota3A : vector<16xi32>
    %broadcast_in_dim3A_13 = arith.constant 48 : i32
    %broadcast_in_dim3A_14 = vector.broadcast %broadcast_in_dim3A_13 : i32 to vector<16xi32>
    %add3A_15 = arith.addi %broadcast_in_dim3A_14, %iota3A : vector<16xi32>
    %broadcast_in_dim3A_16 = arith.constant 64 : i32
    %broadcast_in_dim3A_17 = vector.broadcast %broadcast_in_dim3A_16 : i32 to vector<16xi32>
    %add3A_18 = arith.addi %broadcast_in_dim3A_17, %iota3A : vector<16xi32>
    %broadcast_in_dim3A_19 = arith.constant 80 : i32
    %broadcast_in_dim3A_20 = vector.broadcast %broadcast_in_dim3A_19 : i32 to vector<16xi32>
    %add3A_21 = arith.addi %broadcast_in_dim3A_20, %iota3A : vector<16xi32>
    %broadcast_in_dim3A_22 = arith.constant 96 : i32
    %broadcast_in_dim3A_23 = vector.broadcast %broadcast_in_dim3A_22 : i32 to vector<16xi32>
    %add3A_24 = arith.addi %broadcast_in_dim3A_23, %iota3A : vector<16xi32>
    %broadcast_in_dim3A_25 = arith.constant 112 : i32
    %broadcast_in_dim3A_26 = vector.broadcast %broadcast_in_dim3A_25 : i32 to vector<16xi32>
    %add3A_27 = arith.addi %broadcast_in_dim3A_26, %iota3A : vector<16xi32>
    %broadcast_in_dim3A_28 = arith.constant 128 : i32
    %broadcast_in_dim3A_29 = vector.broadcast %broadcast_in_dim3A_28 : i32 to vector<16xi32>
    %add3A_30 = arith.addi %broadcast_in_dim3A_29, %iota3A : vector<16xi32>
    %broadcast_in_dim3A_31 = arith.constant 144 : i32
    %broadcast_in_dim3A_32 = vector.broadcast %broadcast_in_dim3A_31 : i32 to vector<16xi32>
    %add3A_33 = arith.addi %broadcast_in_dim3A_32, %iota3A : vector<16xi32>
    %broadcast_in_dim3A_34 = arith.constant 160 : i32
    %broadcast_in_dim3A_35 = vector.broadcast %broadcast_in_dim3A_34 : i32 to vector<16xi32>
    %add3A_36 = arith.addi %broadcast_in_dim3A_35, %iota3A : vector<16xi32>
    %broadcast_in_dim3A_37 = arith.constant 176 : i32
    %broadcast_in_dim3A_38 = vector.broadcast %broadcast_in_dim3A_37 : i32 to vector<16xi32>
    %add3A_39 = arith.addi %broadcast_in_dim3A_38, %iota3A : vector<16xi32>
    %broadcast_in_dim3A_40 = arith.constant 192 : i32
    %broadcast_in_dim3A_41 = vector.broadcast %broadcast_in_dim3A_40 : i32 to vector<16xi32>
    %add3A_42 = arith.addi %broadcast_in_dim3A_41, %iota3A : vector<16xi32>
    %broadcast_in_dim3A_43 = arith.constant 208 : i32
    %broadcast_in_dim3A_44 = vector.broadcast %broadcast_in_dim3A_43 : i32 to vector<16xi32>
    %add3A_45 = arith.addi %broadcast_in_dim3A_44, %iota3A : vector<16xi32>
    %broadcast_in_dim3A_46 = arith.constant 224 : i32
    %broadcast_in_dim3A_47 = vector.broadcast %broadcast_in_dim3A_46 : i32 to vector<16xi32>
    %add3A_48 = arith.addi %broadcast_in_dim3A_47, %iota3A : vector<16xi32>
    %broadcast_in_dim3A_49 = arith.constant 240 : i32
    %broadcast_in_dim3A_50 = vector.broadcast %broadcast_in_dim3A_49 : i32 to vector<16xi32>
    %add3A_51 = arith.addi %broadcast_in_dim3A_50, %iota3A : vector<16xi32>
    %add3A_52 = arith.constant 0 : i32
    %add3A_53 = vector.broadcast %add3A_52 : i32 to vector<16xi32>
    %add3A_54 = arith.addi %add3A_6, %add3A_53 : vector<16xi32>
    %add3A_55 = arith.constant 0 : i32
    %add3A_56 = vector.broadcast %add3A_55 : i32 to vector<16xi32>
    %add3A_57 = arith.addi %add3A_9, %add3A_56 : vector<16xi32>
    %add3A_58 = arith.constant 0 : i32
    %add3A_59 = vector.broadcast %add3A_58 : i32 to vector<16xi32>
    %add3A_60 = arith.addi %add3A_12, %add3A_59 : vector<16xi32>
    %add3A_61 = arith.constant 0 : i32
    %add3A_62 = vector.broadcast %add3A_61 : i32 to vector<16xi32>
    %add3A_63 = arith.addi %add3A_15, %add3A_62 : vector<16xi32>
    %add3A_64 = arith.constant 0 : i32
    %add3A_65 = vector.broadcast %add3A_64 : i32 to vector<16xi32>
    %add3A_66 = arith.addi %add3A_18, %add3A_65 : vector<16xi32>
    %add3A_67 = arith.constant 0 : i32
    %add3A_68 = vector.broadcast %add3A_67 : i32 to vector<16xi32>
    %add3A_69 = arith.addi %add3A_21, %add3A_68 : vector<16xi32>
    %add3A_70 = arith.constant 0 : i32
    %add3A_71 = vector.broadcast %add3A_70 : i32 to vector<16xi32>
    %add3A_72 = arith.addi %add3A_24, %add3A_71 : vector<16xi32>
    %add3A_73 = arith.constant 0 : i32
    %add3A_74 = vector.broadcast %add3A_73 : i32 to vector<16xi32>
    %add3A_75 = arith.addi %add3A_27, %add3A_74 : vector<16xi32>
    %add3A_76 = arith.constant 896 : i32
    %add3A_77 = vector.broadcast %add3A_76 : i32 to vector<16xi32>
    %add3A_78 = arith.addi %add3A_30, %add3A_77 : vector<16xi32>
    %add3A_79 = arith.constant 896 : i32
    %add3A_80 = vector.broadcast %add3A_79 : i32 to vector<16xi32>
    %add3A_81 = arith.addi %add3A_33, %add3A_80 : vector<16xi32>
    %add3A_82 = arith.constant 896 : i32
    %add3A_83 = vector.broadcast %add3A_82 : i32 to vector<16xi32>
    %add3A_84 = arith.addi %add3A_36, %add3A_83 : vector<16xi32>
    %add3A_85 = arith.constant 896 : i32
    %add3A_86 = vector.broadcast %add3A_85 : i32 to vector<16xi32>
    %add3A_87 = arith.addi %add3A_39, %add3A_86 : vector<16xi32>
    %add3A_88 = arith.constant 896 : i32
    %add3A_89 = vector.broadcast %add3A_88 : i32 to vector<16xi32>
    %add3A_90 = arith.addi %add3A_42, %add3A_89 : vector<16xi32>
    %add3A_91 = arith.constant 896 : i32
    %add3A_92 = vector.broadcast %add3A_91 : i32 to vector<16xi32>
    %add3A_93 = arith.addi %add3A_45, %add3A_92 : vector<16xi32>
    %add3A_94 = arith.constant 896 : i32
    %add3A_95 = vector.broadcast %add3A_94 : i32 to vector<16xi32>
    %add3A_96 = arith.addi %add3A_48, %add3A_95 : vector<16xi32>
    %add3A_97 = arith.constant 896 : i32
    %add3A_98 = vector.broadcast %add3A_97 : i32 to vector<16xi32>
    %add3A_99 = arith.addi %add3A_51, %add3A_98 : vector<16xi32>
    %dma_start3A = arith.constant 0 : i32
    %dma_start3A_100 = arith.constant 0 : i32
    %dma_start3A_101 = tpu.memref_slice %arg5[%dma_start3A_100] : memref<25600xi32, #tpu.memory_space<vmem>> -> memref<256xi32, #tpu.memory_space<vmem>>
    %dma_start3A_102 = arith.constant 0 : i32
    %dma_start3A_103 = arith.constant 0 : i32
    %dma_start3A_104 = tpu.memref_slice %arg3[%dma_start3A_102, %dma_start3A_103] : memref<1000064x64xf32, #tpu.memory_space<hbm>> -> memref<1000064x64xf32, #tpu.memory_space<hbm>>
    %dma_start3A_105 = tpu.memref_slice %arg10[%dma_start3A] : memref<2x!tpu.dma_semaphore, #tpu.memory_space<semaphore_mem>> -> memref<1x!tpu.dma_semaphore, #tpu.memory_space<semaphore_mem>>
    %dma_start3A_106 = tpu.memref_squeeze %dma_start3A_105 : memref<1x!tpu.dma_semaphore, #tpu.memory_space<semaphore_mem>> -> memref<!tpu.dma_semaphore, #tpu.memory_space<semaphore_mem>>
    tpu.enqueue_indirect_dma source(%dma_start3A_104 : memref<1000064x64xf32, #tpu.memory_space<hbm>>) target(%arg6 : memref<256x64xf32, #tpu.memory_space<vmem>>) offsets(%dma_start3A_101 : memref<256xi32, #tpu.memory_space<vmem>>) semaphore(%dma_start3A_106 : memref<!tpu.dma_semaphore, #tpu.memory_space<semaphore_mem>>)
    %scan3A = arith.constant 0 : i32
    %scan3A_107 = arith.constant 0 : i32
    %scan3A_108 = arith.constant 49 : i32
    %scan3A_109 = arith.addi %scan3A_107, %scan3A_108 : i32
    %scan3A_110 = arith.constant 1 : i32
    %scan3A_111 = scf.for %scan3A_791 = %scan3A_107 to %scan3A_109 step %scan3A_110 iter_args(%scan3A_792 = %scan3A) -> (i32)  : i32 {
      %mul3A_793 = arith.constant 2 : i32
      %mul3A_794 = arith.muli %mul3A_793, %scan3A_791 : i32
      %add3A_795 = arith.constant 0 : i32
      %add3A_796 = arith.addi %mul3A_794, %add3A_795 : i32
      %add3A_797 = arith.constant 1 : i32
      %add3A_798 = arith.addi %add3A_796, %add3A_797 : i32
      %mul3A_799 = arith.constant 256 : i32
      %mul3A_800 = arith.muli %add3A_798, %mul3A_799 : i32
      %dma_start3A_801 = arith.constant 1 : i32
      %dma_start3A_802 = tpu.memref_slice %arg5[%mul3A_800] : memref<25600xi32, #tpu.memory_space<vmem>> -> memref<256xi32, #tpu.memory_space<vmem>>
      %dma_start3A_803 = arith.constant 0 : i32
      %dma_start3A_804 = arith.constant 0 : i32
      %dma_start3A_805 = tpu.memref_slice %arg3[%dma_start3A_803, %dma_start3A_804] : memref<1000064x64xf32, #tpu.memory_space<hbm>> -> memref<1000064x64xf32, #tpu.memory_space<hbm>>
      %dma_start3A_806 = tpu.memref_slice %arg10[%dma_start3A_801] : memref<2x!tpu.dma_semaphore, #tpu.memory_space<semaphore_mem>> -> memref<1x!tpu.dma_semaphore, #tpu.memory_space<semaphore_mem>>
      %dma_start3A_807 = tpu.memref_squeeze %dma_start3A_806 : memref<1x!tpu.dma_semaphore, #tpu.memory_space<semaphore_mem>> -> memref<!tpu.dma_semaphore, #tpu.memory_space<semaphore_mem>>
      tpu.enqueue_indirect_dma source(%dma_start3A_805 : memref<1000064x64xf32, #tpu.memory_space<hbm>>) target(%arg7 : memref<256x64xf32, #tpu.memory_space<vmem>>) offsets(%dma_start3A_802 : memref<256xi32, #tpu.memory_space<vmem>>) semaphore(%dma_start3A_807 : memref<!tpu.dma_semaphore, #tpu.memory_space<semaphore_mem>>)
      %dma_wait3A_808 = arith.constant 0 : i32
      %dma_wait3A_809 = arith.constant 0 : i32
      %dma_wait3A_810 = tpu.memref_slice %arg5[%dma_wait3A_809] : memref<25600xi32, #tpu.memory_space<vmem>> -> memref<256xi32, #tpu.memory_space<vmem>>
      %dma_wait3A_811 = arith.constant 0 : i32
      %dma_wait3A_812 = arith.constant 0 : i32
      %dma_wait3A_813 = tpu.memref_slice %arg3[%dma_wait3A_811, %dma_wait3A_812] : memref<1000064x64xf32, #tpu.memory_space<hbm>> -> memref<1000064x64xf32, #tpu.memory_space<hbm>>
      %dma_wait3A_814 = tpu.memref_slice %arg10[%dma_wait3A_808] : memref<2x!tpu.dma_semaphore, #tpu.memory_space<semaphore_mem>> -> memref<1x!tpu.dma_semaphore, #tpu.memory_space<semaphore_mem>>
      %dma_wait3A_815 = tpu.memref_squeeze %dma_wait3A_814 : memref<1x!tpu.dma_semaphore, #tpu.memory_space<semaphore_mem>> -> memref<!tpu.dma_semaphore, #tpu.memory_space<semaphore_mem>>
      tpu.wait_indirect_dma semaphore(%dma_wait3A_815 : memref<!tpu.dma_semaphore, #tpu.memory_space<semaphore_mem>>) src(%dma_wait3A_813 : memref<1000064x64xf32, #tpu.memory_space<hbm>>) dst(%arg6 : memref<256x64xf32, #tpu.memory_space<vmem>>)
      %gt3A = arith.constant 0 : i32
      %gt3A_816 = arith.cmpi sgt, %scan3A_791, %gt3A : i32
      %convert_element_type3A = arith.extui %gt3A_816 : i1 to i32
      %cond3A = arith.constant 0 : i32
      %cond3A_817 = arith.cmpi ne, %convert_element_type3A, %cond3A : i32
      scf.if %cond3A_817 {
        %dma_wait3A_1153 = arith.constant 0 : i32
        %dma_wait3A_1154 = arith.constant 0 : i32
        %dma_wait3A_1155 = tpu.memref_slice %arg8[%dma_wait3A_1154] : memref<16384xf32, #tpu.memory_space<vmem>> -> memref<2048xf32, #tpu.memory_space<vmem>>
        %dma_wait3A_1156 = arith.constant 0 : i32
        %dma_wait3A_1157 = tpu.memref_slice %arg4[%dma_wait3A_1156] : memref<52428800xf32, #tpu.memory_space<hbm>> -> memref<2048xf32, #tpu.memory_space<hbm>>
        %dma_wait3A_1158 = tpu.memref_slice %arg11[%dma_wait3A_1153] : memref<2x!tpu.dma_semaphore, #tpu.memory_space<semaphore_mem>> -> memref<1x!tpu.dma_semaphore, #tpu.memory_space<semaphore_mem>>
        %dma_wait3A_1159 = tpu.memref_squeeze %dma_wait3A_1158 : memref<1x!tpu.dma_semaphore, #tpu.memory_space<semaphore_mem>> -> memref<!tpu.dma_semaphore, #tpu.memory_space<semaphore_mem>>
        %dma_wait3A_1160 = arith.constant 0 : i32
        %dma_wait3A_1161 = tpu.memref_slice %arg4[%dma_wait3A_1160] : memref<52428800xf32, #tpu.memory_space<hbm>> -> memref<2048xf32, #tpu.memory_space<hbm>>
        %dma_wait3A_1162 = arith.constant 0 : i32
        %dma_wait3A_1163 = tpu.memref_slice %arg8[%dma_wait3A_1162] : memref<16384xf32, #tpu.memory_space<vmem>> -> memref<2048xf32, #tpu.memory_space<vmem>>
        tpu.wait_dma2 semaphore(%dma_wait3A_1159 : memref<!tpu.dma_semaphore, #tpu.memory_space<semaphore_mem>>) src(%dma_wait3A_1163 : memref<2048xf32, #tpu.memory_space<vmem>>) dst(%dma_wait3A_1161 : memref<2048xf32, #tpu.memory_space<hbm>>)
        %dma_wait3A_1164 = arith.constant 0 : i32
        %dma_wait3A_1165 = arith.constant 2048 : i32
        %dma_wait3A_1166 = tpu.memref_slice %arg8[%dma_wait3A_1165] : memref<16384xf32, #tpu.memory_space<vmem>> -> memref<2048xf32, #tpu.memory_space<vmem>>
        %dma_wait3A_1167 = arith.constant 0 : i32
        %dma_wait3A_1168 = tpu.memref_slice %arg4[%dma_wait3A_1167] : memref<52428800xf32, #tpu.memory_space<hbm>> -> memref<2048xf32, #tpu.memory_space<hbm>>
        %dma_wait3A_1169 = tpu.memref_slice %arg11[%dma_wait3A_1164] : memref<2x!tpu.dma_semaphore, #tpu.memory_space<semaphore_mem>> -> memref<1x!tpu.dma_semaphore, #tpu.memory_space<semaphore_mem>>
        %dma_wait3A_1170 = tpu.memref_squeeze %dma_wait3A_1169 : memref<1x!tpu.dma_semaphore, #tpu.memory_space<semaphore_mem>> -> memref<!tpu.dma_semaphore, #tpu.memory_space<semaphore_mem>>
        %dma_wait3A_1171 = arith.constant 0 : i32
        %dma_wait3A_1172 = tpu.memref_slice %arg4[%dma_wait3A_1171] : memref<52428800xf32, #tpu.memory_space<hbm>> -> memref<2048xf32, #tpu.memory_space<hbm>>
        %dma_wait3A_1173 = arith.constant 2048 : i32
        %dma_wait3A_1174 = tpu.memref_slice %arg8[%dma_wait3A_1173] : memref<16384xf32, #tpu.memory_space<vmem>> -> memref<2048xf32, #tpu.memory_space<vmem>>
        tpu.wait_dma2 semaphore(%dma_wait3A_1170 : memref<!tpu.dma_semaphore, #tpu.memory_space<semaphore_mem>>) src(%dma_wait3A_1174 : memref<2048xf32, #tpu.memory_space<vmem>>) dst(%dma_wait3A_1172 : memref<2048xf32, #tpu.memory_space<hbm>>)
        %dma_wait3A_1175 = arith.constant 0 : i32
        %dma_wait3A_1176 = arith.constant 4096 : i32
        %dma_wait3A_1177 = tpu.memref_slice %arg8[%dma_wait3A_1176] : memref<16384xf32, #tpu.memory_space<vmem>> -> memref<2048xf32, #tpu.memory_space<vmem>>
        %dma_wait3A_1178 = arith.constant 0 : i32
        %dma_wait3A_1179 = tpu.memref_slice %arg4[%dma_wait3A_1178] : memref<52428800xf32, #tpu.memory_space<hbm>> -> memref<2048xf32, #tpu.memory_space<hbm>>
        %dma_wait3A_1180 = tpu.memref_slice %arg11[%dma_wait3A_1175] : memref<2x!tpu.dma_semaphore, #tpu.memory_space<semaphore_mem>> -> memref<1x!tpu.dma_semaphore, #tpu.memory_space<semaphore_mem>>
        %dma_wait3A_1181 = tpu.memref_squeeze %dma_wait3A_1180 : memref<1x!tpu.dma_semaphore, #tpu.memory_space<semaphore_mem>> -> memref<!tpu.dma_semaphore, #tpu.memory_space<semaphore_mem>>
        %dma_wait3A_1182 = arith.constant 0 : i32
        %dma_wait3A_1183 = tpu.memref_slice %arg4[%dma_wait3A_1182] : memref<52428800xf32, #tpu.memory_space<hbm>> -> memref<2048xf32, #tpu.memory_space<hbm>>
        %dma_wait3A_1184 = arith.constant 4096 : i32
        %dma_wait3A_1185 = tpu.memref_slice %arg8[%dma_wait3A_1184] : memref<16384xf32, #tpu.memory_space<vmem>> -> memref<2048xf32, #tpu.memory_space<vmem>>
        tpu.wait_dma2 semaphore(%dma_wait3A_1181 : memref<!tpu.dma_semaphore, #tpu.memory_space<semaphore_mem>>) src(%dma_wait3A_1185 : memref<2048xf32, #tpu.memory_space<vmem>>) dst(%dma_wait3A_1183 : memref<2048xf32, #tpu.memory_space<hbm>>)
        %dma_wait3A_1186 = arith.constant 0 : i32
        %dma_wait3A_1187 = arith.constant 6144 : i32
        %dma_wait3A_1188 = tpu.memref_slice %arg8[%dma_wait3A_1187] : memref<16384xf32, #tpu.memory_space<vmem>> -> memref<2048xf32, #tpu.memory_space<vmem>>
        %dma_wait3A_1189 = arith.constant 0 : i32
        %dma_wait3A_1190 = tpu.memref_slice %arg4[%dma_wait3A_1189] : memref<52428800xf32, #tpu.memory_space<hbm>> -> memref<2048xf32, #tpu.memory_space<hbm>>
        %dma_wait3A_1191 = tpu.memref_slice %arg11[%dma_wait3A_1186] : memref<2x!tpu.dma_semaphore, #tpu.memory_space<semaphore_mem>> -> memref<1x!tpu.dma_semaphore, #tpu.memory_space<semaphore_mem>>
        %dma_wait3A_1192 = tpu.memref_squeeze %dma_wait3A_1191 : memref<1x!tpu.dma_semaphore, #tpu.memory_space<semaphore_mem>> -> memref<!tpu.dma_semaphore, #tpu.memory_space<semaphore_mem>>
        %dma_wait3A_1193 = arith.constant 0 : i32
        %dma_wait3A_1194 = tpu.memref_slice %arg4[%dma_wait3A_1193] : memref<52428800xf32, #tpu.memory_space<hbm>> -> memref<2048xf32, #tpu.memory_space<hbm>>
        %dma_wait3A_1195 = arith.constant 6144 : i32
        %dma_wait3A_1196 = tpu.memref_slice %arg8[%dma_wait3A_1195] : memref<16384xf32, #tpu.memory_space<vmem>> -> memref<2048xf32, #tpu.memory_space<vmem>>
        tpu.wait_dma2 semaphore(%dma_wait3A_1192 : memref<!tpu.dma_semaphore, #tpu.memory_space<semaphore_mem>>) src(%dma_wait3A_1196 : memref<2048xf32, #tpu.memory_space<vmem>>) dst(%dma_wait3A_1194 : memref<2048xf32, #tpu.memory_space<hbm>>)
        %dma_wait3A_1197 = arith.constant 0 : i32
        %dma_wait3A_1198 = arith.constant 8192 : i32
        %dma_wait3A_1199 = tpu.memref_slice %arg8[%dma_wait3A_1198] : memref<16384xf32, #tpu.memory_space<vmem>> -> memref<2048xf32, #tpu.memory_space<vmem>>
        %dma_wait3A_1200 = arith.constant 0 : i32
        %dma_wait3A_1201 = tpu.memref_slice %arg4[%dma_wait3A_1200] : memref<52428800xf32, #tpu.memory_space<hbm>> -> memref<2048xf32, #tpu.memory_space<hbm>>
        %dma_wait3A_1202 = tpu.memref_slice %arg11[%dma_wait3A_1197] : memref<2x!tpu.dma_semaphore, #tpu.memory_space<semaphore_mem>> -> memref<1x!tpu.dma_semaphore, #tpu.memory_space<semaphore_mem>>
        %dma_wait3A_1203 = tpu.memref_squeeze %dma_wait3A_1202 : memref<1x!tpu.dma_semaphore, #tpu.memory_space<semaphore_mem>> -> memref<!tpu.dma_semaphore, #tpu.memory_space<semaphore_mem>>
        %dma_wait3A_1204 = arith.constant 0 : i32
        %dma_wait3A_1205 = tpu.memref_slice %arg4[%dma_wait3A_1204] : memref<52428800xf32, #tpu.memory_space<hbm>> -> memref<2048xf32, #tpu.memory_space<hbm>>
        %dma_wait3A_1206 = arith.constant 8192 : i32
        %dma_wait3A_1207 = tpu.memref_slice %arg8[%dma_wait3A_1206] : memref<16384xf32, #tpu.memory_space<vmem>> -> memref<2048xf32, #tpu.memory_space<vmem>>
        tpu.wait_dma2 semaphore(%dma_wait3A_1203 : memref<!tpu.dma_semaphore, #tpu.memory_space<semaphore_mem>>) src(%dma_wait3A_1207 : memref<2048xf32, #tpu.memory_space<vmem>>) dst(%dma_wait3A_1205 : memref<2048xf32, #tpu.memory_space<hbm>>)
        %dma_wait3A_1208 = arith.constant 0 : i32
        %dma_wait3A_1209 = arith.constant 10240 : i32
        %dma_wait3A_1210 = tpu.memref_slice %arg8[%dma_wait3A_1209] : memref<16384xf32, #tpu.memory_space<vmem>> -> memref<2048xf32, #tpu.memory_space<vmem>>
        %dma_wait3A_1211 = arith.constant 0 : i32
        %dma_wait3A_1212 = tpu.memref_slice %arg4[%dma_wait3A_1211] : memref<52428800xf32, #tpu.memory_space<hbm>> -> memref<2048xf32, #tpu.memory_space<hbm>>
        %dma_wait3A_1213 = tpu.memref_slice %arg11[%dma_wait3A_1208] : memref<2x!tpu.dma_semaphore, #tpu.memory_space<semaphore_mem>> -> memref<1x!tpu.dma_semaphore, #tpu.memory_space<semaphore_mem>>
        %dma_wait3A_1214 = tpu.memref_squeeze %dma_wait3A_1213 : memref<1x!tpu.dma_semaphore, #tpu.memory_space<semaphore_mem>> -> memref<!tpu.dma_semaphore, #tpu.memory_space<semaphore_mem>>
        %dma_wait3A_1215 = arith.constant 0 : i32
        %dma_wait3A_1216 = tpu.memref_slice %arg4[%dma_wait3A_1215] : memref<52428800xf32, #tpu.memory_space<hbm>> -> memref<2048xf32, #tpu.memory_space<hbm>>
        %dma_wait3A_1217 = arith.constant 10240 : i32
        %dma_wait3A_1218 = tpu.memref_slice %arg8[%dma_wait3A_1217] : memref<16384xf32, #tpu.memory_space<vmem>> -> memref<2048xf32, #tpu.memory_space<vmem>>
        tpu.wait_dma2 semaphore(%dma_wait3A_1214 : memref<!tpu.dma_semaphore, #tpu.memory_space<semaphore_mem>>) src(%dma_wait3A_1218 : memref<2048xf32, #tpu.memory_space<vmem>>) dst(%dma_wait3A_1216 : memref<2048xf32, #tpu.memory_space<hbm>>)
        %dma_wait3A_1219 = arith.constant 0 : i32
        %dma_wait3A_1220 = arith.constant 12288 : i32
        %dma_wait3A_1221 = tpu.memref_slice %arg8[%dma_wait3A_1220] : memref<16384xf32, #tpu.memory_space<vmem>> -> memref<2048xf32, #tpu.memory_space<vmem>>
        %dma_wait3A_1222 = arith.constant 0 : i32
        %dma_wait3A_1223 = tpu.memref_slice %arg4[%dma_wait3A_1222] : memref<52428800xf32, #tpu.memory_space<hbm>> -> memref<2048xf32, #tpu.memory_space<hbm>>
        %dma_wait3A_1224 = tpu.memref_slice %arg11[%dma_wait3A_1219] : memref<2x!tpu.dma_semaphore, #tpu.memory_space<semaphore_mem>> -> memref<1x!tpu.dma_semaphore, #tpu.memory_space<semaphore_mem>>
        %dma_wait3A_1225 = tpu.memref_squeeze %dma_wait3A_1224 : memref<1x!tpu.dma_semaphore, #tpu.memory_space<semaphore_mem>> -> memref<!tpu.dma_semaphore, #tpu.memory_space<semaphore_mem>>
        %dma_wait3A_1226 = arith.constant 0 : i32
        %dma_wait3A_1227 = tpu.memref_slice %arg4[%dma_wait3A_1226] : memref<52428800xf32, #tpu.memory_space<hbm>> -> memref<2048xf32, #tpu.memory_space<hbm>>
        %dma_wait3A_1228 = arith.constant 12288 : i32
        %dma_wait3A_1229 = tpu.memref_slice %arg8[%dma_wait3A_1228] : memref<16384xf32, #tpu.memory_space<vmem>> -> memref<2048xf32, #tpu.memory_space<vmem>>
        tpu.wait_dma2 semaphore(%dma_wait3A_1225 : memref<!tpu.dma_semaphore, #tpu.memory_space<semaphore_mem>>) src(%dma_wait3A_1229 : memref<2048xf32, #tpu.memory_space<vmem>>) dst(%dma_wait3A_1227 : memref<2048xf32, #tpu.memory_space<hbm>>)
        %dma_wait3A_1230 = arith.constant 0 : i32
        %dma_wait3A_1231 = arith.constant 14336 : i32
        %dma_wait3A_1232 = tpu.memref_slice %arg8[%dma_wait3A_1231] : memref<16384xf32, #tpu.memory_space<vmem>> -> memref<2048xf32, #tpu.memory_space<vmem>>
        %dma_wait3A_1233 = arith.constant 0 : i32
        %dma_wait3A_1234 = tpu.memref_slice %arg4[%dma_wait3A_1233] : memref<52428800xf32, #tpu.memory_space<hbm>> -> memref<2048xf32, #tpu.memory_space<hbm>>
        %dma_wait3A_1235 = tpu.memref_slice %arg11[%dma_wait3A_1230] : memref<2x!tpu.dma_semaphore, #tpu.memory_space<semaphore_mem>> -> memref<1x!tpu.dma_semaphore, #tpu.memory_space<semaphore_mem>>
        %dma_wait3A_1236 = tpu.memref_squeeze %dma_wait3A_1235 : memref<1x!tpu.dma_semaphore, #tpu.memory_space<semaphore_mem>> -> memref<!tpu.dma_semaphore, #tpu.memory_space<semaphore_mem>>
        %dma_wait3A_1237 = arith.constant 0 : i32
        %dma_wait3A_1238 = tpu.memref_slice %arg4[%dma_wait3A_1237] : memref<52428800xf32, #tpu.memory_space<hbm>> -> memref<2048xf32, #tpu.memory_space<hbm>>
        %dma_wait3A_1239 = arith.constant 14336 : i32
        %dma_wait3A_1240 = tpu.memref_slice %arg8[%dma_wait3A_1239] : memref<16384xf32, #tpu.memory_space<vmem>> -> memref<2048xf32, #tpu.memory_space<vmem>>
        tpu.wait_dma2 semaphore(%dma_wait3A_1236 : memref<!tpu.dma_semaphore, #tpu.memory_space<semaphore_mem>>) src(%dma_wait3A_1240 : memref<2048xf32, #tpu.memory_space<vmem>>) dst(%dma_wait3A_1238 : memref<2048xf32, #tpu.memory_space<hbm>>)
      } else {
      }
      %parallel_loop3A_818 = arith.constant 0 : i32
      %parallel_loop3A_819 = arith.constant 64 : i32
      %parallel_loop3A_820 = arith.constant 1 : i32
      scf.for %parallel_loop3A_1153 = %parallel_loop3A_818 to %parallel_loop3A_819 step %parallel_loop3A_820  : i32 {
        %parallel_loop3A_1154 = vector.broadcast %parallel_loop3A_1153 : i32 to vector<16xi32>
        %parallel_loop3A_1155 = arith.addi %iota3A, %parallel_loop3A_1154 : vector<16xi32>
        %parallel_loop3A_1156 = arith.constant 63 : i32
        %parallel_loop3A_1157 = vector.broadcast %parallel_loop3A_1156 : i32 to vector<16xi32>
        %parallel_loop3A_1158 = arith.andi %parallel_loop3A_1155, %parallel_loop3A_1157 : vector<16xi32>
        %parallel_loop3A_1159 = arith.constant 3 : i32
        %parallel_loop3A_1160 = vector.broadcast %parallel_loop3A_1159 : i32 to vector<16xi32>
        %parallel_loop3A_1161 = arith.shrsi %parallel_loop3A_1158, %parallel_loop3A_1160 : vector<16xi32>
        %parallel_loop3A_1162 = arith.constant 11 : i32
        %parallel_loop3A_1163 = vector.broadcast %parallel_loop3A_1162 : i32 to vector<16xi32>
        %parallel_loop3A_1164 = arith.shli %parallel_loop3A_1161, %parallel_loop3A_1163 : vector<16xi32>
        %parallel_loop3A_1165 = arith.constant 7 : i32
        %parallel_loop3A_1166 = vector.broadcast %parallel_loop3A_1165 : i32 to vector<16xi32>
        %parallel_loop3A_1167 = arith.andi %parallel_loop3A_1158, %parallel_loop3A_1166 : vector<16xi32>
        %parallel_loop3A_1168 = arith.constant 7 : i32
        %parallel_loop3A_1169 = vector.broadcast %parallel_loop3A_1168 : i32 to vector<16xi32>
        %parallel_loop3A_1170 = arith.shli %parallel_loop3A_1167, %parallel_loop3A_1169 : vector<16xi32>
        %parallel_loop3A_1171 = arith.addi %parallel_loop3A_1164, %parallel_loop3A_1170 : vector<16xi32>
        %parallel_loop3A_1172 = tpu.vector_load_idx %arg6[%add3A_6, %parallel_loop3A_1158] : memref<256x64xf32, #tpu.memory_space<vmem>>[vector<16xi32>, vector<16xi32>], vector<16xf32>,
        %parallel_loop3A_1173 = arith.addi %parallel_loop3A_1171, %add3A_54 : vector<16xi32>
        tpu.vector_store_idx %arg8[%parallel_loop3A_1173], %parallel_loop3A_1172 : memref<16384xf32, #tpu.memory_space<vmem>>[vector<16xi32>], vector<16xf32>,
        %parallel_loop3A_1174 = tpu.vector_load_idx %arg6[%add3A_9, %parallel_loop3A_1158] : memref<256x64xf32, #tpu.memory_space<vmem>>[vector<16xi32>, vector<16xi32>], vector<16xf32>,
        %parallel_loop3A_1175 = arith.addi %parallel_loop3A_1171, %add3A_57 : vector<16xi32>
        tpu.vector_store_idx %arg8[%parallel_loop3A_1175], %parallel_loop3A_1174 : memref<16384xf32, #tpu.memory_space<vmem>>[vector<16xi32>], vector<16xf32>,
        %parallel_loop3A_1176 = tpu.vector_load_idx %arg6[%add3A_12, %parallel_loop3A_1158] : memref<256x64xf32, #tpu.memory_space<vmem>>[vector<16xi32>, vector<16xi32>], vector<16xf32>,
        %parallel_loop3A_1177 = arith.addi %parallel_loop3A_1171, %add3A_60 : vector<16xi32>
        tpu.vector_store_idx %arg8[%parallel_loop3A_1177], %parallel_loop3A_1176 : memref<16384xf32, #tpu.memory_space<vmem>>[vector<16xi32>], vector<16xf32>,
        %parallel_loop3A_1178 = tpu.vector_load_idx %arg6[%add3A_15, %parallel_loop3A_1158] : memref<256x64xf32, #tpu.memory_space<vmem>>[vector<16xi32>, vector<16xi32>], vector<16xf32>,
        %parallel_loop3A_1179 = arith.addi %parallel_loop3A_1171, %add3A_63 : vector<16xi32>
        tpu.vector_store_idx %arg8[%parallel_loop3A_1179], %parallel_loop3A_1178 : memref<16384xf32, #tpu.memory_space<vmem>>[vector<16xi32>], vector<16xf32>,
        %parallel_loop3A_1180 = tpu.vector_load_idx %arg6[%add3A_18, %parallel_loop3A_1158] : memref<256x64xf32, #tpu.memory_space<vmem>>[vector<16xi32>, vector<16xi32>], vector<16xf32>,
        %parallel_loop3A_1181 = arith.addi %parallel_loop3A_1171, %add3A_66 : vector<16xi32>
        tpu.vector_store_idx %arg8[%parallel_loop3A_1181], %parallel_loop3A_1180 : memref<16384xf32, #tpu.memory_space<vmem>>[vector<16xi32>], vector<16xf32>,
        %parallel_loop3A_1182 = tpu.vector_load_idx %arg6[%add3A_21, %parallel_loop3A_1158] : memref<256x64xf32, #tpu.memory_space<vmem>>[vector<16xi32>, vector<16xi32>], vector<16xf32>,
        %parallel_loop3A_1183 = arith.addi %parallel_loop3A_1171, %add3A_69 : vector<16xi32>
        tpu.vector_store_idx %arg8[%parallel_loop3A_1183], %parallel_loop3A_1182 : memref<16384xf32, #tpu.memory_space<vmem>>[vector<16xi32>], vector<16xf32>,
        %parallel_loop3A_1184 = tpu.vector_load_idx %arg6[%add3A_24, %parallel_loop3A_1158] : memref<256x64xf32, #tpu.memory_space<vmem>>[vector<16xi32>, vector<16xi32>], vector<16xf32>,
        %parallel_loop3A_1185 = arith.addi %parallel_loop3A_1171, %add3A_72 : vector<16xi32>
        tpu.vector_store_idx %arg8[%parallel_loop3A_1185], %parallel_loop3A_1184 : memref<16384xf32, #tpu.memory_space<vmem>>[vector<16xi32>], vector<16xf32>,
        %parallel_loop3A_1186 = tpu.vector_load_idx %arg6[%add3A_27, %parallel_loop3A_1158] : memref<256x64xf32, #tpu.memory_space<vmem>>[vector<16xi32>, vector<16xi32>], vector<16xf32>,
        %parallel_loop3A_1187 = arith.addi %parallel_loop3A_1171, %add3A_75 : vector<16xi32>
        tpu.vector_store_idx %arg8[%parallel_loop3A_1187], %parallel_loop3A_1186 : memref<16384xf32, #tpu.memory_space<vmem>>[vector<16xi32>], vector<16xf32>,
        %parallel_loop3A_1188 = tpu.vector_load_idx %arg6[%add3A_30, %parallel_loop3A_1158] : memref<256x64xf32, #tpu.memory_space<vmem>>[vector<16xi32>, vector<16xi32>], vector<16xf32>,
        %parallel_loop3A_1189 = arith.addi %parallel_loop3A_1171, %add3A_78 : vector<16xi32>
        tpu.vector_store_idx %arg8[%parallel_loop3A_1189], %parallel_loop3A_1188 : memref<16384xf32, #tpu.memory_space<vmem>>[vector<16xi32>], vector<16xf32>,
        %parallel_loop3A_1190 = tpu.vector_load_idx %arg6[%add3A_33, %parallel_loop3A_1158] : memref<256x64xf32, #tpu.memory_space<vmem>>[vector<16xi32>, vector<16xi32>], vector<16xf32>,
        %parallel_loop3A_1191 = arith.addi %parallel_loop3A_1171, %add3A_81 : vector<16xi32>
        tpu.vector_store_idx %arg8[%parallel_loop3A_1191], %parallel_loop3A_1190 : memref<16384xf32, #tpu.memory_space<vmem>>[vector<16xi32>], vector<16xf32>,
        %parallel_loop3A_1192 = tpu.vector_load_idx %arg6[%add3A_36, %parallel_loop3A_1158] : memref<256x64xf32, #tpu.memory_space<vmem>>[vector<16xi32>, vector<16xi32>], vector<16xf32>,
        %parallel_loop3A_1193 = arith.addi %parallel_loop3A_1171, %add3A_84 : vector<16xi32>
        tpu.vector_store_idx %arg8[%parallel_loop3A_1193], %parallel_loop3A_1192 : memref<16384xf32, #tpu.memory_space<vmem>>[vector<16xi32>], vector<16xf32>,
        %parallel_loop3A_1194 = tpu.vector_load_idx %arg6[%add3A_39, %parallel_loop3A_1158] : memref<256x64xf32, #tpu.memory_space<vmem>>[vector<16xi32>, vector<16xi32>], vector<16xf32>,
        %parallel_loop3A_1195 = arith.addi %parallel_loop3A_1171, %add3A_87 : vector<16xi32>
        tpu.vector_store_idx %arg8[%parallel_loop3A_1195], %parallel_loop3A_1194 : memref<16384xf32, #tpu.memory_space<vmem>>[vector<16xi32>], vector<16xf32>,
        %parallel_loop3A_1196 = tpu.vector_load_idx %arg6[%add3A_42, %parallel_loop3A_1158] : memref<256x64xf32, #tpu.memory_space<vmem>>[vector<16xi32>, vector<16xi32>], vector<16xf32>,
        %parallel_loop3A_1197 = arith.addi %parallel_loop3A_1171, %add3A_90 : vector<16xi32>
        tpu.vector_store_idx %arg8[%parallel_loop3A_1197], %parallel_loop3A_1196 : memref<16384xf32, #tpu.memory_space<vmem>>[vector<16xi32>], vector<16xf32>,
        %parallel_loop3A_1198 = tpu.vector_load_idx %arg6[%add3A_45, %parallel_loop3A_1158] : memref<256x64xf32, #tpu.memory_space<vmem>>[vector<16xi32>, vector<16xi32>], vector<16xf32>,
        %parallel_loop3A_1199 = arith.addi %parallel_loop3A_1171, %add3A_93 : vector<16xi32>
        tpu.vector_store_idx %arg8[%parallel_loop3A_1199], %parallel_loop3A_1198 : memref<16384xf32, #tpu.memory_space<vmem>>[vector<16xi32>], vector<16xf32>,
        %parallel_loop3A_1200 = tpu.vector_load_idx %arg6[%add3A_48, %parallel_loop3A_1158] : memref<256x64xf32, #tpu.memory_space<vmem>>[vector<16xi32>, vector<16xi32>], vector<16xf32>,
        %parallel_loop3A_1201 = arith.addi %parallel_loop3A_1171, %add3A_96 : vector<16xi32>
        tpu.vector_store_idx %arg8[%parallel_loop3A_1201], %parallel_loop3A_1200 : memref<16384xf32, #tpu.memory_space<vmem>>[vector<16xi32>], vector<16xf32>,
        %parallel_loop3A_1202 = tpu.vector_load_idx %arg6[%add3A_51, %parallel_loop3A_1158] : memref<256x64xf32, #tpu.memory_space<vmem>>[vector<16xi32>, vector<16xi32>], vector<16xf32>,
        %parallel_loop3A_1203 = arith.addi %parallel_loop3A_1171, %add3A_99 : vector<16xi32>
        tpu.vector_store_idx %arg8[%parallel_loop3A_1203], %parallel_loop3A_1202 : memref<16384xf32, #tpu.memory_space<vmem>>[vector<16xi32>], vector<16xf32>,
      } {sc.loop_unroll_factor = 1 : i64, sc.parallel_access}
      %mul3A_821 = arith.constant 2 : i32
      %mul3A_822 = arith.muli %mul3A_821, %add3A_796 : i32
      %add3A_823 = arith.addi %mul3A_2, %mul3A_822 : i32
      %div3A_824 = arith.constant 32 : i32
      %div3A_825 = arith.divsi %add3A_823, %div3A_824 : i32
      %rem3A_826 = arith.constant 32 : i32
      %rem3A_827 = arith.remsi %add3A_823, %rem3A_826 : i32
      %mul3A_828 = arith.constant 8 : i32
      %mul3A_829 = arith.muli %div3A_825, %mul3A_828 : i32
      %add3A_830 = arith.constant 0 : i32
      %add3A_831 = arith.addi %mul3A_829, %add3A_830 : i32
      %mul3A_832 = arith.constant 32 : i32
      %mul3A_833 = arith.muli %add3A_831, %mul3A_832 : i32
      %add3A_834 = arith.addi %mul3A_833, %rem3A_827 : i32
      %mul3A_835 = arith.constant 1024 : i32
      %mul3A_836 = arith.muli %add3A_834, %mul3A_835 : i32
      %dma_start3A_837 = arith.constant 0 : i32
      %dma_start3A_838 = arith.constant 0 : i32
      %dma_start3A_839 = tpu.memref_slice %arg8[%dma_start3A_838] : memref<16384xf32, #tpu.memory_space<vmem>> -> memref<2048xf32, #tpu.memory_space<vmem>>
      %dma_start3A_840 = tpu.memref_slice %arg4[%mul3A_836] : memref<52428800xf32, #tpu.memory_space<hbm>> -> memref<2048xf32, #tpu.memory_space<hbm>>
      %dma_start3A_841 = tpu.memref_slice %arg11[%dma_start3A_837] : memref<2x!tpu.dma_semaphore, #tpu.memory_space<semaphore_mem>> -> memref<1x!tpu.dma_semaphore, #tpu.memory_space<semaphore_mem>>
      %dma_start3A_842 = tpu.memref_squeeze %dma_start3A_841 : memref<1x!tpu.dma_semaphore, #tpu.memory_space<semaphore_mem>> -> memref<!tpu.dma_semaphore, #tpu.memory_space<semaphore_mem>>
      %dma_start3A_843 = tpu.memref_slice %arg4[%mul3A_836] : memref<52428800xf32, #tpu.memory_space<hbm>> -> memref<2048xf32, #tpu.memory_space<hbm>>
      %dma_start3A_844 = arith.constant 0 : i32
      %dma_start3A_845 = tpu.memref_slice %arg8[%dma_start3A_844] : memref<16384xf32, #tpu.memory_space<vmem>> -> memref<2048xf32, #tpu.memory_space<vmem>>
      tpu.enqueue_dma source(%dma_start3A_845 : memref<2048xf32, #tpu.memory_space<vmem>>) target(%dma_start3A_843 : memref<2048xf32, #tpu.memory_space<hbm>>) target_semaphore(%dma_start3A_842 : memref<!tpu.dma_semaphore, #tpu.memory_space<semaphore_mem>>)
      %mul3A_846 = arith.constant 8 : i32
      %mul3A_847 = arith.muli %div3A_825, %mul3A_846 : i32
      %add3A_848 = arith.constant 1 : i32
      %add3A_849 = arith.addi %mul3A_847, %add3A_848 : i32
      %mul3A_850 = arith.constant 32 : i32
      %mul3A_851 = arith.muli %add3A_849, %mul3A_850 : i32
      %add3A_852 = arith.addi %mul3A_851, %rem3A_827 : i32
      %mul3A_853 = arith.constant 1024 : i32
      %mul3A_854 = arith.muli %add3A_852, %mul3A_853 : i32
      %dma_start3A_855 = arith.constant 0 : i32
      %dma_start3A_856 = arith.constant 2048 : i32
      %dma_start3A_857 = tpu.memref_slice %arg8[%dma_start3A_856] : memref<16384xf32, #tpu.memory_space<vmem>> -> memref<2048xf32, #tpu.memory_space<vmem>>
      %dma_start3A_858 = tpu.memref_slice %arg4[%mul3A_854] : memref<52428800xf32, #tpu.memory_space<hbm>> -> memref<2048xf32, #tpu.memory_space<hbm>>
      %dma_start3A_859 = tpu.memref_slice %arg11[%dma_start3A_855] : memref<2x!tpu.dma_semaphore, #tpu.memory_space<semaphore_mem>> -> memref<1x!tpu.dma_semaphore, #tpu.memory_space<semaphore_mem>>
      %dma_start3A_860 = tpu.memref_squeeze %dma_start3A_859 : memref<1x!tpu.dma_semaphore, #tpu.memory_space<semaphore_mem>> -> memref<!tpu.dma_semaphore, #tpu.memory_space<semaphore_mem>>
      %dma_start3A_861 = tpu.memref_slice %arg4[%mul3A_854] : memref<52428800xf32, #tpu.memory_space<hbm>> -> memref<2048xf32, #tpu.memory_space<hbm>>
      %dma_start3A_862 = arith.constant 2048 : i32
      %dma_start3A_863 = tpu.memref_slice %arg8[%dma_start3A_862] : memref<16384xf32, #tpu.memory_space<vmem>> -> memref<2048xf32, #tpu.memory_space<vmem>>
      tpu.enqueue_dma source(%dma_start3A_863 : memref<2048xf32, #tpu.memory_space<vmem>>) target(%dma_start3A_861 : memref<2048xf32, #tpu.memory_space<hbm>>) target_semaphore(%dma_start3A_860 : memref<!tpu.dma_semaphore, #tpu.memory_space<semaphore_mem>>)
      %mul3A_864 = arith.constant 8 : i32
      %mul3A_865 = arith.muli %div3A_825, %mul3A_864 : i32
      %add3A_866 = arith.constant 2 : i32
      %add3A_867 = arith.addi %mul3A_865, %add3A_866 : i32
      %mul3A_868 = arith.constant 32 : i32
      %mul3A_869 = arith.muli %add3A_867, %mul3A_868 : i32
      %add3A_870 = arith.addi %mul3A_869, %rem3A_827 : i32
      %mul3A_871 = arith.constant 1024 : i32
      %mul3A_872 = arith.muli %add3A_870, %mul3A_871 : i32
      %dma_start3A_873 = arith.constant 0 : i32
      %dma_start3A_874 = arith.constant 4096 : i32
      %dma_start3A_875 = tpu.memref_slice %arg8[%dma_start3A_874] : memref<16384xf32, #tpu.memory_space<vmem>> -> memref<2048xf32, #tpu.memory_space<vmem>>
      %dma_start3A_876 = tpu.memref_slice %arg4[%mul3A_872] : memref<52428800xf32, #tpu.memory_space<hbm>> -> memref<2048xf32, #tpu.memory_space<hbm>>
      %dma_start3A_877 = tpu.memref_slice %arg11[%dma_start3A_873] : memref<2x!tpu.dma_semaphore, #tpu.memory_space<semaphore_mem>> -> memref<1x!tpu.dma_semaphore, #tpu.memory_space<semaphore_mem>>
      %dma_start3A_878 = tpu.memref_squeeze %dma_start3A_877 : memref<1x!tpu.dma_semaphore, #tpu.memory_space<semaphore_mem>> -> memref<!tpu.dma_semaphore, #tpu.memory_space<semaphore_mem>>
      %dma_start3A_879 = tpu.memref_slice %arg4[%mul3A_872] : memref<52428800xf32, #tpu.memory_space<hbm>> -> memref<2048xf32, #tpu.memory_space<hbm>>
      %dma_start3A_880 = arith.constant 4096 : i32
      %dma_start3A_881 = tpu.memref_slice %arg8[%dma_start3A_880] : memref<16384xf32, #tpu.memory_space<vmem>> -> memref<2048xf32, #tpu.memory_space<vmem>>
      tpu.enqueue_dma source(%dma_start3A_881 : memref<2048xf32, #tpu.memory_space<vmem>>) target(%dma_start3A_879 : memref<2048xf32, #tpu.memory_space<hbm>>) target_semaphore(%dma_start3A_878 : memref<!tpu.dma_semaphore, #tpu.memory_space<semaphore_mem>>)
      %mul3A_882 = arith.constant 8 : i32
      %mul3A_883 = arith.muli %div3A_825, %mul3A_882 : i32
      %add3A_884 = arith.constant 3 : i32
      %add3A_885 = arith.addi %mul3A_883, %add3A_884 : i32
      %mul3A_886 = arith.constant 32 : i32
      %mul3A_887 = arith.muli %add3A_885, %mul3A_886 : i32
      %add3A_888 = arith.addi %mul3A_887, %rem3A_827 : i32
      %mul3A_889 = arith.constant 1024 : i32
      %mul3A_890 = arith.muli %add3A_888, %mul3A_889 : i32
      %dma_start3A_891 = arith.constant 0 : i32
      %dma_start3A_892 = arith.constant 6144 : i32
      %dma_start3A_893 = tpu.memref_slice %arg8[%dma_start3A_892] : memref<16384xf32, #tpu.memory_space<vmem>> -> memref<2048xf32, #tpu.memory_space<vmem>>
      %dma_start3A_894 = tpu.memref_slice %arg4[%mul3A_890] : memref<52428800xf32, #tpu.memory_space<hbm>> -> memref<2048xf32, #tpu.memory_space<hbm>>
      %dma_start3A_895 = tpu.memref_slice %arg11[%dma_start3A_891] : memref<2x!tpu.dma_semaphore, #tpu.memory_space<semaphore_mem>> -> memref<1x!tpu.dma_semaphore, #tpu.memory_space<semaphore_mem>>
      %dma_start3A_896 = tpu.memref_squeeze %dma_start3A_895 : memref<1x!tpu.dma_semaphore, #tpu.memory_space<semaphore_mem>> -> memref<!tpu.dma_semaphore, #tpu.memory_space<semaphore_mem>>
      %dma_start3A_897 = tpu.memref_slice %arg4[%mul3A_890] : memref<52428800xf32, #tpu.memory_space<hbm>> -> memref<2048xf32, #tpu.memory_space<hbm>>
      %dma_start3A_898 = arith.constant 6144 : i32
      %dma_start3A_899 = tpu.memref_slice %arg8[%dma_start3A_898] : memref<16384xf32, #tpu.memory_space<vmem>> -> memref<2048xf32, #tpu.memory_space<vmem>>
      tpu.enqueue_dma source(%dma_start3A_899 : memref<2048xf32, #tpu.memory_space<vmem>>) target(%dma_start3A_897 : memref<2048xf32, #tpu.memory_space<hbm>>) target_semaphore(%dma_start3A_896 : memref<!tpu.dma_semaphore, #tpu.memory_space<semaphore_mem>>)
      %mul3A_900 = arith.constant 8 : i32
      %mul3A_901 = arith.muli %div3A_825, %mul3A_900 : i32
      %add3A_902 = arith.constant 4 : i32
      %add3A_903 = arith.addi %mul3A_901, %add3A_902 : i32
      %mul3A_904 = arith.constant 32 : i32
      %mul3A_905 = arith.muli %add3A_903, %mul3A_904 : i32
      %add3A_906 = arith.addi %mul3A_905, %rem3A_827 : i32
      %mul3A_907 = arith.constant 1024 : i32
      %mul3A_908 = arith.muli %add3A_906, %mul3A_907 : i32
      %dma_start3A_909 = arith.constant 0 : i32
      %dma_start3A_910 = arith.constant 8192 : i32
      %dma_start3A_911 = tpu.memref_slice %arg8[%dma_start3A_910] : memref<16384xf32, #tpu.memory_space<vmem>> -> memref<2048xf32, #tpu.memory_space<vmem>>
      %dma_start3A_912 = tpu.memref_slice %arg4[%mul3A_908] : memref<52428800xf32, #tpu.memory_space<hbm>> -> memref<2048xf32, #tpu.memory_space<hbm>>
      %dma_start3A_913 = tpu.memref_slice %arg11[%dma_start3A_909] : memref<2x!tpu.dma_semaphore, #tpu.memory_space<semaphore_mem>> -> memref<1x!tpu.dma_semaphore, #tpu.memory_space<semaphore_mem>>
      %dma_start3A_914 = tpu.memref_squeeze %dma_start3A_913 : memref<1x!tpu.dma_semaphore, #tpu.memory_space<semaphore_mem>> -> memref<!tpu.dma_semaphore, #tpu.memory_space<semaphore_mem>>
      %dma_start3A_915 = tpu.memref_slice %arg4[%mul3A_908] : memref<52428800xf32, #tpu.memory_space<hbm>> -> memref<2048xf32, #tpu.memory_space<hbm>>
      %dma_start3A_916 = arith.constant 8192 : i32
      %dma_start3A_917 = tpu.memref_slice %arg8[%dma_start3A_916] : memref<16384xf32, #tpu.memory_space<vmem>> -> memref<2048xf32, #tpu.memory_space<vmem>>
      tpu.enqueue_dma source(%dma_start3A_917 : memref<2048xf32, #tpu.memory_space<vmem>>) target(%dma_start3A_915 : memref<2048xf32, #tpu.memory_space<hbm>>) target_semaphore(%dma_start3A_914 : memref<!tpu.dma_semaphore, #tpu.memory_space<semaphore_mem>>)
      %mul3A_918 = arith.constant 8 : i32
      %mul3A_919 = arith.muli %div3A_825, %mul3A_918 : i32
      %add3A_920 = arith.constant 5 : i32
      %add3A_921 = arith.addi %mul3A_919, %add3A_920 : i32
      %mul3A_922 = arith.constant 32 : i32
      %mul3A_923 = arith.muli %add3A_921, %mul3A_922 : i32
      %add3A_924 = arith.addi %mul3A_923, %rem3A_827 : i32
      %mul3A_925 = arith.constant 1024 : i32
      %mul3A_926 = arith.muli %add3A_924, %mul3A_925 : i32
      %dma_start3A_927 = arith.constant 0 : i32
      %dma_start3A_928 = arith.constant 10240 : i32
      %dma_start3A_929 = tpu.memref_slice %arg8[%dma_start3A_928] : memref<16384xf32, #tpu.memory_space<vmem>> -> memref<2048xf32, #tpu.memory_space<vmem>>
      %dma_start3A_930 = tpu.memref_slice %arg4[%mul3A_926] : memref<52428800xf32, #tpu.memory_space<hbm>> -> memref<2048xf32, #tpu.memory_space<hbm>>
      %dma_start3A_931 = tpu.memref_slice %arg11[%dma_start3A_927] : memref<2x!tpu.dma_semaphore, #tpu.memory_space<semaphore_mem>> -> memref<1x!tpu.dma_semaphore, #tpu.memory_space<semaphore_mem>>
      %dma_start3A_932 = tpu.memref_squeeze %dma_start3A_931 : memref<1x!tpu.dma_semaphore, #tpu.memory_space<semaphore_mem>> -> memref<!tpu.dma_semaphore, #tpu.memory_space<semaphore_mem>>
      %dma_start3A_933 = tpu.memref_slice %arg4[%mul3A_926] : memref<52428800xf32, #tpu.memory_space<hbm>> -> memref<2048xf32, #tpu.memory_space<hbm>>
      %dma_start3A_934 = arith.constant 10240 : i32
      %dma_start3A_935 = tpu.memref_slice %arg8[%dma_start3A_934] : memref<16384xf32, #tpu.memory_space<vmem>> -> memref<2048xf32, #tpu.memory_space<vmem>>
      tpu.enqueue_dma source(%dma_start3A_935 : memref<2048xf32, #tpu.memory_space<vmem>>) target(%dma_start3A_933 : memref<2048xf32, #tpu.memory_space<hbm>>) target_semaphore(%dma_start3A_932 : memref<!tpu.dma_semaphore, #tpu.memory_space<semaphore_mem>>)
      %mul3A_936 = arith.constant 8 : i32
      %mul3A_937 = arith.muli %div3A_825, %mul3A_936 : i32
      %add3A_938 = arith.constant 6 : i32
      %add3A_939 = arith.addi %mul3A_937, %add3A_938 : i32
      %mul3A_940 = arith.constant 32 : i32
      %mul3A_941 = arith.muli %add3A_939, %mul3A_940 : i32
      %add3A_942 = arith.addi %mul3A_941, %rem3A_827 : i32
      %mul3A_943 = arith.constant 1024 : i32
      %mul3A_944 = arith.muli %add3A_942, %mul3A_943 : i32
      %dma_start3A_945 = arith.constant 0 : i32
      %dma_start3A_946 = arith.constant 12288 : i32
      %dma_start3A_947 = tpu.memref_slice %arg8[%dma_start3A_946] : memref<16384xf32, #tpu.memory_space<vmem>> -> memref<2048xf32, #tpu.memory_space<vmem>>
      %dma_start3A_948 = tpu.memref_slice %arg4[%mul3A_944] : memref<52428800xf32, #tpu.memory_space<hbm>> -> memref<2048xf32, #tpu.memory_space<hbm>>
      %dma_start3A_949 = tpu.memref_slice %arg11[%dma_start3A_945] : memref<2x!tpu.dma_semaphore, #tpu.memory_space<semaphore_mem>> -> memref<1x!tpu.dma_semaphore, #tpu.memory_space<semaphore_mem>>
      %dma_start3A_950 = tpu.memref_squeeze %dma_start3A_949 : memref<1x!tpu.dma_semaphore, #tpu.memory_space<semaphore_mem>> -> memref<!tpu.dma_semaphore, #tpu.memory_space<semaphore_mem>>
      %dma_start3A_951 = tpu.memref_slice %arg4[%mul3A_944] : memref<52428800xf32, #tpu.memory_space<hbm>> -> memref<2048xf32, #tpu.memory_space<hbm>>
      %dma_start3A_952 = arith.constant 12288 : i32
      %dma_start3A_953 = tpu.memref_slice %arg8[%dma_start3A_952] : memref<16384xf32, #tpu.memory_space<vmem>> -> memref<2048xf32, #tpu.memory_space<vmem>>
      tpu.enqueue_dma source(%dma_start3A_953 : memref<2048xf32, #tpu.memory_space<vmem>>) target(%dma_start3A_951 : memref<2048xf32, #tpu.memory_space<hbm>>) target_semaphore(%dma_start3A_950 : memref<!tpu.dma_semaphore, #tpu.memory_space<semaphore_mem>>)
      %mul3A_954 = arith.constant 8 : i32
      %mul3A_955 = arith.muli %div3A_825, %mul3A_954 : i32
      %add3A_956 = arith.constant 7 : i32
      %add3A_957 = arith.addi %mul3A_955, %add3A_956 : i32
      %mul3A_958 = arith.constant 32 : i32
      %mul3A_959 = arith.muli %add3A_957, %mul3A_958 : i32
      %add3A_960 = arith.addi %mul3A_959, %rem3A_827 : i32
      %mul3A_961 = arith.constant 1024 : i32
      %mul3A_962 = arith.muli %add3A_960, %mul3A_961 : i32
      %dma_start3A_963 = arith.constant 0 : i32
      %dma_start3A_964 = arith.constant 14336 : i32
      %dma_start3A_965 = tpu.memref_slice %arg8[%dma_start3A_964] : memref<16384xf32, #tpu.memory_space<vmem>> -> memref<2048xf32, #tpu.memory_space<vmem>>
      %dma_start3A_966 = tpu.memref_slice %arg4[%mul3A_962] : memref<52428800xf32, #tpu.memory_space<hbm>> -> memref<2048xf32, #tpu.memory_space<hbm>>
      %dma_start3A_967 = tpu.memref_slice %arg11[%dma_start3A_963] : memref<2x!tpu.dma_semaphore, #tpu.memory_space<semaphore_mem>> -> memref<1x!tpu.dma_semaphore, #tpu.memory_space<semaphore_mem>>
      %dma_start3A_968 = tpu.memref_squeeze %dma_start3A_967 : memref<1x!tpu.dma_semaphore, #tpu.memory_space<semaphore_mem>> -> memref<!tpu.dma_semaphore, #tpu.memory_space<semaphore_mem>>
      %dma_start3A_969 = tpu.memref_slice %arg4[%mul3A_962] : memref<52428800xf32, #tpu.memory_space<hbm>> -> memref<2048xf32, #tpu.memory_space<hbm>>
      %dma_start3A_970 = arith.constant 14336 : i32
      %dma_start3A_971 = tpu.memref_slice %arg8[%dma_start3A_970] : memref<16384xf32, #tpu.memory_space<vmem>> -> memref<2048xf32, #tpu.memory_space<vmem>>
      tpu.enqueue_dma source(%dma_start3A_971 : memref<2048xf32, #tpu.memory_space<vmem>>) target(%dma_start3A_969 : memref<2048xf32, #tpu.memory_space<hbm>>) target_semaphore(%dma_start3A_968 : memref<!tpu.dma_semaphore, #tpu.memory_space<semaphore_mem>>)
      %add3A_972 = arith.constant 1 : i32
      %add3A_973 = arith.addi %mul3A_794, %add3A_972 : i32
      %add3A_974 = arith.constant 1 : i32
      %add3A_975 = arith.addi %add3A_973, %add3A_974 : i32
      %mul3A_976 = arith.constant 256 : i32
      %mul3A_977 = arith.muli %add3A_975, %mul3A_976 : i32
      %dma_start3A_978 = arith.constant 0 : i32
      %dma_start3A_979 = tpu.memref_slice %arg5[%mul3A_977] : memref<25600xi32, #tpu.memory_space<vmem>> -> memref<256xi32, #tpu.memory_space<vmem>>
      %dma_start3A_980 = arith.constant 0 : i32
      %dma_start3A_981 = arith.constant 0 : i32
      %dma_start3A_982 = tpu.memref_slice %arg3[%dma_start3A_980, %dma_start3A_981] : memref<1000064x64xf32, #tpu.memory_space<hbm>> -> memref<1000064x64xf32, #tpu.memory_space<hbm>>
      %dma_start3A_983 = tpu.memref_slice %arg10[%dma_start3A_978] : memref<2x!tpu.dma_semaphore, #tpu.memory_space<semaphore_mem>> -> memref<1x!tpu.dma_semaphore, #tpu.memory_space<semaphore_mem>>
      %dma_start3A_984 = tpu.memref_squeeze %dma_start3A_983 : memref<1x!tpu.dma_semaphore, #tpu.memory_space<semaphore_mem>> -> memref<!tpu.dma_semaphore, #tpu.memory_space<semaphore_mem>>
      tpu.enqueue_indirect_dma source(%dma_start3A_982 : memref<1000064x64xf32, #tpu.memory_space<hbm>>) target(%arg6 : memref<256x64xf32, #tpu.memory_space<vmem>>) offsets(%dma_start3A_979 : memref<256xi32, #tpu.memory_space<vmem>>) semaphore(%dma_start3A_984 : memref<!tpu.dma_semaphore, #tpu.memory_space<semaphore_mem>>)
      %dma_wait3A_985 = arith.constant 1 : i32
      %dma_wait3A_986 = arith.constant 0 : i32
      %dma_wait3A_987 = tpu.memref_slice %arg5[%dma_wait3A_986] : memref<25600xi32, #tpu.memory_space<vmem>> -> memref<256xi32, #tpu.memory_space<vmem>>
      %dma_wait3A_988 = arith.constant 0 : i32
      %dma_wait3A_989 = arith.constant 0 : i32
      %dma_wait3A_990 = tpu.memref_slice %arg3[%dma_wait3A_988, %dma_wait3A_989] : memref<1000064x64xf32, #tpu.memory_space<hbm>> -> memref<1000064x64xf32, #tpu.memory_space<hbm>>
      %dma_wait3A_991 = tpu.memref_slice %arg10[%dma_wait3A_985] : memref<2x!tpu.dma_semaphore, #tpu.memory_space<semaphore_mem>> -> memref<1x!tpu.dma_semaphore, #tpu.memory_space<semaphore_mem>>
      %dma_wait3A_992 = tpu.memref_squeeze %dma_wait3A_991 : memref<1x!tpu.dma_semaphore, #tpu.memory_space<semaphore_mem>> -> memref<!tpu.dma_semaphore, #tpu.memory_space<semaphore_mem>>
      tpu.wait_indirect_dma semaphore(%dma_wait3A_992 : memref<!tpu.dma_semaphore, #tpu.memory_space<semaphore_mem>>) src(%dma_wait3A_990 : memref<1000064x64xf32, #tpu.memory_space<hbm>>) dst(%arg7 : memref<256x64xf32, #tpu.memory_space<vmem>>)
      %gt3A_993 = arith.constant 0 : i32
      %gt3A_994 = arith.cmpi sgt, %scan3A_791, %gt3A_993 : i32
      %convert_element_type3A_995 = arith.extui %gt3A_994 : i1 to i32
      %cond3A_996 = arith.constant 0 : i32
      %cond3A_997 = arith.cmpi ne, %convert_element_type3A_995, %cond3A_996 : i32
      scf.if %cond3A_997 {
        %dma_wait3A_1153 = arith.constant 1 : i32
        %dma_wait3A_1154 = arith.constant 0 : i32
        %dma_wait3A_1155 = tpu.memref_slice %arg9[%dma_wait3A_1154] : memref<16384xf32, #tpu.memory_space<vmem>> -> memref<2048xf32, #tpu.memory_space<vmem>>
        %dma_wait3A_1156 = arith.constant 0 : i32
        %dma_wait3A_1157 = tpu.memref_slice %arg4[%dma_wait3A_1156] : memref<52428800xf32, #tpu.memory_space<hbm>> -> memref<2048xf32, #tpu.memory_space<hbm>>
        %dma_wait3A_1158 = tpu.memref_slice %arg11[%dma_wait3A_1153] : memref<2x!tpu.dma_semaphore, #tpu.memory_space<semaphore_mem>> -> memref<1x!tpu.dma_semaphore, #tpu.memory_space<semaphore_mem>>
        %dma_wait3A_1159 = tpu.memref_squeeze %dma_wait3A_1158 : memref<1x!tpu.dma_semaphore, #tpu.memory_space<semaphore_mem>> -> memref<!tpu.dma_semaphore, #tpu.memory_space<semaphore_mem>>
        %dma_wait3A_1160 = arith.constant 0 : i32
        %dma_wait3A_1161 = tpu.memref_slice %arg4[%dma_wait3A_1160] : memref<52428800xf32, #tpu.memory_space<hbm>> -> memref<2048xf32, #tpu.memory_space<hbm>>
        %dma_wait3A_1162 = arith.constant 0 : i32
        %dma_wait3A_1163 = tpu.memref_slice %arg9[%dma_wait3A_1162] : memref<16384xf32, #tpu.memory_space<vmem>> -> memref<2048xf32, #tpu.memory_space<vmem>>
        tpu.wait_dma2 semaphore(%dma_wait3A_1159 : memref<!tpu.dma_semaphore, #tpu.memory_space<semaphore_mem>>) src(%dma_wait3A_1163 : memref<2048xf32, #tpu.memory_space<vmem>>) dst(%dma_wait3A_1161 : memref<2048xf32, #tpu.memory_space<hbm>>)
        %dma_wait3A_1164 = arith.constant 1 : i32
        %dma_wait3A_1165 = arith.constant 2048 : i32
        %dma_wait3A_1166 = tpu.memref_slice %arg9[%dma_wait3A_1165] : memref<16384xf32, #tpu.memory_space<vmem>> -> memref<2048xf32, #tpu.memory_space<vmem>>
        %dma_wait3A_1167 = arith.constant 0 : i32
        %dma_wait3A_1168 = tpu.memref_slice %arg4[%dma_wait3A_1167] : memref<52428800xf32, #tpu.memory_space<hbm>> -> memref<2048xf32, #tpu.memory_space<hbm>>
        %dma_wait3A_1169 = tpu.memref_slice %arg11[%dma_wait3A_1164] : memref<2x!tpu.dma_semaphore, #tpu.memory_space<semaphore_mem>> -> memref<1x!tpu.dma_semaphore, #tpu.memory_space<semaphore_mem>>
        %dma_wait3A_1170 = tpu.memref_squeeze %dma_wait3A_1169 : memref<1x!tpu.dma_semaphore, #tpu.memory_space<semaphore_mem>> -> memref<!tpu.dma_semaphore, #tpu.memory_space<semaphore_mem>>
        %dma_wait3A_1171 = arith.constant 0 : i32
        %dma_wait3A_1172 = tpu.memref_slice %arg4[%dma_wait3A_1171] : memref<52428800xf32, #tpu.memory_space<hbm>> -> memref<2048xf32, #tpu.memory_space<hbm>>
        %dma_wait3A_1173 = arith.constant 2048 : i32
        %dma_wait3A_1174 = tpu.memref_slice %arg9[%dma_wait3A_1173] : memref<16384xf32, #tpu.memory_space<vmem>> -> memref<2048xf32, #tpu.memory_space<vmem>>
        tpu.wait_dma2 semaphore(%dma_wait3A_1170 : memref<!tpu.dma_semaphore, #tpu.memory_space<semaphore_mem>>) src(%dma_wait3A_1174 : memref<2048xf32, #tpu.memory_space<vmem>>) dst(%dma_wait3A_1172 : memref<2048xf32, #tpu.memory_space<hbm>>)
        %dma_wait3A_1175 = arith.constant 1 : i32
        %dma_wait3A_1176 = arith.constant 4096 : i32
        %dma_wait3A_1177 = tpu.memref_slice %arg9[%dma_wait3A_1176] : memref<16384xf32, #tpu.memory_space<vmem>> -> memref<2048xf32, #tpu.memory_space<vmem>>
        %dma_wait3A_1178 = arith.constant 0 : i32
        %dma_wait3A_1179 = tpu.memref_slice %arg4[%dma_wait3A_1178] : memref<52428800xf32, #tpu.memory_space<hbm>> -> memref<2048xf32, #tpu.memory_space<hbm>>
        %dma_wait3A_1180 = tpu.memref_slice %arg11[%dma_wait3A_1175] : memref<2x!tpu.dma_semaphore, #tpu.memory_space<semaphore_mem>> -> memref<1x!tpu.dma_semaphore, #tpu.memory_space<semaphore_mem>>
        %dma_wait3A_1181 = tpu.memref_squeeze %dma_wait3A_1180 : memref<1x!tpu.dma_semaphore, #tpu.memory_space<semaphore_mem>> -> memref<!tpu.dma_semaphore, #tpu.memory_space<semaphore_mem>>
        %dma_wait3A_1182 = arith.constant 0 : i32
        %dma_wait3A_1183 = tpu.memref_slice %arg4[%dma_wait3A_1182] : memref<52428800xf32, #tpu.memory_space<hbm>> -> memref<2048xf32, #tpu.memory_space<hbm>>
        %dma_wait3A_1184 = arith.constant 4096 : i32
        %dma_wait3A_1185 = tpu.memref_slice %arg9[%dma_wait3A_1184] : memref<16384xf32, #tpu.memory_space<vmem>> -> memref<2048xf32, #tpu.memory_space<vmem>>
        tpu.wait_dma2 semaphore(%dma_wait3A_1181 : memref<!tpu.dma_semaphore, #tpu.memory_space<semaphore_mem>>) src(%dma_wait3A_1185 : memref<2048xf32, #tpu.memory_space<vmem>>) dst(%dma_wait3A_1183 : memref<2048xf32, #tpu.memory_space<hbm>>)
        %dma_wait3A_1186 = arith.constant 1 : i32
        %dma_wait3A_1187 = arith.constant 6144 : i32
        %dma_wait3A_1188 = tpu.memref_slice %arg9[%dma_wait3A_1187] : memref<16384xf32, #tpu.memory_space<vmem>> -> memref<2048xf32, #tpu.memory_space<vmem>>
        %dma_wait3A_1189 = arith.constant 0 : i32
        %dma_wait3A_1190 = tpu.memref_slice %arg4[%dma_wait3A_1189] : memref<52428800xf32, #tpu.memory_space<hbm>> -> memref<2048xf32, #tpu.memory_space<hbm>>
        %dma_wait3A_1191 = tpu.memref_slice %arg11[%dma_wait3A_1186] : memref<2x!tpu.dma_semaphore, #tpu.memory_space<semaphore_mem>> -> memref<1x!tpu.dma_semaphore, #tpu.memory_space<semaphore_mem>>
        %dma_wait3A_1192 = tpu.memref_squeeze %dma_wait3A_1191 : memref<1x!tpu.dma_semaphore, #tpu.memory_space<semaphore_mem>> -> memref<!tpu.dma_semaphore, #tpu.memory_space<semaphore_mem>>
        %dma_wait3A_1193 = arith.constant 0 : i32
        %dma_wait3A_1194 = tpu.memref_slice %arg4[%dma_wait3A_1193] : memref<52428800xf32, #tpu.memory_space<hbm>> -> memref<2048xf32, #tpu.memory_space<hbm>>
        %dma_wait3A_1195 = arith.constant 6144 : i32
        %dma_wait3A_1196 = tpu.memref_slice %arg9[%dma_wait3A_1195] : memref<16384xf32, #tpu.memory_space<vmem>> -> memref<2048xf32, #tpu.memory_space<vmem>>
        tpu.wait_dma2 semaphore(%dma_wait3A_1192 : memref<!tpu.dma_semaphore, #tpu.memory_space<semaphore_mem>>) src(%dma_wait3A_1196 : memref<2048xf32, #tpu.memory_space<vmem>>) dst(%dma_wait3A_1194 : memref<2048xf32, #tpu.memory_space<hbm>>)
        %dma_wait3A_1197 = arith.constant 1 : i32
        %dma_wait3A_1198 = arith.constant 8192 : i32
        %dma_wait3A_1199 = tpu.memref_slice %arg9[%dma_wait3A_1198] : memref<16384xf32, #tpu.memory_space<vmem>> -> memref<2048xf32, #tpu.memory_space<vmem>>
        %dma_wait3A_1200 = arith.constant 0 : i32
        %dma_wait3A_1201 = tpu.memref_slice %arg4[%dma_wait3A_1200] : memref<52428800xf32, #tpu.memory_space<hbm>> -> memref<2048xf32, #tpu.memory_space<hbm>>
        %dma_wait3A_1202 = tpu.memref_slice %arg11[%dma_wait3A_1197] : memref<2x!tpu.dma_semaphore, #tpu.memory_space<semaphore_mem>> -> memref<1x!tpu.dma_semaphore, #tpu.memory_space<semaphore_mem>>
        %dma_wait3A_1203 = tpu.memref_squeeze %dma_wait3A_1202 : memref<1x!tpu.dma_semaphore, #tpu.memory_space<semaphore_mem>> -> memref<!tpu.dma_semaphore, #tpu.memory_space<semaphore_mem>>
        %dma_wait3A_1204 = arith.constant 0 : i32
        %dma_wait3A_1205 = tpu.memref_slice %arg4[%dma_wait3A_1204] : memref<52428800xf32, #tpu.memory_space<hbm>> -> memref<2048xf32, #tpu.memory_space<hbm>>
        %dma_wait3A_1206 = arith.constant 8192 : i32
        %dma_wait3A_1207 = tpu.memref_slice %arg9[%dma_wait3A_1206] : memref<16384xf32, #tpu.memory_space<vmem>> -> memref<2048xf32, #tpu.memory_space<vmem>>
        tpu.wait_dma2 semaphore(%dma_wait3A_1203 : memref<!tpu.dma_semaphore, #tpu.memory_space<semaphore_mem>>) src(%dma_wait3A_1207 : memref<2048xf32, #tpu.memory_space<vmem>>) dst(%dma_wait3A_1205 : memref<2048xf32, #tpu.memory_space<hbm>>)
        %dma_wait3A_1208 = arith.constant 1 : i32
        %dma_wait3A_1209 = arith.constant 10240 : i32
        %dma_wait3A_1210 = tpu.memref_slice %arg9[%dma_wait3A_1209] : memref<16384xf32, #tpu.memory_space<vmem>> -> memref<2048xf32, #tpu.memory_space<vmem>>
        %dma_wait3A_1211 = arith.constant 0 : i32
        %dma_wait3A_1212 = tpu.memref_slice %arg4[%dma_wait3A_1211] : memref<52428800xf32, #tpu.memory_space<hbm>> -> memref<2048xf32, #tpu.memory_space<hbm>>
        %dma_wait3A_1213 = tpu.memref_slice %arg11[%dma_wait3A_1208] : memref<2x!tpu.dma_semaphore, #tpu.memory_space<semaphore_mem>> -> memref<1x!tpu.dma_semaphore, #tpu.memory_space<semaphore_mem>>
        %dma_wait3A_1214 = tpu.memref_squeeze %dma_wait3A_1213 : memref<1x!tpu.dma_semaphore, #tpu.memory_space<semaphore_mem>> -> memref<!tpu.dma_semaphore, #tpu.memory_space<semaphore_mem>>
        %dma_wait3A_1215 = arith.constant 0 : i32
        %dma_wait3A_1216 = tpu.memref_slice %arg4[%dma_wait3A_1215] : memref<52428800xf32, #tpu.memory_space<hbm>> -> memref<2048xf32, #tpu.memory_space<hbm>>
        %dma_wait3A_1217 = arith.constant 10240 : i32
        %dma_wait3A_1218 = tpu.memref_slice %arg9[%dma_wait3A_1217] : memref<16384xf32, #tpu.memory_space<vmem>> -> memref<2048xf32, #tpu.memory_space<vmem>>
        tpu.wait_dma2 semaphore(%dma_wait3A_1214 : memref<!tpu.dma_semaphore, #tpu.memory_space<semaphore_mem>>) src(%dma_wait3A_1218 : memref<2048xf32, #tpu.memory_space<vmem>>) dst(%dma_wait3A_1216 : memref<2048xf32, #tpu.memory_space<hbm>>)
        %dma_wait3A_1219 = arith.constant 1 : i32
        %dma_wait3A_1220 = arith.constant 12288 : i32
        %dma_wait3A_1221 = tpu.memref_slice %arg9[%dma_wait3A_1220] : memref<16384xf32, #tpu.memory_space<vmem>> -> memref<2048xf32, #tpu.memory_space<vmem>>
        %dma_wait3A_1222 = arith.constant 0 : i32
        %dma_wait3A_1223 = tpu.memref_slice %arg4[%dma_wait3A_1222] : memref<52428800xf32, #tpu.memory_space<hbm>> -> memref<2048xf32, #tpu.memory_space<hbm>>
        %dma_wait3A_1224 = tpu.memref_slice %arg11[%dma_wait3A_1219] : memref<2x!tpu.dma_semaphore, #tpu.memory_space<semaphore_mem>> -> memref<1x!tpu.dma_semaphore, #tpu.memory_space<semaphore_mem>>
        %dma_wait3A_1225 = tpu.memref_squeeze %dma_wait3A_1224 : memref<1x!tpu.dma_semaphore, #tpu.memory_space<semaphore_mem>> -> memref<!tpu.dma_semaphore, #tpu.memory_space<semaphore_mem>>
        %dma_wait3A_1226 = arith.constant 0 : i32
        %dma_wait3A_1227 = tpu.memref_slice %arg4[%dma_wait3A_1226] : memref<52428800xf32, #tpu.memory_space<hbm>> -> memref<2048xf32, #tpu.memory_space<hbm>>
        %dma_wait3A_1228 = arith.constant 12288 : i32
        %dma_wait3A_1229 = tpu.memref_slice %arg9[%dma_wait3A_1228] : memref<16384xf32, #tpu.memory_space<vmem>> -> memref<2048xf32, #tpu.memory_space<vmem>>
        tpu.wait_dma2 semaphore(%dma_wait3A_1225 : memref<!tpu.dma_semaphore, #tpu.memory_space<semaphore_mem>>) src(%dma_wait3A_1229 : memref<2048xf32, #tpu.memory_space<vmem>>) dst(%dma_wait3A_1227 : memref<2048xf32, #tpu.memory_space<hbm>>)
        %dma_wait3A_1230 = arith.constant 1 : i32
        %dma_wait3A_1231 = arith.constant 14336 : i32
        %dma_wait3A_1232 = tpu.memref_slice %arg9[%dma_wait3A_1231] : memref<16384xf32, #tpu.memory_space<vmem>> -> memref<2048xf32, #tpu.memory_space<vmem>>
        %dma_wait3A_1233 = arith.constant 0 : i32
        %dma_wait3A_1234 = tpu.memref_slice %arg4[%dma_wait3A_1233] : memref<52428800xf32, #tpu.memory_space<hbm>> -> memref<2048xf32, #tpu.memory_space<hbm>>
        %dma_wait3A_1235 = tpu.memref_slice %arg11[%dma_wait3A_1230] : memref<2x!tpu.dma_semaphore, #tpu.memory_space<semaphore_mem>> -> memref<1x!tpu.dma_semaphore, #tpu.memory_space<semaphore_mem>>
        %dma_wait3A_1236 = tpu.memref_squeeze %dma_wait3A_1235 : memref<1x!tpu.dma_semaphore, #tpu.memory_space<semaphore_mem>> -> memref<!tpu.dma_semaphore, #tpu.memory_space<semaphore_mem>>
        %dma_wait3A_1237 = arith.constant 0 : i32
        %dma_wait3A_1238 = tpu.memref_slice %arg4[%dma_wait3A_1237] : memref<52428800xf32, #tpu.memory_space<hbm>> -> memref<2048xf32, #tpu.memory_space<hbm>>
        %dma_wait3A_1239 = arith.constant 14336 : i32
        %dma_wait3A_1240 = tpu.memref_slice %arg9[%dma_wait3A_1239] : memref<16384xf32, #tpu.memory_space<vmem>> -> memref<2048xf32, #tpu.memory_space<vmem>>
        tpu.wait_dma2 semaphore(%dma_wait3A_1236 : memref<!tpu.dma_semaphore, #tpu.memory_space<semaphore_mem>>) src(%dma_wait3A_1240 : memref<2048xf32, #tpu.memory_space<vmem>>) dst(%dma_wait3A_1238 : memref<2048xf32, #tpu.memory_space<hbm>>)
      } else {
      }
      %parallel_loop3A_998 = arith.constant 0 : i32
      %parallel_loop3A_999 = arith.constant 64 : i32
      %parallel_loop3A_1000 = arith.constant 1 : i32
      scf.for %parallel_loop3A_1153 = %parallel_loop3A_998 to %parallel_loop3A_999 step %parallel_loop3A_1000  : i32 {
        %parallel_loop3A_1154 = vector.broadcast %parallel_loop3A_1153 : i32 to vector<16xi32>
        %parallel_loop3A_1155 = arith.addi %iota3A, %parallel_loop3A_1154 : vector<16xi32>
        %parallel_loop3A_1156 = arith.constant 63 : i32
        %parallel_loop3A_1157 = vector.broadcast %parallel_loop3A_1156 : i32 to vector<16xi32>
        %parallel_loop3A_1158 = arith.andi %parallel_loop3A_1155, %parallel_loop3A_1157 : vector<16xi32>
        %parallel_loop3A_1159 = arith.constant 3 : i32
        %parallel_loop3A_1160 = vector.broadcast %parallel_loop3A_1159 : i32 to vector<16xi32>
        %parallel_loop3A_1161 = arith.shrsi %parallel_loop3A_1158, %parallel_loop3A_1160 : vector<16xi32>
        %parallel_loop3A_1162 = arith.constant 11 : i32
        %parallel_loop3A_1163 = vector.broadcast %parallel_loop3A_1162 : i32 to vector<16xi32>
        %parallel_loop3A_1164 = arith.shli %parallel_loop3A_1161, %parallel_loop3A_1163 : vector<16xi32>
        %parallel_loop3A_1165 = arith.constant 7 : i32
        %parallel_loop3A_1166 = vector.broadcast %parallel_loop3A_1165 : i32 to vector<16xi32>
        %parallel_loop3A_1167 = arith.andi %parallel_loop3A_1158, %parallel_loop3A_1166 : vector<16xi32>
        %parallel_loop3A_1168 = arith.constant 7 : i32
        %parallel_loop3A_1169 = vector.broadcast %parallel_loop3A_1168 : i32 to vector<16xi32>
        %parallel_loop3A_1170 = arith.shli %parallel_loop3A_1167, %parallel_loop3A_1169 : vector<16xi32>
        %parallel_loop3A_1171 = arith.addi %parallel_loop3A_1164, %parallel_loop3A_1170 : vector<16xi32>
        %parallel_loop3A_1172 = tpu.vector_load_idx %arg7[%add3A_6, %parallel_loop3A_1158] : memref<256x64xf32, #tpu.memory_space<vmem>>[vector<16xi32>, vector<16xi32>], vector<16xf32>,
        %parallel_loop3A_1173 = arith.addi %parallel_loop3A_1171, %add3A_54 : vector<16xi32>
        tpu.vector_store_idx %arg9[%parallel_loop3A_1173], %parallel_loop3A_1172 : memref<16384xf32, #tpu.memory_space<vmem>>[vector<16xi32>], vector<16xf32>,
        %parallel_loop3A_1174 = tpu.vector_load_idx %arg7[%add3A_9, %parallel_loop3A_1158] : memref<256x64xf32, #tpu.memory_space<vmem>>[vector<16xi32>, vector<16xi32>], vector<16xf32>,
        %parallel_loop3A_1175 = arith.addi %parallel_loop3A_1171, %add3A_57 : vector<16xi32>
        tpu.vector_store_idx %arg9[%parallel_loop3A_1175], %parallel_loop3A_1174 : memref<16384xf32, #tpu.memory_space<vmem>>[vector<16xi32>], vector<16xf32>,
        %parallel_loop3A_1176 = tpu.vector_load_idx %arg7[%add3A_12, %parallel_loop3A_1158] : memref<256x64xf32, #tpu.memory_space<vmem>>[vector<16xi32>, vector<16xi32>], vector<16xf32>,
        %parallel_loop3A_1177 = arith.addi %parallel_loop3A_1171, %add3A_60 : vector<16xi32>
        tpu.vector_store_idx %arg9[%parallel_loop3A_1177], %parallel_loop3A_1176 : memref<16384xf32, #tpu.memory_space<vmem>>[vector<16xi32>], vector<16xf32>,
        %parallel_loop3A_1178 = tpu.vector_load_idx %arg7[%add3A_15, %parallel_loop3A_1158] : memref<256x64xf32, #tpu.memory_space<vmem>>[vector<16xi32>, vector<16xi32>], vector<16xf32>,
        %parallel_loop3A_1179 = arith.addi %parallel_loop3A_1171, %add3A_63 : vector<16xi32>
        tpu.vector_store_idx %arg9[%parallel_loop3A_1179], %parallel_loop3A_1178 : memref<16384xf32, #tpu.memory_space<vmem>>[vector<16xi32>], vector<16xf32>,
        %parallel_loop3A_1180 = tpu.vector_load_idx %arg7[%add3A_18, %parallel_loop3A_1158] : memref<256x64xf32, #tpu.memory_space<vmem>>[vector<16xi32>, vector<16xi32>], vector<16xf32>,
        %parallel_loop3A_1181 = arith.addi %parallel_loop3A_1171, %add3A_66 : vector<16xi32>
        tpu.vector_store_idx %arg9[%parallel_loop3A_1181], %parallel_loop3A_1180 : memref<16384xf32, #tpu.memory_space<vmem>>[vector<16xi32>], vector<16xf32>,
        %parallel_loop3A_1182 = tpu.vector_load_idx %arg7[%add3A_21, %parallel_loop3A_1158] : memref<256x64xf32, #tpu.memory_space<vmem>>[vector<16xi32>, vector<16xi32>], vector<16xf32>,
        %parallel_loop3A_1183 = arith.addi %parallel_loop3A_1171, %add3A_69 : vector<16xi32>
        tpu.vector_store_idx %arg9[%parallel_loop3A_1183], %parallel_loop3A_1182 : memref<16384xf32, #tpu.memory_space<vmem>>[vector<16xi32>], vector<16xf32>,
        %parallel_loop3A_1184 = tpu.vector_load_idx %arg7[%add3A_24, %parallel_loop3A_1158] : memref<256x64xf32, #tpu.memory_space<vmem>>[vector<16xi32>, vector<16xi32>], vector<16xf32>,
        %parallel_loop3A_1185 = arith.addi %parallel_loop3A_1171, %add3A_72 : vector<16xi32>
        tpu.vector_store_idx %arg9[%parallel_loop3A_1185], %parallel_loop3A_1184 : memref<16384xf32, #tpu.memory_space<vmem>>[vector<16xi32>], vector<16xf32>,
        %parallel_loop3A_1186 = tpu.vector_load_idx %arg7[%add3A_27, %parallel_loop3A_1158] : memref<256x64xf32, #tpu.memory_space<vmem>>[vector<16xi32>, vector<16xi32>], vector<16xf32>,
        %parallel_loop3A_1187 = arith.addi %parallel_loop3A_1171, %add3A_75 : vector<16xi32>
        tpu.vector_store_idx %arg9[%parallel_loop3A_1187], %parallel_loop3A_1186 : memref<16384xf32, #tpu.memory_space<vmem>>[vector<16xi32>], vector<16xf32>,
        %parallel_loop3A_1188 = tpu.vector_load_idx %arg7[%add3A_30, %parallel_loop3A_1158] : memref<256x64xf32, #tpu.memory_space<vmem>>[vector<16xi32>, vector<16xi32>], vector<16xf32>,
        %parallel_loop3A_1189 = arith.addi %parallel_loop3A_1171, %add3A_78 : vector<16xi32>
        tpu.vector_store_idx %arg9[%parallel_loop3A_1189], %parallel_loop3A_1188 : memref<16384xf32, #tpu.memory_space<vmem>>[vector<16xi32>], vector<16xf32>,
        %parallel_loop3A_1190 = tpu.vector_load_idx %arg7[%add3A_33, %parallel_loop3A_1158] : memref<256x64xf32, #tpu.memory_space<vmem>>[vector<16xi32>, vector<16xi32>], vector<16xf32>,
        %parallel_loop3A_1191 = arith.addi %parallel_loop3A_1171, %add3A_81 : vector<16xi32>
        tpu.vector_store_idx %arg9[%parallel_loop3A_1191], %parallel_loop3A_1190 : memref<16384xf32, #tpu.memory_space<vmem>>[vector<16xi32>], vector<16xf32>,
        %parallel_loop3A_1192 = tpu.vector_load_idx %arg7[%add3A_36, %parallel_loop3A_1158] : memref<256x64xf32, #tpu.memory_space<vmem>>[vector<16xi32>, vector<16xi32>], vector<16xf32>,
        %parallel_loop3A_1193 = arith.addi %parallel_loop3A_1171, %add3A_84 : vector<16xi32>
        tpu.vector_store_idx %arg9[%parallel_loop3A_1193], %parallel_loop3A_1192 : memref<16384xf32, #tpu.memory_space<vmem>>[vector<16xi32>], vector<16xf32>,
        %parallel_loop3A_1194 = tpu.vector_load_idx %arg7[%add3A_39, %parallel_loop3A_1158] : memref<256x64xf32, #tpu.memory_space<vmem>>[vector<16xi32>, vector<16xi32>], vector<16xf32>,
        %parallel_loop3A_1195 = arith.addi %parallel_loop3A_1171, %add3A_87 : vector<16xi32>
        tpu.vector_store_idx %arg9[%parallel_loop3A_1195], %parallel_loop3A_1194 : memref<16384xf32, #tpu.memory_space<vmem>>[vector<16xi32>], vector<16xf32>,
        %parallel_loop3A_1196 = tpu.vector_load_idx %arg7[%add3A_42, %parallel_loop3A_1158] : memref<256x64xf32, #tpu.memory_space<vmem>>[vector<16xi32>, vector<16xi32>], vector<16xf32>,
        %parallel_loop3A_1197 = arith.addi %parallel_loop3A_1171, %add3A_90 : vector<16xi32>
        tpu.vector_store_idx %arg9[%parallel_loop3A_1197], %parallel_loop3A_1196 : memref<16384xf32, #tpu.memory_space<vmem>>[vector<16xi32>], vector<16xf32>,
        %parallel_loop3A_1198 = tpu.vector_load_idx %arg7[%add3A_45, %parallel_loop3A_1158] : memref<256x64xf32, #tpu.memory_space<vmem>>[vector<16xi32>, vector<16xi32>], vector<16xf32>,
        %parallel_loop3A_1199 = arith.addi %parallel_loop3A_1171, %add3A_93 : vector<16xi32>
        tpu.vector_store_idx %arg9[%parallel_loop3A_1199], %parallel_loop3A_1198 : memref<16384xf32, #tpu.memory_space<vmem>>[vector<16xi32>], vector<16xf32>,
        %parallel_loop3A_1200 = tpu.vector_load_idx %arg7[%add3A_48, %parallel_loop3A_1158] : memref<256x64xf32, #tpu.memory_space<vmem>>[vector<16xi32>, vector<16xi32>], vector<16xf32>,
        %parallel_loop3A_1201 = arith.addi %parallel_loop3A_1171, %add3A_96 : vector<16xi32>
        tpu.vector_store_idx %arg9[%parallel_loop3A_1201], %parallel_loop3A_1200 : memref<16384xf32, #tpu.memory_space<vmem>>[vector<16xi32>], vector<16xf32>,
        %parallel_loop3A_1202 = tpu.vector_load_idx %arg7[%add3A_51, %parallel_loop3A_1158] : memref<256x64xf32, #tpu.memory_space<vmem>>[vector<16xi32>, vector<16xi32>], vector<16xf32>,
        %parallel_loop3A_1203 = arith.addi %parallel_loop3A_1171, %add3A_99 : vector<16xi32>
        tpu.vector_store_idx %arg9[%parallel_loop3A_1203], %parallel_loop3A_1202 : memref<16384xf32, #tpu.memory_space<vmem>>[vector<16xi32>], vector<16xf32>,
      } {sc.loop_unroll_factor = 1 : i64, sc.parallel_access}
      %mul3A_1001 = arith.constant 2 : i32
      %mul3A_1002 = arith.muli %mul3A_1001, %add3A_973 : i32
      %add3A_1003 = arith.addi %mul3A_2, %mul3A_1002 : i32
      %div3A_1004 = arith.constant 32 : i32
      %div3A_1005 = arith.divsi %add3A_1003, %div3A_1004 : i32
      %rem3A_1006 = arith.constant 32 : i32
      %rem3A_1007 = arith.remsi %add3A_1003, %rem3A_1006 : i32
      %mul3A_1008 = arith.constant 8 : i32
      %mul3A_1009 = arith.muli %div3A_1005, %mul3A_1008 : i32
      %add3A_1010 = arith.constant 0 : i32
      %add3A_1011 = arith.addi %mul3A_1009, %add3A_1010 : i32
      %mul3A_1012 = arith.constant 32 : i32
      %mul3A_1013 = arith.muli %add3A_1011, %mul3A_1012 : i32
      %add3A_1014 = arith.addi %mul3A_1013, %rem3A_1007 : i32
      %mul3A_1015 = arith.constant 1024 : i32
      %mul3A_1016 = arith.muli %add3A_1014, %mul3A_1015 : i32
      %dma_start3A_1017 = arith.constant 1 : i32
      %dma_start3A_1018 = arith.constant 0 : i32
      %dma_start3A_1019 = tpu.memref_slice %arg9[%dma_start3A_1018] : memref<16384xf32, #tpu.memory_space<vmem>> -> memref<2048xf32, #tpu.memory_space<vmem>>
      %dma_start3A_1020 = tpu.memref_slice %arg4[%mul3A_1016] : memref<52428800xf32, #tpu.memory_space<hbm>> -> memref<2048xf32, #tpu.memory_space<hbm>>
      %dma_start3A_1021 = tpu.memref_slice %arg11[%dma_start3A_1017] : memref<2x!tpu.dma_semaphore, #tpu.memory_space<semaphore_mem>> -> memref<1x!tpu.dma_semaphore, #tpu.memory_space<semaphore_mem>>
      %dma_start3A_1022 = tpu.memref_squeeze %dma_start3A_1021 : memref<1x!tpu.dma_semaphore, #tpu.memory_space<semaphore_mem>> -> memref<!tpu.dma_semaphore, #tpu.memory_space<semaphore_mem>>
      %dma_start3A_1023 = tpu.memref_slice %arg4[%mul3A_1016] : memref<52428800xf32, #tpu.memory_space<hbm>> -> memref<2048xf32, #tpu.memory_space<hbm>>
      %dma_start3A_1024 = arith.constant 0 : i32
      %dma_start3A_1025 = tpu.memref_slice %arg9[%dma_start3A_1024] : memref<16384xf32, #tpu.memory_space<vmem>> -> memref<2048xf32, #tpu.memory_space<vmem>>
      tpu.enqueue_dma source(%dma_start3A_1025 : memref<2048xf32, #tpu.memory_space<vmem>>) target(%dma_start3A_1023 : memref<2048xf32, #tpu.memory_space<hbm>>) target_semaphore(%dma_start3A_1022 : memref<!tpu.dma_semaphore, #tpu.memory_space<semaphore_mem>>)
      %mul3A_1026 = arith.constant 8 : i32
      %mul3A_1027 = arith.muli %div3A_1005, %mul3A_1026 : i32
      %add3A_1028 = arith.constant 1 : i32
      %add3A_1029 = arith.addi %mul3A_1027, %add3A_1028 : i32
      %mul3A_1030 = arith.constant 32 : i32
      %mul3A_1031 = arith.muli %add3A_1029, %mul3A_1030 : i32
      %add3A_1032 = arith.addi %mul3A_1031, %rem3A_1007 : i32
      %mul3A_1033 = arith.constant 1024 : i32
      %mul3A_1034 = arith.muli %add3A_1032, %mul3A_1033 : i32
      %dma_start3A_1035 = arith.constant 1 : i32
      %dma_start3A_1036 = arith.constant 2048 : i32
      %dma_start3A_1037 = tpu.memref_slice %arg9[%dma_start3A_1036] : memref<16384xf32, #tpu.memory_space<vmem>> -> memref<2048xf32, #tpu.memory_space<vmem>>
      %dma_start3A_1038 = tpu.memref_slice %arg4[%mul3A_1034] : memref<52428800xf32, #tpu.memory_space<hbm>> -> memref<2048xf32, #tpu.memory_space<hbm>>
      %dma_start3A_1039 = tpu.memref_slice %arg11[%dma_start3A_1035] : memref<2x!tpu.dma_semaphore, #tpu.memory_space<semaphore_mem>> -> memref<1x!tpu.dma_semaphore, #tpu.memory_space<semaphore_mem>>
      %dma_start3A_1040 = tpu.memref_squeeze %dma_start3A_1039 : memref<1x!tpu.dma_semaphore, #tpu.memory_space<semaphore_mem>> -> memref<!tpu.dma_semaphore, #tpu.memory_space<semaphore_mem>>
      %dma_start3A_1041 = tpu.memref_slice %arg4[%mul3A_1034] : memref<52428800xf32, #tpu.memory_space<hbm>> -> memref<2048xf32, #tpu.memory_space<hbm>>
      %dma_start3A_1042 = arith.constant 2048 : i32
      %dma_start3A_1043 = tpu.memref_slice %arg9[%dma_start3A_1042] : memref<16384xf32, #tpu.memory_space<vmem>> -> memref<2048xf32, #tpu.memory_space<vmem>>
      tpu.enqueue_dma source(%dma_start3A_1043 : memref<2048xf32, #tpu.memory_space<vmem>>) target(%dma_start3A_1041 : memref<2048xf32, #tpu.memory_space<hbm>>) target_semaphore(%dma_start3A_1040 : memref<!tpu.dma_semaphore, #tpu.memory_space<semaphore_mem>>)
      %mul3A_1044 = arith.constant 8 : i32
      %mul3A_1045 = arith.muli %div3A_1005, %mul3A_1044 : i32
      %add3A_1046 = arith.constant 2 : i32
      %add3A_1047 = arith.addi %mul3A_1045, %add3A_1046 : i32
      %mul3A_1048 = arith.constant 32 : i32
      %mul3A_1049 = arith.muli %add3A_1047, %mul3A_1048 : i32
      %add3A_1050 = arith.addi %mul3A_1049, %rem3A_1007 : i32
      %mul3A_1051 = arith.constant 1024 : i32
      %mul3A_1052 = arith.muli %add3A_1050, %mul3A_1051 : i32
      %dma_start3A_1053 = arith.constant 1 : i32
      %dma_start3A_1054 = arith.constant 4096 : i32
      %dma_start3A_1055 = tpu.memref_slice %arg9[%dma_start3A_1054] : memref<16384xf32, #tpu.memory_space<vmem>> -> memref<2048xf32, #tpu.memory_space<vmem>>
      %dma_start3A_1056 = tpu.memref_slice %arg4[%mul3A_1052] : memref<52428800xf32, #tpu.memory_space<hbm>> -> memref<2048xf32, #tpu.memory_space<hbm>>
      %dma_start3A_1057 = tpu.memref_slice %arg11[%dma_start3A_1053] : memref<2x!tpu.dma_semaphore, #tpu.memory_space<semaphore_mem>> -> memref<1x!tpu.dma_semaphore, #tpu.memory_space<semaphore_mem>>
      %dma_start3A_1058 = tpu.memref_squeeze %dma_start3A_1057 : memref<1x!tpu.dma_semaphore, #tpu.memory_space<semaphore_mem>> -> memref<!tpu.dma_semaphore, #tpu.memory_space<semaphore_mem>>
      %dma_start3A_1059 = tpu.memref_slice %arg4[%mul3A_1052] : memref<52428800xf32, #tpu.memory_space<hbm>> -> memref<2048xf32, #tpu.memory_space<hbm>>
      %dma_start3A_1060 = arith.constant 4096 : i32
      %dma_start3A_1061 = tpu.memref_slice %arg9[%dma_start3A_1060] : memref<16384xf32, #tpu.memory_space<vmem>> -> memref<2048xf32, #tpu.memory_space<vmem>>
      tpu.enqueue_dma source(%dma_start3A_1061 : memref<2048xf32, #tpu.memory_space<vmem>>) target(%dma_start3A_1059 : memref<2048xf32, #tpu.memory_space<hbm>>) target_semaphore(%dma_start3A_1058 : memref<!tpu.dma_semaphore, #tpu.memory_space<semaphore_mem>>)
      %mul3A_1062 = arith.constant 8 : i32
      %mul3A_1063 = arith.muli %div3A_1005, %mul3A_1062 : i32
      %add3A_1064 = arith.constant 3 : i32
      %add3A_1065 = arith.addi %mul3A_1063, %add3A_1064 : i32
      %mul3A_1066 = arith.constant 32 : i32
      %mul3A_1067 = arith.muli %add3A_1065, %mul3A_1066 : i32
      %add3A_1068 = arith.addi %mul3A_1067, %rem3A_1007 : i32
      %mul3A_1069 = arith.constant 1024 : i32
      %mul3A_1070 = arith.muli %add3A_1068, %mul3A_1069 : i32
      %dma_start3A_1071 = arith.constant 1 : i32
      %dma_start3A_1072 = arith.constant 6144 : i32
      %dma_start3A_1073 = tpu.memref_slice %arg9[%dma_start3A_1072] : memref<16384xf32, #tpu.memory_space<vmem>> -> memref<2048xf32, #tpu.memory_space<vmem>>
      %dma_start3A_1074 = tpu.memref_slice %arg4[%mul3A_1070] : memref<52428800xf32, #tpu.memory_space<hbm>> -> memref<2048xf32, #tpu.memory_space<hbm>>
      %dma_start3A_1075 = tpu.memref_slice %arg11[%dma_start3A_1071] : memref<2x!tpu.dma_semaphore, #tpu.memory_space<semaphore_mem>> -> memref<1x!tpu.dma_semaphore, #tpu.memory_space<semaphore_mem>>
      %dma_start3A_1076 = tpu.memref_squeeze %dma_start3A_1075 : memref<1x!tpu.dma_semaphore, #tpu.memory_space<semaphore_mem>> -> memref<!tpu.dma_semaphore, #tpu.memory_space<semaphore_mem>>
      %dma_start3A_1077 = tpu.memref_slice %arg4[%mul3A_1070] : memref<52428800xf32, #tpu.memory_space<hbm>> -> memref<2048xf32, #tpu.memory_space<hbm>>
      %dma_start3A_1078 = arith.constant 6144 : i32
      %dma_start3A_1079 = tpu.memref_slice %arg9[%dma_start3A_1078] : memref<16384xf32, #tpu.memory_space<vmem>> -> memref<2048xf32, #tpu.memory_space<vmem>>
      tpu.enqueue_dma source(%dma_start3A_1079 : memref<2048xf32, #tpu.memory_space<vmem>>) target(%dma_start3A_1077 : memref<2048xf32, #tpu.memory_space<hbm>>) target_semaphore(%dma_start3A_1076 : memref<!tpu.dma_semaphore, #tpu.memory_space<semaphore_mem>>)
      %mul3A_1080 = arith.constant 8 : i32
      %mul3A_1081 = arith.muli %div3A_1005, %mul3A_1080 : i32
      %add3A_1082 = arith.constant 4 : i32
      %add3A_1083 = arith.addi %mul3A_1081, %add3A_1082 : i32
      %mul3A_1084 = arith.constant 32 : i32
      %mul3A_1085 = arith.muli %add3A_1083, %mul3A_1084 : i32
      %add3A_1086 = arith.addi %mul3A_1085, %rem3A_1007 : i32
      %mul3A_1087 = arith.constant 1024 : i32
      %mul3A_1088 = arith.muli %add3A_1086, %mul3A_1087 : i32
      %dma_start3A_1089 = arith.constant 1 : i32
      %dma_start3A_1090 = arith.constant 8192 : i32
      %dma_start3A_1091 = tpu.memref_slice %arg9[%dma_start3A_1090] : memref<16384xf32, #tpu.memory_space<vmem>> -> memref<2048xf32, #tpu.memory_space<vmem>>
      %dma_start3A_1092 = tpu.memref_slice %arg4[%mul3A_1088] : memref<52428800xf32, #tpu.memory_space<hbm>> -> memref<2048xf32, #tpu.memory_space<hbm>>
      %dma_start3A_1093 = tpu.memref_slice %arg11[%dma_start3A_1089] : memref<2x!tpu.dma_semaphore, #tpu.memory_space<semaphore_mem>> -> memref<1x!tpu.dma_semaphore, #tpu.memory_space<semaphore_mem>>
      %dma_start3A_1094 = tpu.memref_squeeze %dma_start3A_1093 : memref<1x!tpu.dma_semaphore, #tpu.memory_space<semaphore_mem>> -> memref<!tpu.dma_semaphore, #tpu.memory_space<semaphore_mem>>
      %dma_start3A_1095 = tpu.memref_slice %arg4[%mul3A_1088] : memref<52428800xf32, #tpu.memory_space<hbm>> -> memref<2048xf32, #tpu.memory_space<hbm>>
      %dma_start3A_1096 = arith.constant 8192 : i32
      %dma_start3A_1097 = tpu.memref_slice %arg9[%dma_start3A_1096] : memref<16384xf32, #tpu.memory_space<vmem>> -> memref<2048xf32, #tpu.memory_space<vmem>>
      tpu.enqueue_dma source(%dma_start3A_1097 : memref<2048xf32, #tpu.memory_space<vmem>>) target(%dma_start3A_1095 : memref<2048xf32, #tpu.memory_space<hbm>>) target_semaphore(%dma_start3A_1094 : memref<!tpu.dma_semaphore, #tpu.memory_space<semaphore_mem>>)
      %mul3A_1098 = arith.constant 8 : i32
      %mul3A_1099 = arith.muli %div3A_1005, %mul3A_1098 : i32
      %add3A_1100 = arith.constant 5 : i32
      %add3A_1101 = arith.addi %mul3A_1099, %add3A_1100 : i32
      %mul3A_1102 = arith.constant 32 : i32
      %mul3A_1103 = arith.muli %add3A_1101, %mul3A_1102 : i32
      %add3A_1104 = arith.addi %mul3A_1103, %rem3A_1007 : i32
      %mul3A_1105 = arith.constant 1024 : i32
      %mul3A_1106 = arith.muli %add3A_1104, %mul3A_1105 : i32
      %dma_start3A_1107 = arith.constant 1 : i32
      %dma_start3A_1108 = arith.constant 10240 : i32
      %dma_start3A_1109 = tpu.memref_slice %arg9[%dma_start3A_1108] : memref<16384xf32, #tpu.memory_space<vmem>> -> memref<2048xf32, #tpu.memory_space<vmem>>
      %dma_start3A_1110 = tpu.memref_slice %arg4[%mul3A_1106] : memref<52428800xf32, #tpu.memory_space<hbm>> -> memref<2048xf32, #tpu.memory_space<hbm>>
      %dma_start3A_1111 = tpu.memref_slice %arg11[%dma_start3A_1107] : memref<2x!tpu.dma_semaphore, #tpu.memory_space<semaphore_mem>> -> memref<1x!tpu.dma_semaphore, #tpu.memory_space<semaphore_mem>>
      %dma_start3A_1112 = tpu.memref_squeeze %dma_start3A_1111 : memref<1x!tpu.dma_semaphore, #tpu.memory_space<semaphore_mem>> -> memref<!tpu.dma_semaphore, #tpu.memory_space<semaphore_mem>>
      %dma_start3A_1113 = tpu.memref_slice %arg4[%mul3A_1106] : memref<52428800xf32, #tpu.memory_space<hbm>> -> memref<2048xf32, #tpu.memory_space<hbm>>
      %dma_start3A_1114 = arith.constant 10240 : i32
      %dma_start3A_1115 = tpu.memref_slice %arg9[%dma_start3A_1114] : memref<16384xf32, #tpu.memory_space<vmem>> -> memref<2048xf32, #tpu.memory_space<vmem>>
      tpu.enqueue_dma source(%dma_start3A_1115 : memref<2048xf32, #tpu.memory_space<vmem>>) target(%dma_start3A_1113 : memref<2048xf32, #tpu.memory_space<hbm>>) target_semaphore(%dma_start3A_1112 : memref<!tpu.dma_semaphore, #tpu.memory_space<semaphore_mem>>)
      %mul3A_1116 = arith.constant 8 : i32
      %mul3A_1117 = arith.muli %div3A_1005, %mul3A_1116 : i32
      %add3A_1118 = arith.constant 6 : i32
      %add3A_1119 = arith.addi %mul3A_1117, %add3A_1118 : i32
      %mul3A_1120 = arith.constant 32 : i32
      %mul3A_1121 = arith.muli %add3A_1119, %mul3A_1120 : i32
      %add3A_1122 = arith.addi %mul3A_1121, %rem3A_1007 : i32
      %mul3A_1123 = arith.constant 1024 : i32
      %mul3A_1124 = arith.muli %add3A_1122, %mul3A_1123 : i32
      %dma_start3A_1125 = arith.constant 1 : i32
      %dma_start3A_1126 = arith.constant 12288 : i32
      %dma_start3A_1127 = tpu.memref_slice %arg9[%dma_start3A_1126] : memref<16384xf32, #tpu.memory_space<vmem>> -> memref<2048xf32, #tpu.memory_space<vmem>>
      %dma_start3A_1128 = tpu.memref_slice %arg4[%mul3A_1124] : memref<52428800xf32, #tpu.memory_space<hbm>> -> memref<2048xf32, #tpu.memory_space<hbm>>
      %dma_start3A_1129 = tpu.memref_slice %arg11[%dma_start3A_1125] : memref<2x!tpu.dma_semaphore, #tpu.memory_space<semaphore_mem>> -> memref<1x!tpu.dma_semaphore, #tpu.memory_space<semaphore_mem>>
      %dma_start3A_1130 = tpu.memref_squeeze %dma_start3A_1129 : memref<1x!tpu.dma_semaphore, #tpu.memory_space<semaphore_mem>> -> memref<!tpu.dma_semaphore, #tpu.memory_space<semaphore_mem>>
      %dma_start3A_1131 = tpu.memref_slice %arg4[%mul3A_1124] : memref<52428800xf32, #tpu.memory_space<hbm>> -> memref<2048xf32, #tpu.memory_space<hbm>>
      %dma_start3A_1132 = arith.constant 12288 : i32
      %dma_start3A_1133 = tpu.memref_slice %arg9[%dma_start3A_1132] : memref<16384xf32, #tpu.memory_space<vmem>> -> memref<2048xf32, #tpu.memory_space<vmem>>
      tpu.enqueue_dma source(%dma_start3A_1133 : memref<2048xf32, #tpu.memory_space<vmem>>) target(%dma_start3A_1131 : memref<2048xf32, #tpu.memory_space<hbm>>) target_semaphore(%dma_start3A_1130 : memref<!tpu.dma_semaphore, #tpu.memory_space<semaphore_mem>>)
      %mul3A_1134 = arith.constant 8 : i32
      %mul3A_1135 = arith.muli %div3A_1005, %mul3A_1134 : i32
      %add3A_1136 = arith.constant 7 : i32
      %add3A_1137 = arith.addi %mul3A_1135, %add3A_1136 : i32
      %mul3A_1138 = arith.constant 32 : i32
      %mul3A_1139 = arith.muli %add3A_1137, %mul3A_1138 : i32
      %add3A_1140 = arith.addi %mul3A_1139, %rem3A_1007 : i32
      %mul3A_1141 = arith.constant 1024 : i32
      %mul3A_1142 = arith.muli %add3A_1140, %mul3A_1141 : i32
      %dma_start3A_1143 = arith.constant 1 : i32
      %dma_start3A_1144 = arith.constant 14336 : i32
      %dma_start3A_1145 = tpu.memref_slice %arg9[%dma_start3A_1144] : memref<16384xf32, #tpu.memory_space<vmem>> -> memref<2048xf32, #tpu.memory_space<vmem>>
      %dma_start3A_1146 = tpu.memref_slice %arg4[%mul3A_1142] : memref<52428800xf32, #tpu.memory_space<hbm>> -> memref<2048xf32, #tpu.memory_space<hbm>>
      %dma_start3A_1147 = tpu.memref_slice %arg11[%dma_start3A_1143] : memref<2x!tpu.dma_semaphore, #tpu.memory_space<semaphore_mem>> -> memref<1x!tpu.dma_semaphore, #tpu.memory_space<semaphore_mem>>
      %dma_start3A_1148 = tpu.memref_squeeze %dma_start3A_1147 : memref<1x!tpu.dma_semaphore, #tpu.memory_space<semaphore_mem>> -> memref<!tpu.dma_semaphore, #tpu.memory_space<semaphore_mem>>
      %dma_start3A_1149 = tpu.memref_slice %arg4[%mul3A_1142] : memref<52428800xf32, #tpu.memory_space<hbm>> -> memref<2048xf32, #tpu.memory_space<hbm>>
      %dma_start3A_1150 = arith.constant 14336 : i32
      %dma_start3A_1151 = tpu.memref_slice %arg9[%dma_start3A_1150] : memref<16384xf32, #tpu.memory_space<vmem>> -> memref<2048xf32, #tpu.memory_space<vmem>>
      tpu.enqueue_dma source(%dma_start3A_1151 : memref<2048xf32, #tpu.memory_space<vmem>>) target(%dma_start3A_1149 : memref<2048xf32, #tpu.memory_space<hbm>>) target_semaphore(%dma_start3A_1148 : memref<!tpu.dma_semaphore, #tpu.memory_space<semaphore_mem>>)
      %scan3A_1152 = arith.constant 0 : i32
      scf.yield %scan3A_1152 : i32
    }
    %scan3A_112 = arith.constant 49 : i32
    %dma_start3A_113 = arith.constant 1 : i32
    %dma_start3A_114 = arith.constant 25344 : i32
    %dma_start3A_115 = tpu.memref_slice %arg5[%dma_start3A_114] : memref<25600xi32, #tpu.memory_space<vmem>> -> memref<256xi32, #tpu.memory_space<vmem>>
    %dma_start3A_116 = arith.constant 0 : i32
    %dma_start3A_117 = arith.constant 0 : i32
    %dma_start3A_118 = tpu.memref_slice %arg3[%dma_start3A_116, %dma_start3A_117] : memref<1000064x64xf32, #tpu.memory_space<hbm>> -> memref<1000064x64xf32, #tpu.memory_space<hbm>>
    %dma_start3A_119 = tpu.memref_slice %arg10[%dma_start3A_113] : memref<2x!tpu.dma_semaphore, #tpu.memory_space<semaphore_mem>> -> memref<1x!tpu.dma_semaphore, #tpu.memory_space<semaphore_mem>>
    %dma_start3A_120 = tpu.memref_squeeze %dma_start3A_119 : memref<1x!tpu.dma_semaphore, #tpu.memory_space<semaphore_mem>> -> memref<!tpu.dma_semaphore, #tpu.memory_space<semaphore_mem>>
    tpu.enqueue_indirect_dma source(%dma_start3A_118 : memref<1000064x64xf32, #tpu.memory_space<hbm>>) target(%arg7 : memref<256x64xf32, #tpu.memory_space<vmem>>) offsets(%dma_start3A_115 : memref<256xi32, #tpu.memory_space<vmem>>) semaphore(%dma_start3A_120 : memref<!tpu.dma_semaphore, #tpu.memory_space<semaphore_mem>>)
    %dma_wait3A = arith.constant 0 : i32
    %dma_wait3A_121 = arith.constant 0 : i32
    %dma_wait3A_122 = tpu.memref_slice %arg5[%dma_wait3A_121] : memref<25600xi32, #tpu.memory_space<vmem>> -> memref<256xi32, #tpu.memory_space<vmem>>
    %dma_wait3A_123 = arith.constant 0 : i32
    %dma_wait3A_124 = arith.constant 0 : i32
    %dma_wait3A_125 = tpu.memref_slice %arg3[%dma_wait3A_123, %dma_wait3A_124] : memref<1000064x64xf32, #tpu.memory_space<hbm>> -> memref<1000064x64xf32, #tpu.memory_space<hbm>>
    %dma_wait3A_126 = tpu.memref_slice %arg10[%dma_wait3A] : memref<2x!tpu.dma_semaphore, #tpu.memory_space<semaphore_mem>> -> memref<1x!tpu.dma_semaphore, #tpu.memory_space<semaphore_mem>>
    %dma_wait3A_127 = tpu.memref_squeeze %dma_wait3A_126 : memref<1x!tpu.dma_semaphore, #tpu.memory_space<semaphore_mem>> -> memref<!tpu.dma_semaphore, #tpu.memory_space<semaphore_mem>>
    tpu.wait_indirect_dma semaphore(%dma_wait3A_127 : memref<!tpu.dma_semaphore, #tpu.memory_space<semaphore_mem>>) src(%dma_wait3A_125 : memref<1000064x64xf32, #tpu.memory_space<hbm>>) dst(%arg6 : memref<256x64xf32, #tpu.memory_space<vmem>>)
    %dma_wait3A_128 = arith.constant 0 : i32
    %dma_wait3A_129 = arith.constant 0 : i32
    %dma_wait3A_130 = tpu.memref_slice %arg8[%dma_wait3A_129] : memref<16384xf32, #tpu.memory_space<vmem>> -> memref<2048xf32, #tpu.memory_space<vmem>>
    %dma_wait3A_131 = arith.constant 0 : i32
    %dma_wait3A_132 = tpu.memref_slice %arg4[%dma_wait3A_131] : memref<52428800xf32, #tpu.memory_space<hbm>> -> memref<2048xf32, #tpu.memory_space<hbm>>
    %dma_wait3A_133 = tpu.memref_slice %arg11[%dma_wait3A_128] : memref<2x!tpu.dma_semaphore, #tpu.memory_space<semaphore_mem>> -> memref<1x!tpu.dma_semaphore, #tpu.memory_space<semaphore_mem>>
    %dma_wait3A_134 = tpu.memref_squeeze %dma_wait3A_133 : memref<1x!tpu.dma_semaphore, #tpu.memory_space<semaphore_mem>> -> memref<!tpu.dma_semaphore, #tpu.memory_space<semaphore_mem>>
    %dma_wait3A_135 = arith.constant 0 : i32
    %dma_wait3A_136 = tpu.memref_slice %arg4[%dma_wait3A_135] : memref<52428800xf32, #tpu.memory_space<hbm>> -> memref<2048xf32, #tpu.memory_space<hbm>>
    %dma_wait3A_137 = arith.constant 0 : i32
    %dma_wait3A_138 = tpu.memref_slice %arg8[%dma_wait3A_137] : memref<16384xf32, #tpu.memory_space<vmem>> -> memref<2048xf32, #tpu.memory_space<vmem>>
    tpu.wait_dma2 semaphore(%dma_wait3A_134 : memref<!tpu.dma_semaphore, #tpu.memory_space<semaphore_mem>>) src(%dma_wait3A_138 : memref<2048xf32, #tpu.memory_space<vmem>>) dst(%dma_wait3A_136 : memref<2048xf32, #tpu.memory_space<hbm>>)
    %dma_wait3A_139 = arith.constant 0 : i32
    %dma_wait3A_140 = arith.constant 2048 : i32
    %dma_wait3A_141 = tpu.memref_slice %arg8[%dma_wait3A_140] : memref<16384xf32, #tpu.memory_space<vmem>> -> memref<2048xf32, #tpu.memory_space<vmem>>
    %dma_wait3A_142 = arith.constant 0 : i32
    %dma_wait3A_143 = tpu.memref_slice %arg4[%dma_wait3A_142] : memref<52428800xf32, #tpu.memory_space<hbm>> -> memref<2048xf32, #tpu.memory_space<hbm>>
    %dma_wait3A_144 = tpu.memref_slice %arg11[%dma_wait3A_139] : memref<2x!tpu.dma_semaphore, #tpu.memory_space<semaphore_mem>> -> memref<1x!tpu.dma_semaphore, #tpu.memory_space<semaphore_mem>>
    %dma_wait3A_145 = tpu.memref_squeeze %dma_wait3A_144 : memref<1x!tpu.dma_semaphore, #tpu.memory_space<semaphore_mem>> -> memref<!tpu.dma_semaphore, #tpu.memory_space<semaphore_mem>>
    %dma_wait3A_146 = arith.constant 0 : i32
    %dma_wait3A_147 = tpu.memref_slice %arg4[%dma_wait3A_146] : memref<52428800xf32, #tpu.memory_space<hbm>> -> memref<2048xf32, #tpu.memory_space<hbm>>
    %dma_wait3A_148 = arith.constant 2048 : i32
    %dma_wait3A_149 = tpu.memref_slice %arg8[%dma_wait3A_148] : memref<16384xf32, #tpu.memory_space<vmem>> -> memref<2048xf32, #tpu.memory_space<vmem>>
    tpu.wait_dma2 semaphore(%dma_wait3A_145 : memref<!tpu.dma_semaphore, #tpu.memory_space<semaphore_mem>>) src(%dma_wait3A_149 : memref<2048xf32, #tpu.memory_space<vmem>>) dst(%dma_wait3A_147 : memref<2048xf32, #tpu.memory_space<hbm>>)
    %dma_wait3A_150 = arith.constant 0 : i32
    %dma_wait3A_151 = arith.constant 4096 : i32
    %dma_wait3A_152 = tpu.memref_slice %arg8[%dma_wait3A_151] : memref<16384xf32, #tpu.memory_space<vmem>> -> memref<2048xf32, #tpu.memory_space<vmem>>
    %dma_wait3A_153 = arith.constant 0 : i32
    %dma_wait3A_154 = tpu.memref_slice %arg4[%dma_wait3A_153] : memref<52428800xf32, #tpu.memory_space<hbm>> -> memref<2048xf32, #tpu.memory_space<hbm>>
    %dma_wait3A_155 = tpu.memref_slice %arg11[%dma_wait3A_150] : memref<2x!tpu.dma_semaphore, #tpu.memory_space<semaphore_mem>> -> memref<1x!tpu.dma_semaphore, #tpu.memory_space<semaphore_mem>>
    %dma_wait3A_156 = tpu.memref_squeeze %dma_wait3A_155 : memref<1x!tpu.dma_semaphore, #tpu.memory_space<semaphore_mem>> -> memref<!tpu.dma_semaphore, #tpu.memory_space<semaphore_mem>>
    %dma_wait3A_157 = arith.constant 0 : i32
    %dma_wait3A_158 = tpu.memref_slice %arg4[%dma_wait3A_157] : memref<52428800xf32, #tpu.memory_space<hbm>> -> memref<2048xf32, #tpu.memory_space<hbm>>
    %dma_wait3A_159 = arith.constant 4096 : i32
    %dma_wait3A_160 = tpu.memref_slice %arg8[%dma_wait3A_159] : memref<16384xf32, #tpu.memory_space<vmem>> -> memref<2048xf32, #tpu.memory_space<vmem>>
    tpu.wait_dma2 semaphore(%dma_wait3A_156 : memref<!tpu.dma_semaphore, #tpu.memory_space<semaphore_mem>>) src(%dma_wait3A_160 : memref<2048xf32, #tpu.memory_space<vmem>>) dst(%dma_wait3A_158 : memref<2048xf32, #tpu.memory_space<hbm>>)
    %dma_wait3A_161 = arith.constant 0 : i32
    %dma_wait3A_162 = arith.constant 6144 : i32
    %dma_wait3A_163 = tpu.memref_slice %arg8[%dma_wait3A_162] : memref<16384xf32, #tpu.memory_space<vmem>> -> memref<2048xf32, #tpu.memory_space<vmem>>
    %dma_wait3A_164 = arith.constant 0 : i32
    %dma_wait3A_165 = tpu.memref_slice %arg4[%dma_wait3A_164] : memref<52428800xf32, #tpu.memory_space<hbm>> -> memref<2048xf32, #tpu.memory_space<hbm>>
    %dma_wait3A_166 = tpu.memref_slice %arg11[%dma_wait3A_161] : memref<2x!tpu.dma_semaphore, #tpu.memory_space<semaphore_mem>> -> memref<1x!tpu.dma_semaphore, #tpu.memory_space<semaphore_mem>>
    %dma_wait3A_167 = tpu.memref_squeeze %dma_wait3A_166 : memref<1x!tpu.dma_semaphore, #tpu.memory_space<semaphore_mem>> -> memref<!tpu.dma_semaphore, #tpu.memory_space<semaphore_mem>>
    %dma_wait3A_168 = arith.constant 0 : i32
    %dma_wait3A_169 = tpu.memref_slice %arg4[%dma_wait3A_168] : memref<52428800xf32, #tpu.memory_space<hbm>> -> memref<2048xf32, #tpu.memory_space<hbm>>
    %dma_wait3A_170 = arith.constant 6144 : i32
    %dma_wait3A_171 = tpu.memref_slice %arg8[%dma_wait3A_170] : memref<16384xf32, #tpu.memory_space<vmem>> -> memref<2048xf32, #tpu.memory_space<vmem>>
    tpu.wait_dma2 semaphore(%dma_wait3A_167 : memref<!tpu.dma_semaphore, #tpu.memory_space<semaphore_mem>>) src(%dma_wait3A_171 : memref<2048xf32, #tpu.memory_space<vmem>>) dst(%dma_wait3A_169 : memref<2048xf32, #tpu.memory_space<hbm>>)
    %dma_wait3A_172 = arith.constant 0 : i32
    %dma_wait3A_173 = arith.constant 8192 : i32
    %dma_wait3A_174 = tpu.memref_slice %arg8[%dma_wait3A_173] : memref<16384xf32, #tpu.memory_space<vmem>> -> memref<2048xf32, #tpu.memory_space<vmem>>
    %dma_wait3A_175 = arith.constant 0 : i32
    %dma_wait3A_176 = tpu.memref_slice %arg4[%dma_wait3A_175] : memref<52428800xf32, #tpu.memory_space<hbm>> -> memref<2048xf32, #tpu.memory_space<hbm>>
    %dma_wait3A_177 = tpu.memref_slice %arg11[%dma_wait3A_172] : memref<2x!tpu.dma_semaphore, #tpu.memory_space<semaphore_mem>> -> memref<1x!tpu.dma_semaphore, #tpu.memory_space<semaphore_mem>>
    %dma_wait3A_178 = tpu.memref_squeeze %dma_wait3A_177 : memref<1x!tpu.dma_semaphore, #tpu.memory_space<semaphore_mem>> -> memref<!tpu.dma_semaphore, #tpu.memory_space<semaphore_mem>>
    %dma_wait3A_179 = arith.constant 0 : i32
    %dma_wait3A_180 = tpu.memref_slice %arg4[%dma_wait3A_179] : memref<52428800xf32, #tpu.memory_space<hbm>> -> memref<2048xf32, #tpu.memory_space<hbm>>
    %dma_wait3A_181 = arith.constant 8192 : i32
    %dma_wait3A_182 = tpu.memref_slice %arg8[%dma_wait3A_181] : memref<16384xf32, #tpu.memory_space<vmem>> -> memref<2048xf32, #tpu.memory_space<vmem>>
    tpu.wait_dma2 semaphore(%dma_wait3A_178 : memref<!tpu.dma_semaphore, #tpu.memory_space<semaphore_mem>>) src(%dma_wait3A_182 : memref<2048xf32, #tpu.memory_space<vmem>>) dst(%dma_wait3A_180 : memref<2048xf32, #tpu.memory_space<hbm>>)
    %dma_wait3A_183 = arith.constant 0 : i32
    %dma_wait3A_184 = arith.constant 10240 : i32
    %dma_wait3A_185 = tpu.memref_slice %arg8[%dma_wait3A_184] : memref<16384xf32, #tpu.memory_space<vmem>> -> memref<2048xf32, #tpu.memory_space<vmem>>
    %dma_wait3A_186 = arith.constant 0 : i32
    %dma_wait3A_187 = tpu.memref_slice %arg4[%dma_wait3A_186] : memref<52428800xf32, #tpu.memory_space<hbm>> -> memref<2048xf32, #tpu.memory_space<hbm>>
    %dma_wait3A_188 = tpu.memref_slice %arg11[%dma_wait3A_183] : memref<2x!tpu.dma_semaphore, #tpu.memory_space<semaphore_mem>> -> memref<1x!tpu.dma_semaphore, #tpu.memory_space<semaphore_mem>>
    %dma_wait3A_189 = tpu.memref_squeeze %dma_wait3A_188 : memref<1x!tpu.dma_semaphore, #tpu.memory_space<semaphore_mem>> -> memref<!tpu.dma_semaphore, #tpu.memory_space<semaphore_mem>>
    %dma_wait3A_190 = arith.constant 0 : i32
    %dma_wait3A_191 = tpu.memref_slice %arg4[%dma_wait3A_190] : memref<52428800xf32, #tpu.memory_space<hbm>> -> memref<2048xf32, #tpu.memory_space<hbm>>
    %dma_wait3A_192 = arith.constant 10240 : i32
    %dma_wait3A_193 = tpu.memref_slice %arg8[%dma_wait3A_192] : memref<16384xf32, #tpu.memory_space<vmem>> -> memref<2048xf32, #tpu.memory_space<vmem>>
    tpu.wait_dma2 semaphore(%dma_wait3A_189 : memref<!tpu.dma_semaphore, #tpu.memory_space<semaphore_mem>>) src(%dma_wait3A_193 : memref<2048xf32, #tpu.memory_space<vmem>>) dst(%dma_wait3A_191 : memref<2048xf32, #tpu.memory_space<hbm>>)
    %dma_wait3A_194 = arith.constant 0 : i32
    %dma_wait3A_195 = arith.constant 12288 : i32
    %dma_wait3A_196 = tpu.memref_slice %arg8[%dma_wait3A_195] : memref<16384xf32, #tpu.memory_space<vmem>> -> memref<2048xf32, #tpu.memory_space<vmem>>
    %dma_wait3A_197 = arith.constant 0 : i32
    %dma_wait3A_198 = tpu.memref_slice %arg4[%dma_wait3A_197] : memref<52428800xf32, #tpu.memory_space<hbm>> -> memref<2048xf32, #tpu.memory_space<hbm>>
    %dma_wait3A_199 = tpu.memref_slice %arg11[%dma_wait3A_194] : memref<2x!tpu.dma_semaphore, #tpu.memory_space<semaphore_mem>> -> memref<1x!tpu.dma_semaphore, #tpu.memory_space<semaphore_mem>>
    %dma_wait3A_200 = tpu.memref_squeeze %dma_wait3A_199 : memref<1x!tpu.dma_semaphore, #tpu.memory_space<semaphore_mem>> -> memref<!tpu.dma_semaphore, #tpu.memory_space<semaphore_mem>>
    %dma_wait3A_201 = arith.constant 0 : i32
    %dma_wait3A_202 = tpu.memref_slice %arg4[%dma_wait3A_201] : memref<52428800xf32, #tpu.memory_space<hbm>> -> memref<2048xf32, #tpu.memory_space<hbm>>
    %dma_wait3A_203 = arith.constant 12288 : i32
    %dma_wait3A_204 = tpu.memref_slice %arg8[%dma_wait3A_203] : memref<16384xf32, #tpu.memory_space<vmem>> -> memref<2048xf32, #tpu.memory_space<vmem>>
    tpu.wait_dma2 semaphore(%dma_wait3A_200 : memref<!tpu.dma_semaphore, #tpu.memory_space<semaphore_mem>>) src(%dma_wait3A_204 : memref<2048xf32, #tpu.memory_space<vmem>>) dst(%dma_wait3A_202 : memref<2048xf32, #tpu.memory_space<hbm>>)
    %dma_wait3A_205 = arith.constant 0 : i32
    %dma_wait3A_206 = arith.constant 14336 : i32
    %dma_wait3A_207 = tpu.memref_slice %arg8[%dma_wait3A_206] : memref<16384xf32, #tpu.memory_space<vmem>> -> memref<2048xf32, #tpu.memory_space<vmem>>
    %dma_wait3A_208 = arith.constant 0 : i32
    %dma_wait3A_209 = tpu.memref_slice %arg4[%dma_wait3A_208] : memref<52428800xf32, #tpu.memory_space<hbm>> -> memref<2048xf32, #tpu.memory_space<hbm>>
    %dma_wait3A_210 = tpu.memref_slice %arg11[%dma_wait3A_205] : memref<2x!tpu.dma_semaphore, #tpu.memory_space<semaphore_mem>> -> memref<1x!tpu.dma_semaphore, #tpu.memory_space<semaphore_mem>>
    %dma_wait3A_211 = tpu.memref_squeeze %dma_wait3A_210 : memref<1x!tpu.dma_semaphore, #tpu.memory_space<semaphore_mem>> -> memref<!tpu.dma_semaphore, #tpu.memory_space<semaphore_mem>>
    %dma_wait3A_212 = arith.constant 0 : i32
    %dma_wait3A_213 = tpu.memref_slice %arg4[%dma_wait3A_212] : memref<52428800xf32, #tpu.memory_space<hbm>> -> memref<2048xf32, #tpu.memory_space<hbm>>
    %dma_wait3A_214 = arith.constant 14336 : i32
    %dma_wait3A_215 = tpu.memref_slice %arg8[%dma_wait3A_214] : memref<16384xf32, #tpu.memory_space<vmem>> -> memref<2048xf32, #tpu.memory_space<vmem>>
    tpu.wait_dma2 semaphore(%dma_wait3A_211 : memref<!tpu.dma_semaphore, #tpu.memory_space<semaphore_mem>>) src(%dma_wait3A_215 : memref<2048xf32, #tpu.memory_space<vmem>>) dst(%dma_wait3A_213 : memref<2048xf32, #tpu.memory_space<hbm>>)
    %parallel_loop3A = arith.constant 0 : i32
    %parallel_loop3A_216 = arith.constant 64 : i32
    %parallel_loop3A_217 = arith.constant 1 : i32
    scf.for %parallel_loop3A_791 = %parallel_loop3A to %parallel_loop3A_216 step %parallel_loop3A_217  : i32 {
      %parallel_loop3A_792 = vector.broadcast %parallel_loop3A_791 : i32 to vector<16xi32>
      %parallel_loop3A_793 = arith.addi %iota3A, %parallel_loop3A_792 : vector<16xi32>
      %parallel_loop3A_794 = arith.constant 63 : i32
      %parallel_loop3A_795 = vector.broadcast %parallel_loop3A_794 : i32 to vector<16xi32>
      %parallel_loop3A_796 = arith.andi %parallel_loop3A_793, %parallel_loop3A_795 : vector<16xi32>
      %parallel_loop3A_797 = arith.constant 3 : i32
      %parallel_loop3A_798 = vector.broadcast %parallel_loop3A_797 : i32 to vector<16xi32>
      %parallel_loop3A_799 = arith.shrsi %parallel_loop3A_796, %parallel_loop3A_798 : vector<16xi32>
      %parallel_loop3A_800 = arith.constant 11 : i32
      %parallel_loop3A_801 = vector.broadcast %parallel_loop3A_800 : i32 to vector<16xi32>
      %parallel_loop3A_802 = arith.shli %parallel_loop3A_799, %parallel_loop3A_801 : vector<16xi32>
      %parallel_loop3A_803 = arith.constant 7 : i32
      %parallel_loop3A_804 = vector.broadcast %parallel_loop3A_803 : i32 to vector<16xi32>
      %parallel_loop3A_805 = arith.andi %parallel_loop3A_796, %parallel_loop3A_804 : vector<16xi32>
      %parallel_loop3A_806 = arith.constant 7 : i32
      %parallel_loop3A_807 = vector.broadcast %parallel_loop3A_806 : i32 to vector<16xi32>
      %parallel_loop3A_808 = arith.shli %parallel_loop3A_805, %parallel_loop3A_807 : vector<16xi32>
      %parallel_loop3A_809 = arith.addi %parallel_loop3A_802, %parallel_loop3A_808 : vector<16xi32>
      %parallel_loop3A_810 = tpu.vector_load_idx %arg6[%add3A_6, %parallel_loop3A_796] : memref<256x64xf32, #tpu.memory_space<vmem>>[vector<16xi32>, vector<16xi32>], vector<16xf32>,
      %parallel_loop3A_811 = arith.addi %parallel_loop3A_809, %add3A_54 : vector<16xi32>
      tpu.vector_store_idx %arg8[%parallel_loop3A_811], %parallel_loop3A_810 : memref<16384xf32, #tpu.memory_space<vmem>>[vector<16xi32>], vector<16xf32>,
      %parallel_loop3A_812 = tpu.vector_load_idx %arg6[%add3A_9, %parallel_loop3A_796] : memref<256x64xf32, #tpu.memory_space<vmem>>[vector<16xi32>, vector<16xi32>], vector<16xf32>,
      %parallel_loop3A_813 = arith.addi %parallel_loop3A_809, %add3A_57 : vector<16xi32>
      tpu.vector_store_idx %arg8[%parallel_loop3A_813], %parallel_loop3A_812 : memref<16384xf32, #tpu.memory_space<vmem>>[vector<16xi32>], vector<16xf32>,
      %parallel_loop3A_814 = tpu.vector_load_idx %arg6[%add3A_12, %parallel_loop3A_796] : memref<256x64xf32, #tpu.memory_space<vmem>>[vector<16xi32>, vector<16xi32>], vector<16xf32>,
      %parallel_loop3A_815 = arith.addi %parallel_loop3A_809, %add3A_60 : vector<16xi32>
      tpu.vector_store_idx %arg8[%parallel_loop3A_815], %parallel_loop3A_814 : memref<16384xf32, #tpu.memory_space<vmem>>[vector<16xi32>], vector<16xf32>,
      %parallel_loop3A_816 = tpu.vector_load_idx %arg6[%add3A_15, %parallel_loop3A_796] : memref<256x64xf32, #tpu.memory_space<vmem>>[vector<16xi32>, vector<16xi32>], vector<16xf32>,
      %parallel_loop3A_817 = arith.addi %parallel_loop3A_809, %add3A_63 : vector<16xi32>
      tpu.vector_store_idx %arg8[%parallel_loop3A_817], %parallel_loop3A_816 : memref<16384xf32, #tpu.memory_space<vmem>>[vector<16xi32>], vector<16xf32>,
      %parallel_loop3A_818 = tpu.vector_load_idx %arg6[%add3A_18, %parallel_loop3A_796] : memref<256x64xf32, #tpu.memory_space<vmem>>[vector<16xi32>, vector<16xi32>], vector<16xf32>,
      %parallel_loop3A_819 = arith.addi %parallel_loop3A_809, %add3A_66 : vector<16xi32>
      tpu.vector_store_idx %arg8[%parallel_loop3A_819], %parallel_loop3A_818 : memref<16384xf32, #tpu.memory_space<vmem>>[vector<16xi32>], vector<16xf32>,
      %parallel_loop3A_820 = tpu.vector_load_idx %arg6[%add3A_21, %parallel_loop3A_796] : memref<256x64xf32, #tpu.memory_space<vmem>>[vector<16xi32>, vector<16xi32>], vector<16xf32>,
      %parallel_loop3A_821 = arith.addi %parallel_loop3A_809, %add3A_69 : vector<16xi32>
      tpu.vector_store_idx %arg8[%parallel_loop3A_821], %parallel_loop3A_820 : memref<16384xf32, #tpu.memory_space<vmem>>[vector<16xi32>], vector<16xf32>,
      %parallel_loop3A_822 = tpu.vector_load_idx %arg6[%add3A_24, %parallel_loop3A_796] : memref<256x64xf32, #tpu.memory_space<vmem>>[vector<16xi32>, vector<16xi32>], vector<16xf32>,
      %parallel_loop3A_823 = arith.addi %parallel_loop3A_809, %add3A_72 : vector<16xi32>
      tpu.vector_store_idx %arg8[%parallel_loop3A_823], %parallel_loop3A_822 : memref<16384xf32, #tpu.memory_space<vmem>>[vector<16xi32>], vector<16xf32>,
      %parallel_loop3A_824 = tpu.vector_load_idx %arg6[%add3A_27, %parallel_loop3A_796] : memref<256x64xf32, #tpu.memory_space<vmem>>[vector<16xi32>, vector<16xi32>], vector<16xf32>,
      %parallel_loop3A_825 = arith.addi %parallel_loop3A_809, %add3A_75 : vector<16xi32>
      tpu.vector_store_idx %arg8[%parallel_loop3A_825], %parallel_loop3A_824 : memref<16384xf32, #tpu.memory_space<vmem>>[vector<16xi32>], vector<16xf32>,
      %parallel_loop3A_826 = tpu.vector_load_idx %arg6[%add3A_30, %parallel_loop3A_796] : memref<256x64xf32, #tpu.memory_space<vmem>>[vector<16xi32>, vector<16xi32>], vector<16xf32>,
      %parallel_loop3A_827 = arith.addi %parallel_loop3A_809, %add3A_78 : vector<16xi32>
      tpu.vector_store_idx %arg8[%parallel_loop3A_827], %parallel_loop3A_826 : memref<16384xf32, #tpu.memory_space<vmem>>[vector<16xi32>], vector<16xf32>,
      %parallel_loop3A_828 = tpu.vector_load_idx %arg6[%add3A_33, %parallel_loop3A_796] : memref<256x64xf32, #tpu.memory_space<vmem>>[vector<16xi32>, vector<16xi32>], vector<16xf32>,
      %parallel_loop3A_829 = arith.addi %parallel_loop3A_809, %add3A_81 : vector<16xi32>
      tpu.vector_store_idx %arg8[%parallel_loop3A_829], %parallel_loop3A_828 : memref<16384xf32, #tpu.memory_space<vmem>>[vector<16xi32>], vector<16xf32>,
      %parallel_loop3A_830 = tpu.vector_load_idx %arg6[%add3A_36, %parallel_loop3A_796] : memref<256x64xf32, #tpu.memory_space<vmem>>[vector<16xi32>, vector<16xi32>], vector<16xf32>,
      %parallel_loop3A_831 = arith.addi %parallel_loop3A_809, %add3A_84 : vector<16xi32>
      tpu.vector_store_idx %arg8[%parallel_loop3A_831], %parallel_loop3A_830 : memref<16384xf32, #tpu.memory_space<vmem>>[vector<16xi32>], vector<16xf32>,
      %parallel_loop3A_832 = tpu.vector_load_idx %arg6[%add3A_39, %parallel_loop3A_796] : memref<256x64xf32, #tpu.memory_space<vmem>>[vector<16xi32>, vector<16xi32>], vector<16xf32>,
      %parallel_loop3A_833 = arith.addi %parallel_loop3A_809, %add3A_87 : vector<16xi32>
      tpu.vector_store_idx %arg8[%parallel_loop3A_833], %parallel_loop3A_832 : memref<16384xf32, #tpu.memory_space<vmem>>[vector<16xi32>], vector<16xf32>,
      %parallel_loop3A_834 = tpu.vector_load_idx %arg6[%add3A_42, %parallel_loop3A_796] : memref<256x64xf32, #tpu.memory_space<vmem>>[vector<16xi32>, vector<16xi32>], vector<16xf32>,
      %parallel_loop3A_835 = arith.addi %parallel_loop3A_809, %add3A_90 : vector<16xi32>
      tpu.vector_store_idx %arg8[%parallel_loop3A_835], %parallel_loop3A_834 : memref<16384xf32, #tpu.memory_space<vmem>>[vector<16xi32>], vector<16xf32>,
      %parallel_loop3A_836 = tpu.vector_load_idx %arg6[%add3A_45, %parallel_loop3A_796] : memref<256x64xf32, #tpu.memory_space<vmem>>[vector<16xi32>, vector<16xi32>], vector<16xf32>,
      %parallel_loop3A_837 = arith.addi %parallel_loop3A_809, %add3A_93 : vector<16xi32>
      tpu.vector_store_idx %arg8[%parallel_loop3A_837], %parallel_loop3A_836 : memref<16384xf32, #tpu.memory_space<vmem>>[vector<16xi32>], vector<16xf32>,
      %parallel_loop3A_838 = tpu.vector_load_idx %arg6[%add3A_48, %parallel_loop3A_796] : memref<256x64xf32, #tpu.memory_space<vmem>>[vector<16xi32>, vector<16xi32>], vector<16xf32>,
      %parallel_loop3A_839 = arith.addi %parallel_loop3A_809, %add3A_96 : vector<16xi32>
      tpu.vector_store_idx %arg8[%parallel_loop3A_839], %parallel_loop3A_838 : memref<16384xf32, #tpu.memory_space<vmem>>[vector<16xi32>], vector<16xf32>,
      %parallel_loop3A_840 = tpu.vector_load_idx %arg6[%add3A_51, %parallel_loop3A_796] : memref<256x64xf32, #tpu.memory_space<vmem>>[vector<16xi32>, vector<16xi32>], vector<16xf32>,
      %parallel_loop3A_841 = arith.addi %parallel_loop3A_809, %add3A_99 : vector<16xi32>
      tpu.vector_store_idx %arg8[%parallel_loop3A_841], %parallel_loop3A_840 : memref<16384xf32, #tpu.memory_space<vmem>>[vector<16xi32>], vector<16xf32>,
    } {sc.loop_unroll_factor = 1 : i64, sc.parallel_access}
    %add3A_218 = arith.constant 196 : i32
    %add3A_219 = arith.addi %mul3A_2, %add3A_218 : i32
    %div3A = arith.constant 32 : i32
    %div3A_220 = arith.divsi %add3A_219, %div3A : i32
    %rem3A = arith.constant 32 : i32
    %rem3A_221 = arith.remsi %add3A_219, %rem3A : i32
    %mul3A_222 = arith.constant 8 : i32
    %mul3A_223 = arith.muli %div3A_220, %mul3A_222 : i32
    %add3A_224 = arith.constant 0 : i32
    %add3A_225 = arith.addi %mul3A_223, %add3A_224 : i32
    %mul3A_226 = arith.constant 32 : i32
    %mul3A_227 = arith.muli %add3A_225, %mul3A_226 : i32
    %add3A_228 = arith.addi %mul3A_227, %rem3A_221 : i32
    %mul3A_229 = arith.constant 1024 : i32
    %mul3A_230 = arith.muli %add3A_228, %mul3A_229 : i32
    %dma_start3A_231 = arith.constant 0 : i32
    %dma_start3A_232 = arith.constant 0 : i32
    %dma_start3A_233 = tpu.memref_slice %arg8[%dma_start3A_232] : memref<16384xf32, #tpu.memory_space<vmem>> -> memref<2048xf32, #tpu.memory_space<vmem>>
    %dma_start3A_234 = tpu.memref_slice %arg4[%mul3A_230] : memref<52428800xf32, #tpu.memory_space<hbm>> -> memref<2048xf32, #tpu.memory_space<hbm>>
    %dma_start3A_235 = tpu.memref_slice %arg11[%dma_start3A_231] : memref<2x!tpu.dma_semaphore, #tpu.memory_space<semaphore_mem>> -> memref<1x!tpu.dma_semaphore, #tpu.memory_space<semaphore_mem>>
    %dma_start3A_236 = tpu.memref_squeeze %dma_start3A_235 : memref<1x!tpu.dma_semaphore, #tpu.memory_space<semaphore_mem>> -> memref<!tpu.dma_semaphore, #tpu.memory_space<semaphore_mem>>
    %dma_start3A_237 = tpu.memref_slice %arg4[%mul3A_230] : memref<52428800xf32, #tpu.memory_space<hbm>> -> memref<2048xf32, #tpu.memory_space<hbm>>
    %dma_start3A_238 = arith.constant 0 : i32
    %dma_start3A_239 = tpu.memref_slice %arg8[%dma_start3A_238] : memref<16384xf32, #tpu.memory_space<vmem>> -> memref<2048xf32, #tpu.memory_space<vmem>>
    tpu.enqueue_dma source(%dma_start3A_239 : memref<2048xf32, #tpu.memory_space<vmem>>) target(%dma_start3A_237 : memref<2048xf32, #tpu.memory_space<hbm>>) target_semaphore(%dma_start3A_236 : memref<!tpu.dma_semaphore, #tpu.memory_space<semaphore_mem>>)
    %mul3A_240 = arith.constant 8 : i32
    %mul3A_241 = arith.muli %div3A_220, %mul3A_240 : i32
    %add3A_242 = arith.constant 1 : i32
    %add3A_243 = arith.addi %mul3A_241, %add3A_242 : i32
    %mul3A_244 = arith.constant 32 : i32
    %mul3A_245 = arith.muli %add3A_243, %mul3A_244 : i32
    %add3A_246 = arith.addi %mul3A_245, %rem3A_221 : i32
    %mul3A_247 = arith.constant 1024 : i32
    %mul3A_248 = arith.muli %add3A_246, %mul3A_247 : i32
    %dma_start3A_249 = arith.constant 0 : i32
    %dma_start3A_250 = arith.constant 2048 : i32
    %dma_start3A_251 = tpu.memref_slice %arg8[%dma_start3A_250] : memref<16384xf32, #tpu.memory_space<vmem>> -> memref<2048xf32, #tpu.memory_space<vmem>>
    %dma_start3A_252 = tpu.memref_slice %arg4[%mul3A_248] : memref<52428800xf32, #tpu.memory_space<hbm>> -> memref<2048xf32, #tpu.memory_space<hbm>>
    %dma_start3A_253 = tpu.memref_slice %arg11[%dma_start3A_249] : memref<2x!tpu.dma_semaphore, #tpu.memory_space<semaphore_mem>> -> memref<1x!tpu.dma_semaphore, #tpu.memory_space<semaphore_mem>>
    %dma_start3A_254 = tpu.memref_squeeze %dma_start3A_253 : memref<1x!tpu.dma_semaphore, #tpu.memory_space<semaphore_mem>> -> memref<!tpu.dma_semaphore, #tpu.memory_space<semaphore_mem>>
    %dma_start3A_255 = tpu.memref_slice %arg4[%mul3A_248] : memref<52428800xf32, #tpu.memory_space<hbm>> -> memref<2048xf32, #tpu.memory_space<hbm>>
    %dma_start3A_256 = arith.constant 2048 : i32
    %dma_start3A_257 = tpu.memref_slice %arg8[%dma_start3A_256] : memref<16384xf32, #tpu.memory_space<vmem>> -> memref<2048xf32, #tpu.memory_space<vmem>>
    tpu.enqueue_dma source(%dma_start3A_257 : memref<2048xf32, #tpu.memory_space<vmem>>) target(%dma_start3A_255 : memref<2048xf32, #tpu.memory_space<hbm>>) target_semaphore(%dma_start3A_254 : memref<!tpu.dma_semaphore, #tpu.memory_space<semaphore_mem>>)
    %mul3A_258 = arith.constant 8 : i32
    %mul3A_259 = arith.muli %div3A_220, %mul3A_258 : i32
    %add3A_260 = arith.constant 2 : i32
    %add3A_261 = arith.addi %mul3A_259, %add3A_260 : i32
    %mul3A_262 = arith.constant 32 : i32
    %mul3A_263 = arith.muli %add3A_261, %mul3A_262 : i32
    %add3A_264 = arith.addi %mul3A_263, %rem3A_221 : i32
    %mul3A_265 = arith.constant 1024 : i32
    %mul3A_266 = arith.muli %add3A_264, %mul3A_265 : i32
    %dma_start3A_267 = arith.constant 0 : i32
    %dma_start3A_268 = arith.constant 4096 : i32
    %dma_start3A_269 = tpu.memref_slice %arg8[%dma_start3A_268] : memref<16384xf32, #tpu.memory_space<vmem>> -> memref<2048xf32, #tpu.memory_space<vmem>>
    %dma_start3A_270 = tpu.memref_slice %arg4[%mul3A_266] : memref<52428800xf32, #tpu.memory_space<hbm>> -> memref<2048xf32, #tpu.memory_space<hbm>>
    %dma_start3A_271 = tpu.memref_slice %arg11[%dma_start3A_267] : memref<2x!tpu.dma_semaphore, #tpu.memory_space<semaphore_mem>> -> memref<1x!tpu.dma_semaphore, #tpu.memory_space<semaphore_mem>>
    %dma_start3A_272 = tpu.memref_squeeze %dma_start3A_271 : memref<1x!tpu.dma_semaphore, #tpu.memory_space<semaphore_mem>> -> memref<!tpu.dma_semaphore, #tpu.memory_space<semaphore_mem>>
    %dma_start3A_273 = tpu.memref_slice %arg4[%mul3A_266] : memref<52428800xf32, #tpu.memory_space<hbm>> -> memref<2048xf32, #tpu.memory_space<hbm>>
    %dma_start3A_274 = arith.constant 4096 : i32
    %dma_start3A_275 = tpu.memref_slice %arg8[%dma_start3A_274] : memref<16384xf32, #tpu.memory_space<vmem>> -> memref<2048xf32, #tpu.memory_space<vmem>>
    tpu.enqueue_dma source(%dma_start3A_275 : memref<2048xf32, #tpu.memory_space<vmem>>) target(%dma_start3A_273 : memref<2048xf32, #tpu.memory_space<hbm>>) target_semaphore(%dma_start3A_272 : memref<!tpu.dma_semaphore, #tpu.memory_space<semaphore_mem>>)
    %mul3A_276 = arith.constant 8 : i32
    %mul3A_277 = arith.muli %div3A_220, %mul3A_276 : i32
    %add3A_278 = arith.constant 3 : i32
    %add3A_279 = arith.addi %mul3A_277, %add3A_278 : i32
    %mul3A_280 = arith.constant 32 : i32
    %mul3A_281 = arith.muli %add3A_279, %mul3A_280 : i32
    %add3A_282 = arith.addi %mul3A_281, %rem3A_221 : i32
    %mul3A_283 = arith.constant 1024 : i32
    %mul3A_284 = arith.muli %add3A_282, %mul3A_283 : i32
    %dma_start3A_285 = arith.constant 0 : i32
    %dma_start3A_286 = arith.constant 6144 : i32
    %dma_start3A_287 = tpu.memref_slice %arg8[%dma_start3A_286] : memref<16384xf32, #tpu.memory_space<vmem>> -> memref<2048xf32, #tpu.memory_space<vmem>>
    %dma_start3A_288 = tpu.memref_slice %arg4[%mul3A_284] : memref<52428800xf32, #tpu.memory_space<hbm>> -> memref<2048xf32, #tpu.memory_space<hbm>>
    %dma_start3A_289 = tpu.memref_slice %arg11[%dma_start3A_285] : memref<2x!tpu.dma_semaphore, #tpu.memory_space<semaphore_mem>> -> memref<1x!tpu.dma_semaphore, #tpu.memory_space<semaphore_mem>>
    %dma_start3A_290 = tpu.memref_squeeze %dma_start3A_289 : memref<1x!tpu.dma_semaphore, #tpu.memory_space<semaphore_mem>> -> memref<!tpu.dma_semaphore, #tpu.memory_space<semaphore_mem>>
    %dma_start3A_291 = tpu.memref_slice %arg4[%mul3A_284] : memref<52428800xf32, #tpu.memory_space<hbm>> -> memref<2048xf32, #tpu.memory_space<hbm>>
    %dma_start3A_292 = arith.constant 6144 : i32
    %dma_start3A_293 = tpu.memref_slice %arg8[%dma_start3A_292] : memref<16384xf32, #tpu.memory_space<vmem>> -> memref<2048xf32, #tpu.memory_space<vmem>>
    tpu.enqueue_dma source(%dma_start3A_293 : memref<2048xf32, #tpu.memory_space<vmem>>) target(%dma_start3A_291 : memref<2048xf32, #tpu.memory_space<hbm>>) target_semaphore(%dma_start3A_290 : memref<!tpu.dma_semaphore, #tpu.memory_space<semaphore_mem>>)
    %mul3A_294 = arith.constant 8 : i32
    %mul3A_295 = arith.muli %div3A_220, %mul3A_294 : i32
    %add3A_296 = arith.constant 4 : i32
    %add3A_297 = arith.addi %mul3A_295, %add3A_296 : i32
    %mul3A_298 = arith.constant 32 : i32
    %mul3A_299 = arith.muli %add3A_297, %mul3A_298 : i32
    %add3A_300 = arith.addi %mul3A_299, %rem3A_221 : i32
    %mul3A_301 = arith.constant 1024 : i32
    %mul3A_302 = arith.muli %add3A_300, %mul3A_301 : i32
    %dma_start3A_303 = arith.constant 0 : i32
    %dma_start3A_304 = arith.constant 8192 : i32
    %dma_start3A_305 = tpu.memref_slice %arg8[%dma_start3A_304] : memref<16384xf32, #tpu.memory_space<vmem>> -> memref<2048xf32, #tpu.memory_space<vmem>>
    %dma_start3A_306 = tpu.memref_slice %arg4[%mul3A_302] : memref<52428800xf32, #tpu.memory_space<hbm>> -> memref<2048xf32, #tpu.memory_space<hbm>>
    %dma_start3A_307 = tpu.memref_slice %arg11[%dma_start3A_303] : memref<2x!tpu.dma_semaphore, #tpu.memory_space<semaphore_mem>> -> memref<1x!tpu.dma_semaphore, #tpu.memory_space<semaphore_mem>>
    %dma_start3A_308 = tpu.memref_squeeze %dma_start3A_307 : memref<1x!tpu.dma_semaphore, #tpu.memory_space<semaphore_mem>> -> memref<!tpu.dma_semaphore, #tpu.memory_space<semaphore_mem>>
    %dma_start3A_309 = tpu.memref_slice %arg4[%mul3A_302] : memref<52428800xf32, #tpu.memory_space<hbm>> -> memref<2048xf32, #tpu.memory_space<hbm>>
    %dma_start3A_310 = arith.constant 8192 : i32
    %dma_start3A_311 = tpu.memref_slice %arg8[%dma_start3A_310] : memref<16384xf32, #tpu.memory_space<vmem>> -> memref<2048xf32, #tpu.memory_space<vmem>>
    tpu.enqueue_dma source(%dma_start3A_311 : memref<2048xf32, #tpu.memory_space<vmem>>) target(%dma_start3A_309 : memref<2048xf32, #tpu.memory_space<hbm>>) target_semaphore(%dma_start3A_308 : memref<!tpu.dma_semaphore, #tpu.memory_space<semaphore_mem>>)
    %mul3A_312 = arith.constant 8 : i32
    %mul3A_313 = arith.muli %div3A_220, %mul3A_312 : i32
    %add3A_314 = arith.constant 5 : i32
    %add3A_315 = arith.addi %mul3A_313, %add3A_314 : i32
    %mul3A_316 = arith.constant 32 : i32
    %mul3A_317 = arith.muli %add3A_315, %mul3A_316 : i32
    %add3A_318 = arith.addi %mul3A_317, %rem3A_221 : i32
    %mul3A_319 = arith.constant 1024 : i32
    %mul3A_320 = arith.muli %add3A_318, %mul3A_319 : i32
    %dma_start3A_321 = arith.constant 0 : i32
    %dma_start3A_322 = arith.constant 10240 : i32
    %dma_start3A_323 = tpu.memref_slice %arg8[%dma_start3A_322] : memref<16384xf32, #tpu.memory_space<vmem>> -> memref<2048xf32, #tpu.memory_space<vmem>>
    %dma_start3A_324 = tpu.memref_slice %arg4[%mul3A_320] : memref<52428800xf32, #tpu.memory_space<hbm>> -> memref<2048xf32, #tpu.memory_space<hbm>>
    %dma_start3A_325 = tpu.memref_slice %arg11[%dma_start3A_321] : memref<2x!tpu.dma_semaphore, #tpu.memory_space<semaphore_mem>> -> memref<1x!tpu.dma_semaphore, #tpu.memory_space<semaphore_mem>>
    %dma_start3A_326 = tpu.memref_squeeze %dma_start3A_325 : memref<1x!tpu.dma_semaphore, #tpu.memory_space<semaphore_mem>> -> memref<!tpu.dma_semaphore, #tpu.memory_space<semaphore_mem>>
    %dma_start3A_327 = tpu.memref_slice %arg4[%mul3A_320] : memref<52428800xf32, #tpu.memory_space<hbm>> -> memref<2048xf32, #tpu.memory_space<hbm>>
    %dma_start3A_328 = arith.constant 10240 : i32
    %dma_start3A_329 = tpu.memref_slice %arg8[%dma_start3A_328] : memref<16384xf32, #tpu.memory_space<vmem>> -> memref<2048xf32, #tpu.memory_space<vmem>>
    tpu.enqueue_dma source(%dma_start3A_329 : memref<2048xf32, #tpu.memory_space<vmem>>) target(%dma_start3A_327 : memref<2048xf32, #tpu.memory_space<hbm>>) target_semaphore(%dma_start3A_326 : memref<!tpu.dma_semaphore, #tpu.memory_space<semaphore_mem>>)
    %mul3A_330 = arith.constant 8 : i32
    %mul3A_331 = arith.muli %div3A_220, %mul3A_330 : i32
    %add3A_332 = arith.constant 6 : i32
    %add3A_333 = arith.addi %mul3A_331, %add3A_332 : i32
    %mul3A_334 = arith.constant 32 : i32
    %mul3A_335 = arith.muli %add3A_333, %mul3A_334 : i32
    %add3A_336 = arith.addi %mul3A_335, %rem3A_221 : i32
    %mul3A_337 = arith.constant 1024 : i32
    %mul3A_338 = arith.muli %add3A_336, %mul3A_337 : i32
    %dma_start3A_339 = arith.constant 0 : i32
    %dma_start3A_340 = arith.constant 12288 : i32
    %dma_start3A_341 = tpu.memref_slice %arg8[%dma_start3A_340] : memref<16384xf32, #tpu.memory_space<vmem>> -> memref<2048xf32, #tpu.memory_space<vmem>>
    %dma_start3A_342 = tpu.memref_slice %arg4[%mul3A_338] : memref<52428800xf32, #tpu.memory_space<hbm>> -> memref<2048xf32, #tpu.memory_space<hbm>>
    %dma_start3A_343 = tpu.memref_slice %arg11[%dma_start3A_339] : memref<2x!tpu.dma_semaphore, #tpu.memory_space<semaphore_mem>> -> memref<1x!tpu.dma_semaphore, #tpu.memory_space<semaphore_mem>>
    %dma_start3A_344 = tpu.memref_squeeze %dma_start3A_343 : memref<1x!tpu.dma_semaphore, #tpu.memory_space<semaphore_mem>> -> memref<!tpu.dma_semaphore, #tpu.memory_space<semaphore_mem>>
    %dma_start3A_345 = tpu.memref_slice %arg4[%mul3A_338] : memref<52428800xf32, #tpu.memory_space<hbm>> -> memref<2048xf32, #tpu.memory_space<hbm>>
    %dma_start3A_346 = arith.constant 12288 : i32
    %dma_start3A_347 = tpu.memref_slice %arg8[%dma_start3A_346] : memref<16384xf32, #tpu.memory_space<vmem>> -> memref<2048xf32, #tpu.memory_space<vmem>>
    tpu.enqueue_dma source(%dma_start3A_347 : memref<2048xf32, #tpu.memory_space<vmem>>) target(%dma_start3A_345 : memref<2048xf32, #tpu.memory_space<hbm>>) target_semaphore(%dma_start3A_344 : memref<!tpu.dma_semaphore, #tpu.memory_space<semaphore_mem>>)
    %mul3A_348 = arith.constant 8 : i32
    %mul3A_349 = arith.muli %div3A_220, %mul3A_348 : i32
    %add3A_350 = arith.constant 7 : i32
    %add3A_351 = arith.addi %mul3A_349, %add3A_350 : i32
    %mul3A_352 = arith.constant 32 : i32
    %mul3A_353 = arith.muli %add3A_351, %mul3A_352 : i32
    %add3A_354 = arith.addi %mul3A_353, %rem3A_221 : i32
    %mul3A_355 = arith.constant 1024 : i32
    %mul3A_356 = arith.muli %add3A_354, %mul3A_355 : i32
    %dma_start3A_357 = arith.constant 0 : i32
    %dma_start3A_358 = arith.constant 14336 : i32
    %dma_start3A_359 = tpu.memref_slice %arg8[%dma_start3A_358] : memref<16384xf32, #tpu.memory_space<vmem>> -> memref<2048xf32, #tpu.memory_space<vmem>>
    %dma_start3A_360 = tpu.memref_slice %arg4[%mul3A_356] : memref<52428800xf32, #tpu.memory_space<hbm>> -> memref<2048xf32, #tpu.memory_space<hbm>>
    %dma_start3A_361 = tpu.memref_slice %arg11[%dma_start3A_357] : memref<2x!tpu.dma_semaphore, #tpu.memory_space<semaphore_mem>> -> memref<1x!tpu.dma_semaphore, #tpu.memory_space<semaphore_mem>>
    %dma_start3A_362 = tpu.memref_squeeze %dma_start3A_361 : memref<1x!tpu.dma_semaphore, #tpu.memory_space<semaphore_mem>> -> memref<!tpu.dma_semaphore, #tpu.memory_space<semaphore_mem>>
    %dma_start3A_363 = tpu.memref_slice %arg4[%mul3A_356] : memref<52428800xf32, #tpu.memory_space<hbm>> -> memref<2048xf32, #tpu.memory_space<hbm>>
    %dma_start3A_364 = arith.constant 14336 : i32
    %dma_start3A_365 = tpu.memref_slice %arg8[%dma_start3A_364] : memref<16384xf32, #tpu.memory_space<vmem>> -> memref<2048xf32, #tpu.memory_space<vmem>>
    tpu.enqueue_dma source(%dma_start3A_365 : memref<2048xf32, #tpu.memory_space<vmem>>) target(%dma_start3A_363 : memref<2048xf32, #tpu.memory_space<hbm>>) target_semaphore(%dma_start3A_362 : memref<!tpu.dma_semaphore, #tpu.memory_space<semaphore_mem>>)
    %dma_wait3A_366 = arith.constant 1 : i32
    %dma_wait3A_367 = arith.constant 0 : i32
    %dma_wait3A_368 = tpu.memref_slice %arg5[%dma_wait3A_367] : memref<25600xi32, #tpu.memory_space<vmem>> -> memref<256xi32, #tpu.memory_space<vmem>>
    %dma_wait3A_369 = arith.constant 0 : i32
    %dma_wait3A_370 = arith.constant 0 : i32
    %dma_wait3A_371 = tpu.memref_slice %arg3[%dma_wait3A_369, %dma_wait3A_370] : memref<1000064x64xf32, #tpu.memory_space<hbm>> -> memref<1000064x64xf32, #tpu.memory_space<hbm>>
    %dma_wait3A_372 = tpu.memref_slice %arg10[%dma_wait3A_366] : memref<2x!tpu.dma_semaphore, #tpu.memory_space<semaphore_mem>> -> memref<1x!tpu.dma_semaphore, #tpu.memory_space<semaphore_mem>>
    %dma_wait3A_373 = tpu.memref_squeeze %dma_wait3A_372 : memref<1x!tpu.dma_semaphore, #tpu.memory_space<semaphore_mem>> -> memref<!tpu.dma_semaphore, #tpu.memory_space<semaphore_mem>>
    tpu.wait_indirect_dma semaphore(%dma_wait3A_373 : memref<!tpu.dma_semaphore, #tpu.memory_space<semaphore_mem>>) src(%dma_wait3A_371 : memref<1000064x64xf32, #tpu.memory_space<hbm>>) dst(%arg7 : memref<256x64xf32, #tpu.memory_space<vmem>>)
    %dma_wait3A_374 = arith.constant 1 : i32
    %dma_wait3A_375 = arith.constant 0 : i32
    %dma_wait3A_376 = tpu.memref_slice %arg9[%dma_wait3A_375] : memref<16384xf32, #tpu.memory_space<vmem>> -> memref<2048xf32, #tpu.memory_space<vmem>>
    %dma_wait3A_377 = arith.constant 0 : i32
    %dma_wait3A_378 = tpu.memref_slice %arg4[%dma_wait3A_377] : memref<52428800xf32, #tpu.memory_space<hbm>> -> memref<2048xf32, #tpu.memory_space<hbm>>
    %dma_wait3A_379 = tpu.memref_slice %arg11[%dma_wait3A_374] : memref<2x!tpu.dma_semaphore, #tpu.memory_space<semaphore_mem>> -> memref<1x!tpu.dma_semaphore, #tpu.memory_space<semaphore_mem>>
    %dma_wait3A_380 = tpu.memref_squeeze %dma_wait3A_379 : memref<1x!tpu.dma_semaphore, #tpu.memory_space<semaphore_mem>> -> memref<!tpu.dma_semaphore, #tpu.memory_space<semaphore_mem>>
    %dma_wait3A_381 = arith.constant 0 : i32
    %dma_wait3A_382 = tpu.memref_slice %arg4[%dma_wait3A_381] : memref<52428800xf32, #tpu.memory_space<hbm>> -> memref<2048xf32, #tpu.memory_space<hbm>>
    %dma_wait3A_383 = arith.constant 0 : i32
    %dma_wait3A_384 = tpu.memref_slice %arg9[%dma_wait3A_383] : memref<16384xf32, #tpu.memory_space<vmem>> -> memref<2048xf32, #tpu.memory_space<vmem>>
    tpu.wait_dma2 semaphore(%dma_wait3A_380 : memref<!tpu.dma_semaphore, #tpu.memory_space<semaphore_mem>>) src(%dma_wait3A_384 : memref<2048xf32, #tpu.memory_space<vmem>>) dst(%dma_wait3A_382 : memref<2048xf32, #tpu.memory_space<hbm>>)
    %dma_wait3A_385 = arith.constant 1 : i32
    %dma_wait3A_386 = arith.constant 2048 : i32
    %dma_wait3A_387 = tpu.memref_slice %arg9[%dma_wait3A_386] : memref<16384xf32, #tpu.memory_space<vmem>> -> memref<2048xf32, #tpu.memory_space<vmem>>
    %dma_wait3A_388 = arith.constant 0 : i32
    %dma_wait3A_389 = tpu.memref_slice %arg4[%dma_wait3A_388] : memref<52428800xf32, #tpu.memory_space<hbm>> -> memref<2048xf32, #tpu.memory_space<hbm>>
    %dma_wait3A_390 = tpu.memref_slice %arg11[%dma_wait3A_385] : memref<2x!tpu.dma_semaphore, #tpu.memory_space<semaphore_mem>> -> memref<1x!tpu.dma_semaphore, #tpu.memory_space<semaphore_mem>>
    %dma_wait3A_391 = tpu.memref_squeeze %dma_wait3A_390 : memref<1x!tpu.dma_semaphore, #tpu.memory_space<semaphore_mem>> -> memref<!tpu.dma_semaphore, #tpu.memory_space<semaphore_mem>>
    %dma_wait3A_392 = arith.constant 0 : i32
    %dma_wait3A_393 = tpu.memref_slice %arg4[%dma_wait3A_392] : memref<52428800xf32, #tpu.memory_space<hbm>> -> memref<2048xf32, #tpu.memory_space<hbm>>
    %dma_wait3A_394 = arith.constant 2048 : i32
    %dma_wait3A_395 = tpu.memref_slice %arg9[%dma_wait3A_394] : memref<16384xf32, #tpu.memory_space<vmem>> -> memref<2048xf32, #tpu.memory_space<vmem>>
    tpu.wait_dma2 semaphore(%dma_wait3A_391 : memref<!tpu.dma_semaphore, #tpu.memory_space<semaphore_mem>>) src(%dma_wait3A_395 : memref<2048xf32, #tpu.memory_space<vmem>>) dst(%dma_wait3A_393 : memref<2048xf32, #tpu.memory_space<hbm>>)
    %dma_wait3A_396 = arith.constant 1 : i32
    %dma_wait3A_397 = arith.constant 4096 : i32
    %dma_wait3A_398 = tpu.memref_slice %arg9[%dma_wait3A_397] : memref<16384xf32, #tpu.memory_space<vmem>> -> memref<2048xf32, #tpu.memory_space<vmem>>
    %dma_wait3A_399 = arith.constant 0 : i32
    %dma_wait3A_400 = tpu.memref_slice %arg4[%dma_wait3A_399] : memref<52428800xf32, #tpu.memory_space<hbm>> -> memref<2048xf32, #tpu.memory_space<hbm>>
    %dma_wait3A_401 = tpu.memref_slice %arg11[%dma_wait3A_396] : memref<2x!tpu.dma_semaphore, #tpu.memory_space<semaphore_mem>> -> memref<1x!tpu.dma_semaphore, #tpu.memory_space<semaphore_mem>>
    %dma_wait3A_402 = tpu.memref_squeeze %dma_wait3A_401 : memref<1x!tpu.dma_semaphore, #tpu.memory_space<semaphore_mem>> -> memref<!tpu.dma_semaphore, #tpu.memory_space<semaphore_mem>>
    %dma_wait3A_403 = arith.constant 0 : i32
    %dma_wait3A_404 = tpu.memref_slice %arg4[%dma_wait3A_403] : memref<52428800xf32, #tpu.memory_space<hbm>> -> memref<2048xf32, #tpu.memory_space<hbm>>
    %dma_wait3A_405 = arith.constant 4096 : i32
    %dma_wait3A_406 = tpu.memref_slice %arg9[%dma_wait3A_405] : memref<16384xf32, #tpu.memory_space<vmem>> -> memref<2048xf32, #tpu.memory_space<vmem>>
    tpu.wait_dma2 semaphore(%dma_wait3A_402 : memref<!tpu.dma_semaphore, #tpu.memory_space<semaphore_mem>>) src(%dma_wait3A_406 : memref<2048xf32, #tpu.memory_space<vmem>>) dst(%dma_wait3A_404 : memref<2048xf32, #tpu.memory_space<hbm>>)
    %dma_wait3A_407 = arith.constant 1 : i32
    %dma_wait3A_408 = arith.constant 6144 : i32
    %dma_wait3A_409 = tpu.memref_slice %arg9[%dma_wait3A_408] : memref<16384xf32, #tpu.memory_space<vmem>> -> memref<2048xf32, #tpu.memory_space<vmem>>
    %dma_wait3A_410 = arith.constant 0 : i32
    %dma_wait3A_411 = tpu.memref_slice %arg4[%dma_wait3A_410] : memref<52428800xf32, #tpu.memory_space<hbm>> -> memref<2048xf32, #tpu.memory_space<hbm>>
    %dma_wait3A_412 = tpu.memref_slice %arg11[%dma_wait3A_407] : memref<2x!tpu.dma_semaphore, #tpu.memory_space<semaphore_mem>> -> memref<1x!tpu.dma_semaphore, #tpu.memory_space<semaphore_mem>>
    %dma_wait3A_413 = tpu.memref_squeeze %dma_wait3A_412 : memref<1x!tpu.dma_semaphore, #tpu.memory_space<semaphore_mem>> -> memref<!tpu.dma_semaphore, #tpu.memory_space<semaphore_mem>>
    %dma_wait3A_414 = arith.constant 0 : i32
    %dma_wait3A_415 = tpu.memref_slice %arg4[%dma_wait3A_414] : memref<52428800xf32, #tpu.memory_space<hbm>> -> memref<2048xf32, #tpu.memory_space<hbm>>
    %dma_wait3A_416 = arith.constant 6144 : i32
    %dma_wait3A_417 = tpu.memref_slice %arg9[%dma_wait3A_416] : memref<16384xf32, #tpu.memory_space<vmem>> -> memref<2048xf32, #tpu.memory_space<vmem>>
    tpu.wait_dma2 semaphore(%dma_wait3A_413 : memref<!tpu.dma_semaphore, #tpu.memory_space<semaphore_mem>>) src(%dma_wait3A_417 : memref<2048xf32, #tpu.memory_space<vmem>>) dst(%dma_wait3A_415 : memref<2048xf32, #tpu.memory_space<hbm>>)
    %dma_wait3A_418 = arith.constant 1 : i32
    %dma_wait3A_419 = arith.constant 8192 : i32
    %dma_wait3A_420 = tpu.memref_slice %arg9[%dma_wait3A_419] : memref<16384xf32, #tpu.memory_space<vmem>> -> memref<2048xf32, #tpu.memory_space<vmem>>
    %dma_wait3A_421 = arith.constant 0 : i32
    %dma_wait3A_422 = tpu.memref_slice %arg4[%dma_wait3A_421] : memref<52428800xf32, #tpu.memory_space<hbm>> -> memref<2048xf32, #tpu.memory_space<hbm>>
    %dma_wait3A_423 = tpu.memref_slice %arg11[%dma_wait3A_418] : memref<2x!tpu.dma_semaphore, #tpu.memory_space<semaphore_mem>> -> memref<1x!tpu.dma_semaphore, #tpu.memory_space<semaphore_mem>>
    %dma_wait3A_424 = tpu.memref_squeeze %dma_wait3A_423 : memref<1x!tpu.dma_semaphore, #tpu.memory_space<semaphore_mem>> -> memref<!tpu.dma_semaphore, #tpu.memory_space<semaphore_mem>>
    %dma_wait3A_425 = arith.constant 0 : i32
    %dma_wait3A_426 = tpu.memref_slice %arg4[%dma_wait3A_425] : memref<52428800xf32, #tpu.memory_space<hbm>> -> memref<2048xf32, #tpu.memory_space<hbm>>
    %dma_wait3A_427 = arith.constant 8192 : i32
    %dma_wait3A_428 = tpu.memref_slice %arg9[%dma_wait3A_427] : memref<16384xf32, #tpu.memory_space<vmem>> -> memref<2048xf32, #tpu.memory_space<vmem>>
    tpu.wait_dma2 semaphore(%dma_wait3A_424 : memref<!tpu.dma_semaphore, #tpu.memory_space<semaphore_mem>>) src(%dma_wait3A_428 : memref<2048xf32, #tpu.memory_space<vmem>>) dst(%dma_wait3A_426 : memref<2048xf32, #tpu.memory_space<hbm>>)
    %dma_wait3A_429 = arith.constant 1 : i32
    %dma_wait3A_430 = arith.constant 10240 : i32
    %dma_wait3A_431 = tpu.memref_slice %arg9[%dma_wait3A_430] : memref<16384xf32, #tpu.memory_space<vmem>> -> memref<2048xf32, #tpu.memory_space<vmem>>
    %dma_wait3A_432 = arith.constant 0 : i32
    %dma_wait3A_433 = tpu.memref_slice %arg4[%dma_wait3A_432] : memref<52428800xf32, #tpu.memory_space<hbm>> -> memref<2048xf32, #tpu.memory_space<hbm>>
    %dma_wait3A_434 = tpu.memref_slice %arg11[%dma_wait3A_429] : memref<2x!tpu.dma_semaphore, #tpu.memory_space<semaphore_mem>> -> memref<1x!tpu.dma_semaphore, #tpu.memory_space<semaphore_mem>>
    %dma_wait3A_435 = tpu.memref_squeeze %dma_wait3A_434 : memref<1x!tpu.dma_semaphore, #tpu.memory_space<semaphore_mem>> -> memref<!tpu.dma_semaphore, #tpu.memory_space<semaphore_mem>>
    %dma_wait3A_436 = arith.constant 0 : i32
    %dma_wait3A_437 = tpu.memref_slice %arg4[%dma_wait3A_436] : memref<52428800xf32, #tpu.memory_space<hbm>> -> memref<2048xf32, #tpu.memory_space<hbm>>
    %dma_wait3A_438 = arith.constant 10240 : i32
    %dma_wait3A_439 = tpu.memref_slice %arg9[%dma_wait3A_438] : memref<16384xf32, #tpu.memory_space<vmem>> -> memref<2048xf32, #tpu.memory_space<vmem>>
    tpu.wait_dma2 semaphore(%dma_wait3A_435 : memref<!tpu.dma_semaphore, #tpu.memory_space<semaphore_mem>>) src(%dma_wait3A_439 : memref<2048xf32, #tpu.memory_space<vmem>>) dst(%dma_wait3A_437 : memref<2048xf32, #tpu.memory_space<hbm>>)
    %dma_wait3A_440 = arith.constant 1 : i32
    %dma_wait3A_441 = arith.constant 12288 : i32
    %dma_wait3A_442 = tpu.memref_slice %arg9[%dma_wait3A_441] : memref<16384xf32, #tpu.memory_space<vmem>> -> memref<2048xf32, #tpu.memory_space<vmem>>
    %dma_wait3A_443 = arith.constant 0 : i32
    %dma_wait3A_444 = tpu.memref_slice %arg4[%dma_wait3A_443] : memref<52428800xf32, #tpu.memory_space<hbm>> -> memref<2048xf32, #tpu.memory_space<hbm>>
    %dma_wait3A_445 = tpu.memref_slice %arg11[%dma_wait3A_440] : memref<2x!tpu.dma_semaphore, #tpu.memory_space<semaphore_mem>> -> memref<1x!tpu.dma_semaphore, #tpu.memory_space<semaphore_mem>>
    %dma_wait3A_446 = tpu.memref_squeeze %dma_wait3A_445 : memref<1x!tpu.dma_semaphore, #tpu.memory_space<semaphore_mem>> -> memref<!tpu.dma_semaphore, #tpu.memory_space<semaphore_mem>>
    %dma_wait3A_447 = arith.constant 0 : i32
    %dma_wait3A_448 = tpu.memref_slice %arg4[%dma_wait3A_447] : memref<52428800xf32, #tpu.memory_space<hbm>> -> memref<2048xf32, #tpu.memory_space<hbm>>
    %dma_wait3A_449 = arith.constant 12288 : i32
    %dma_wait3A_450 = tpu.memref_slice %arg9[%dma_wait3A_449] : memref<16384xf32, #tpu.memory_space<vmem>> -> memref<2048xf32, #tpu.memory_space<vmem>>
    tpu.wait_dma2 semaphore(%dma_wait3A_446 : memref<!tpu.dma_semaphore, #tpu.memory_space<semaphore_mem>>) src(%dma_wait3A_450 : memref<2048xf32, #tpu.memory_space<vmem>>) dst(%dma_wait3A_448 : memref<2048xf32, #tpu.memory_space<hbm>>)
    %dma_wait3A_451 = arith.constant 1 : i32
    %dma_wait3A_452 = arith.constant 14336 : i32
    %dma_wait3A_453 = tpu.memref_slice %arg9[%dma_wait3A_452] : memref<16384xf32, #tpu.memory_space<vmem>> -> memref<2048xf32, #tpu.memory_space<vmem>>
    %dma_wait3A_454 = arith.constant 0 : i32
    %dma_wait3A_455 = tpu.memref_slice %arg4[%dma_wait3A_454] : memref<52428800xf32, #tpu.memory_space<hbm>> -> memref<2048xf32, #tpu.memory_space<hbm>>
    %dma_wait3A_456 = tpu.memref_slice %arg11[%dma_wait3A_451] : memref<2x!tpu.dma_semaphore, #tpu.memory_space<semaphore_mem>> -> memref<1x!tpu.dma_semaphore, #tpu.memory_space<semaphore_mem>>
    %dma_wait3A_457 = tpu.memref_squeeze %dma_wait3A_456 : memref<1x!tpu.dma_semaphore, #tpu.memory_space<semaphore_mem>> -> memref<!tpu.dma_semaphore, #tpu.memory_space<semaphore_mem>>
    %dma_wait3A_458 = arith.constant 0 : i32
    %dma_wait3A_459 = tpu.memref_slice %arg4[%dma_wait3A_458] : memref<52428800xf32, #tpu.memory_space<hbm>> -> memref<2048xf32, #tpu.memory_space<hbm>>
    %dma_wait3A_460 = arith.constant 14336 : i32
    %dma_wait3A_461 = tpu.memref_slice %arg9[%dma_wait3A_460] : memref<16384xf32, #tpu.memory_space<vmem>> -> memref<2048xf32, #tpu.memory_space<vmem>>
    tpu.wait_dma2 semaphore(%dma_wait3A_457 : memref<!tpu.dma_semaphore, #tpu.memory_space<semaphore_mem>>) src(%dma_wait3A_461 : memref<2048xf32, #tpu.memory_space<vmem>>) dst(%dma_wait3A_459 : memref<2048xf32, #tpu.memory_space<hbm>>)
    %parallel_loop3A_462 = arith.constant 0 : i32
    %parallel_loop3A_463 = arith.constant 64 : i32
    %parallel_loop3A_464 = arith.constant 1 : i32
    scf.for %parallel_loop3A_791 = %parallel_loop3A_462 to %parallel_loop3A_463 step %parallel_loop3A_464  : i32 {
      %parallel_loop3A_792 = vector.broadcast %parallel_loop3A_791 : i32 to vector<16xi32>
      %parallel_loop3A_793 = arith.addi %iota3A, %parallel_loop3A_792 : vector<16xi32>
      %parallel_loop3A_794 = arith.constant 63 : i32
      %parallel_loop3A_795 = vector.broadcast %parallel_loop3A_794 : i32 to vector<16xi32>
      %parallel_loop3A_796 = arith.andi %parallel_loop3A_793, %parallel_loop3A_795 : vector<16xi32>
      %parallel_loop3A_797 = arith.constant 3 : i32
      %parallel_loop3A_798 = vector.broadcast %parallel_loop3A_797 : i32 to vector<16xi32>
      %parallel_loop3A_799 = arith.shrsi %parallel_loop3A_796, %parallel_loop3A_798 : vector<16xi32>
      %parallel_loop3A_800 = arith.constant 11 : i32
      %parallel_loop3A_801 = vector.broadcast %parallel_loop3A_800 : i32 to vector<16xi32>
      %parallel_loop3A_802 = arith.shli %parallel_loop3A_799, %parallel_loop3A_801 : vector<16xi32>
      %parallel_loop3A_803 = arith.constant 7 : i32
      %parallel_loop3A_804 = vector.broadcast %parallel_loop3A_803 : i32 to vector<16xi32>
      %parallel_loop3A_805 = arith.andi %parallel_loop3A_796, %parallel_loop3A_804 : vector<16xi32>
      %parallel_loop3A_806 = arith.constant 7 : i32
      %parallel_loop3A_807 = vector.broadcast %parallel_loop3A_806 : i32 to vector<16xi32>
      %parallel_loop3A_808 = arith.shli %parallel_loop3A_805, %parallel_loop3A_807 : vector<16xi32>
      %parallel_loop3A_809 = arith.addi %parallel_loop3A_802, %parallel_loop3A_808 : vector<16xi32>
      %parallel_loop3A_810 = tpu.vector_load_idx %arg7[%add3A_6, %parallel_loop3A_796] : memref<256x64xf32, #tpu.memory_space<vmem>>[vector<16xi32>, vector<16xi32>], vector<16xf32>,
      %parallel_loop3A_811 = arith.addi %parallel_loop3A_809, %add3A_54 : vector<16xi32>
      tpu.vector_store_idx %arg9[%parallel_loop3A_811], %parallel_loop3A_810 : memref<16384xf32, #tpu.memory_space<vmem>>[vector<16xi32>], vector<16xf32>,
      %parallel_loop3A_812 = tpu.vector_load_idx %arg7[%add3A_9, %parallel_loop3A_796] : memref<256x64xf32, #tpu.memory_space<vmem>>[vector<16xi32>, vector<16xi32>], vector<16xf32>,
      %parallel_loop3A_813 = arith.addi %parallel_loop3A_809, %add3A_57 : vector<16xi32>
      tpu.vector_store_idx %arg9[%parallel_loop3A_813], %parallel_loop3A_812 : memref<16384xf32, #tpu.memory_space<vmem>>[vector<16xi32>], vector<16xf32>,
      %parallel_loop3A_814 = tpu.vector_load_idx %arg7[%add3A_12, %parallel_loop3A_796] : memref<256x64xf32, #tpu.memory_space<vmem>>[vector<16xi32>, vector<16xi32>], vector<16xf32>,
      %parallel_loop3A_815 = arith.addi %parallel_loop3A_809, %add3A_60 : vector<16xi32>
      tpu.vector_store_idx %arg9[%parallel_loop3A_815], %parallel_loop3A_814 : memref<16384xf32, #tpu.memory_space<vmem>>[vector<16xi32>], vector<16xf32>,
      %parallel_loop3A_816 = tpu.vector_load_idx %arg7[%add3A_15, %parallel_loop3A_796] : memref<256x64xf32, #tpu.memory_space<vmem>>[vector<16xi32>, vector<16xi32>], vector<16xf32>,
      %parallel_loop3A_817 = arith.addi %parallel_loop3A_809, %add3A_63 : vector<16xi32>
      tpu.vector_store_idx %arg9[%parallel_loop3A_817], %parallel_loop3A_816 : memref<16384xf32, #tpu.memory_space<vmem>>[vector<16xi32>], vector<16xf32>,
      %parallel_loop3A_818 = tpu.vector_load_idx %arg7[%add3A_18, %parallel_loop3A_796] : memref<256x64xf32, #tpu.memory_space<vmem>>[vector<16xi32>, vector<16xi32>], vector<16xf32>,
      %parallel_loop3A_819 = arith.addi %parallel_loop3A_809, %add3A_66 : vector<16xi32>
      tpu.vector_store_idx %arg9[%parallel_loop3A_819], %parallel_loop3A_818 : memref<16384xf32, #tpu.memory_space<vmem>>[vector<16xi32>], vector<16xf32>,
      %parallel_loop3A_820 = tpu.vector_load_idx %arg7[%add3A_21, %parallel_loop3A_796] : memref<256x64xf32, #tpu.memory_space<vmem>>[vector<16xi32>, vector<16xi32>], vector<16xf32>,
      %parallel_loop3A_821 = arith.addi %parallel_loop3A_809, %add3A_69 : vector<16xi32>
      tpu.vector_store_idx %arg9[%parallel_loop3A_821], %parallel_loop3A_820 : memref<16384xf32, #tpu.memory_space<vmem>>[vector<16xi32>], vector<16xf32>,
      %parallel_loop3A_822 = tpu.vector_load_idx %arg7[%add3A_24, %parallel_loop3A_796] : memref<256x64xf32, #tpu.memory_space<vmem>>[vector<16xi32>, vector<16xi32>], vector<16xf32>,
      %parallel_loop3A_823 = arith.addi %parallel_loop3A_809, %add3A_72 : vector<16xi32>
      tpu.vector_store_idx %arg9[%parallel_loop3A_823], %parallel_loop3A_822 : memref<16384xf32, #tpu.memory_space<vmem>>[vector<16xi32>], vector<16xf32>,
      %parallel_loop3A_824 = tpu.vector_load_idx %arg7[%add3A_27, %parallel_loop3A_796] : memref<256x64xf32, #tpu.memory_space<vmem>>[vector<16xi32>, vector<16xi32>], vector<16xf32>,
      %parallel_loop3A_825 = arith.addi %parallel_loop3A_809, %add3A_75 : vector<16xi32>
      tpu.vector_store_idx %arg9[%parallel_loop3A_825], %parallel_loop3A_824 : memref<16384xf32, #tpu.memory_space<vmem>>[vector<16xi32>], vector<16xf32>,
      %parallel_loop3A_826 = tpu.vector_load_idx %arg7[%add3A_30, %parallel_loop3A_796] : memref<256x64xf32, #tpu.memory_space<vmem>>[vector<16xi32>, vector<16xi32>], vector<16xf32>,
      %parallel_loop3A_827 = arith.addi %parallel_loop3A_809, %add3A_78 : vector<16xi32>
      tpu.vector_store_idx %arg9[%parallel_loop3A_827], %parallel_loop3A_826 : memref<16384xf32, #tpu.memory_space<vmem>>[vector<16xi32>], vector<16xf32>,
      %parallel_loop3A_828 = tpu.vector_load_idx %arg7[%add3A_33, %parallel_loop3A_796] : memref<256x64xf32, #tpu.memory_space<vmem>>[vector<16xi32>, vector<16xi32>], vector<16xf32>,
      %parallel_loop3A_829 = arith.addi %parallel_loop3A_809, %add3A_81 : vector<16xi32>
      tpu.vector_store_idx %arg9[%parallel_loop3A_829], %parallel_loop3A_828 : memref<16384xf32, #tpu.memory_space<vmem>>[vector<16xi32>], vector<16xf32>,
      %parallel_loop3A_830 = tpu.vector_load_idx %arg7[%add3A_36, %parallel_loop3A_796] : memref<256x64xf32, #tpu.memory_space<vmem>>[vector<16xi32>, vector<16xi32>], vector<16xf32>,
      %parallel_loop3A_831 = arith.addi %parallel_loop3A_809, %add3A_84 : vector<16xi32>
      tpu.vector_store_idx %arg9[%parallel_loop3A_831], %parallel_loop3A_830 : memref<16384xf32, #tpu.memory_space<vmem>>[vector<16xi32>], vector<16xf32>,
      %parallel_loop3A_832 = tpu.vector_load_idx %arg7[%add3A_39, %parallel_loop3A_796] : memref<256x64xf32, #tpu.memory_space<vmem>>[vector<16xi32>, vector<16xi32>], vector<16xf32>,
      %parallel_loop3A_833 = arith.addi %parallel_loop3A_809, %add3A_87 : vector<16xi32>
      tpu.vector_store_idx %arg9[%parallel_loop3A_833], %parallel_loop3A_832 : memref<16384xf32, #tpu.memory_space<vmem>>[vector<16xi32>], vector<16xf32>,
      %parallel_loop3A_834 = tpu.vector_load_idx %arg7[%add3A_42, %parallel_loop3A_796] : memref<256x64xf32, #tpu.memory_space<vmem>>[vector<16xi32>, vector<16xi32>], vector<16xf32>,
      %parallel_loop3A_835 = arith.addi %parallel_loop3A_809, %add3A_90 : vector<16xi32>
      tpu.vector_store_idx %arg9[%parallel_loop3A_835], %parallel_loop3A_834 : memref<16384xf32, #tpu.memory_space<vmem>>[vector<16xi32>], vector<16xf32>,
      %parallel_loop3A_836 = tpu.vector_load_idx %arg7[%add3A_45, %parallel_loop3A_796] : memref<256x64xf32, #tpu.memory_space<vmem>>[vector<16xi32>, vector<16xi32>], vector<16xf32>,
      %parallel_loop3A_837 = arith.addi %parallel_loop3A_809, %add3A_93 : vector<16xi32>
      tpu.vector_store_idx %arg9[%parallel_loop3A_837], %parallel_loop3A_836 : memref<16384xf32, #tpu.memory_space<vmem>>[vector<16xi32>], vector<16xf32>,
      %parallel_loop3A_838 = tpu.vector_load_idx %arg7[%add3A_48, %parallel_loop3A_796] : memref<256x64xf32, #tpu.memory_space<vmem>>[vector<16xi32>, vector<16xi32>], vector<16xf32>,
      %parallel_loop3A_839 = arith.addi %parallel_loop3A_809, %add3A_96 : vector<16xi32>
      tpu.vector_store_idx %arg9[%parallel_loop3A_839], %parallel_loop3A_838 : memref<16384xf32, #tpu.memory_space<vmem>>[vector<16xi32>], vector<16xf32>,
      %parallel_loop3A_840 = tpu.vector_load_idx %arg7[%add3A_51, %parallel_loop3A_796] : memref<256x64xf32, #tpu.memory_space<vmem>>[vector<16xi32>, vector<16xi32>], vector<16xf32>,
      %parallel_loop3A_841 = arith.addi %parallel_loop3A_809, %add3A_99 : vector<16xi32>
      tpu.vector_store_idx %arg9[%parallel_loop3A_841], %parallel_loop3A_840 : memref<16384xf32, #tpu.memory_space<vmem>>[vector<16xi32>], vector<16xf32>,
    } {sc.loop_unroll_factor = 1 : i64, sc.parallel_access}
    %add3A_465 = arith.constant 198 : i32
    %add3A_466 = arith.addi %mul3A_2, %add3A_465 : i32
    %div3A_467 = arith.constant 32 : i32
    %div3A_468 = arith.divsi %add3A_466, %div3A_467 : i32
    %rem3A_469 = arith.constant 32 : i32
    %rem3A_470 = arith.remsi %add3A_466, %rem3A_469 : i32
    %mul3A_471 = arith.constant 8 : i32
    %mul3A_472 = arith.muli %div3A_468, %mul3A_471 : i32
    %add3A_473 = arith.constant 0 : i32
    %add3A_474 = arith.addi %mul3A_472, %add3A_473 : i32
    %mul3A_475 = arith.constant 32 : i32
    %mul3A_476 = arith.muli %add3A_474, %mul3A_475 : i32
    %add3A_477 = arith.addi %mul3A_476, %rem3A_470 : i32
    %mul3A_478 = arith.constant 1024 : i32
    %mul3A_479 = arith.muli %add3A_477, %mul3A_478 : i32
    %dma_start3A_480 = arith.constant 1 : i32
    %dma_start3A_481 = arith.constant 0 : i32
    %dma_start3A_482 = tpu.memref_slice %arg9[%dma_start3A_481] : memref<16384xf32, #tpu.memory_space<vmem>> -> memref<2048xf32, #tpu.memory_space<vmem>>
    %dma_start3A_483 = tpu.memref_slice %arg4[%mul3A_479] : memref<52428800xf32, #tpu.memory_space<hbm>> -> memref<2048xf32, #tpu.memory_space<hbm>>
    %dma_start3A_484 = tpu.memref_slice %arg11[%dma_start3A_480] : memref<2x!tpu.dma_semaphore, #tpu.memory_space<semaphore_mem>> -> memref<1x!tpu.dma_semaphore, #tpu.memory_space<semaphore_mem>>
    %dma_start3A_485 = tpu.memref_squeeze %dma_start3A_484 : memref<1x!tpu.dma_semaphore, #tpu.memory_space<semaphore_mem>> -> memref<!tpu.dma_semaphore, #tpu.memory_space<semaphore_mem>>
    %dma_start3A_486 = tpu.memref_slice %arg4[%mul3A_479] : memref<52428800xf32, #tpu.memory_space<hbm>> -> memref<2048xf32, #tpu.memory_space<hbm>>
    %dma_start3A_487 = arith.constant 0 : i32
    %dma_start3A_488 = tpu.memref_slice %arg9[%dma_start3A_487] : memref<16384xf32, #tpu.memory_space<vmem>> -> memref<2048xf32, #tpu.memory_space<vmem>>
    tpu.enqueue_dma source(%dma_start3A_488 : memref<2048xf32, #tpu.memory_space<vmem>>) target(%dma_start3A_486 : memref<2048xf32, #tpu.memory_space<hbm>>) target_semaphore(%dma_start3A_485 : memref<!tpu.dma_semaphore, #tpu.memory_space<semaphore_mem>>)
    %mul3A_489 = arith.constant 8 : i32
    %mul3A_490 = arith.muli %div3A_468, %mul3A_489 : i32
    %add3A_491 = arith.constant 1 : i32
    %add3A_492 = arith.addi %mul3A_490, %add3A_491 : i32
    %mul3A_493 = arith.constant 32 : i32
    %mul3A_494 = arith.muli %add3A_492, %mul3A_493 : i32
    %add3A_495 = arith.addi %mul3A_494, %rem3A_470 : i32
    %mul3A_496 = arith.constant 1024 : i32
    %mul3A_497 = arith.muli %add3A_495, %mul3A_496 : i32
    %dma_start3A_498 = arith.constant 1 : i32
    %dma_start3A_499 = arith.constant 2048 : i32
    %dma_start3A_500 = tpu.memref_slice %arg9[%dma_start3A_499] : memref<16384xf32, #tpu.memory_space<vmem>> -> memref<2048xf32, #tpu.memory_space<vmem>>
    %dma_start3A_501 = tpu.memref_slice %arg4[%mul3A_497] : memref<52428800xf32, #tpu.memory_space<hbm>> -> memref<2048xf32, #tpu.memory_space<hbm>>
    %dma_start3A_502 = tpu.memref_slice %arg11[%dma_start3A_498] : memref<2x!tpu.dma_semaphore, #tpu.memory_space<semaphore_mem>> -> memref<1x!tpu.dma_semaphore, #tpu.memory_space<semaphore_mem>>
    %dma_start3A_503 = tpu.memref_squeeze %dma_start3A_502 : memref<1x!tpu.dma_semaphore, #tpu.memory_space<semaphore_mem>> -> memref<!tpu.dma_semaphore, #tpu.memory_space<semaphore_mem>>
    %dma_start3A_504 = tpu.memref_slice %arg4[%mul3A_497] : memref<52428800xf32, #tpu.memory_space<hbm>> -> memref<2048xf32, #tpu.memory_space<hbm>>
    %dma_start3A_505 = arith.constant 2048 : i32
    %dma_start3A_506 = tpu.memref_slice %arg9[%dma_start3A_505] : memref<16384xf32, #tpu.memory_space<vmem>> -> memref<2048xf32, #tpu.memory_space<vmem>>
    tpu.enqueue_dma source(%dma_start3A_506 : memref<2048xf32, #tpu.memory_space<vmem>>) target(%dma_start3A_504 : memref<2048xf32, #tpu.memory_space<hbm>>) target_semaphore(%dma_start3A_503 : memref<!tpu.dma_semaphore, #tpu.memory_space<semaphore_mem>>)
    %mul3A_507 = arith.constant 8 : i32
    %mul3A_508 = arith.muli %div3A_468, %mul3A_507 : i32
    %add3A_509 = arith.constant 2 : i32
    %add3A_510 = arith.addi %mul3A_508, %add3A_509 : i32
    %mul3A_511 = arith.constant 32 : i32
    %mul3A_512 = arith.muli %add3A_510, %mul3A_511 : i32
    %add3A_513 = arith.addi %mul3A_512, %rem3A_470 : i32
    %mul3A_514 = arith.constant 1024 : i32
    %mul3A_515 = arith.muli %add3A_513, %mul3A_514 : i32
    %dma_start3A_516 = arith.constant 1 : i32
    %dma_start3A_517 = arith.constant 4096 : i32
    %dma_start3A_518 = tpu.memref_slice %arg9[%dma_start3A_517] : memref<16384xf32, #tpu.memory_space<vmem>> -> memref<2048xf32, #tpu.memory_space<vmem>>
    %dma_start3A_519 = tpu.memref_slice %arg4[%mul3A_515] : memref<52428800xf32, #tpu.memory_space<hbm>> -> memref<2048xf32, #tpu.memory_space<hbm>>
    %dma_start3A_520 = tpu.memref_slice %arg11[%dma_start3A_516] : memref<2x!tpu.dma_semaphore, #tpu.memory_space<semaphore_mem>> -> memref<1x!tpu.dma_semaphore, #tpu.memory_space<semaphore_mem>>
    %dma_start3A_521 = tpu.memref_squeeze %dma_start3A_520 : memref<1x!tpu.dma_semaphore, #tpu.memory_space<semaphore_mem>> -> memref<!tpu.dma_semaphore, #tpu.memory_space<semaphore_mem>>
    %dma_start3A_522 = tpu.memref_slice %arg4[%mul3A_515] : memref<52428800xf32, #tpu.memory_space<hbm>> -> memref<2048xf32, #tpu.memory_space<hbm>>
    %dma_start3A_523 = arith.constant 4096 : i32
    %dma_start3A_524 = tpu.memref_slice %arg9[%dma_start3A_523] : memref<16384xf32, #tpu.memory_space<vmem>> -> memref<2048xf32, #tpu.memory_space<vmem>>
    tpu.enqueue_dma source(%dma_start3A_524 : memref<2048xf32, #tpu.memory_space<vmem>>) target(%dma_start3A_522 : memref<2048xf32, #tpu.memory_space<hbm>>) target_semaphore(%dma_start3A_521 : memref<!tpu.dma_semaphore, #tpu.memory_space<semaphore_mem>>)
    %mul3A_525 = arith.constant 8 : i32
    %mul3A_526 = arith.muli %div3A_468, %mul3A_525 : i32
    %add3A_527 = arith.constant 3 : i32
    %add3A_528 = arith.addi %mul3A_526, %add3A_527 : i32
    %mul3A_529 = arith.constant 32 : i32
    %mul3A_530 = arith.muli %add3A_528, %mul3A_529 : i32
    %add3A_531 = arith.addi %mul3A_530, %rem3A_470 : i32
    %mul3A_532 = arith.constant 1024 : i32
    %mul3A_533 = arith.muli %add3A_531, %mul3A_532 : i32
    %dma_start3A_534 = arith.constant 1 : i32
    %dma_start3A_535 = arith.constant 6144 : i32
    %dma_start3A_536 = tpu.memref_slice %arg9[%dma_start3A_535] : memref<16384xf32, #tpu.memory_space<vmem>> -> memref<2048xf32, #tpu.memory_space<vmem>>
    %dma_start3A_537 = tpu.memref_slice %arg4[%mul3A_533] : memref<52428800xf32, #tpu.memory_space<hbm>> -> memref<2048xf32, #tpu.memory_space<hbm>>
    %dma_start3A_538 = tpu.memref_slice %arg11[%dma_start3A_534] : memref<2x!tpu.dma_semaphore, #tpu.memory_space<semaphore_mem>> -> memref<1x!tpu.dma_semaphore, #tpu.memory_space<semaphore_mem>>
    %dma_start3A_539 = tpu.memref_squeeze %dma_start3A_538 : memref<1x!tpu.dma_semaphore, #tpu.memory_space<semaphore_mem>> -> memref<!tpu.dma_semaphore, #tpu.memory_space<semaphore_mem>>
    %dma_start3A_540 = tpu.memref_slice %arg4[%mul3A_533] : memref<52428800xf32, #tpu.memory_space<hbm>> -> memref<2048xf32, #tpu.memory_space<hbm>>
    %dma_start3A_541 = arith.constant 6144 : i32
    %dma_start3A_542 = tpu.memref_slice %arg9[%dma_start3A_541] : memref<16384xf32, #tpu.memory_space<vmem>> -> memref<2048xf32, #tpu.memory_space<vmem>>
    tpu.enqueue_dma source(%dma_start3A_542 : memref<2048xf32, #tpu.memory_space<vmem>>) target(%dma_start3A_540 : memref<2048xf32, #tpu.memory_space<hbm>>) target_semaphore(%dma_start3A_539 : memref<!tpu.dma_semaphore, #tpu.memory_space<semaphore_mem>>)
    %mul3A_543 = arith.constant 8 : i32
    %mul3A_544 = arith.muli %div3A_468, %mul3A_543 : i32
    %add3A_545 = arith.constant 4 : i32
    %add3A_546 = arith.addi %mul3A_544, %add3A_545 : i32
    %mul3A_547 = arith.constant 32 : i32
    %mul3A_548 = arith.muli %add3A_546, %mul3A_547 : i32
    %add3A_549 = arith.addi %mul3A_548, %rem3A_470 : i32
    %mul3A_550 = arith.constant 1024 : i32
    %mul3A_551 = arith.muli %add3A_549, %mul3A_550 : i32
    %dma_start3A_552 = arith.constant 1 : i32
    %dma_start3A_553 = arith.constant 8192 : i32
    %dma_start3A_554 = tpu.memref_slice %arg9[%dma_start3A_553] : memref<16384xf32, #tpu.memory_space<vmem>> -> memref<2048xf32, #tpu.memory_space<vmem>>
    %dma_start3A_555 = tpu.memref_slice %arg4[%mul3A_551] : memref<52428800xf32, #tpu.memory_space<hbm>> -> memref<2048xf32, #tpu.memory_space<hbm>>
    %dma_start3A_556 = tpu.memref_slice %arg11[%dma_start3A_552] : memref<2x!tpu.dma_semaphore, #tpu.memory_space<semaphore_mem>> -> memref<1x!tpu.dma_semaphore, #tpu.memory_space<semaphore_mem>>
    %dma_start3A_557 = tpu.memref_squeeze %dma_start3A_556 : memref<1x!tpu.dma_semaphore, #tpu.memory_space<semaphore_mem>> -> memref<!tpu.dma_semaphore, #tpu.memory_space<semaphore_mem>>
    %dma_start3A_558 = tpu.memref_slice %arg4[%mul3A_551] : memref<52428800xf32, #tpu.memory_space<hbm>> -> memref<2048xf32, #tpu.memory_space<hbm>>
    %dma_start3A_559 = arith.constant 8192 : i32
    %dma_start3A_560 = tpu.memref_slice %arg9[%dma_start3A_559] : memref<16384xf32, #tpu.memory_space<vmem>> -> memref<2048xf32, #tpu.memory_space<vmem>>
    tpu.enqueue_dma source(%dma_start3A_560 : memref<2048xf32, #tpu.memory_space<vmem>>) target(%dma_start3A_558 : memref<2048xf32, #tpu.memory_space<hbm>>) target_semaphore(%dma_start3A_557 : memref<!tpu.dma_semaphore, #tpu.memory_space<semaphore_mem>>)
    %mul3A_561 = arith.constant 8 : i32
    %mul3A_562 = arith.muli %div3A_468, %mul3A_561 : i32
    %add3A_563 = arith.constant 5 : i32
    %add3A_564 = arith.addi %mul3A_562, %add3A_563 : i32
    %mul3A_565 = arith.constant 32 : i32
    %mul3A_566 = arith.muli %add3A_564, %mul3A_565 : i32
    %add3A_567 = arith.addi %mul3A_566, %rem3A_470 : i32
    %mul3A_568 = arith.constant 1024 : i32
    %mul3A_569 = arith.muli %add3A_567, %mul3A_568 : i32
    %dma_start3A_570 = arith.constant 1 : i32
    %dma_start3A_571 = arith.constant 10240 : i32
    %dma_start3A_572 = tpu.memref_slice %arg9[%dma_start3A_571] : memref<16384xf32, #tpu.memory_space<vmem>> -> memref<2048xf32, #tpu.memory_space<vmem>>
    %dma_start3A_573 = tpu.memref_slice %arg4[%mul3A_569] : memref<52428800xf32, #tpu.memory_space<hbm>> -> memref<2048xf32, #tpu.memory_space<hbm>>
    %dma_start3A_574 = tpu.memref_slice %arg11[%dma_start3A_570] : memref<2x!tpu.dma_semaphore, #tpu.memory_space<semaphore_mem>> -> memref<1x!tpu.dma_semaphore, #tpu.memory_space<semaphore_mem>>
    %dma_start3A_575 = tpu.memref_squeeze %dma_start3A_574 : memref<1x!tpu.dma_semaphore, #tpu.memory_space<semaphore_mem>> -> memref<!tpu.dma_semaphore, #tpu.memory_space<semaphore_mem>>
    %dma_start3A_576 = tpu.memref_slice %arg4[%mul3A_569] : memref<52428800xf32, #tpu.memory_space<hbm>> -> memref<2048xf32, #tpu.memory_space<hbm>>
    %dma_start3A_577 = arith.constant 10240 : i32
    %dma_start3A_578 = tpu.memref_slice %arg9[%dma_start3A_577] : memref<16384xf32, #tpu.memory_space<vmem>> -> memref<2048xf32, #tpu.memory_space<vmem>>
    tpu.enqueue_dma source(%dma_start3A_578 : memref<2048xf32, #tpu.memory_space<vmem>>) target(%dma_start3A_576 : memref<2048xf32, #tpu.memory_space<hbm>>) target_semaphore(%dma_start3A_575 : memref<!tpu.dma_semaphore, #tpu.memory_space<semaphore_mem>>)
    %mul3A_579 = arith.constant 8 : i32
    %mul3A_580 = arith.muli %div3A_468, %mul3A_579 : i32
    %add3A_581 = arith.constant 6 : i32
    %add3A_582 = arith.addi %mul3A_580, %add3A_581 : i32
    %mul3A_583 = arith.constant 32 : i32
    %mul3A_584 = arith.muli %add3A_582, %mul3A_583 : i32
    %add3A_585 = arith.addi %mul3A_584, %rem3A_470 : i32
    %mul3A_586 = arith.constant 1024 : i32
    %mul3A_587 = arith.muli %add3A_585, %mul3A_586 : i32
    %dma_start3A_588 = arith.constant 1 : i32
    %dma_start3A_589 = arith.constant 12288 : i32
    %dma_start3A_590 = tpu.memref_slice %arg9[%dma_start3A_589] : memref<16384xf32, #tpu.memory_space<vmem>> -> memref<2048xf32, #tpu.memory_space<vmem>>
    %dma_start3A_591 = tpu.memref_slice %arg4[%mul3A_587] : memref<52428800xf32, #tpu.memory_space<hbm>> -> memref<2048xf32, #tpu.memory_space<hbm>>
    %dma_start3A_592 = tpu.memref_slice %arg11[%dma_start3A_588] : memref<2x!tpu.dma_semaphore, #tpu.memory_space<semaphore_mem>> -> memref<1x!tpu.dma_semaphore, #tpu.memory_space<semaphore_mem>>
    %dma_start3A_593 = tpu.memref_squeeze %dma_start3A_592 : memref<1x!tpu.dma_semaphore, #tpu.memory_space<semaphore_mem>> -> memref<!tpu.dma_semaphore, #tpu.memory_space<semaphore_mem>>
    %dma_start3A_594 = tpu.memref_slice %arg4[%mul3A_587] : memref<52428800xf32, #tpu.memory_space<hbm>> -> memref<2048xf32, #tpu.memory_space<hbm>>
    %dma_start3A_595 = arith.constant 12288 : i32
    %dma_start3A_596 = tpu.memref_slice %arg9[%dma_start3A_595] : memref<16384xf32, #tpu.memory_space<vmem>> -> memref<2048xf32, #tpu.memory_space<vmem>>
    tpu.enqueue_dma source(%dma_start3A_596 : memref<2048xf32, #tpu.memory_space<vmem>>) target(%dma_start3A_594 : memref<2048xf32, #tpu.memory_space<hbm>>) target_semaphore(%dma_start3A_593 : memref<!tpu.dma_semaphore, #tpu.memory_space<semaphore_mem>>)
    %mul3A_597 = arith.constant 8 : i32
    %mul3A_598 = arith.muli %div3A_468, %mul3A_597 : i32
    %add3A_599 = arith.constant 7 : i32
    %add3A_600 = arith.addi %mul3A_598, %add3A_599 : i32
    %mul3A_601 = arith.constant 32 : i32
    %mul3A_602 = arith.muli %add3A_600, %mul3A_601 : i32
    %add3A_603 = arith.addi %mul3A_602, %rem3A_470 : i32
    %mul3A_604 = arith.constant 1024 : i32
    %mul3A_605 = arith.muli %add3A_603, %mul3A_604 : i32
    %dma_start3A_606 = arith.constant 1 : i32
    %dma_start3A_607 = arith.constant 14336 : i32
    %dma_start3A_608 = tpu.memref_slice %arg9[%dma_start3A_607] : memref<16384xf32, #tpu.memory_space<vmem>> -> memref<2048xf32, #tpu.memory_space<vmem>>
    %dma_start3A_609 = tpu.memref_slice %arg4[%mul3A_605] : memref<52428800xf32, #tpu.memory_space<hbm>> -> memref<2048xf32, #tpu.memory_space<hbm>>
    %dma_start3A_610 = tpu.memref_slice %arg11[%dma_start3A_606] : memref<2x!tpu.dma_semaphore, #tpu.memory_space<semaphore_mem>> -> memref<1x!tpu.dma_semaphore, #tpu.memory_space<semaphore_mem>>
    %dma_start3A_611 = tpu.memref_squeeze %dma_start3A_610 : memref<1x!tpu.dma_semaphore, #tpu.memory_space<semaphore_mem>> -> memref<!tpu.dma_semaphore, #tpu.memory_space<semaphore_mem>>
    %dma_start3A_612 = tpu.memref_slice %arg4[%mul3A_605] : memref<52428800xf32, #tpu.memory_space<hbm>> -> memref<2048xf32, #tpu.memory_space<hbm>>
    %dma_start3A_613 = arith.constant 14336 : i32
    %dma_start3A_614 = tpu.memref_slice %arg9[%dma_start3A_613] : memref<16384xf32, #tpu.memory_space<vmem>> -> memref<2048xf32, #tpu.memory_space<vmem>>
    tpu.enqueue_dma source(%dma_start3A_614 : memref<2048xf32, #tpu.memory_space<vmem>>) target(%dma_start3A_612 : memref<2048xf32, #tpu.memory_space<hbm>>) target_semaphore(%dma_start3A_611 : memref<!tpu.dma_semaphore, #tpu.memory_space<semaphore_mem>>)
    %dma_wait3A_615 = arith.constant 0 : i32
    %dma_wait3A_616 = arith.constant 0 : i32
    %dma_wait3A_617 = tpu.memref_slice %arg8[%dma_wait3A_616] : memref<16384xf32, #tpu.memory_space<vmem>> -> memref<2048xf32, #tpu.memory_space<vmem>>
    %dma_wait3A_618 = arith.constant 0 : i32
    %dma_wait3A_619 = tpu.memref_slice %arg4[%dma_wait3A_618] : memref<52428800xf32, #tpu.memory_space<hbm>> -> memref<2048xf32, #tpu.memory_space<hbm>>
    %dma_wait3A_620 = tpu.memref_slice %arg11[%dma_wait3A_615] : memref<2x!tpu.dma_semaphore, #tpu.memory_space<semaphore_mem>> -> memref<1x!tpu.dma_semaphore, #tpu.memory_space<semaphore_mem>>
    %dma_wait3A_621 = tpu.memref_squeeze %dma_wait3A_620 : memref<1x!tpu.dma_semaphore, #tpu.memory_space<semaphore_mem>> -> memref<!tpu.dma_semaphore, #tpu.memory_space<semaphore_mem>>
    %dma_wait3A_622 = arith.constant 0 : i32
    %dma_wait3A_623 = tpu.memref_slice %arg4[%dma_wait3A_622] : memref<52428800xf32, #tpu.memory_space<hbm>> -> memref<2048xf32, #tpu.memory_space<hbm>>
    %dma_wait3A_624 = arith.constant 0 : i32
    %dma_wait3A_625 = tpu.memref_slice %arg8[%dma_wait3A_624] : memref<16384xf32, #tpu.memory_space<vmem>> -> memref<2048xf32, #tpu.memory_space<vmem>>
    tpu.wait_dma2 semaphore(%dma_wait3A_621 : memref<!tpu.dma_semaphore, #tpu.memory_space<semaphore_mem>>) src(%dma_wait3A_625 : memref<2048xf32, #tpu.memory_space<vmem>>) dst(%dma_wait3A_623 : memref<2048xf32, #tpu.memory_space<hbm>>)
    %dma_wait3A_626 = arith.constant 0 : i32
    %dma_wait3A_627 = arith.constant 2048 : i32
    %dma_wait3A_628 = tpu.memref_slice %arg8[%dma_wait3A_627] : memref<16384xf32, #tpu.memory_space<vmem>> -> memref<2048xf32, #tpu.memory_space<vmem>>
    %dma_wait3A_629 = arith.constant 0 : i32
    %dma_wait3A_630 = tpu.memref_slice %arg4[%dma_wait3A_629] : memref<52428800xf32, #tpu.memory_space<hbm>> -> memref<2048xf32, #tpu.memory_space<hbm>>
    %dma_wait3A_631 = tpu.memref_slice %arg11[%dma_wait3A_626] : memref<2x!tpu.dma_semaphore, #tpu.memory_space<semaphore_mem>> -> memref<1x!tpu.dma_semaphore, #tpu.memory_space<semaphore_mem>>
    %dma_wait3A_632 = tpu.memref_squeeze %dma_wait3A_631 : memref<1x!tpu.dma_semaphore, #tpu.memory_space<semaphore_mem>> -> memref<!tpu.dma_semaphore, #tpu.memory_space<semaphore_mem>>
    %dma_wait3A_633 = arith.constant 0 : i32
    %dma_wait3A_634 = tpu.memref_slice %arg4[%dma_wait3A_633] : memref<52428800xf32, #tpu.memory_space<hbm>> -> memref<2048xf32, #tpu.memory_space<hbm>>
    %dma_wait3A_635 = arith.constant 2048 : i32
    %dma_wait3A_636 = tpu.memref_slice %arg8[%dma_wait3A_635] : memref<16384xf32, #tpu.memory_space<vmem>> -> memref<2048xf32, #tpu.memory_space<vmem>>
    tpu.wait_dma2 semaphore(%dma_wait3A_632 : memref<!tpu.dma_semaphore, #tpu.memory_space<semaphore_mem>>) src(%dma_wait3A_636 : memref<2048xf32, #tpu.memory_space<vmem>>) dst(%dma_wait3A_634 : memref<2048xf32, #tpu.memory_space<hbm>>)
    %dma_wait3A_637 = arith.constant 0 : i32
    %dma_wait3A_638 = arith.constant 4096 : i32
    %dma_wait3A_639 = tpu.memref_slice %arg8[%dma_wait3A_638] : memref<16384xf32, #tpu.memory_space<vmem>> -> memref<2048xf32, #tpu.memory_space<vmem>>
    %dma_wait3A_640 = arith.constant 0 : i32
    %dma_wait3A_641 = tpu.memref_slice %arg4[%dma_wait3A_640] : memref<52428800xf32, #tpu.memory_space<hbm>> -> memref<2048xf32, #tpu.memory_space<hbm>>
    %dma_wait3A_642 = tpu.memref_slice %arg11[%dma_wait3A_637] : memref<2x!tpu.dma_semaphore, #tpu.memory_space<semaphore_mem>> -> memref<1x!tpu.dma_semaphore, #tpu.memory_space<semaphore_mem>>
    %dma_wait3A_643 = tpu.memref_squeeze %dma_wait3A_642 : memref<1x!tpu.dma_semaphore, #tpu.memory_space<semaphore_mem>> -> memref<!tpu.dma_semaphore, #tpu.memory_space<semaphore_mem>>
    %dma_wait3A_644 = arith.constant 0 : i32
    %dma_wait3A_645 = tpu.memref_slice %arg4[%dma_wait3A_644] : memref<52428800xf32, #tpu.memory_space<hbm>> -> memref<2048xf32, #tpu.memory_space<hbm>>
    %dma_wait3A_646 = arith.constant 4096 : i32
    %dma_wait3A_647 = tpu.memref_slice %arg8[%dma_wait3A_646] : memref<16384xf32, #tpu.memory_space<vmem>> -> memref<2048xf32, #tpu.memory_space<vmem>>
    tpu.wait_dma2 semaphore(%dma_wait3A_643 : memref<!tpu.dma_semaphore, #tpu.memory_space<semaphore_mem>>) src(%dma_wait3A_647 : memref<2048xf32, #tpu.memory_space<vmem>>) dst(%dma_wait3A_645 : memref<2048xf32, #tpu.memory_space<hbm>>)
    %dma_wait3A_648 = arith.constant 0 : i32
    %dma_wait3A_649 = arith.constant 6144 : i32
    %dma_wait3A_650 = tpu.memref_slice %arg8[%dma_wait3A_649] : memref<16384xf32, #tpu.memory_space<vmem>> -> memref<2048xf32, #tpu.memory_space<vmem>>
    %dma_wait3A_651 = arith.constant 0 : i32
    %dma_wait3A_652 = tpu.memref_slice %arg4[%dma_wait3A_651] : memref<52428800xf32, #tpu.memory_space<hbm>> -> memref<2048xf32, #tpu.memory_space<hbm>>
    %dma_wait3A_653 = tpu.memref_slice %arg11[%dma_wait3A_648] : memref<2x!tpu.dma_semaphore, #tpu.memory_space<semaphore_mem>> -> memref<1x!tpu.dma_semaphore, #tpu.memory_space<semaphore_mem>>
    %dma_wait3A_654 = tpu.memref_squeeze %dma_wait3A_653 : memref<1x!tpu.dma_semaphore, #tpu.memory_space<semaphore_mem>> -> memref<!tpu.dma_semaphore, #tpu.memory_space<semaphore_mem>>
    %dma_wait3A_655 = arith.constant 0 : i32
    %dma_wait3A_656 = tpu.memref_slice %arg4[%dma_wait3A_655] : memref<52428800xf32, #tpu.memory_space<hbm>> -> memref<2048xf32, #tpu.memory_space<hbm>>
    %dma_wait3A_657 = arith.constant 6144 : i32
    %dma_wait3A_658 = tpu.memref_slice %arg8[%dma_wait3A_657] : memref<16384xf32, #tpu.memory_space<vmem>> -> memref<2048xf32, #tpu.memory_space<vmem>>
    tpu.wait_dma2 semaphore(%dma_wait3A_654 : memref<!tpu.dma_semaphore, #tpu.memory_space<semaphore_mem>>) src(%dma_wait3A_658 : memref<2048xf32, #tpu.memory_space<vmem>>) dst(%dma_wait3A_656 : memref<2048xf32, #tpu.memory_space<hbm>>)
    %dma_wait3A_659 = arith.constant 0 : i32
    %dma_wait3A_660 = arith.constant 8192 : i32
    %dma_wait3A_661 = tpu.memref_slice %arg8[%dma_wait3A_660] : memref<16384xf32, #tpu.memory_space<vmem>> -> memref<2048xf32, #tpu.memory_space<vmem>>
    %dma_wait3A_662 = arith.constant 0 : i32
    %dma_wait3A_663 = tpu.memref_slice %arg4[%dma_wait3A_662] : memref<52428800xf32, #tpu.memory_space<hbm>> -> memref<2048xf32, #tpu.memory_space<hbm>>
    %dma_wait3A_664 = tpu.memref_slice %arg11[%dma_wait3A_659] : memref<2x!tpu.dma_semaphore, #tpu.memory_space<semaphore_mem>> -> memref<1x!tpu.dma_semaphore, #tpu.memory_space<semaphore_mem>>
    %dma_wait3A_665 = tpu.memref_squeeze %dma_wait3A_664 : memref<1x!tpu.dma_semaphore, #tpu.memory_space<semaphore_mem>> -> memref<!tpu.dma_semaphore, #tpu.memory_space<semaphore_mem>>
    %dma_wait3A_666 = arith.constant 0 : i32
    %dma_wait3A_667 = tpu.memref_slice %arg4[%dma_wait3A_666] : memref<52428800xf32, #tpu.memory_space<hbm>> -> memref<2048xf32, #tpu.memory_space<hbm>>
    %dma_wait3A_668 = arith.constant 8192 : i32
    %dma_wait3A_669 = tpu.memref_slice %arg8[%dma_wait3A_668] : memref<16384xf32, #tpu.memory_space<vmem>> -> memref<2048xf32, #tpu.memory_space<vmem>>
    tpu.wait_dma2 semaphore(%dma_wait3A_665 : memref<!tpu.dma_semaphore, #tpu.memory_space<semaphore_mem>>) src(%dma_wait3A_669 : memref<2048xf32, #tpu.memory_space<vmem>>) dst(%dma_wait3A_667 : memref<2048xf32, #tpu.memory_space<hbm>>)
    %dma_wait3A_670 = arith.constant 0 : i32
    %dma_wait3A_671 = arith.constant 10240 : i32
    %dma_wait3A_672 = tpu.memref_slice %arg8[%dma_wait3A_671] : memref<16384xf32, #tpu.memory_space<vmem>> -> memref<2048xf32, #tpu.memory_space<vmem>>
    %dma_wait3A_673 = arith.constant 0 : i32
    %dma_wait3A_674 = tpu.memref_slice %arg4[%dma_wait3A_673] : memref<52428800xf32, #tpu.memory_space<hbm>> -> memref<2048xf32, #tpu.memory_space<hbm>>
    %dma_wait3A_675 = tpu.memref_slice %arg11[%dma_wait3A_670] : memref<2x!tpu.dma_semaphore, #tpu.memory_space<semaphore_mem>> -> memref<1x!tpu.dma_semaphore, #tpu.memory_space<semaphore_mem>>
    %dma_wait3A_676 = tpu.memref_squeeze %dma_wait3A_675 : memref<1x!tpu.dma_semaphore, #tpu.memory_space<semaphore_mem>> -> memref<!tpu.dma_semaphore, #tpu.memory_space<semaphore_mem>>
    %dma_wait3A_677 = arith.constant 0 : i32
    %dma_wait3A_678 = tpu.memref_slice %arg4[%dma_wait3A_677] : memref<52428800xf32, #tpu.memory_space<hbm>> -> memref<2048xf32, #tpu.memory_space<hbm>>
    %dma_wait3A_679 = arith.constant 10240 : i32
    %dma_wait3A_680 = tpu.memref_slice %arg8[%dma_wait3A_679] : memref<16384xf32, #tpu.memory_space<vmem>> -> memref<2048xf32, #tpu.memory_space<vmem>>
    tpu.wait_dma2 semaphore(%dma_wait3A_676 : memref<!tpu.dma_semaphore, #tpu.memory_space<semaphore_mem>>) src(%dma_wait3A_680 : memref<2048xf32, #tpu.memory_space<vmem>>) dst(%dma_wait3A_678 : memref<2048xf32, #tpu.memory_space<hbm>>)
    %dma_wait3A_681 = arith.constant 0 : i32
    %dma_wait3A_682 = arith.constant 12288 : i32
    %dma_wait3A_683 = tpu.memref_slice %arg8[%dma_wait3A_682] : memref<16384xf32, #tpu.memory_space<vmem>> -> memref<2048xf32, #tpu.memory_space<vmem>>
    %dma_wait3A_684 = arith.constant 0 : i32
    %dma_wait3A_685 = tpu.memref_slice %arg4[%dma_wait3A_684] : memref<52428800xf32, #tpu.memory_space<hbm>> -> memref<2048xf32, #tpu.memory_space<hbm>>
    %dma_wait3A_686 = tpu.memref_slice %arg11[%dma_wait3A_681] : memref<2x!tpu.dma_semaphore, #tpu.memory_space<semaphore_mem>> -> memref<1x!tpu.dma_semaphore, #tpu.memory_space<semaphore_mem>>
    %dma_wait3A_687 = tpu.memref_squeeze %dma_wait3A_686 : memref<1x!tpu.dma_semaphore, #tpu.memory_space<semaphore_mem>> -> memref<!tpu.dma_semaphore, #tpu.memory_space<semaphore_mem>>
    %dma_wait3A_688 = arith.constant 0 : i32
    %dma_wait3A_689 = tpu.memref_slice %arg4[%dma_wait3A_688] : memref<52428800xf32, #tpu.memory_space<hbm>> -> memref<2048xf32, #tpu.memory_space<hbm>>
    %dma_wait3A_690 = arith.constant 12288 : i32
    %dma_wait3A_691 = tpu.memref_slice %arg8[%dma_wait3A_690] : memref<16384xf32, #tpu.memory_space<vmem>> -> memref<2048xf32, #tpu.memory_space<vmem>>
    tpu.wait_dma2 semaphore(%dma_wait3A_687 : memref<!tpu.dma_semaphore, #tpu.memory_space<semaphore_mem>>) src(%dma_wait3A_691 : memref<2048xf32, #tpu.memory_space<vmem>>) dst(%dma_wait3A_689 : memref<2048xf32, #tpu.memory_space<hbm>>)
    %dma_wait3A_692 = arith.constant 0 : i32
    %dma_wait3A_693 = arith.constant 14336 : i32
    %dma_wait3A_694 = tpu.memref_slice %arg8[%dma_wait3A_693] : memref<16384xf32, #tpu.memory_space<vmem>> -> memref<2048xf32, #tpu.memory_space<vmem>>
    %dma_wait3A_695 = arith.constant 0 : i32
    %dma_wait3A_696 = tpu.memref_slice %arg4[%dma_wait3A_695] : memref<52428800xf32, #tpu.memory_space<hbm>> -> memref<2048xf32, #tpu.memory_space<hbm>>
    %dma_wait3A_697 = tpu.memref_slice %arg11[%dma_wait3A_692] : memref<2x!tpu.dma_semaphore, #tpu.memory_space<semaphore_mem>> -> memref<1x!tpu.dma_semaphore, #tpu.memory_space<semaphore_mem>>
    %dma_wait3A_698 = tpu.memref_squeeze %dma_wait3A_697 : memref<1x!tpu.dma_semaphore, #tpu.memory_space<semaphore_mem>> -> memref<!tpu.dma_semaphore, #tpu.memory_space<semaphore_mem>>
    %dma_wait3A_699 = arith.constant 0 : i32
    %dma_wait3A_700 = tpu.memref_slice %arg4[%dma_wait3A_699] : memref<52428800xf32, #tpu.memory_space<hbm>> -> memref<2048xf32, #tpu.memory_space<hbm>>
    %dma_wait3A_701 = arith.constant 14336 : i32
    %dma_wait3A_702 = tpu.memref_slice %arg8[%dma_wait3A_701] : memref<16384xf32, #tpu.memory_space<vmem>> -> memref<2048xf32, #tpu.memory_space<vmem>>
    tpu.wait_dma2 semaphore(%dma_wait3A_698 : memref<!tpu.dma_semaphore, #tpu.memory_space<semaphore_mem>>) src(%dma_wait3A_702 : memref<2048xf32, #tpu.memory_space<vmem>>) dst(%dma_wait3A_700 : memref<2048xf32, #tpu.memory_space<hbm>>)
    %dma_wait3A_703 = arith.constant 1 : i32
    %dma_wait3A_704 = arith.constant 0 : i32
    %dma_wait3A_705 = tpu.memref_slice %arg9[%dma_wait3A_704] : memref<16384xf32, #tpu.memory_space<vmem>> -> memref<2048xf32, #tpu.memory_space<vmem>>
    %dma_wait3A_706 = arith.constant 0 : i32
    %dma_wait3A_707 = tpu.memref_slice %arg4[%dma_wait3A_706] : memref<52428800xf32, #tpu.memory_space<hbm>> -> memref<2048xf32, #tpu.memory_space<hbm>>
    %dma_wait3A_708 = tpu.memref_slice %arg11[%dma_wait3A_703] : memref<2x!tpu.dma_semaphore, #tpu.memory_space<semaphore_mem>> -> memref<1x!tpu.dma_semaphore, #tpu.memory_space<semaphore_mem>>
    %dma_wait3A_709 = tpu.memref_squeeze %dma_wait3A_708 : memref<1x!tpu.dma_semaphore, #tpu.memory_space<semaphore_mem>> -> memref<!tpu.dma_semaphore, #tpu.memory_space<semaphore_mem>>
    %dma_wait3A_710 = arith.constant 0 : i32
    %dma_wait3A_711 = tpu.memref_slice %arg4[%dma_wait3A_710] : memref<52428800xf32, #tpu.memory_space<hbm>> -> memref<2048xf32, #tpu.memory_space<hbm>>
    %dma_wait3A_712 = arith.constant 0 : i32
    %dma_wait3A_713 = tpu.memref_slice %arg9[%dma_wait3A_712] : memref<16384xf32, #tpu.memory_space<vmem>> -> memref<2048xf32, #tpu.memory_space<vmem>>
    tpu.wait_dma2 semaphore(%dma_wait3A_709 : memref<!tpu.dma_semaphore, #tpu.memory_space<semaphore_mem>>) src(%dma_wait3A_713 : memref<2048xf32, #tpu.memory_space<vmem>>) dst(%dma_wait3A_711 : memref<2048xf32, #tpu.memory_space<hbm>>)
    %dma_wait3A_714 = arith.constant 1 : i32
    %dma_wait3A_715 = arith.constant 2048 : i32
    %dma_wait3A_716 = tpu.memref_slice %arg9[%dma_wait3A_715] : memref<16384xf32, #tpu.memory_space<vmem>> -> memref<2048xf32, #tpu.memory_space<vmem>>
    %dma_wait3A_717 = arith.constant 0 : i32
    %dma_wait3A_718 = tpu.memref_slice %arg4[%dma_wait3A_717] : memref<52428800xf32, #tpu.memory_space<hbm>> -> memref<2048xf32, #tpu.memory_space<hbm>>
    %dma_wait3A_719 = tpu.memref_slice %arg11[%dma_wait3A_714] : memref<2x!tpu.dma_semaphore, #tpu.memory_space<semaphore_mem>> -> memref<1x!tpu.dma_semaphore, #tpu.memory_space<semaphore_mem>>
    %dma_wait3A_720 = tpu.memref_squeeze %dma_wait3A_719 : memref<1x!tpu.dma_semaphore, #tpu.memory_space<semaphore_mem>> -> memref<!tpu.dma_semaphore, #tpu.memory_space<semaphore_mem>>
    %dma_wait3A_721 = arith.constant 0 : i32
    %dma_wait3A_722 = tpu.memref_slice %arg4[%dma_wait3A_721] : memref<52428800xf32, #tpu.memory_space<hbm>> -> memref<2048xf32, #tpu.memory_space<hbm>>
    %dma_wait3A_723 = arith.constant 2048 : i32
    %dma_wait3A_724 = tpu.memref_slice %arg9[%dma_wait3A_723] : memref<16384xf32, #tpu.memory_space<vmem>> -> memref<2048xf32, #tpu.memory_space<vmem>>
    tpu.wait_dma2 semaphore(%dma_wait3A_720 : memref<!tpu.dma_semaphore, #tpu.memory_space<semaphore_mem>>) src(%dma_wait3A_724 : memref<2048xf32, #tpu.memory_space<vmem>>) dst(%dma_wait3A_722 : memref<2048xf32, #tpu.memory_space<hbm>>)
    %dma_wait3A_725 = arith.constant 1 : i32
    %dma_wait3A_726 = arith.constant 4096 : i32
    %dma_wait3A_727 = tpu.memref_slice %arg9[%dma_wait3A_726] : memref<16384xf32, #tpu.memory_space<vmem>> -> memref<2048xf32, #tpu.memory_space<vmem>>
    %dma_wait3A_728 = arith.constant 0 : i32
    %dma_wait3A_729 = tpu.memref_slice %arg4[%dma_wait3A_728] : memref<52428800xf32, #tpu.memory_space<hbm>> -> memref<2048xf32, #tpu.memory_space<hbm>>
    %dma_wait3A_730 = tpu.memref_slice %arg11[%dma_wait3A_725] : memref<2x!tpu.dma_semaphore, #tpu.memory_space<semaphore_mem>> -> memref<1x!tpu.dma_semaphore, #tpu.memory_space<semaphore_mem>>
    %dma_wait3A_731 = tpu.memref_squeeze %dma_wait3A_730 : memref<1x!tpu.dma_semaphore, #tpu.memory_space<semaphore_mem>> -> memref<!tpu.dma_semaphore, #tpu.memory_space<semaphore_mem>>
    %dma_wait3A_732 = arith.constant 0 : i32
    %dma_wait3A_733 = tpu.memref_slice %arg4[%dma_wait3A_732] : memref<52428800xf32, #tpu.memory_space<hbm>> -> memref<2048xf32, #tpu.memory_space<hbm>>
    %dma_wait3A_734 = arith.constant 4096 : i32
    %dma_wait3A_735 = tpu.memref_slice %arg9[%dma_wait3A_734] : memref<16384xf32, #tpu.memory_space<vmem>> -> memref<2048xf32, #tpu.memory_space<vmem>>
    tpu.wait_dma2 semaphore(%dma_wait3A_731 : memref<!tpu.dma_semaphore, #tpu.memory_space<semaphore_mem>>) src(%dma_wait3A_735 : memref<2048xf32, #tpu.memory_space<vmem>>) dst(%dma_wait3A_733 : memref<2048xf32, #tpu.memory_space<hbm>>)
    %dma_wait3A_736 = arith.constant 1 : i32
    %dma_wait3A_737 = arith.constant 6144 : i32
    %dma_wait3A_738 = tpu.memref_slice %arg9[%dma_wait3A_737] : memref<16384xf32, #tpu.memory_space<vmem>> -> memref<2048xf32, #tpu.memory_space<vmem>>
    %dma_wait3A_739 = arith.constant 0 : i32
    %dma_wait3A_740 = tpu.memref_slice %arg4[%dma_wait3A_739] : memref<52428800xf32, #tpu.memory_space<hbm>> -> memref<2048xf32, #tpu.memory_space<hbm>>
    %dma_wait3A_741 = tpu.memref_slice %arg11[%dma_wait3A_736] : memref<2x!tpu.dma_semaphore, #tpu.memory_space<semaphore_mem>> -> memref<1x!tpu.dma_semaphore, #tpu.memory_space<semaphore_mem>>
    %dma_wait3A_742 = tpu.memref_squeeze %dma_wait3A_741 : memref<1x!tpu.dma_semaphore, #tpu.memory_space<semaphore_mem>> -> memref<!tpu.dma_semaphore, #tpu.memory_space<semaphore_mem>>
    %dma_wait3A_743 = arith.constant 0 : i32
    %dma_wait3A_744 = tpu.memref_slice %arg4[%dma_wait3A_743] : memref<52428800xf32, #tpu.memory_space<hbm>> -> memref<2048xf32, #tpu.memory_space<hbm>>
    %dma_wait3A_745 = arith.constant 6144 : i32
    %dma_wait3A_746 = tpu.memref_slice %arg9[%dma_wait3A_745] : memref<16384xf32, #tpu.memory_space<vmem>> -> memref<2048xf32, #tpu.memory_space<vmem>>
    tpu.wait_dma2 semaphore(%dma_wait3A_742 : memref<!tpu.dma_semaphore, #tpu.memory_space<semaphore_mem>>) src(%dma_wait3A_746 : memref<2048xf32, #tpu.memory_space<vmem>>) dst(%dma_wait3A_744 : memref<2048xf32, #tpu.memory_space<hbm>>)
    %dma_wait3A_747 = arith.constant 1 : i32
    %dma_wait3A_748 = arith.constant 8192 : i32
    %dma_wait3A_749 = tpu.memref_slice %arg9[%dma_wait3A_748] : memref<16384xf32, #tpu.memory_space<vmem>> -> memref<2048xf32, #tpu.memory_space<vmem>>
    %dma_wait3A_750 = arith.constant 0 : i32
    %dma_wait3A_751 = tpu.memref_slice %arg4[%dma_wait3A_750] : memref<52428800xf32, #tpu.memory_space<hbm>> -> memref<2048xf32, #tpu.memory_space<hbm>>
    %dma_wait3A_752 = tpu.memref_slice %arg11[%dma_wait3A_747] : memref<2x!tpu.dma_semaphore, #tpu.memory_space<semaphore_mem>> -> memref<1x!tpu.dma_semaphore, #tpu.memory_space<semaphore_mem>>
    %dma_wait3A_753 = tpu.memref_squeeze %dma_wait3A_752 : memref<1x!tpu.dma_semaphore, #tpu.memory_space<semaphore_mem>> -> memref<!tpu.dma_semaphore, #tpu.memory_space<semaphore_mem>>
    %dma_wait3A_754 = arith.constant 0 : i32
    %dma_wait3A_755 = tpu.memref_slice %arg4[%dma_wait3A_754] : memref<52428800xf32, #tpu.memory_space<hbm>> -> memref<2048xf32, #tpu.memory_space<hbm>>
    %dma_wait3A_756 = arith.constant 8192 : i32
    %dma_wait3A_757 = tpu.memref_slice %arg9[%dma_wait3A_756] : memref<16384xf32, #tpu.memory_space<vmem>> -> memref<2048xf32, #tpu.memory_space<vmem>>
    tpu.wait_dma2 semaphore(%dma_wait3A_753 : memref<!tpu.dma_semaphore, #tpu.memory_space<semaphore_mem>>) src(%dma_wait3A_757 : memref<2048xf32, #tpu.memory_space<vmem>>) dst(%dma_wait3A_755 : memref<2048xf32, #tpu.memory_space<hbm>>)
    %dma_wait3A_758 = arith.constant 1 : i32
    %dma_wait3A_759 = arith.constant 10240 : i32
    %dma_wait3A_760 = tpu.memref_slice %arg9[%dma_wait3A_759] : memref<16384xf32, #tpu.memory_space<vmem>> -> memref<2048xf32, #tpu.memory_space<vmem>>
    %dma_wait3A_761 = arith.constant 0 : i32
    %dma_wait3A_762 = tpu.memref_slice %arg4[%dma_wait3A_761] : memref<52428800xf32, #tpu.memory_space<hbm>> -> memref<2048xf32, #tpu.memory_space<hbm>>
    %dma_wait3A_763 = tpu.memref_slice %arg11[%dma_wait3A_758] : memref<2x!tpu.dma_semaphore, #tpu.memory_space<semaphore_mem>> -> memref<1x!tpu.dma_semaphore, #tpu.memory_space<semaphore_mem>>
    %dma_wait3A_764 = tpu.memref_squeeze %dma_wait3A_763 : memref<1x!tpu.dma_semaphore, #tpu.memory_space<semaphore_mem>> -> memref<!tpu.dma_semaphore, #tpu.memory_space<semaphore_mem>>
    %dma_wait3A_765 = arith.constant 0 : i32
    %dma_wait3A_766 = tpu.memref_slice %arg4[%dma_wait3A_765] : memref<52428800xf32, #tpu.memory_space<hbm>> -> memref<2048xf32, #tpu.memory_space<hbm>>
    %dma_wait3A_767 = arith.constant 10240 : i32
    %dma_wait3A_768 = tpu.memref_slice %arg9[%dma_wait3A_767] : memref<16384xf32, #tpu.memory_space<vmem>> -> memref<2048xf32, #tpu.memory_space<vmem>>
    tpu.wait_dma2 semaphore(%dma_wait3A_764 : memref<!tpu.dma_semaphore, #tpu.memory_space<semaphore_mem>>) src(%dma_wait3A_768 : memref<2048xf32, #tpu.memory_space<vmem>>) dst(%dma_wait3A_766 : memref<2048xf32, #tpu.memory_space<hbm>>)
    %dma_wait3A_769 = arith.constant 1 : i32
    %dma_wait3A_770 = arith.constant 12288 : i32
    %dma_wait3A_771 = tpu.memref_slice %arg9[%dma_wait3A_770] : memref<16384xf32, #tpu.memory_space<vmem>> -> memref<2048xf32, #tpu.memory_space<vmem>>
    %dma_wait3A_772 = arith.constant 0 : i32
    %dma_wait3A_773 = tpu.memref_slice %arg4[%dma_wait3A_772] : memref<52428800xf32, #tpu.memory_space<hbm>> -> memref<2048xf32, #tpu.memory_space<hbm>>
    %dma_wait3A_774 = tpu.memref_slice %arg11[%dma_wait3A_769] : memref<2x!tpu.dma_semaphore, #tpu.memory_space<semaphore_mem>> -> memref<1x!tpu.dma_semaphore, #tpu.memory_space<semaphore_mem>>
    %dma_wait3A_775 = tpu.memref_squeeze %dma_wait3A_774 : memref<1x!tpu.dma_semaphore, #tpu.memory_space<semaphore_mem>> -> memref<!tpu.dma_semaphore, #tpu.memory_space<semaphore_mem>>
    %dma_wait3A_776 = arith.constant 0 : i32
    %dma_wait3A_777 = tpu.memref_slice %arg4[%dma_wait3A_776] : memref<52428800xf32, #tpu.memory_space<hbm>> -> memref<2048xf32, #tpu.memory_space<hbm>>
    %dma_wait3A_778 = arith.constant 12288 : i32
    %dma_wait3A_779 = tpu.memref_slice %arg9[%dma_wait3A_778] : memref<16384xf32, #tpu.memory_space<vmem>> -> memref<2048xf32, #tpu.memory_space<vmem>>
    tpu.wait_dma2 semaphore(%dma_wait3A_775 : memref<!tpu.dma_semaphore, #tpu.memory_space<semaphore_mem>>) src(%dma_wait3A_779 : memref<2048xf32, #tpu.memory_space<vmem>>) dst(%dma_wait3A_777 : memref<2048xf32, #tpu.memory_space<hbm>>)
    %dma_wait3A_780 = arith.constant 1 : i32
    %dma_wait3A_781 = arith.constant 14336 : i32
    %dma_wait3A_782 = tpu.memref_slice %arg9[%dma_wait3A_781] : memref<16384xf32, #tpu.memory_space<vmem>> -> memref<2048xf32, #tpu.memory_space<vmem>>
    %dma_wait3A_783 = arith.constant 0 : i32
    %dma_wait3A_784 = tpu.memref_slice %arg4[%dma_wait3A_783] : memref<52428800xf32, #tpu.memory_space<hbm>> -> memref<2048xf32, #tpu.memory_space<hbm>>
    %dma_wait3A_785 = tpu.memref_slice %arg11[%dma_wait3A_780] : memref<2x!tpu.dma_semaphore, #tpu.memory_space<semaphore_mem>> -> memref<1x!tpu.dma_semaphore, #tpu.memory_space<semaphore_mem>>
    %dma_wait3A_786 = tpu.memref_squeeze %dma_wait3A_785 : memref<1x!tpu.dma_semaphore, #tpu.memory_space<semaphore_mem>> -> memref<!tpu.dma_semaphore, #tpu.memory_space<semaphore_mem>>
    %dma_wait3A_787 = arith.constant 0 : i32
    %dma_wait3A_788 = tpu.memref_slice %arg4[%dma_wait3A_787] : memref<52428800xf32, #tpu.memory_space<hbm>> -> memref<2048xf32, #tpu.memory_space<hbm>>
    %dma_wait3A_789 = arith.constant 14336 : i32
    %dma_wait3A_790 = tpu.memref_slice %arg9[%dma_wait3A_789] : memref<16384xf32, #tpu.memory_space<vmem>> -> memref<2048xf32, #tpu.memory_space<vmem>>
    tpu.wait_dma2 semaphore(%dma_wait3A_786 : memref<!tpu.dma_semaphore, #tpu.memory_space<semaphore_mem>>) src(%dma_wait3A_790 : memref<2048xf32, #tpu.memory_space<vmem>>) dst(%dma_wait3A_788 : memref<2048xf32, #tpu.memory_space<hbm>>)
    return
  }
}

#map = affine_map<(d0, d1) -> (0, 0)>
#map1 = affine_map<(d0, d1) -> (0)>
module attributes {stable_mosaic.version = 14 : i64} {
  func.func @_fmt_body(%arg0: i32, %arg1: i32, %arg2: memref<64x1000002xf32, #tpu.memory_space<hbm>>, %arg3: memref<64004096xf32, #tpu.memory_space<hbm>>, %arg4: memref<64x128xf32, #tpu.memory_space<vmem>>, %arg5: memref<64x128xf32, #tpu.memory_space<vmem>>, %arg6: memref<8192xf32, #tpu.memory_space<vmem>>, %arg7: memref<8192xf32, #tpu.memory_space<vmem>>, %arg8: memref<2x!tpu.dma_semaphore, #tpu.memory_space<semaphore_mem>>, %arg9: memref<2x!tpu.dma_semaphore, #tpu.memory_space<semaphore_mem>>) attributes {dimension_semantics = [#tpu.dimension_semantics<core_parallel>, #tpu.dimension_semantics<subcore_parallel>], iteration_bounds = array<i64: 2, 16>, scalar_prefetch = 0 : i64, scratch_operands = 6 : i64, tpu.core_type = #tpu.core_type<sc_vector_subcore>, window_params = [{transform_indices = #map}, {transform_indices = #map1}]} {
    %mul3A = arith.constant 2 : i32
    %mul3A_0 = arith.muli %arg1, %mul3A : i32
    %add3A = arith.addi %mul3A_0, %arg0 : i32
    %iota3A = tpu.iota {dimensions = array<i32: 0>} : vector<16xi32>
    %broadcast_in_dim3A = arith.constant 0 : i32
    %broadcast_in_dim3A_1 = vector.broadcast %broadcast_in_dim3A : i32 to vector<16xi32>
    %add3A_2 = arith.addi %broadcast_in_dim3A_1, %iota3A : vector<16xi32>
    %broadcast_in_dim3A_3 = arith.constant 16 : i32
    %broadcast_in_dim3A_4 = vector.broadcast %broadcast_in_dim3A_3 : i32 to vector<16xi32>
    %add3A_5 = arith.addi %broadcast_in_dim3A_4, %iota3A : vector<16xi32>
    %broadcast_in_dim3A_6 = arith.constant 32 : i32
    %broadcast_in_dim3A_7 = vector.broadcast %broadcast_in_dim3A_6 : i32 to vector<16xi32>
    %add3A_8 = arith.addi %broadcast_in_dim3A_7, %iota3A : vector<16xi32>
    %broadcast_in_dim3A_9 = arith.constant 48 : i32
    %broadcast_in_dim3A_10 = vector.broadcast %broadcast_in_dim3A_9 : i32 to vector<16xi32>
    %add3A_11 = arith.addi %broadcast_in_dim3A_10, %iota3A : vector<16xi32>
    %broadcast_in_dim3A_12 = arith.constant 64 : i32
    %broadcast_in_dim3A_13 = vector.broadcast %broadcast_in_dim3A_12 : i32 to vector<16xi32>
    %add3A_14 = arith.addi %broadcast_in_dim3A_13, %iota3A : vector<16xi32>
    %broadcast_in_dim3A_15 = arith.constant 80 : i32
    %broadcast_in_dim3A_16 = vector.broadcast %broadcast_in_dim3A_15 : i32 to vector<16xi32>
    %add3A_17 = arith.addi %broadcast_in_dim3A_16, %iota3A : vector<16xi32>
    %broadcast_in_dim3A_18 = arith.constant 96 : i32
    %broadcast_in_dim3A_19 = vector.broadcast %broadcast_in_dim3A_18 : i32 to vector<16xi32>
    %add3A_20 = arith.addi %broadcast_in_dim3A_19, %iota3A : vector<16xi32>
    %broadcast_in_dim3A_21 = arith.constant 112 : i32
    %broadcast_in_dim3A_22 = vector.broadcast %broadcast_in_dim3A_21 : i32 to vector<16xi32>
    %add3A_23 = arith.addi %broadcast_in_dim3A_22, %iota3A : vector<16xi32>
    %shift_left3A = arith.constant 6 : i32
    %shift_left3A_24 = vector.broadcast %shift_left3A : i32 to vector<16xi32>
    %shift_left3A_25 = arith.shli %add3A_2, %shift_left3A_24 : vector<16xi32>
    %shift_left3A_26 = arith.constant 6 : i32
    %shift_left3A_27 = vector.broadcast %shift_left3A_26 : i32 to vector<16xi32>
    %shift_left3A_28 = arith.shli %add3A_5, %shift_left3A_27 : vector<16xi32>
    %shift_left3A_29 = arith.constant 6 : i32
    %shift_left3A_30 = vector.broadcast %shift_left3A_29 : i32 to vector<16xi32>
    %shift_left3A_31 = arith.shli %add3A_8, %shift_left3A_30 : vector<16xi32>
    %shift_left3A_32 = arith.constant 6 : i32
    %shift_left3A_33 = vector.broadcast %shift_left3A_32 : i32 to vector<16xi32>
    %shift_left3A_34 = arith.shli %add3A_11, %shift_left3A_33 : vector<16xi32>
    %shift_left3A_35 = arith.constant 6 : i32
    %shift_left3A_36 = vector.broadcast %shift_left3A_35 : i32 to vector<16xi32>
    %shift_left3A_37 = arith.shli %add3A_14, %shift_left3A_36 : vector<16xi32>
    %shift_left3A_38 = arith.constant 6 : i32
    %shift_left3A_39 = vector.broadcast %shift_left3A_38 : i32 to vector<16xi32>
    %shift_left3A_40 = arith.shli %add3A_17, %shift_left3A_39 : vector<16xi32>
    %shift_left3A_41 = arith.constant 6 : i32
    %shift_left3A_42 = vector.broadcast %shift_left3A_41 : i32 to vector<16xi32>
    %shift_left3A_43 = arith.shli %add3A_20, %shift_left3A_42 : vector<16xi32>
    %shift_left3A_44 = arith.constant 6 : i32
    %shift_left3A_45 = vector.broadcast %shift_left3A_44 : i32 to vector<16xi32>
    %shift_left3A_46 = arith.shli %add3A_23, %shift_left3A_45 : vector<16xi32>
    %mul3A_47 = arith.constant 245 : i32
    %mul3A_48 = arith.muli %add3A, %mul3A_47 : i32
    %add3A_49 = arith.constant 0 : i32
    %add3A_50 = arith.addi %mul3A_48, %add3A_49 : i32
    %min3A = arith.constant 7812 : i32
    %min3A_51 = arith.minsi %add3A_50, %min3A : i32
    %mul3A_52 = arith.constant 128 : i32
    %mul3A_53 = arith.muli %min3A_51, %mul3A_52 : i32
    %dma_start3A = arith.constant 0 : i32
    %dma_start3A_54 = arith.constant 0 : i32
    %dma_start3A_55 = tpu.memref_slice %arg2[%dma_start3A_54, %mul3A_53] : memref<64x1000002xf32, #tpu.memory_space<hbm>> -> memref<64x128xf32, #tpu.memory_space<hbm>>
    %dma_start3A_56 = tpu.memref_slice %arg8[%dma_start3A] : memref<2x!tpu.dma_semaphore, #tpu.memory_space<semaphore_mem>> -> memref<1x!tpu.dma_semaphore, #tpu.memory_space<semaphore_mem>>
    %dma_start3A_57 = tpu.memref_squeeze %dma_start3A_56 : memref<1x!tpu.dma_semaphore, #tpu.memory_space<semaphore_mem>> -> memref<!tpu.dma_semaphore, #tpu.memory_space<semaphore_mem>>
    %dma_start3A_58 = arith.constant 0 : i32
    %dma_start3A_59 = tpu.memref_slice %arg2[%dma_start3A_58, %mul3A_53] : memref<64x1000002xf32, #tpu.memory_space<hbm>> -> memref<64x128xf32, #tpu.memory_space<hbm>>
    tpu.enqueue_dma source(%dma_start3A_59 : memref<64x128xf32, #tpu.memory_space<hbm>>) target(%arg4 : memref<64x128xf32, #tpu.memory_space<vmem>>) target_semaphore(%dma_start3A_57 : memref<!tpu.dma_semaphore, #tpu.memory_space<semaphore_mem>>)
    %scan3A = arith.constant 0 : i32
    %scan3A_60 = arith.constant 0 : i32
    %scan3A_61 = arith.constant 122 : i32
    %scan3A_62 = arith.addi %scan3A_60, %scan3A_61 : i32
    %scan3A_63 = arith.constant 1 : i32
    %scan3A_64 = scf.for %scan3A_110 = %scan3A_60 to %scan3A_62 step %scan3A_63 iter_args(%scan3A_111 = %scan3A) -> (i32)  : i32 {
      %mul3A_112 = arith.constant 2 : i32
      %mul3A_113 = arith.muli %mul3A_112, %scan3A_110 : i32
      %add3A_114 = arith.constant 0 : i32
      %add3A_115 = arith.addi %mul3A_113, %add3A_114 : i32
      %add3A_116 = arith.constant 1 : i32
      %add3A_117 = arith.addi %add3A_115, %add3A_116 : i32
      %mul3A_118 = arith.constant 245 : i32
      %mul3A_119 = arith.muli %add3A, %mul3A_118 : i32
      %add3A_120 = arith.addi %mul3A_119, %add3A_117 : i32
      %min3A_121 = arith.constant 7812 : i32
      %min3A_122 = arith.minsi %add3A_120, %min3A_121 : i32
      %mul3A_123 = arith.constant 128 : i32
      %mul3A_124 = arith.muli %min3A_122, %mul3A_123 : i32
      %dma_start3A_125 = arith.constant 1 : i32
      %dma_start3A_126 = arith.constant 0 : i32
      %dma_start3A_127 = tpu.memref_slice %arg2[%dma_start3A_126, %mul3A_124] : memref<64x1000002xf32, #tpu.memory_space<hbm>> -> memref<64x128xf32, #tpu.memory_space<hbm>>
      %dma_start3A_128 = tpu.memref_slice %arg8[%dma_start3A_125] : memref<2x!tpu.dma_semaphore, #tpu.memory_space<semaphore_mem>> -> memref<1x!tpu.dma_semaphore, #tpu.memory_space<semaphore_mem>>
      %dma_start3A_129 = tpu.memref_squeeze %dma_start3A_128 : memref<1x!tpu.dma_semaphore, #tpu.memory_space<semaphore_mem>> -> memref<!tpu.dma_semaphore, #tpu.memory_space<semaphore_mem>>
      %dma_start3A_130 = arith.constant 0 : i32
      %dma_start3A_131 = tpu.memref_slice %arg2[%dma_start3A_130, %mul3A_124] : memref<64x1000002xf32, #tpu.memory_space<hbm>> -> memref<64x128xf32, #tpu.memory_space<hbm>>
      tpu.enqueue_dma source(%dma_start3A_131 : memref<64x128xf32, #tpu.memory_space<hbm>>) target(%arg5 : memref<64x128xf32, #tpu.memory_space<vmem>>) target_semaphore(%dma_start3A_129 : memref<!tpu.dma_semaphore, #tpu.memory_space<semaphore_mem>>)
      %dma_wait3A_132 = arith.constant 0 : i32
      %dma_wait3A_133 = arith.constant 0 : i32
      %dma_wait3A_134 = arith.constant 0 : i32
      %dma_wait3A_135 = tpu.memref_slice %arg2[%dma_wait3A_133, %dma_wait3A_134] : memref<64x1000002xf32, #tpu.memory_space<hbm>> -> memref<64x128xf32, #tpu.memory_space<hbm>>
      %dma_wait3A_136 = tpu.memref_slice %arg8[%dma_wait3A_132] : memref<2x!tpu.dma_semaphore, #tpu.memory_space<semaphore_mem>> -> memref<1x!tpu.dma_semaphore, #tpu.memory_space<semaphore_mem>>
      %dma_wait3A_137 = tpu.memref_squeeze %dma_wait3A_136 : memref<1x!tpu.dma_semaphore, #tpu.memory_space<semaphore_mem>> -> memref<!tpu.dma_semaphore, #tpu.memory_space<semaphore_mem>>
      %dma_wait3A_138 = arith.constant 0 : i32
      %dma_wait3A_139 = arith.constant 0 : i32
      %dma_wait3A_140 = tpu.memref_slice %arg2[%dma_wait3A_138, %dma_wait3A_139] : memref<64x1000002xf32, #tpu.memory_space<hbm>> -> memref<64x128xf32, #tpu.memory_space<hbm>>
      tpu.wait_dma2 semaphore(%dma_wait3A_137 : memref<!tpu.dma_semaphore, #tpu.memory_space<semaphore_mem>>) src(%dma_wait3A_140 : memref<64x128xf32, #tpu.memory_space<hbm>>) dst(%arg4 : memref<64x128xf32, #tpu.memory_space<vmem>>)
      %gt3A = arith.constant 0 : i32
      %gt3A_141 = arith.cmpi sgt, %scan3A_110, %gt3A : i32
      %convert_element_type3A = arith.extui %gt3A_141 : i1 to i32
      %cond3A = arith.constant 0 : i32
      %cond3A_142 = arith.cmpi ne, %convert_element_type3A, %cond3A : i32
      scf.if %cond3A_142 {
        %dma_wait3A_206 = arith.constant 0 : i32
        %dma_wait3A_207 = arith.constant 0 : i32
        %dma_wait3A_208 = tpu.memref_slice %arg3[%dma_wait3A_207] : memref<64004096xf32, #tpu.memory_space<hbm>> -> memref<8192xf32, #tpu.memory_space<hbm>>
        %dma_wait3A_209 = tpu.memref_slice %arg9[%dma_wait3A_206] : memref<2x!tpu.dma_semaphore, #tpu.memory_space<semaphore_mem>> -> memref<1x!tpu.dma_semaphore, #tpu.memory_space<semaphore_mem>>
        %dma_wait3A_210 = tpu.memref_squeeze %dma_wait3A_209 : memref<1x!tpu.dma_semaphore, #tpu.memory_space<semaphore_mem>> -> memref<!tpu.dma_semaphore, #tpu.memory_space<semaphore_mem>>
        %dma_wait3A_211 = arith.constant 0 : i32
        %dma_wait3A_212 = tpu.memref_slice %arg3[%dma_wait3A_211] : memref<64004096xf32, #tpu.memory_space<hbm>> -> memref<8192xf32, #tpu.memory_space<hbm>>
        tpu.wait_dma2 semaphore(%dma_wait3A_210 : memref<!tpu.dma_semaphore, #tpu.memory_space<semaphore_mem>>) src(%arg6 : memref<8192xf32, #tpu.memory_space<vmem>>) dst(%dma_wait3A_212 : memref<8192xf32, #tpu.memory_space<hbm>>)
      } else {
      }
      %parallel_loop3A_143 = arith.constant 0 : i32
      %parallel_loop3A_144 = arith.constant 64 : i32
      %parallel_loop3A_145 = arith.constant 1 : i32
      scf.for %parallel_loop3A_206 = %parallel_loop3A_143 to %parallel_loop3A_144 step %parallel_loop3A_145  : i32 {
        %parallel_loop3A_207 = vector.broadcast %parallel_loop3A_206 : i32 to vector<16xi32>
        %parallel_loop3A_208 = arith.addi %iota3A, %parallel_loop3A_207 : vector<16xi32>
        %parallel_loop3A_209 = arith.constant 63 : i32
        %parallel_loop3A_210 = vector.broadcast %parallel_loop3A_209 : i32 to vector<16xi32>
        %parallel_loop3A_211 = arith.andi %parallel_loop3A_208, %parallel_loop3A_210 : vector<16xi32>
        %parallel_loop3A_212 = tpu.vector_load_idx %arg4[%parallel_loop3A_211, %add3A_2] : memref<64x128xf32, #tpu.memory_space<vmem>>[vector<16xi32>, vector<16xi32>], vector<16xf32>,
        %parallel_loop3A_213 = arith.addi %shift_left3A_25, %parallel_loop3A_211 : vector<16xi32>
        tpu.vector_store_idx %arg6[%parallel_loop3A_213], %parallel_loop3A_212 : memref<8192xf32, #tpu.memory_space<vmem>>[vector<16xi32>], vector<16xf32>,
        %parallel_loop3A_214 = tpu.vector_load_idx %arg4[%parallel_loop3A_211, %add3A_5] : memref<64x128xf32, #tpu.memory_space<vmem>>[vector<16xi32>, vector<16xi32>], vector<16xf32>,
        %parallel_loop3A_215 = arith.addi %shift_left3A_28, %parallel_loop3A_211 : vector<16xi32>
        tpu.vector_store_idx %arg6[%parallel_loop3A_215], %parallel_loop3A_214 : memref<8192xf32, #tpu.memory_space<vmem>>[vector<16xi32>], vector<16xf32>,
        %parallel_loop3A_216 = tpu.vector_load_idx %arg4[%parallel_loop3A_211, %add3A_8] : memref<64x128xf32, #tpu.memory_space<vmem>>[vector<16xi32>, vector<16xi32>], vector<16xf32>,
        %parallel_loop3A_217 = arith.addi %shift_left3A_31, %parallel_loop3A_211 : vector<16xi32>
        tpu.vector_store_idx %arg6[%parallel_loop3A_217], %parallel_loop3A_216 : memref<8192xf32, #tpu.memory_space<vmem>>[vector<16xi32>], vector<16xf32>,
        %parallel_loop3A_218 = tpu.vector_load_idx %arg4[%parallel_loop3A_211, %add3A_11] : memref<64x128xf32, #tpu.memory_space<vmem>>[vector<16xi32>, vector<16xi32>], vector<16xf32>,
        %parallel_loop3A_219 = arith.addi %shift_left3A_34, %parallel_loop3A_211 : vector<16xi32>
        tpu.vector_store_idx %arg6[%parallel_loop3A_219], %parallel_loop3A_218 : memref<8192xf32, #tpu.memory_space<vmem>>[vector<16xi32>], vector<16xf32>,
        %parallel_loop3A_220 = tpu.vector_load_idx %arg4[%parallel_loop3A_211, %add3A_14] : memref<64x128xf32, #tpu.memory_space<vmem>>[vector<16xi32>, vector<16xi32>], vector<16xf32>,
        %parallel_loop3A_221 = arith.addi %shift_left3A_37, %parallel_loop3A_211 : vector<16xi32>
        tpu.vector_store_idx %arg6[%parallel_loop3A_221], %parallel_loop3A_220 : memref<8192xf32, #tpu.memory_space<vmem>>[vector<16xi32>], vector<16xf32>,
        %parallel_loop3A_222 = tpu.vector_load_idx %arg4[%parallel_loop3A_211, %add3A_17] : memref<64x128xf32, #tpu.memory_space<vmem>>[vector<16xi32>, vector<16xi32>], vector<16xf32>,
        %parallel_loop3A_223 = arith.addi %shift_left3A_40, %parallel_loop3A_211 : vector<16xi32>
        tpu.vector_store_idx %arg6[%parallel_loop3A_223], %parallel_loop3A_222 : memref<8192xf32, #tpu.memory_space<vmem>>[vector<16xi32>], vector<16xf32>,
        %parallel_loop3A_224 = tpu.vector_load_idx %arg4[%parallel_loop3A_211, %add3A_20] : memref<64x128xf32, #tpu.memory_space<vmem>>[vector<16xi32>, vector<16xi32>], vector<16xf32>,
        %parallel_loop3A_225 = arith.addi %shift_left3A_43, %parallel_loop3A_211 : vector<16xi32>
        tpu.vector_store_idx %arg6[%parallel_loop3A_225], %parallel_loop3A_224 : memref<8192xf32, #tpu.memory_space<vmem>>[vector<16xi32>], vector<16xf32>,
        %parallel_loop3A_226 = tpu.vector_load_idx %arg4[%parallel_loop3A_211, %add3A_23] : memref<64x128xf32, #tpu.memory_space<vmem>>[vector<16xi32>, vector<16xi32>], vector<16xf32>,
        %parallel_loop3A_227 = arith.addi %shift_left3A_46, %parallel_loop3A_211 : vector<16xi32>
        tpu.vector_store_idx %arg6[%parallel_loop3A_227], %parallel_loop3A_226 : memref<8192xf32, #tpu.memory_space<vmem>>[vector<16xi32>], vector<16xf32>,
      } {sc.loop_unroll_factor = 1 : i64, sc.parallel_access}
      %mul3A_146 = arith.constant 245 : i32
      %mul3A_147 = arith.muli %add3A, %mul3A_146 : i32
      %add3A_148 = arith.addi %mul3A_147, %add3A_115 : i32
      %min3A_149 = arith.constant 7812 : i32
      %min3A_150 = arith.minsi %add3A_148, %min3A_149 : i32
      %mul3A_151 = arith.constant 8192 : i32
      %mul3A_152 = arith.muli %min3A_150, %mul3A_151 : i32
      %dma_start3A_153 = arith.constant 0 : i32
      %dma_start3A_154 = tpu.memref_slice %arg3[%mul3A_152] : memref<64004096xf32, #tpu.memory_space<hbm>> -> memref<8192xf32, #tpu.memory_space<hbm>>
      %dma_start3A_155 = tpu.memref_slice %arg9[%dma_start3A_153] : memref<2x!tpu.dma_semaphore, #tpu.memory_space<semaphore_mem>> -> memref<1x!tpu.dma_semaphore, #tpu.memory_space<semaphore_mem>>
      %dma_start3A_156 = tpu.memref_squeeze %dma_start3A_155 : memref<1x!tpu.dma_semaphore, #tpu.memory_space<semaphore_mem>> -> memref<!tpu.dma_semaphore, #tpu.memory_space<semaphore_mem>>
      %dma_start3A_157 = tpu.memref_slice %arg3[%mul3A_152] : memref<64004096xf32, #tpu.memory_space<hbm>> -> memref<8192xf32, #tpu.memory_space<hbm>>
      tpu.enqueue_dma source(%arg6 : memref<8192xf32, #tpu.memory_space<vmem>>) target(%dma_start3A_157 : memref<8192xf32, #tpu.memory_space<hbm>>) target_semaphore(%dma_start3A_156 : memref<!tpu.dma_semaphore, #tpu.memory_space<semaphore_mem>>)
      %add3A_158 = arith.constant 1 : i32
      %add3A_159 = arith.addi %mul3A_113, %add3A_158 : i32
      %add3A_160 = arith.constant 1 : i32
      %add3A_161 = arith.addi %add3A_159, %add3A_160 : i32
      %mul3A_162 = arith.constant 245 : i32
      %mul3A_163 = arith.muli %add3A, %mul3A_162 : i32
      %add3A_164 = arith.addi %mul3A_163, %add3A_161 : i32
      %min3A_165 = arith.constant 7812 : i32
      %min3A_166 = arith.minsi %add3A_164, %min3A_165 : i32
      %mul3A_167 = arith.constant 128 : i32
      %mul3A_168 = arith.muli %min3A_166, %mul3A_167 : i32
      %dma_start3A_169 = arith.constant 0 : i32
      %dma_start3A_170 = arith.constant 0 : i32
      %dma_start3A_171 = tpu.memref_slice %arg2[%dma_start3A_170, %mul3A_168] : memref<64x1000002xf32, #tpu.memory_space<hbm>> -> memref<64x128xf32, #tpu.memory_space<hbm>>
      %dma_start3A_172 = tpu.memref_slice %arg8[%dma_start3A_169] : memref<2x!tpu.dma_semaphore, #tpu.memory_space<semaphore_mem>> -> memref<1x!tpu.dma_semaphore, #tpu.memory_space<semaphore_mem>>
      %dma_start3A_173 = tpu.memref_squeeze %dma_start3A_172 : memref<1x!tpu.dma_semaphore, #tpu.memory_space<semaphore_mem>> -> memref<!tpu.dma_semaphore, #tpu.memory_space<semaphore_mem>>
      %dma_start3A_174 = arith.constant 0 : i32
      %dma_start3A_175 = tpu.memref_slice %arg2[%dma_start3A_174, %mul3A_168] : memref<64x1000002xf32, #tpu.memory_space<hbm>> -> memref<64x128xf32, #tpu.memory_space<hbm>>
      tpu.enqueue_dma source(%dma_start3A_175 : memref<64x128xf32, #tpu.memory_space<hbm>>) target(%arg4 : memref<64x128xf32, #tpu.memory_space<vmem>>) target_semaphore(%dma_start3A_173 : memref<!tpu.dma_semaphore, #tpu.memory_space<semaphore_mem>>)
      %dma_wait3A_176 = arith.constant 1 : i32
      %dma_wait3A_177 = arith.constant 0 : i32
      %dma_wait3A_178 = arith.constant 0 : i32
      %dma_wait3A_179 = tpu.memref_slice %arg2[%dma_wait3A_177, %dma_wait3A_178] : memref<64x1000002xf32, #tpu.memory_space<hbm>> -> memref<64x128xf32, #tpu.memory_space<hbm>>
      %dma_wait3A_180 = tpu.memref_slice %arg8[%dma_wait3A_176] : memref<2x!tpu.dma_semaphore, #tpu.memory_space<semaphore_mem>> -> memref<1x!tpu.dma_semaphore, #tpu.memory_space<semaphore_mem>>
      %dma_wait3A_181 = tpu.memref_squeeze %dma_wait3A_180 : memref<1x!tpu.dma_semaphore, #tpu.memory_space<semaphore_mem>> -> memref<!tpu.dma_semaphore, #tpu.memory_space<semaphore_mem>>
      %dma_wait3A_182 = arith.constant 0 : i32
      %dma_wait3A_183 = arith.constant 0 : i32
      %dma_wait3A_184 = tpu.memref_slice %arg2[%dma_wait3A_182, %dma_wait3A_183] : memref<64x1000002xf32, #tpu.memory_space<hbm>> -> memref<64x128xf32, #tpu.memory_space<hbm>>
      tpu.wait_dma2 semaphore(%dma_wait3A_181 : memref<!tpu.dma_semaphore, #tpu.memory_space<semaphore_mem>>) src(%dma_wait3A_184 : memref<64x128xf32, #tpu.memory_space<hbm>>) dst(%arg5 : memref<64x128xf32, #tpu.memory_space<vmem>>)
      %gt3A_185 = arith.constant 0 : i32
      %gt3A_186 = arith.cmpi sgt, %scan3A_110, %gt3A_185 : i32
      %convert_element_type3A_187 = arith.extui %gt3A_186 : i1 to i32
      %cond3A_188 = arith.constant 0 : i32
      %cond3A_189 = arith.cmpi ne, %convert_element_type3A_187, %cond3A_188 : i32
      scf.if %cond3A_189 {
        %dma_wait3A_206 = arith.constant 1 : i32
        %dma_wait3A_207 = arith.constant 0 : i32
        %dma_wait3A_208 = tpu.memref_slice %arg3[%dma_wait3A_207] : memref<64004096xf32, #tpu.memory_space<hbm>> -> memref<8192xf32, #tpu.memory_space<hbm>>
        %dma_wait3A_209 = tpu.memref_slice %arg9[%dma_wait3A_206] : memref<2x!tpu.dma_semaphore, #tpu.memory_space<semaphore_mem>> -> memref<1x!tpu.dma_semaphore, #tpu.memory_space<semaphore_mem>>
        %dma_wait3A_210 = tpu.memref_squeeze %dma_wait3A_209 : memref<1x!tpu.dma_semaphore, #tpu.memory_space<semaphore_mem>> -> memref<!tpu.dma_semaphore, #tpu.memory_space<semaphore_mem>>
        %dma_wait3A_211 = arith.constant 0 : i32
        %dma_wait3A_212 = tpu.memref_slice %arg3[%dma_wait3A_211] : memref<64004096xf32, #tpu.memory_space<hbm>> -> memref<8192xf32, #tpu.memory_space<hbm>>
        tpu.wait_dma2 semaphore(%dma_wait3A_210 : memref<!tpu.dma_semaphore, #tpu.memory_space<semaphore_mem>>) src(%arg7 : memref<8192xf32, #tpu.memory_space<vmem>>) dst(%dma_wait3A_212 : memref<8192xf32, #tpu.memory_space<hbm>>)
      } else {
      }
      %parallel_loop3A_190 = arith.constant 0 : i32
      %parallel_loop3A_191 = arith.constant 64 : i32
      %parallel_loop3A_192 = arith.constant 1 : i32
      scf.for %parallel_loop3A_206 = %parallel_loop3A_190 to %parallel_loop3A_191 step %parallel_loop3A_192  : i32 {
        %parallel_loop3A_207 = vector.broadcast %parallel_loop3A_206 : i32 to vector<16xi32>
        %parallel_loop3A_208 = arith.addi %iota3A, %parallel_loop3A_207 : vector<16xi32>
        %parallel_loop3A_209 = arith.constant 63 : i32
        %parallel_loop3A_210 = vector.broadcast %parallel_loop3A_209 : i32 to vector<16xi32>
        %parallel_loop3A_211 = arith.andi %parallel_loop3A_208, %parallel_loop3A_210 : vector<16xi32>
        %parallel_loop3A_212 = tpu.vector_load_idx %arg5[%parallel_loop3A_211, %add3A_2] : memref<64x128xf32, #tpu.memory_space<vmem>>[vector<16xi32>, vector<16xi32>], vector<16xf32>,
        %parallel_loop3A_213 = arith.addi %shift_left3A_25, %parallel_loop3A_211 : vector<16xi32>
        tpu.vector_store_idx %arg7[%parallel_loop3A_213], %parallel_loop3A_212 : memref<8192xf32, #tpu.memory_space<vmem>>[vector<16xi32>], vector<16xf32>,
        %parallel_loop3A_214 = tpu.vector_load_idx %arg5[%parallel_loop3A_211, %add3A_5] : memref<64x128xf32, #tpu.memory_space<vmem>>[vector<16xi32>, vector<16xi32>], vector<16xf32>,
        %parallel_loop3A_215 = arith.addi %shift_left3A_28, %parallel_loop3A_211 : vector<16xi32>
        tpu.vector_store_idx %arg7[%parallel_loop3A_215], %parallel_loop3A_214 : memref<8192xf32, #tpu.memory_space<vmem>>[vector<16xi32>], vector<16xf32>,
        %parallel_loop3A_216 = tpu.vector_load_idx %arg5[%parallel_loop3A_211, %add3A_8] : memref<64x128xf32, #tpu.memory_space<vmem>>[vector<16xi32>, vector<16xi32>], vector<16xf32>,
        %parallel_loop3A_217 = arith.addi %shift_left3A_31, %parallel_loop3A_211 : vector<16xi32>
        tpu.vector_store_idx %arg7[%parallel_loop3A_217], %parallel_loop3A_216 : memref<8192xf32, #tpu.memory_space<vmem>>[vector<16xi32>], vector<16xf32>,
        %parallel_loop3A_218 = tpu.vector_load_idx %arg5[%parallel_loop3A_211, %add3A_11] : memref<64x128xf32, #tpu.memory_space<vmem>>[vector<16xi32>, vector<16xi32>], vector<16xf32>,
        %parallel_loop3A_219 = arith.addi %shift_left3A_34, %parallel_loop3A_211 : vector<16xi32>
        tpu.vector_store_idx %arg7[%parallel_loop3A_219], %parallel_loop3A_218 : memref<8192xf32, #tpu.memory_space<vmem>>[vector<16xi32>], vector<16xf32>,
        %parallel_loop3A_220 = tpu.vector_load_idx %arg5[%parallel_loop3A_211, %add3A_14] : memref<64x128xf32, #tpu.memory_space<vmem>>[vector<16xi32>, vector<16xi32>], vector<16xf32>,
        %parallel_loop3A_221 = arith.addi %shift_left3A_37, %parallel_loop3A_211 : vector<16xi32>
        tpu.vector_store_idx %arg7[%parallel_loop3A_221], %parallel_loop3A_220 : memref<8192xf32, #tpu.memory_space<vmem>>[vector<16xi32>], vector<16xf32>,
        %parallel_loop3A_222 = tpu.vector_load_idx %arg5[%parallel_loop3A_211, %add3A_17] : memref<64x128xf32, #tpu.memory_space<vmem>>[vector<16xi32>, vector<16xi32>], vector<16xf32>,
        %parallel_loop3A_223 = arith.addi %shift_left3A_40, %parallel_loop3A_211 : vector<16xi32>
        tpu.vector_store_idx %arg7[%parallel_loop3A_223], %parallel_loop3A_222 : memref<8192xf32, #tpu.memory_space<vmem>>[vector<16xi32>], vector<16xf32>,
        %parallel_loop3A_224 = tpu.vector_load_idx %arg5[%parallel_loop3A_211, %add3A_20] : memref<64x128xf32, #tpu.memory_space<vmem>>[vector<16xi32>, vector<16xi32>], vector<16xf32>,
        %parallel_loop3A_225 = arith.addi %shift_left3A_43, %parallel_loop3A_211 : vector<16xi32>
        tpu.vector_store_idx %arg7[%parallel_loop3A_225], %parallel_loop3A_224 : memref<8192xf32, #tpu.memory_space<vmem>>[vector<16xi32>], vector<16xf32>,
        %parallel_loop3A_226 = tpu.vector_load_idx %arg5[%parallel_loop3A_211, %add3A_23] : memref<64x128xf32, #tpu.memory_space<vmem>>[vector<16xi32>, vector<16xi32>], vector<16xf32>,
        %parallel_loop3A_227 = arith.addi %shift_left3A_46, %parallel_loop3A_211 : vector<16xi32>
        tpu.vector_store_idx %arg7[%parallel_loop3A_227], %parallel_loop3A_226 : memref<8192xf32, #tpu.memory_space<vmem>>[vector<16xi32>], vector<16xf32>,
      } {sc.loop_unroll_factor = 1 : i64, sc.parallel_access}
      %mul3A_193 = arith.constant 245 : i32
      %mul3A_194 = arith.muli %add3A, %mul3A_193 : i32
      %add3A_195 = arith.addi %mul3A_194, %add3A_159 : i32
      %min3A_196 = arith.constant 7812 : i32
      %min3A_197 = arith.minsi %add3A_195, %min3A_196 : i32
      %mul3A_198 = arith.constant 8192 : i32
      %mul3A_199 = arith.muli %min3A_197, %mul3A_198 : i32
      %dma_start3A_200 = arith.constant 1 : i32
      %dma_start3A_201 = tpu.memref_slice %arg3[%mul3A_199] : memref<64004096xf32, #tpu.memory_space<hbm>> -> memref<8192xf32, #tpu.memory_space<hbm>>
      %dma_start3A_202 = tpu.memref_slice %arg9[%dma_start3A_200] : memref<2x!tpu.dma_semaphore, #tpu.memory_space<semaphore_mem>> -> memref<1x!tpu.dma_semaphore, #tpu.memory_space<semaphore_mem>>
      %dma_start3A_203 = tpu.memref_squeeze %dma_start3A_202 : memref<1x!tpu.dma_semaphore, #tpu.memory_space<semaphore_mem>> -> memref<!tpu.dma_semaphore, #tpu.memory_space<semaphore_mem>>
      %dma_start3A_204 = tpu.memref_slice %arg3[%mul3A_199] : memref<64004096xf32, #tpu.memory_space<hbm>> -> memref<8192xf32, #tpu.memory_space<hbm>>
      tpu.enqueue_dma source(%arg7 : memref<8192xf32, #tpu.memory_space<vmem>>) target(%dma_start3A_204 : memref<8192xf32, #tpu.memory_space<hbm>>) target_semaphore(%dma_start3A_203 : memref<!tpu.dma_semaphore, #tpu.memory_space<semaphore_mem>>)
      %scan3A_205 = arith.constant 0 : i32
      scf.yield %scan3A_205 : i32
    }
    %scan3A_65 = arith.constant 122 : i32
    %dma_wait3A = arith.constant 0 : i32
    %dma_wait3A_66 = arith.constant 0 : i32
    %dma_wait3A_67 = arith.constant 0 : i32
    %dma_wait3A_68 = tpu.memref_slice %arg2[%dma_wait3A_66, %dma_wait3A_67] : memref<64x1000002xf32, #tpu.memory_space<hbm>> -> memref<64x128xf32, #tpu.memory_space<hbm>>
    %dma_wait3A_69 = tpu.memref_slice %arg8[%dma_wait3A] : memref<2x!tpu.dma_semaphore, #tpu.memory_space<semaphore_mem>> -> memref<1x!tpu.dma_semaphore, #tpu.memory_space<semaphore_mem>>
    %dma_wait3A_70 = tpu.memref_squeeze %dma_wait3A_69 : memref<1x!tpu.dma_semaphore, #tpu.memory_space<semaphore_mem>> -> memref<!tpu.dma_semaphore, #tpu.memory_space<semaphore_mem>>
    %dma_wait3A_71 = arith.constant 0 : i32
    %dma_wait3A_72 = arith.constant 0 : i32
    %dma_wait3A_73 = tpu.memref_slice %arg2[%dma_wait3A_71, %dma_wait3A_72] : memref<64x1000002xf32, #tpu.memory_space<hbm>> -> memref<64x128xf32, #tpu.memory_space<hbm>>
    tpu.wait_dma2 semaphore(%dma_wait3A_70 : memref<!tpu.dma_semaphore, #tpu.memory_space<semaphore_mem>>) src(%dma_wait3A_73 : memref<64x128xf32, #tpu.memory_space<hbm>>) dst(%arg4 : memref<64x128xf32, #tpu.memory_space<vmem>>)
    %dma_wait3A_74 = arith.constant 0 : i32
    %dma_wait3A_75 = arith.constant 0 : i32
    %dma_wait3A_76 = tpu.memref_slice %arg3[%dma_wait3A_75] : memref<64004096xf32, #tpu.memory_space<hbm>> -> memref<8192xf32, #tpu.memory_space<hbm>>
    %dma_wait3A_77 = tpu.memref_slice %arg9[%dma_wait3A_74] : memref<2x!tpu.dma_semaphore, #tpu.memory_space<semaphore_mem>> -> memref<1x!tpu.dma_semaphore, #tpu.memory_space<semaphore_mem>>
    %dma_wait3A_78 = tpu.memref_squeeze %dma_wait3A_77 : memref<1x!tpu.dma_semaphore, #tpu.memory_space<semaphore_mem>> -> memref<!tpu.dma_semaphore, #tpu.memory_space<semaphore_mem>>
    %dma_wait3A_79 = arith.constant 0 : i32
    %dma_wait3A_80 = tpu.memref_slice %arg3[%dma_wait3A_79] : memref<64004096xf32, #tpu.memory_space<hbm>> -> memref<8192xf32, #tpu.memory_space<hbm>>
    tpu.wait_dma2 semaphore(%dma_wait3A_78 : memref<!tpu.dma_semaphore, #tpu.memory_space<semaphore_mem>>) src(%arg6 : memref<8192xf32, #tpu.memory_space<vmem>>) dst(%dma_wait3A_80 : memref<8192xf32, #tpu.memory_space<hbm>>)
    %parallel_loop3A = arith.constant 0 : i32
    %parallel_loop3A_81 = arith.constant 64 : i32
    %parallel_loop3A_82 = arith.constant 1 : i32
    scf.for %parallel_loop3A_110 = %parallel_loop3A to %parallel_loop3A_81 step %parallel_loop3A_82  : i32 {
      %parallel_loop3A_111 = vector.broadcast %parallel_loop3A_110 : i32 to vector<16xi32>
      %parallel_loop3A_112 = arith.addi %iota3A, %parallel_loop3A_111 : vector<16xi32>
      %parallel_loop3A_113 = arith.constant 63 : i32
      %parallel_loop3A_114 = vector.broadcast %parallel_loop3A_113 : i32 to vector<16xi32>
      %parallel_loop3A_115 = arith.andi %parallel_loop3A_112, %parallel_loop3A_114 : vector<16xi32>
      %parallel_loop3A_116 = tpu.vector_load_idx %arg4[%parallel_loop3A_115, %add3A_2] : memref<64x128xf32, #tpu.memory_space<vmem>>[vector<16xi32>, vector<16xi32>], vector<16xf32>,
      %parallel_loop3A_117 = arith.addi %shift_left3A_25, %parallel_loop3A_115 : vector<16xi32>
      tpu.vector_store_idx %arg6[%parallel_loop3A_117], %parallel_loop3A_116 : memref<8192xf32, #tpu.memory_space<vmem>>[vector<16xi32>], vector<16xf32>,
      %parallel_loop3A_118 = tpu.vector_load_idx %arg4[%parallel_loop3A_115, %add3A_5] : memref<64x128xf32, #tpu.memory_space<vmem>>[vector<16xi32>, vector<16xi32>], vector<16xf32>,
      %parallel_loop3A_119 = arith.addi %shift_left3A_28, %parallel_loop3A_115 : vector<16xi32>
      tpu.vector_store_idx %arg6[%parallel_loop3A_119], %parallel_loop3A_118 : memref<8192xf32, #tpu.memory_space<vmem>>[vector<16xi32>], vector<16xf32>,
      %parallel_loop3A_120 = tpu.vector_load_idx %arg4[%parallel_loop3A_115, %add3A_8] : memref<64x128xf32, #tpu.memory_space<vmem>>[vector<16xi32>, vector<16xi32>], vector<16xf32>,
      %parallel_loop3A_121 = arith.addi %shift_left3A_31, %parallel_loop3A_115 : vector<16xi32>
      tpu.vector_store_idx %arg6[%parallel_loop3A_121], %parallel_loop3A_120 : memref<8192xf32, #tpu.memory_space<vmem>>[vector<16xi32>], vector<16xf32>,
      %parallel_loop3A_122 = tpu.vector_load_idx %arg4[%parallel_loop3A_115, %add3A_11] : memref<64x128xf32, #tpu.memory_space<vmem>>[vector<16xi32>, vector<16xi32>], vector<16xf32>,
      %parallel_loop3A_123 = arith.addi %shift_left3A_34, %parallel_loop3A_115 : vector<16xi32>
      tpu.vector_store_idx %arg6[%parallel_loop3A_123], %parallel_loop3A_122 : memref<8192xf32, #tpu.memory_space<vmem>>[vector<16xi32>], vector<16xf32>,
      %parallel_loop3A_124 = tpu.vector_load_idx %arg4[%parallel_loop3A_115, %add3A_14] : memref<64x128xf32, #tpu.memory_space<vmem>>[vector<16xi32>, vector<16xi32>], vector<16xf32>,
      %parallel_loop3A_125 = arith.addi %shift_left3A_37, %parallel_loop3A_115 : vector<16xi32>
      tpu.vector_store_idx %arg6[%parallel_loop3A_125], %parallel_loop3A_124 : memref<8192xf32, #tpu.memory_space<vmem>>[vector<16xi32>], vector<16xf32>,
      %parallel_loop3A_126 = tpu.vector_load_idx %arg4[%parallel_loop3A_115, %add3A_17] : memref<64x128xf32, #tpu.memory_space<vmem>>[vector<16xi32>, vector<16xi32>], vector<16xf32>,
      %parallel_loop3A_127 = arith.addi %shift_left3A_40, %parallel_loop3A_115 : vector<16xi32>
      tpu.vector_store_idx %arg6[%parallel_loop3A_127], %parallel_loop3A_126 : memref<8192xf32, #tpu.memory_space<vmem>>[vector<16xi32>], vector<16xf32>,
      %parallel_loop3A_128 = tpu.vector_load_idx %arg4[%parallel_loop3A_115, %add3A_20] : memref<64x128xf32, #tpu.memory_space<vmem>>[vector<16xi32>, vector<16xi32>], vector<16xf32>,
      %parallel_loop3A_129 = arith.addi %shift_left3A_43, %parallel_loop3A_115 : vector<16xi32>
      tpu.vector_store_idx %arg6[%parallel_loop3A_129], %parallel_loop3A_128 : memref<8192xf32, #tpu.memory_space<vmem>>[vector<16xi32>], vector<16xf32>,
      %parallel_loop3A_130 = tpu.vector_load_idx %arg4[%parallel_loop3A_115, %add3A_23] : memref<64x128xf32, #tpu.memory_space<vmem>>[vector<16xi32>, vector<16xi32>], vector<16xf32>,
      %parallel_loop3A_131 = arith.addi %shift_left3A_46, %parallel_loop3A_115 : vector<16xi32>
      tpu.vector_store_idx %arg6[%parallel_loop3A_131], %parallel_loop3A_130 : memref<8192xf32, #tpu.memory_space<vmem>>[vector<16xi32>], vector<16xf32>,
    } {sc.loop_unroll_factor = 1 : i64, sc.parallel_access}
    %mul3A_83 = arith.constant 245 : i32
    %mul3A_84 = arith.muli %add3A, %mul3A_83 : i32
    %add3A_85 = arith.constant 244 : i32
    %add3A_86 = arith.addi %mul3A_84, %add3A_85 : i32
    %min3A_87 = arith.constant 7812 : i32
    %min3A_88 = arith.minsi %add3A_86, %min3A_87 : i32
    %mul3A_89 = arith.constant 8192 : i32
    %mul3A_90 = arith.muli %min3A_88, %mul3A_89 : i32
    %dma_start3A_91 = arith.constant 0 : i32
    %dma_start3A_92 = tpu.memref_slice %arg3[%mul3A_90] : memref<64004096xf32, #tpu.memory_space<hbm>> -> memref<8192xf32, #tpu.memory_space<hbm>>
    %dma_start3A_93 = tpu.memref_slice %arg9[%dma_start3A_91] : memref<2x!tpu.dma_semaphore, #tpu.memory_space<semaphore_mem>> -> memref<1x!tpu.dma_semaphore, #tpu.memory_space<semaphore_mem>>
    %dma_start3A_94 = tpu.memref_squeeze %dma_start3A_93 : memref<1x!tpu.dma_semaphore, #tpu.memory_space<semaphore_mem>> -> memref<!tpu.dma_semaphore, #tpu.memory_space<semaphore_mem>>
    %dma_start3A_95 = tpu.memref_slice %arg3[%mul3A_90] : memref<64004096xf32, #tpu.memory_space<hbm>> -> memref<8192xf32, #tpu.memory_space<hbm>>
    tpu.enqueue_dma source(%arg6 : memref<8192xf32, #tpu.memory_space<vmem>>) target(%dma_start3A_95 : memref<8192xf32, #tpu.memory_space<hbm>>) target_semaphore(%dma_start3A_94 : memref<!tpu.dma_semaphore, #tpu.memory_space<semaphore_mem>>)
    %dma_wait3A_96 = arith.constant 0 : i32
    %dma_wait3A_97 = arith.constant 0 : i32
    %dma_wait3A_98 = tpu.memref_slice %arg3[%dma_wait3A_97] : memref<64004096xf32, #tpu.memory_space<hbm>> -> memref<8192xf32, #tpu.memory_space<hbm>>
    %dma_wait3A_99 = tpu.memref_slice %arg9[%dma_wait3A_96] : memref<2x!tpu.dma_semaphore, #tpu.memory_space<semaphore_mem>> -> memref<1x!tpu.dma_semaphore, #tpu.memory_space<semaphore_mem>>
    %dma_wait3A_100 = tpu.memref_squeeze %dma_wait3A_99 : memref<1x!tpu.dma_semaphore, #tpu.memory_space<semaphore_mem>> -> memref<!tpu.dma_semaphore, #tpu.memory_space<semaphore_mem>>
    %dma_wait3A_101 = arith.constant 0 : i32
    %dma_wait3A_102 = tpu.memref_slice %arg3[%dma_wait3A_101] : memref<64004096xf32, #tpu.memory_space<hbm>> -> memref<8192xf32, #tpu.memory_space<hbm>>
    tpu.wait_dma2 semaphore(%dma_wait3A_100 : memref<!tpu.dma_semaphore, #tpu.memory_space<semaphore_mem>>) src(%arg6 : memref<8192xf32, #tpu.memory_space<vmem>>) dst(%dma_wait3A_102 : memref<8192xf32, #tpu.memory_space<hbm>>)
    %dma_wait3A_103 = arith.constant 1 : i32
    %dma_wait3A_104 = arith.constant 0 : i32
    %dma_wait3A_105 = tpu.memref_slice %arg3[%dma_wait3A_104] : memref<64004096xf32, #tpu.memory_space<hbm>> -> memref<8192xf32, #tpu.memory_space<hbm>>
    %dma_wait3A_106 = tpu.memref_slice %arg9[%dma_wait3A_103] : memref<2x!tpu.dma_semaphore, #tpu.memory_space<semaphore_mem>> -> memref<1x!tpu.dma_semaphore, #tpu.memory_space<semaphore_mem>>
    %dma_wait3A_107 = tpu.memref_squeeze %dma_wait3A_106 : memref<1x!tpu.dma_semaphore, #tpu.memory_space<semaphore_mem>> -> memref<!tpu.dma_semaphore, #tpu.memory_space<semaphore_mem>>
    %dma_wait3A_108 = arith.constant 0 : i32
    %dma_wait3A_109 = tpu.memref_slice %arg3[%dma_wait3A_108] : memref<64004096xf32, #tpu.memory_space<hbm>> -> memref<8192xf32, #tpu.memory_space<hbm>>
    tpu.wait_dma2 semaphore(%dma_wait3A_107 : memref<!tpu.dma_semaphore, #tpu.memory_space<semaphore_mem>>) src(%arg7 : memref<8192xf32, #tpu.memory_space<vmem>>) dst(%dma_wait3A_109 : memref<8192xf32, #tpu.memory_space<hbm>>)
    return
  }
}

</mosaic_0001>

<sc_bundles>
// kernel: kernel.4.cloned.1.call-start
scs
__scs_entry_jumppad:
0x0: {  	(pc) =	sbr.rel $0x88, $3  }
0x1: {  	(tag) =	ssettag $0x0;
	lr =	simm.s32 $0x1  }
0x2: {  	[smem:$0x3F9F] =	sst lr;
	_ =	strace $0xD0000000  }
0x3: {  	_ = 	snop  }
0x4: {  	_ = 	snop  }
0x5: {  	_ = 	snop  }
0x6: {  	_ = 	snop  }
0x7: {  	_ = 	snop  }
__scs_overlays_trampoline_lowered:
0x8: {  	[smem:$0x3FAE] =	sst s0  }
0x9: {  	[smem:$0x3FAF] =	sst s1  }
0xa: {  	[smem:$0x3FB0] =	sst s2  }
0xb: {  	[smem:$0x3FB1] =	sst s3  }
0xc: {  	[smem:$0x3FB2] =	sst s4  }
0xd: {  	[smem:$0x3FB3] =	sst s5  }
0xe: {  	[smem:$0x3FB4] =	sst s6  }
0xf: {  	[smem:$0x3FB5] =	sst s7  }
0x10: {  	[smem:$0x3FB6] =	sst s8  }
0x11: {  	[smem:$0x3FB7] =	sst s9;
	s0 =	simm.s32 @!p0 $0x0  }
0x12: {  	s1 =	sld [smem:$0x3F9D];
	s0 =	simm.s32 @p0 $0x1  }
0x13: {  	[smem:$0x3FB8] =	sst s0;
	s0 =	simm.s32 @!p1 $0x0  }
0x14: {  	s2 =	sld [smem:$0x3F9C];
	s0 =	simm.s32 @p1 $0x1  }
0x15: {  	[smem:$0x3FB9] =	sst s0;
	s0 =	simm.s32 @!p2 $0x0  }
0x16: {  	s3 =	sld [smem:$0x3FDB];
	s0 =	simm.s32 @p2 $0x1  }
0x17: {  	s4 =	simm.s32 $0x1BF5;
	[smem:$0x3FBB] =	sst s0  }
0x18: {  	s0 =	sld [smem:$0x3F9E];
	_ =	swait.ge [sflag:s4], $0x0  }
0x19: {  	s7 =	sld [smem:$0x3F9F]  }
0x1a: {  	s8 =	sadd.s32 $0xFFFFE003, lr  }
0x1b: {  	s9 =	sadd.s32 $0xFFFFFEF7, lr;
	s5 =	simm.s32 $0xFFFFFFFF;
	p2 =	slt.u32 s8, $0xFFFFF086  }
0x1c: {  	p1 =	slt.u32 s9, $0xF7A;
	s5 =	simm.s32 @!p2 $0x0  }
0x1d: {  	s5 =	simm.s32 @p1 $0x1;
	p0 =	seq.s32 s7, s2  }
0x1e: {  	s7 =	smul.u32 @!p0 $0xF7A, s2;
	p2 =	seq.s32 @!p0 s5, $0x0  }
0x1f: {  	s9 =	smul.u32 $0xF7A, s1;
	s8 =	simm.s32 @!p0 $0x1BF5;
	p2 =	por !p2, p0  }
0x20: {  	[sflag:s8] =	ssyncset.s32 @!p0 $0xFFFFF086;
	s6 =	sadd.s32 @!p0 s3, s7;
	s7 =	simm.s32 @!p0 $0x108  }
0x21: {  	s3 =	sadd.s32 s3, s9;
	s6 =	sadd.s32 @!p0 $0x88, s6;
	s7 =	simm.s32 @p2 $0x1082  }
0x22: {  	[simem:s7], [sflag:s8] =	dma.local @!p0 [hbm:s6], $0xF7A  }
0x23: {  	s9 =	sor.u32 $0xD0000000, s2;
	s6 =	simm.s32 $0x108;
	_ =	swait.ge @!p0 [sflag:s8], $0x0  }
0x24: {  	s3 =	sadd.s32 $0x88, s3;
	s6 =	simm.s32 @!p1 $0x1082;
	[sflag:s4] =	ssyncset.s32 $0xFFFFF086  }
0x25: {  	[simem:s6], [sflag:s4] =	dma.local [hbm:s3], $0xF7A  }
0x26: {  	[smem:$0x3F9F] =	sst s1;
	(tag) =	ssettag s2;
	_ =	strace s9  }
0x27: {  	s1 =	sld [smem:$0x3FAF]  }
0x28: {  	s2 =	sld [smem:$0x3FB0]  }
0x29: {  	s4 =	sld [smem:$0x3FB2]  }
0x2a: {  	p0 =	seq.s32 s5, $0x0;
	s5 =	sld [smem:$0x3FB3]  }
0x2b: {  	s6 =	sld [smem:$0x3FB4]  }
0x2c: {  	s7 =	sld [smem:$0x3FB5]  }
0x2d: {  	s3 =	simm.s32 $0x108;
	s8 =	sld [smem:$0x3FB6]  }
0x2e: {  	s3 =	simm.s32 @!p0 $0x1082;
	s9 =	sld [smem:$0x3FB7]  }
0x2f: {  	lr =	sadd.s32 s0, s3;
	s0 =	sld [smem:$0x3FAE]  }
0x30: {  	s3 =	sld [smem:$0x3FB1]  }
0x31: {  	[smem:$0x3FBA] =	sst s10  }
0x32: {  	s10 =	sld [smem:$0x3FB8];
	_ =	sdelay $0x3  }
0x33: {  	p0 =	seq.s32 s10, $0x1;
	s10 =	sld [smem:$0x3FBA];
	_ =	sdelay $0x3  }
0x34: {  	[smem:$0x3FBA] =	sst s10  }
0x35: {  	s10 =	sld [smem:$0x3FB9];
	_ =	sdelay $0x3  }
0x36: {  	p1 =	seq.s32 s10, $0x1;
	s10 =	sld [smem:$0x3FBA];
	_ =	sdelay $0x3  }
0x37: {  	[smem:$0x3FBA] =	sst s10  }
0x38: {  	s10 =	sld [smem:$0x3FBB]  }
0x39: {  	_ = 	snop;
	(pc) =	sbr.ind lr, $3  }
0x3a: {  	_ = 	snop  }
0x3b: {  	_ = 	snop  }
0x3c: {  	p2 =	seq.s32 s10, $0x1;
	s10 =	sld [smem:$0x3FBA]  }
0x3d: {  	_ =	shalt  }
0x3e: {  	_ =	shalt  }
0x3f: {  	_ =	shalt  }
0x40: {  	_ =	shalt  }
0x41: {  	_ =	shalt  }
0x42: {  	_ =	shalt  }
0x43: {  	_ =	shalt  }
0x44: {  	_ =	shalt  }
0x45: {  	_ =	shalt  }
0x46: {  	_ =	shalt  }
0x47: {  	_ =	shalt  }
0x48: {  	_ =	shalt  }
0x49: {  	_ =	shalt  }
0x4a: {  	_ =	shalt  }
0x4b: {  	_ =	shalt  }
0x4c: {  	_ =	shalt  }
0x4d: {  	_ =	shalt  }
0x4e: {  	_ =	shalt  }
0x4f: {  	_ =	shalt  }
0x50: {  	_ =	shalt  }
0x51: {  	_ =	shalt  }
0x52: {  	_ =	shalt  }
0x53: {  	_ =	shalt  }
0x54: {  	_ =	shalt  }
0x55: {  	_ =	shalt  }
0x56: {  	_ =	shalt  }
0x57: {  	_ =	shalt  }
0x58: {  	_ =	shalt  }
0x59: {  	_ =	shalt  }
0x5a: {  	_ =	shalt  }
0x5b: {  	_ =	shalt  }
0x5c: {  	_ =	shalt  }
0x5d: {  	_ =	shalt  }
0x5e: {  	_ =	shalt  }
0x5f: {  	_ =	shalt  }
0x60: {  	_ =	shalt  }
0x61: {  	_ =	shalt  }
0x62: {  	_ =	shalt  }
0x63: {  	_ =	shalt  }
0x64: {  	_ =	shalt  }
0x65: {  	_ =	shalt  }
0x66: {  	_ =	shalt  }
0x67: {  	_ =	shalt  }
0x68: {  	_ =	shalt  }
0x69: {  	_ =	shalt  }
0x6a: {  	_ =	shalt  }
0x6b: {  	_ =	shalt  }
0x6c: {  	_ =	shalt  }
0x6d: {  	_ =	shalt  }
0x6e: {  	_ =	shalt  }
0x6f: {  	_ =	shalt  }
0x70: {  	_ =	shalt  }
0x71: {  	_ =	shalt  }
0x72: {  	_ =	shalt  }
0x73: {  	_ =	shalt  }
0x74: {  	_ =	shalt  }
0x75: {  	_ =	shalt  }
0x76: {  	_ =	shalt  }
0x77: {  	_ =	shalt  }
0x78: {  	_ =	shalt  }
0x79: {  	_ =	shalt  }
0x7a: {  	_ =	shalt  }
0x7b: {  	_ =	shalt  }
0x7c: {  	_ =	shalt  }
0x7d: {  	_ =	shalt  }
0x7e: {  	_ =	shalt  }
0x7f: {  	_ =	shalt  }
0x80: {  	_ =	shalt  }
0x81: {  	_ =	shalt  }
0x82: {  	_ =	shalt  }
0x83: {  	_ =	shalt  }
0x84: {  	_ =	shalt  }
0x85: {  	_ =	shalt  }
0x86: {  	_ =	shalt  }
0x87: {  	_ =	shalt  }
.Lfunc_end0:
.L_simem_size_0:
called_computation_lowered:
.L_overlay_start_0:
0x88: {  	s2 =	sld [smem:$0x3FD9]  }
0x89: {  	s3 =	sld [smem:$0x3FFE];
	_ =	sdelay $0x1  }
0x8a: {  	s1 =	srdreg.scid  }
0x8b: {  	s0 =	sand.u32 $0x1, s1  }
0x8c: {  	s17 =	sshll.u32 s0, $0xA;
	s2 =	sadd.s32 s3, s2  }
0x8d: {  	s2 =	sadd.s32 s2, s17  }
0x8e: {  	[smem:$0x3FC6] =	sst s2  }
0x8f: {  	_ = 	snop  }
0x90: {  	s2 =	sld [smem:$0x3FC8];
	(tm) =	ssettm $0x1  }
0x91: {  	s18 =	sld [smem:$0x3FFB];
	_ =	sdelay $0x3  }
0x92: {  	_ =	strace s18  }
0x93: {  	s3 =	sld [smem:$0x3FFC];
	_ =	sdelay $0x3  }
0x94: {  	_ =	strace s3  }
0x95: {  	s3 =	sld [smem:$0x3FFD];
	_ =	sdelay $0x3  }
0x96: {  	_ =	strace s3  }
0x97: {  	_ =	strace $0x8FFFFFFF  }
0x98: {  	s19 =	sld [smem:$0x3FDB];
	_ =	sdelay $0x1  }
0x99: {  	s4 =	simm.s32 $_scs_section_size  }
0x9a: {  	s5 =	simm.s32 $_size__tile_overlayer_lowered;
	s6 =	simm.s32 $_tile_overlayer_lowered  }
0x9b: {  	s22 =	simm.s32 $0x1BFF;
	s21 =	sshll.u32 s6, $0x1;
	s3 =	sadd.s32 s4, s19  }
0x9c: {  	s7 =	simm.s32 $0x0;
	s20 =	sshll.u32 s5, $0x1;
	s5 =	sadd.s32 s21, s3  }
0x9d: {  	[timem:s7], [sflag:s22] =	dma.local [hbm:s5], s20  }
0x9e: {  	_ =	swait.ge [sflag:s22], s20  }
0x9f: {  	s4 =	ssub.s32 $0x0, s20;
	[sflag:s22] =	ssyncset.done $0x0  }
0xa0: {  	[sflag:s22] =	ssyncadd.s32 s4;
	_ =	sdelay $0x1  }
0xa1: {  	s23 =	simm.s32 $0x1B8B  }
0xa2: {  	_ =	swait.ge [sflag:s23], $0x1  }
0xa3: {  	[sflag:s23] =	ssyncset.done $0x0  }
0xa4: {  	s25 =	simm.s32 $0x1B8E;
	s24 =	sld [smem:$0x3FFE];
	[sflag:s23] =	ssyncadd.s32 $0xFFFFFFFF  }
0xa5: {  	s26 =	simm.s32 $execute0_lowered;
	[smem:$0x3FD2] =	sst s25  }
0xa6: {  	s5 =	sshll.u32 s26, $0x1;
	_ =	strace $0x80000046;
	[dreg:$0x1] =	wrdreg $0xFFFFFFFF  }
0xa7: {  	s28 =	simm.s32 $_size_execute0_lowered;
	s3 =	sadd.s32 s3, s5;
	[dreg:$0x0] =	wrdreg $0x0  }
0xa8: {  	s5 =	sshll.u32 s28, $0x1;
	[dreg:$0x2] =	wrdreg s3  }
0xa9: {  	[dreg:$0x3] =	wrdreg s5  }
0xaa: {  	[dreg:$0x4] =	wrdreg $0xC0  }
0xab: {  	_ =	task [dreg:s7], $0x5FFFF  }
0xac: {  	[dreg:$0x1] =	wrdreg $0xFFFFFFFF  }
0xad: {  	[dreg:$0x0] =	wrdreg $0x60  }
0xae: {  	[dreg:$0x2] =	wrdreg s2  }
0xaf: {  	[dreg:$0x3] =	wrdreg s24  }
0xb0: {  	[dreg:$0x4] =	wrdreg $0x9  }
0xb1: {  	_ =	task.clear_ibuf [dreg:s7], $0x5FFFF;
	_ =	strace $0x90000046  }
0xb2: {  	s29 =	simm.s32 $0x9;
	_ =	strace $0x80000048  }
0xb3: {  	_ =	swait.ge [sflag:s29], $0x1  }
0xb4: {  	[sflag:s29] =	ssyncadd.s32 $0xFFFFFFFF  }
0xb5: {  	_ =	strace $0x90000048  }
0xb6: {  	_ =	sfence  }
0xb7: {  	s30 =	sld [smem:$0x0];
	_ =	sdelay $0x2  }
0xb8: {  	s31 =	sshll.u32 s1, $0xD;
	s1 =	sshrl.u32 s1, $0x2  }
0xb9: {  	s3 =	sand.u32 $0x4000, s31;
	s1 =	sadd.s32 s1, s30  }
0xba: {  	s0 =	sor.u32 s3, s0;
	s1 =	sshll.u32 s1, $0x11  }
0xbb: {  	s0 =	sor.u32 s1, s0  }
0xbc: {  	s0 =	sadd.s32 $0x8F2B, s0  }
0xbd: {  	[sflag:s0] =	ssyncadd.remote.s32 $0x1  }
0xbe: {  	_ =	sfence.sel $0xFFFF  }
0xbf: {  	[dreg:$0x0] =	wrdreg $0xFFFFFFFF;
	(pc) =	sbr.abs _section_cstart, $3  }
0xc0: {  	[dreg:$0x1] =	wrdreg $0xFFFFFFFF  }
0xc1: {  	_ =	task.clear_ibuf [dreg:s7], $0x2FFFF;
	_ =	strace $0x9FFFFFFF  }
0xc2: {  	(tm) =	ssettm $0x7FFFFFFF  }
0xc3: {  	_ =	shalt  }
tec
execute0_lowered:
.L_overlay_start_1:
0x0: {  	(tag) =	ssettag $0x1  }
0x1: {  	s2 =	rddreg [dreg:$0x0]  }
0x2: {  	s1 =	srdreg.scid;
	s0 =	stileid.u32  }
0x3: {  	s5 =	rddreg [dreg:$0x1];
	s3 =	simm.s32 $0x0;
	s11 =	simm.s32 $0x400  }
0x4: {  	s12 =	simm.s32 $0x7A1400;
	s13 =	simm.s32 $0x2000;
	s14 =	simm.s32 $0x1  }
0x5: {  	s15 =	simm.s32 $0x4000;
	s16 =	simm.s32 $0x2;
	s17 =	simm.s32 $0x6000  }
0x6: {  	s18 =	simm.s32 $0x3;
	s6 =	sand.u32 $0x1, s1;
	s4 =	sshll.u32 s0, $0x1  }
0x7: {  	s19 =	simm.s32 $0x4;
	s20 =	simm.s32 $0x0;
	s7 =	sor.u32 s6, s4  }
0x8: {  	v0 =	vlaneseq.u32;
	s25 =	simm.s32 $0x0;
	s1 =	rddreg [dreg:$0x2];
	s4 =	smul.u32 $0xF5, s7  }
0x9: {  	[smem:$0x7FF] =	sst s3;
	s5 =	sadd.s32 $0xA00, s5;
	v1 =	vmul.u32 $0x40, v0;
	v2 =	vor.u32 $0x10, v0;
	v4 =	vor.u32 $0x20, v0;
	s6 =	ssub.s32 $0x2, s6  }
0xa: {  	v6 =	vor.u32 $0x30, v0;
	v8 =	vor.u32 $0x40, v0;
	v10 =	vor.u32 $0x50, v0;
	s7 =	smul.u32 $0x7A80, s7;
	s8 =	sshrl.u32 s6, $0x1;
	s9 =	smin.u32 s4, $0x1D90  }
0xb: {  	v12 =	vor.u32 $0x60, v0;
	v14 =	vor.u32 $0x70, v0;
	_ =	strace $0x80000047;
	v3 =	vor.u32 $0x400, v1;
	s10 =	ssub.s32 s6, s8;
	s9 =	sshll.u32 s9, $0xA  }
0xc: {  	v5 =	vor.u32 $0x800, v1;
	v7 =	vor.u32 $0xC00, v1;
	v9 =	vor.u32 $0x1000, v1;
	s6 =	sadd.s32 s2, s7;
	s7 =	sadd.s32 $0x1, s4;
	s9 =	sadd.s32 s9, s5  }
0xd: {  	v11 =	vor.u32 $0x1400, v1;
	v13 =	vor.u32 $0x1800, v1;
	v15 =	vor.u32 $0x1C00, v1;
	s8 =	sadd.s32 $0x2, s4;
	s10 =	smax.u32 s10, $0x1;
	s9 =	sadd.s32 $0x3D000, s9  }
.LBB2_1:
0xe: {  	[tilespmem:s3], [sflag:$0x1] =	stream.strided.gather [hbm4b:s6+s11], $0x2000, s12, s11, $0x38;
	[tilespmem:$0x8000] =	vst v63  }
0xf: {  	s21 =	simm.s32 $0x0  }
.LBB2_2:
0x10: {  	s23 =	sshll.u32 s21, $0x1  }
0x11: {  	s22 =	sadd.s32 s23, s7  }
0x12: {  	s22 =	smin.u32 s22, $0x1E84  }
0x13: {  	s24 =	sshll.u32 s22, $0x7  }
0x14: {  	v16 =	vadd.s32 s25, v0;
	s24 =	sadd.s32 s2, s24  }
0x15: {  	v26 =	vand.u32 $0x3F, v16;
	[tilespmem:s13], [sflag:$0x2] =	stream.strided.gather [hbm4b:s24+s11], $0x2000, s12, s11, $0x38;
	[tilespmem:$0x8000] =	vst v63  }
0x16: {  	v27 =	vshll.u32 v26, $0x7;
	_ =	swait.ge [sflag:s14], $0x2000  }
0x17: {  	p0 =	seq.s32 s21, $0x0;
	v16 =	vor.u32 v0, v27;
	[sflag:s14] =	ssyncset.done $0x0  }
0x18: {  	s24 =	simm.s32 @!p0 $0x3;
	[sflag:s14] =	ssyncadd.s32 $0xFFFFE000  }
0x19: {  	_ =	swait.ge @!p0 [sflag:s24], $0x2000  }
0x1a: {  	[sflag:s24] =	ssyncset.done @!p0 $0x0  }
0x1b: {  	s31 =	simm.s32 $0x1;
	[sflag:s24] =	ssyncadd.s32 @!p0 $0xFFFFE000  }
0x1c: {  	v18 =	vor.u32 v1, v26;
	v17 =	vld.idx.msk [tilespmem:v16+s3+$0x0], $0xffff;
	v16 =	vadd.s32 s31, v0  }
0x1d: {  	v19 =	vor.u32 v2, v27;
	v16 =	vand.u32 $0x3F, v16  }
0x1e: {  	v20 =	vshll.u32 v16, $0x7  }
0x1f: {  	v21 =	vor.u32 v0, v20;
	_ =	sdelay $0x1  }
0x20: {  	[tilespmem:v18+s15+$0x0] =	vst.idx.msk $0xffff, v17  }
0x21: {  	v18 =	vld.idx.msk [tilespmem:v19+s3+$0x0], $0xffff;
	v19 =	vor.u32 v3, v26  }
0x22: {  	v22 =	vor.u32 v4, v27  }
0x23: {  	s26 =	simm.s32 $0x2;
	v23 =	vor.u32 v1, v16;
	v21 =	vld.idx.msk [tilespmem:v21+s3+$0x0], $0xffff  }
0x24: {  	v24 =	vor.u32 v2, v20;
	v17 =	vadd.s32 s26, v0  }
0x25: {  	v17 =	vand.u32 $0x3F, v17  }
0x26: {  	[tilespmem:v19+s15+$0x0] =	vst.idx.msk $0xffff, v18;
	v19 =	vshll.u32 v17, $0x7  }
0x27: {  	v25 =	vor.u32 v5, v26;
	v18 =	vld.idx.msk [tilespmem:v22+s3+$0x0], $0xffff;
	v22 =	vor.u32 v0, v19  }
0x28: {  	v28 =	vor.u32 v6, v27;
	[tilespmem:v23+s15+$0x0] =	vst.idx.msk $0xffff, v21  }
0x29: {  	v23 =	vld.idx.msk [tilespmem:v24+s3+$0x0], $0xffff;
	v24 =	vor.u32 v3, v16  }
0x2a: {  	v29 =	vor.u32 v4, v20  }
0x2b: {  	s28 =	simm.s32 $0x3  }
0x2c: {  	v22 =	vld.idx.msk [tilespmem:v22+s3+$0x0], $0xffff;
	[tilespmem:v25+s15+$0x0] =	vst.idx.msk $0xffff, v18;
	v25 =	vor.u32 v1, v17;
	v18 =	vadd.s32 s28, v0  }
0x2d: {  	v31 =	vor.u32 v7, v26;
	v30 =	vor.u32 v2, v19;
	v28 =	vld.idx.msk [tilespmem:v28+s3+$0x0], $0xffff;
	v18 =	vand.u32 $0x3F, v18  }
0x2e: {  	v32 =	vor.u32 v8, v27;
	v21 =	vshll.u32 v18, $0x7;
	[tilespmem:v24+s15+$0x0] =	vst.idx.msk $0xffff, v23  }
0x2f: {  	v23 =	vor.u32 v0, v21;
	v24 =	vld.idx.msk [tilespmem:v29+s3+$0x0], $0xffff;
	v29 =	vor.u32 v5, v16;
	_ =	sdelay $0x1  }
0x30: {  	[tilespmem:v25+s15+$0x0] =	vst.idx.msk $0xffff, v22;
	v22 =	vor.u32 v6, v20  }
0x31: {  	v25 =	vld.idx.msk [tilespmem:v30+s3+$0x0], $0xffff;
	[tilespmem:v31+s15+$0x0] =	vst.idx.msk $0xffff, v28;
	v28 =	vor.u32 v3, v17  }
0x32: {  	v55 =	vor.u32 v9, v26;
	v31 =	vor.u32 v4, v19;
	v30 =	vld.idx.msk [tilespmem:v32+s3+$0x0], $0xffff  }
0x33: {  	s29 =	simm.s32 $0x4;
	v33 =	vld.idx.msk [tilespmem:v23+s3+$0x0], $0xffff;
	[tilespmem:v29+s15+$0x0] =	vst.idx.msk $0xffff, v24;
	v24 =	vor.u32 v10, v27;
	v29 =	vor.u32 v1, v18  }
0x34: {  	v23 =	vadd.s32 s29, v0  }
0x35: {  	v36 =	vor.u32 v7, v16;
	v35 =	vor.u32 v2, v21;
	v34 =	vld.idx.msk [tilespmem:v22+s3+$0x0], $0xffff;
	v22 =	vand.u32 $0x3F, v23  }
0x36: {  	[tilespmem:v28+s15+$0x0] =	vst.idx.msk $0xffff, v25;
	v25 =	vor.u32 v8, v20;
	v23 =	vshll.u32 v22, $0x7  }
0x37: {  	v37 =	vor.u32 v5, v17;
	v28 =	vld.idx.msk [tilespmem:v31+s3+$0x0], $0xffff;
	v31 =	vor.u32 v0, v23;
	[tilespmem:v55+s15+$0x0] =	vst.idx.msk $0xffff, v30  }
0x38: {  	v30 =	vor.u32 v6, v19;
	v24 =	vld.idx.msk [tilespmem:v24+s3+$0x0], $0xffff;
	[tilespmem:v29+s15+$0x0] =	vst.idx.msk $0xffff, v33;
	v29 =	vor.u32 v11, v26  }
0x39: {  	v57 =	vor.u32 v12, v27  }
0x3a: {  	v58 =	vor.u32 v3, v18;
	v56 =	vld.idx.msk [tilespmem:v35+s3+$0x0], $0xffff;
	[tilespmem:v36+s15+$0x0] =	vst.idx.msk $0xffff, v34  }
0x3b: {  	v38 =	vor.u32 v9, v16;
	v39 =	vor.u32 v7, v17;
	v60 =	vor.u32 v4, v21;
	v59 =	vld.idx.msk [tilespmem:v25+s3+$0x0], $0xffff  }
0x3c: {  	s30 =	simm.s32 $0x5;
	v61 =	vor.u32 v1, v22;
	v31 =	vld.idx.msk [tilespmem:v31+s3+$0x0], $0xffff;
	[tilespmem:v37+s15+$0x0] =	vst.idx.msk $0xffff, v28;
	v28 =	vor.u32 v10, v20  }
0x3d: {  	v30 =	vld.idx.msk [tilespmem:v30+s3+$0x0], $0xffff;
	[tilespmem:v29+s15+$0x0] =	vst.idx.msk $0xffff, v24;
	v24 =	vadd.s32 s30, v0;
	v29 =	vor.u32 v2, v23  }
0x3e: {  	v42 =	vor.u32 v13, v26;
	v41 =	vor.u32 v8, v19;
	v40 =	vld.idx.msk [tilespmem:v57+s3+$0x0], $0xffff;
	v24 =	vand.u32 $0x3F, v24  }
0x3f: {  	v27 =	vor.u32 v14, v27;
	[tilespmem:v58+s15+$0x0] =	vst.idx.msk $0xffff, v56;
	v25 =	vshll.u32 v24, $0x7  }
0x40: {  	v63 =	vor.u32 v5, v18;
	v32 =	vld.idx.msk [tilespmem:v60+s3+$0x0], $0xffff;
	[tilespmem:v38+s15+$0x0] =	vst.idx.msk $0xffff, v59;
	v62 =	vor.u32 v0, v25  }
0x41: {  	v45 =	vor.u32 v11, v16;
	v44 =	vor.u32 v6, v21;
	v43 =	vld.idx.msk [tilespmem:v28+s3+$0x0], $0xffff;
	[tilespmem:v61+s15+$0x0] =	vst.idx.msk $0xffff, v31  }
0x42: {  	v46 =	vor.u32 v12, v20;
	v33 =	vld.idx.msk [tilespmem:v29+s3+$0x0], $0xffff;
	[tilespmem:v39+s15+$0x0] =	vst.idx.msk $0xffff, v30  }
0x43: {  	v35 =	vor.u32 v3, v22;
	v28 =	vld.idx.msk [tilespmem:v41+s3+$0x0], $0xffff;
	[tilespmem:v42+s15+$0x0] =	vst.idx.msk $0xffff, v40  }
0x44: {  	v36 =	vor.u32 v4, v23;
	v30 =	vor.u32 v9, v17;
	v27 =	vld.idx.msk [tilespmem:v27+s3+$0x0], $0xffff  }
0x45: {  	v31 =	vor.u32 v10, v19;
	v29 =	vor.u32 v15, v26;
	[tilespmem:v63+s15+$0x0] =	vst.idx.msk $0xffff, v32;
	v37 =	vld.idx.msk [tilespmem:v62+s3+$0x0], $0xffff  }
0x46: {  	s31 =	simm.s32 $0x6;
	v38 =	vor.u32 v1, v24;
	v32 =	vld.idx.msk [tilespmem:v44+s3+$0x0], $0xffff;
	[tilespmem:v45+s15+$0x0] =	vst.idx.msk $0xffff, v43  }
0x47: {  	s24 =	simm.s32 $0x7;
	v34 =	vor.u32 v7, v18;
	v39 =	vor.u32 v2, v25;
	v40 =	vadd.s32 s31, v0;
	v26 =	vld.idx.msk [tilespmem:v46+s3+$0x0], $0xffff  }
.LBB2_3:
0x48: {  	p1 =	sne.s32 s24, $0x3F;
	v40 =	vand.u32 $0x3F, v40;
	[tilespmem:v35+s15+$0x0] =	vst.idx.msk $0xffff, v33;
	v41 =	vor.u32 v8, v21;
	v42 =	vor.u32 v13, v16  }
0x49: {  	v45 =	vor.u32 v14, v20;
	v46 =	vmov v22;
	v43 =	vshll.u32 v40, $0x7;
	v44 =	vld.idx.msk [tilespmem:v36+s3+$0x0], $0xffff;
	[tilespmem:v30+s15+$0x0] =	vst.idx.msk $0xffff, v28  }
0x4a: {  	v48 =	vor.u32 v5, v46;
	v47 =	vor.u32 v0, v43;
	v49 =	vld.idx.msk [tilespmem:v31+s3+$0x0], $0xffff;
	[tilespmem:v29+s15+$0x0] =	vst.idx.msk $0xffff, v27  }
0x4b: {  	v50 =	vor.u32 v6, v23;
	v51 =	vor.u32 v11, v17;
	v22 =	vmov v24;
	[tilespmem:v38+s15+$0x0] =	vst.idx.msk $0xffff, v37  }
0x4c: {  	v52 =	vor.u32 v12, v19;
	v20 =	vmov v19;
	v24 =	vmov v40;
	v33 =	vld.idx.msk [tilespmem:v39+s3+$0x0], $0xffff;
	[tilespmem:v34+s15+$0x0] =	vst.idx.msk $0xffff, v32  }
.Ltmp0:
0x4d: {  	v19 =	vmov v21;
	v21 =	vmov v23;
	v35 =	vor.u32 v3, v22;
	v28 =	vld.idx.msk [tilespmem:v41+s3+$0x0], $0xffff;
	[tilespmem:v42+s15+$0x0] =	vst.idx.msk $0xffff, v26;
	(pc) =	sbr.rel @p1 .LBB2_3-.Ltmp0, $4  }
0x4e: {  	v23 =	vmovc v25;
	v36 =	vor.u32 v4, v25;
	v30 =	vor.u32 v9, v18;
	v25 =	vmov v43;
	v27 =	vld.idx.msk [tilespmem:v45+s3+$0x0], $0xffff  }
0x4f: {  	v31 =	vor.u32 v10, v19;
	v29 =	vor.u32 v15, v16;
	v37 =	vld.idx.msk [tilespmem:v47+s3+$0x0], $0xffff;
	[tilespmem:v48+s15+$0x0] =	vst.idx.msk $0xffff, v44  }
0x50: {  	v16 =	vmov v17;
	v17 =	vmov v18;
	v38 =	vor.u32 v1, v24;
	v32 =	vld.idx.msk [tilespmem:v50+s3+$0x0], $0xffff;
	[tilespmem:v51+s15+$0x0] =	vst.idx.msk $0xffff, v49  }
0x51: {  	v40 =	vadd.s32 s24, v0;
	s24 =	sadd.s32 $0x1, s24;
	v18 =	vmovc v46;
	v39 =	vor.u32 v2, v25;
	v34 =	vor.u32 v7, v46;
	v26 =	vld.idx.msk [tilespmem:v52+s3+$0x0], $0xffff  }
0x52: {  	v40 =	vand.u32 $0x3F, v40  }
0x53: {  	v41 =	vshll.u32 v40, $0x7  }
0x54: {  	v42 =	vor.u32 v0, v41;
	_ =	sdelay $0x4  }
0x55: {  	v43 =	vor.u32 v1, v40;
	v42 =	vld.idx.msk [tilespmem:v42+s3+$0x0], $0xffff  }
0x56: {  	v44 =	vor.u32 v2, v41;
	_ =	sdelay $0x2  }
0x57: {  	[tilespmem:v38+s15+$0x0] =	vst.idx.msk $0xffff, v37  }
0x58: {  	v63 =	vor.u32 v3, v24;
	v37 =	vld.idx.msk [tilespmem:v39+s3+$0x0], $0xffff;
	[tilespmem:v43+s15+$0x0] =	vst.idx.msk $0xffff, v42  }
0x59: {  	v48 =	vor.u32 v4, v25;
	v49 =	vor.u32 v3, v40;
	v42 =	vld.idx.msk [tilespmem:v44+s3+$0x0], $0xffff  }
0x5a: {  	v50 =	vor.u32 v4, v41;
	_ =	sdelay $0x1  }
0x5b: {  	[tilespmem:v35+s15+$0x0] =	vst.idx.msk $0xffff, v33  }
0x5c: {  	v51 =	vor.u32 v5, v22;
	v33 =	vld.idx.msk [tilespmem:v36+s3+$0x0], $0xffff;
	[tilespmem:v63+s15+$0x0] =	vst.idx.msk $0xffff, v37  }
0x5d: {  	v52 =	vor.u32 v6, v23;
	v53 =	vor.u32 v5, v24;
	v37 =	vld.idx.msk [tilespmem:v48+s3+$0x0], $0xffff;
	[tilespmem:v49+s15+$0x0] =	vst.idx.msk $0xffff, v42  }
0x5e: {  	v54 =	vor.u32 v6, v25;
	v55 =	vor.u32 v5, v40;
	v42 =	vld.idx.msk [tilespmem:v50+s3+$0x0], $0xffff  }
0x5f: {  	v56 =	vor.u32 v6, v41;
	_ =	sdelay $0x1  }
0x60: {  	[tilespmem:v51+s15+$0x0] =	vst.idx.msk $0xffff, v33  }
0x61: {  	v57 =	vor.u32 v8, v21;
	v58 =	vor.u32 v7, v22;
	v35 =	vld.idx.msk [tilespmem:v52+s3+$0x0], $0xffff;
	[tilespmem:v53+s15+$0x0] =	vst.idx.msk $0xffff, v37  }
0x62: {  	v59 =	vor.u32 v8, v23;
	v60 =	vor.u32 v7, v24;
	v38 =	vld.idx.msk [tilespmem:v54+s3+$0x0], $0xffff;
	[tilespmem:v55+s15+$0x0] =	vst.idx.msk $0xffff, v42  }
0x63: {  	v61 =	vor.u32 v8, v25;
	v62 =	vor.u32 v7, v40;
	v43 =	vld.idx.msk [tilespmem:v56+s3+$0x0], $0xffff  }
0x64: {  	v45 =	vor.u32 v8, v41  }
0x65: {  	[tilespmem:v34+s15+$0x0] =	vst.idx.msk $0xffff, v32  }
0x66: {  	v32 =	vld.idx.msk [tilespmem:v57+s3+$0x0], $0xffff;
	v63 =	vor.u32 v9, v18;
	[tilespmem:v58+s15+$0x0] =	vst.idx.msk $0xffff, v35  }
0x67: {  	v48 =	vor.u32 v10, v21;
	v35 =	vld.idx.msk [tilespmem:v59+s3+$0x0], $0xffff;
	v49 =	vor.u32 v9, v22;
	[tilespmem:v60+s15+$0x0] =	vst.idx.msk $0xffff, v38  }
0x68: {  	v51 =	vor.u32 v9, v24;
	v50 =	vor.u32 v10, v23;
	v38 =	vld.idx.msk [tilespmem:v61+s3+$0x0], $0xffff;
	[tilespmem:v62+s15+$0x0] =	vst.idx.msk $0xffff, v43  }
0x69: {  	v52 =	vor.u32 v10, v25;
	v53 =	vor.u32 v9, v40;
	v43 =	vld.idx.msk [tilespmem:v45+s3+$0x0], $0xffff  }
0x6a: {  	[tilespmem:v30+s15+$0x0] =	vst.idx.msk $0xffff, v28;
	v28 =	vor.u32 v10, v41  }
0x6b: {  	v30 =	vld.idx.msk [tilespmem:v31+s3+$0x0], $0xffff;
	v31 =	vor.u32 v11, v17;
	[tilespmem:v63+s15+$0x0] =	vst.idx.msk $0xffff, v32  }
0x6c: {  	v33 =	vld.idx.msk [tilespmem:v48+s3+$0x0], $0xffff;
	v54 =	vor.u32 v12, v19;
	[tilespmem:v49+s15+$0x0] =	vst.idx.msk $0xffff, v35;
	v55 =	vor.u32 v11, v18  }
0x6d: {  	v57 =	vor.u32 v11, v22;
	v36 =	vld.idx.msk [tilespmem:v50+s3+$0x0], $0xffff;
	v56 =	vor.u32 v12, v21;
	[tilespmem:v51+s15+$0x0] =	vst.idx.msk $0xffff, v38  }
0x6e: {  	v58 =	vor.u32 v12, v23;
	v59 =	vor.u32 v11, v24;
	v39 =	vld.idx.msk [tilespmem:v52+s3+$0x0], $0xffff;
	[tilespmem:v53+s15+$0x0] =	vst.idx.msk $0xffff, v43  }
0x6f: {  	[tilespmem:v29+s15+$0x0] =	vst.idx.msk $0xffff, v27;
	v27 =	vor.u32 v12, v25;
	v29 =	vor.u32 v11, v40;
	v28 =	vld.idx.msk [tilespmem:v28+s3+$0x0], $0xffff  }
0x70: {  	[tilespmem:v31+s15+$0x0] =	vst.idx.msk $0xffff, v30;
	v30 =	vor.u32 v13, v16;
	v31 =	vor.u32 v12, v41  }
0x71: {  	v20 =	vor.u32 v14, v20;
	v32 =	vld.idx.msk [tilespmem:v54+s3+$0x0], $0xffff;
	v60 =	vor.u32 v13, v17;
	[tilespmem:v55+s15+$0x0] =	vst.idx.msk $0xffff, v33  }
0x72: {  	v19 =	vor.u32 v14, v19;
	v61 =	vor.u32 v13, v18;
	[tilespmem:v57+s15+$0x0] =	vst.idx.msk $0xffff, v36;
	v34 =	vld.idx.msk [tilespmem:v56+s3+$0x0], $0xffff  }
0x73: {  	v21 =	vor.u32 v14, v21;
	v36 =	vld.idx.msk [tilespmem:v58+s3+$0x0], $0xffff;
	v62 =	vor.u32 v13, v22;
	[tilespmem:v59+s15+$0x0] =	vst.idx.msk $0xffff, v39  }
0x74: {  	v63 =	vor.u32 v13, v24;
	v23 =	vor.u32 v14, v23;
	v27 =	vld.idx.msk [tilespmem:v27+s3+$0x0], $0xffff;
	[tilespmem:v29+s15+$0x0] =	vst.idx.msk $0xffff, v28  }
0x75: {  	v25 =	vor.u32 v14, v25;
	[tilespmem:v30+s15+$0x0] =	vst.idx.msk $0xffff, v26;
	v28 =	vor.u32 v13, v40;
	v26 =	vld.idx.msk [tilespmem:v31+s3+$0x0], $0xffff  }
0x76: {  	v16 =	vor.u32 v15, v16;
	v20 =	vld.idx.msk [tilespmem:v20+s3+$0x0], $0xffff;
	[tilespmem:v60+s15+$0x0] =	vst.idx.msk $0xffff, v32;
	v29 =	vor.u32 v14, v41  }
0x77: {  	v17 =	vor.u32 v15, v17;
	v19 =	vld.idx.msk [tilespmem:v19+s3+$0x0], $0xffff;
	[tilespmem:v61+s15+$0x0] =	vst.idx.msk $0xffff, v34  }
0x78: {  	v18 =	vor.u32 v15, v18;
	[tilespmem:v62+s15+$0x0] =	vst.idx.msk $0xffff, v36;
	v21 =	vld.idx.msk [tilespmem:v21+s3+$0x0], $0xffff  }
0x79: {  	v22 =	vor.u32 v15, v22;
	v23 =	vld.idx.msk [tilespmem:v23+s3+$0x0], $0xffff;
	[tilespmem:v63+s15+$0x0] =	vst.idx.msk $0xffff, v27  }
0x7a: {  	v24 =	vor.u32 v15, v24;
	v25 =	vld.idx.msk [tilespmem:v25+s3+$0x0], $0xffff;
	[tilespmem:v28+s15+$0x0] =	vst.idx.msk $0xffff, v26  }
0x7b: {  	[tilespmem:v16+s15+$0x0] =	vst.idx.msk $0xffff, v20;
	v20 =	vor.u32 v15, v40;
	v16 =	vld.idx.msk [tilespmem:v29+s3+$0x0], $0xffff  }
0x7c: {  	[tilespmem:v17+s15+$0x0] =	vst.idx.msk $0xffff, v19  }
0x7d: {  	s24 =	sadd.s32 s4, s23;
	[tilespmem:v18+s15+$0x0] =	vst.idx.msk $0xffff, v21  }
0x7e: {  	s30 =	sadd.s32 s23, s8;
	s24 =	smin.u32 s24, $0x1E84;
	[tilespmem:v22+s15+$0x0] =	vst.idx.msk $0xffff, v23  }
0x7f: {  	s23 =	smin.u32 s30, $0x1E84;
	s24 =	sshll.u32 s24, $0xA;
	[tilespmem:v24+s15+$0x0] =	vst.idx.msk $0xffff, v25  }
0x80: {  	s31 =	simm.s32 $0x0;
	s23 =	sshll.u32 s23, $0x7;
	s24 =	sadd.s32 s5, s24;
	[tilespmem:v20+s15+$0x0] =	vst.idx.msk $0xffff, v16  }
0x81: {  	[hbm4b:s24+s3] =	stream.linear.scatter [tilespmem:s15], [sflag:$0x3], $0x2000, $0x38;
	[tilespmem:$0x8000] =	vst v63  }
0x82: {  	s23 =	sadd.s32 s2, s23;
	v16 =	vadd.s32 s31, v0  }
0x83: {  	v26 =	vand.u32 $0x3F, v16;
	[tilespmem:s3], [sflag:$0x1] =	stream.strided.gather [hbm4b:s23+s11], $0x2000, s12, s11, $0x38;
	[tilespmem:$0x8000] =	vst v63  }
0x84: {  	v27 =	vshll.u32 v26, $0x7;
	_ =	swait.ge [sflag:s16], $0x2000  }
0x85: {  	v16 =	vor.u32 v0, v27;
	[sflag:s16] =	ssyncset.done $0x0  }
0x86: {  	s23 =	simm.s32 @!p0 $0x4;
	[sflag:s16] =	ssyncadd.s32 $0xFFFFE000  }
0x87: {  	_ =	swait.ge @!p0 [sflag:s23], $0x2000  }
0x88: {  	[sflag:s23] =	ssyncset.done @!p0 $0x0  }
0x89: {  	s24 =	simm.s32 $0x1;
	[sflag:s23] =	ssyncadd.s32 @!p0 $0xFFFFE000  }
0x8a: {  	v18 =	vor.u32 v1, v26;
	v17 =	vld.idx.msk [tilespmem:v16+s13+$0x0], $0xffff;
	v16 =	vadd.s32 s24, v0  }
0x8b: {  	v19 =	vor.u32 v2, v27;
	v16 =	vand.u32 $0x3F, v16  }
0x8c: {  	v20 =	vshll.u32 v16, $0x7  }
0x8d: {  	v21 =	vor.u32 v0, v20;
	_ =	sdelay $0x1  }
0x8e: {  	[tilespmem:v18+s17+$0x0] =	vst.idx.msk $0xffff, v17  }
0x8f: {  	v18 =	vld.idx.msk [tilespmem:v19+s13+$0x0], $0xffff;
	v19 =	vor.u32 v3, v26  }
0x90: {  	v22 =	vor.u32 v4, v27  }
0x91: {  	s26 =	simm.s32 $0x2;
	v23 =	vor.u32 v1, v16;
	v21 =	vld.idx.msk [tilespmem:v21+s13+$0x0], $0xffff  }
0x92: {  	v24 =	vor.u32 v2, v20;
	v17 =	vadd.s32 s26, v0  }
0x93: {  	v17 =	vand.u32 $0x3F, v17  }
0x94: {  	[tilespmem:v19+s17+$0x0] =	vst.idx.msk $0xffff, v18;
	v19 =	vshll.u32 v17, $0x7  }
0x95: {  	v25 =	vor.u32 v5, v26;
	v18 =	vld.idx.msk [tilespmem:v22+s13+$0x0], $0xffff;
	v22 =	vor.u32 v0, v19  }
0x96: {  	v28 =	vor.u32 v6, v27;
	[tilespmem:v23+s17+$0x0] =	vst.idx.msk $0xffff, v21  }
0x97: {  	v23 =	vld.idx.msk [tilespmem:v24+s13+$0x0], $0xffff;
	v24 =	vor.u32 v3, v16  }
0x98: {  	v29 =	vor.u32 v4, v20  }
0x99: {  	s28 =	simm.s32 $0x3  }
0x9a: {  	v22 =	vld.idx.msk [tilespmem:v22+s13+$0x0], $0xffff;
	[tilespmem:v25+s17+$0x0] =	vst.idx.msk $0xffff, v18;
	v25 =	vor.u32 v1, v17;
	v18 =	vadd.s32 s28, v0  }
0x9b: {  	v31 =	vor.u32 v7, v26;
	v30 =	vor.u32 v2, v19;
	v28 =	vld.idx.msk [tilespmem:v28+s13+$0x0], $0xffff;
	v18 =	vand.u32 $0x3F, v18  }
0x9c: {  	v41 =	vor.u32 v8, v27;
	v21 =	vshll.u32 v18, $0x7;
	[tilespmem:v24+s17+$0x0] =	vst.idx.msk $0xffff, v23  }
0x9d: {  	v23 =	vor.u32 v0, v21;
	v24 =	vld.idx.msk [tilespmem:v29+s13+$0x0], $0xffff;
	v29 =	vor.u32 v5, v16;
	_ =	sdelay $0x1  }
0x9e: {  	[tilespmem:v25+s17+$0x0] =	vst.idx.msk $0xffff, v22;
	v22 =	vor.u32 v6, v20  }
0x9f: {  	v25 =	vld.idx.msk [tilespmem:v30+s13+$0x0], $0xffff;
	[tilespmem:v31+s17+$0x0] =	vst.idx.msk $0xffff, v28;
	v28 =	vor.u32 v3, v17  }
0xa0: {  	v42 =	vor.u32 v9, v26;
	v31 =	vor.u32 v4, v19;
	v30 =	vld.idx.msk [tilespmem:v41+s13+$0x0], $0xffff  }
0xa1: {  	s29 =	simm.s32 $0x4;
	v43 =	vld.idx.msk [tilespmem:v23+s13+$0x0], $0xffff;
	[tilespmem:v29+s17+$0x0] =	vst.idx.msk $0xffff, v24;
	v24 =	vor.u32 v10, v27;
	v29 =	vor.u32 v1, v18  }
0xa2: {  	v23 =	vadd.s32 s29, v0  }
0xa3: {  	v46 =	vor.u32 v7, v16;
	v45 =	vor.u32 v2, v21;
	v44 =	vld.idx.msk [tilespmem:v22+s13+$0x0], $0xffff;
	v22 =	vand.u32 $0x3F, v23  }
0xa4: {  	[tilespmem:v28+s17+$0x0] =	vst.idx.msk $0xffff, v25;
	v25 =	vor.u32 v8, v20;
	v23 =	vshll.u32 v22, $0x7  }
0xa5: {  	v47 =	vor.u32 v5, v17;
	v28 =	vld.idx.msk [tilespmem:v31+s13+$0x0], $0xffff;
	v31 =	vor.u32 v0, v23;
	[tilespmem:v42+s17+$0x0] =	vst.idx.msk $0xffff, v30  }
0xa6: {  	v30 =	vor.u32 v6, v19;
	v24 =	vld.idx.msk [tilespmem:v24+s13+$0x0], $0xffff;
	[tilespmem:v29+s17+$0x0] =	vst.idx.msk $0xffff, v43;
	v29 =	vor.u32 v11, v26  }
0xa7: {  	v49 =	vor.u32 v12, v27  }
0xa8: {  	v50 =	vor.u32 v3, v18;
	v48 =	vld.idx.msk [tilespmem:v45+s13+$0x0], $0xffff;
	[tilespmem:v46+s17+$0x0] =	vst.idx.msk $0xffff, v44  }
0xa9: {  	v53 =	vor.u32 v9, v16;
	v55 =	vor.u32 v7, v17;
	v52 =	vor.u32 v4, v21;
	v51 =	vld.idx.msk [tilespmem:v25+s13+$0x0], $0xffff  }
0xaa: {  	s30 =	simm.s32 $0x5;
	v54 =	vor.u32 v1, v22;
	v31 =	vld.idx.msk [tilespmem:v31+s13+$0x0], $0xffff;
	[tilespmem:v47+s17+$0x0] =	vst.idx.msk $0xffff, v28;
	v28 =	vor.u32 v10, v20  }
0xab: {  	v30 =	vld.idx.msk [tilespmem:v30+s13+$0x0], $0xffff;
	[tilespmem:v29+s17+$0x0] =	vst.idx.msk $0xffff, v24;
	v24 =	vadd.s32 s30, v0;
	v29 =	vor.u32 v2, v23  }
0xac: {  	v58 =	vor.u32 v13, v26;
	v57 =	vor.u32 v8, v19;
	v56 =	vld.idx.msk [tilespmem:v49+s13+$0x0], $0xffff;
	v24 =	vand.u32 $0x3F, v24  }
0xad: {  	v27 =	vor.u32 v14, v27;
	[tilespmem:v50+s17+$0x0] =	vst.idx.msk $0xffff, v48;
	v25 =	vshll.u32 v24, $0x7  }
0xae: {  	v60 =	vor.u32 v5, v18;
	v32 =	vld.idx.msk [tilespmem:v52+s13+$0x0], $0xffff;
	[tilespmem:v53+s17+$0x0] =	vst.idx.msk $0xffff, v51;
	v59 =	vor.u32 v0, v25  }
0xaf: {  	v63 =	vor.u32 v11, v16;
	v62 =	vor.u32 v6, v21;
	v61 =	vld.idx.msk [tilespmem:v28+s13+$0x0], $0xffff;
	[tilespmem:v54+s17+$0x0] =	vst.idx.msk $0xffff, v31  }
0xb0: {  	v46 =	vor.u32 v12, v20;
	v33 =	vld.idx.msk [tilespmem:v29+s13+$0x0], $0xffff;
	[tilespmem:v55+s17+$0x0] =	vst.idx.msk $0xffff, v30  }
0xb1: {  	v35 =	vor.u32 v3, v22;
	v28 =	vld.idx.msk [tilespmem:v57+s13+$0x0], $0xffff;
	[tilespmem:v58+s17+$0x0] =	vst.idx.msk $0xffff, v56  }
0xb2: {  	v36 =	vor.u32 v4, v23;
	v30 =	vor.u32 v9, v17;
	v27 =	vld.idx.msk [tilespmem:v27+s13+$0x0], $0xffff  }
0xb3: {  	v31 =	vor.u32 v10, v19;
	v29 =	vor.u32 v15, v26;
	[tilespmem:v60+s17+$0x0] =	vst.idx.msk $0xffff, v32;
	v37 =	vld.idx.msk [tilespmem:v59+s13+$0x0], $0xffff  }
0xb4: {  	s31 =	simm.s32 $0x6;
	v38 =	vor.u32 v1, v24;
	v32 =	vld.idx.msk [tilespmem:v62+s13+$0x0], $0xffff;
	[tilespmem:v63+s17+$0x0] =	vst.idx.msk $0xffff, v61  }
0xb5: {  	v40 =	vadd.s32 s31, v0;
	s23 =	simm.s32 $0x7;
	v34 =	vor.u32 v7, v18;
	v39 =	vor.u32 v2, v25;
	v26 =	vld.idx.msk [tilespmem:v46+s13+$0x0], $0xffff  }
.LBB2_5:
0xb6: {  	p0 =	sne.s32 s23, $0x3F;
	v40 =	vand.u32 $0x3F, v40;
	[tilespmem:v35+s17+$0x0] =	vst.idx.msk $0xffff, v33;
	v41 =	vor.u32 v8, v21;
	v42 =	vor.u32 v13, v16  }
0xb7: {  	v45 =	vor.u32 v14, v20;
	v46 =	vmov v22;
	v43 =	vshll.u32 v40, $0x7;
	v44 =	vld.idx.msk [tilespmem:v36+s13+$0x0], $0xffff;
	[tilespmem:v30+s17+$0x0] =	vst.idx.msk $0xffff, v28  }
0xb8: {  	v48 =	vor.u32 v5, v46;
	v47 =	vor.u32 v0, v43;
	v49 =	vld.idx.msk [tilespmem:v31+s13+$0x0], $0xffff;
	[tilespmem:v29+s17+$0x0] =	vst.idx.msk $0xffff, v27  }
0xb9: {  	v50 =	vor.u32 v6, v23;
	v51 =	vor.u32 v11, v17;
	v22 =	vmov v24;
	[tilespmem:v38+s17+$0x0] =	vst.idx.msk $0xffff, v37  }
0xba: {  	v52 =	vor.u32 v12, v19;
	v20 =	vmov v19;
	v24 =	vmov v40;
	v33 =	vld.idx.msk [tilespmem:v39+s13+$0x0], $0xffff;
	[tilespmem:v34+s17+$0x0] =	vst.idx.msk $0xffff, v32  }
.Ltmp1:
0xbb: {  	v19 =	vmov v21;
	v21 =	vmov v23;
	v35 =	vor.u32 v3, v22;
	v28 =	vld.idx.msk [tilespmem:v41+s13+$0x0], $0xffff;
	[tilespmem:v42+s17+$0x0] =	vst.idx.msk $0xffff, v26;
	(pc) =	sbr.rel @p0 .LBB2_5-.Ltmp1, $4  }
0xbc: {  	v23 =	vmovc v25;
	v36 =	vor.u32 v4, v25;
	v30 =	vor.u32 v9, v18;
	v25 =	vmov v43;
	v27 =	vld.idx.msk [tilespmem:v45+s13+$0x0], $0xffff  }
0xbd: {  	v31 =	vor.u32 v10, v19;
	v29 =	vor.u32 v15, v16;
	v37 =	vld.idx.msk [tilespmem:v47+s13+$0x0], $0xffff;
	[tilespmem:v48+s17+$0x0] =	vst.idx.msk $0xffff, v44  }
0xbe: {  	v16 =	vmov v17;
	v17 =	vmov v18;
	v38 =	vor.u32 v1, v24;
	v32 =	vld.idx.msk [tilespmem:v50+s13+$0x0], $0xffff;
	[tilespmem:v51+s17+$0x0] =	vst.idx.msk $0xffff, v49  }
0xbf: {  	v40 =	vadd.s32 s23, v0;
	s23 =	sadd.s32 $0x1, s23;
	v18 =	vmovc v46;
	v39 =	vor.u32 v2, v25;
	v34 =	vor.u32 v7, v46;
	v26 =	vld.idx.msk [tilespmem:v52+s13+$0x0], $0xffff  }
0xc0: {  	v40 =	vand.u32 $0x3F, v40  }
0xc1: {  	v41 =	vshll.u32 v40, $0x7  }
0xc2: {  	v42 =	vor.u32 v0, v41;
	_ =	sdelay $0x4  }
0xc3: {  	v43 =	vor.u32 v1, v40;
	v42 =	vld.idx.msk [tilespmem:v42+s13+$0x0], $0xffff  }
0xc4: {  	v44 =	vor.u32 v2, v41;
	_ =	sdelay $0x2  }
0xc5: {  	[tilespmem:v38+s17+$0x0] =	vst.idx.msk $0xffff, v37  }
0xc6: {  	v49 =	vor.u32 v3, v24;
	v37 =	vld.idx.msk [tilespmem:v39+s13+$0x0], $0xffff;
	[tilespmem:v43+s17+$0x0] =	vst.idx.msk $0xffff, v42  }
0xc7: {  	v50 =	vor.u32 v4, v25;
	v51 =	vor.u32 v3, v40;
	v42 =	vld.idx.msk [tilespmem:v44+s13+$0x0], $0xffff  }
0xc8: {  	v52 =	vor.u32 v4, v41;
	_ =	sdelay $0x1  }
0xc9: {  	[tilespmem:v35+s17+$0x0] =	vst.idx.msk $0xffff, v33  }
0xca: {  	v53 =	vor.u32 v5, v22;
	v33 =	vld.idx.msk [tilespmem:v36+s13+$0x0], $0xffff;
	[tilespmem:v49+s17+$0x0] =	vst.idx.msk $0xffff, v37  }
0xcb: {  	v54 =	vor.u32 v6, v23;
	v55 =	vor.u32 v5, v24;
	v37 =	vld.idx.msk [tilespmem:v50+s13+$0x0], $0xffff;
	[tilespmem:v51+s17+$0x0] =	vst.idx.msk $0xffff, v42  }
0xcc: {  	v56 =	vor.u32 v6, v25;
	v57 =	vor.u32 v5, v40;
	v42 =	vld.idx.msk [tilespmem:v52+s13+$0x0], $0xffff  }
0xcd: {  	v58 =	vor.u32 v6, v41;
	_ =	sdelay $0x1  }
0xce: {  	v59 =	vor.u32 v8, v21;
	[tilespmem:v53+s17+$0x0] =	vst.idx.msk $0xffff, v33  }
0xcf: {  	v60 =	vor.u32 v7, v22;
	v35 =	vld.idx.msk [tilespmem:v54+s13+$0x0], $0xffff;
	[tilespmem:v55+s17+$0x0] =	vst.idx.msk $0xffff, v37  }
0xd0: {  	v61 =	vor.u32 v8, v23;
	v62 =	vor.u32 v7, v24;
	v38 =	vld.idx.msk [tilespmem:v56+s13+$0x0], $0xffff;
	[tilespmem:v57+s17+$0x0] =	vst.idx.msk $0xffff, v42  }
0xd1: {  	v63 =	vor.u32 v8, v25;
	v48 =	vor.u32 v7, v40;
	v43 =	vld.idx.msk [tilespmem:v58+s13+$0x0], $0xffff  }
0xd2: {  	v45 =	vor.u32 v8, v41;
	[tilespmem:v34+s17+$0x0] =	vst.idx.msk $0xffff, v32  }
0xd3: {  	v32 =	vld.idx.msk [tilespmem:v59+s13+$0x0], $0xffff;
	v49 =	vor.u32 v9, v18  }
0xd4: {  	v50 =	vor.u32 v10, v21;
	[tilespmem:v60+s17+$0x0] =	vst.idx.msk $0xffff, v35  }
0xd5: {  	v35 =	vld.idx.msk [tilespmem:v61+s13+$0x0], $0xffff;
	v51 =	vor.u32 v9, v22;
	[tilespmem:v62+s17+$0x0] =	vst.idx.msk $0xffff, v38  }
0xd6: {  	v53 =	vor.u32 v9, v24;
	v52 =	vor.u32 v10, v23;
	v38 =	vld.idx.msk [tilespmem:v63+s13+$0x0], $0xffff;
	[tilespmem:v48+s17+$0x0] =	vst.idx.msk $0xffff, v43  }
0xd7: {  	v54 =	vor.u32 v10, v25;
	v55 =	vor.u32 v9, v40;
	v43 =	vld.idx.msk [tilespmem:v45+s13+$0x0], $0xffff  }
0xd8: {  	[tilespmem:v49+s17+$0x0] =	vst.idx.msk $0xffff, v32;
	v56 =	vor.u32 v10, v41  }
0xd9: {  	[tilespmem:v30+s17+$0x0] =	vst.idx.msk $0xffff, v28;
	v59 =	vor.u32 v11, v18;
	v33 =	vld.idx.msk [tilespmem:v50+s13+$0x0], $0xffff  }
0xda: {  	v30 =	vld.idx.msk [tilespmem:v31+s13+$0x0], $0xffff;
	v60 =	vor.u32 v12, v21;
	[tilespmem:v51+s17+$0x0] =	vst.idx.msk $0xffff, v35;
	v57 =	vor.u32 v11, v17  }
0xdb: {  	v61 =	vor.u32 v11, v22;
	v36 =	vld.idx.msk [tilespmem:v52+s13+$0x0], $0xffff;
	v58 =	vor.u32 v12, v19;
	[tilespmem:v53+s17+$0x0] =	vst.idx.msk $0xffff, v38  }
0xdc: {  	v62 =	vor.u32 v12, v23;
	v63 =	vor.u32 v11, v24;
	v39 =	vld.idx.msk [tilespmem:v54+s13+$0x0], $0xffff;
	[tilespmem:v55+s17+$0x0] =	vst.idx.msk $0xffff, v43  }
0xdd: {  	[tilespmem:v29+s17+$0x0] =	vst.idx.msk $0xffff, v27;
	v46 =	vor.u32 v11, v40;
	v45 =	vor.u32 v12, v25;
	v28 =	vld.idx.msk [tilespmem:v56+s13+$0x0], $0xffff  }
0xde: {  	v47 =	vor.u32 v13, v16;
	[tilespmem:v59+s17+$0x0] =	vst.idx.msk $0xffff, v33;
	v48 =	vor.u32 v12, v41  }
0xdf: {  	v20 =	vor.u32 v14, v20;
	v34 =	vld.idx.msk [tilespmem:v60+s13+$0x0], $0xffff;
	v51 =	vor.u32 v13, v18;
	[tilespmem:v57+s17+$0x0] =	vst.idx.msk $0xffff, v30  }
0xe0: {  	v49 =	vor.u32 v13, v17;
	v52 =	vor.u32 v14, v21;
	[tilespmem:v61+s17+$0x0] =	vst.idx.msk $0xffff, v36;
	v32 =	vld.idx.msk [tilespmem:v58+s13+$0x0], $0xffff  }
0xe1: {  	v50 =	vor.u32 v14, v19;
	v53 =	vor.u32 v13, v22;
	v36 =	vld.idx.msk [tilespmem:v62+s13+$0x0], $0xffff;
	[tilespmem:v63+s17+$0x0] =	vst.idx.msk $0xffff, v39  }
0xe2: {  	v54 =	vor.u32 v14, v23;
	v27 =	vld.idx.msk [tilespmem:v45+s13+$0x0], $0xffff;
	v55 =	vor.u32 v13, v24;
	[tilespmem:v46+s17+$0x0] =	vst.idx.msk $0xffff, v28  }
0xe3: {  	[tilespmem:v47+s17+$0x0] =	vst.idx.msk $0xffff, v26;
	v58 =	vor.u32 v13, v40;
	v56 =	vor.u32 v14, v25;
	v57 =	vld.idx.msk [tilespmem:v48+s13+$0x0], $0xffff  }
0xe4: {  	v16 =	vor.u32 v15, v16;
	v20 =	vld.idx.msk [tilespmem:v20+s13+$0x0], $0xffff;
	v59 =	vor.u32 v14, v41;
	[tilespmem:v51+s17+$0x0] =	vst.idx.msk $0xffff, v34  }
0xe5: {  	v60 =	vor.u32 v15, v18;
	v21 =	vld.idx.msk [tilespmem:v52+s13+$0x0], $0xffff;
	[tilespmem:v49+s17+$0x0] =	vst.idx.msk $0xffff, v32  }
0xe6: {  	v17 =	vor.u32 v15, v17;
	[tilespmem:v53+s17+$0x0] =	vst.idx.msk $0xffff, v36;
	v19 =	vld.idx.msk [tilespmem:v50+s13+$0x0], $0xffff  }
0xe7: {  	v61 =	vor.u32 v15, v22;
	v23 =	vld.idx.msk [tilespmem:v54+s13+$0x0], $0xffff;
	[tilespmem:v55+s17+$0x0] =	vst.idx.msk $0xffff, v27  }
0xe8: {  	v62 =	vor.u32 v15, v24;
	v25 =	vld.idx.msk [tilespmem:v56+s13+$0x0], $0xffff;
	[tilespmem:v58+s17+$0x0] =	vst.idx.msk $0xffff, v57  }
0xe9: {  	s21 =	sadd.s32 $0x1, s21;
	[tilespmem:v16+s17+$0x0] =	vst.idx.msk $0xffff, v20;
	v63 =	vor.u32 v15, v40;
	v16 =	vld.idx.msk [tilespmem:v59+s13+$0x0], $0xffff  }
0xea: {  	p0 =	sne.s32 s21, $0x7A;
	[tilespmem:v60+s17+$0x0] =	vst.idx.msk $0xffff, v21  }
.Ltmp2:
0xeb: {  	[tilespmem:v17+s17+$0x0] =	vst.idx.msk $0xffff, v19;
	(pc) =	sbr.rel @p0 .LBB2_2-.Ltmp2, $4  }
0xec: {  	[tilespmem:v61+s17+$0x0] =	vst.idx.msk $0xffff, v23  }
0xed: {  	s22 =	sshll.u32 s22, $0xA;
	[tilespmem:v62+s17+$0x0] =	vst.idx.msk $0xffff, v25  }
0xee: {  	s22 =	sadd.s32 s5, s22;
	[tilespmem:v63+s17+$0x0] =	vst.idx.msk $0xffff, v16  }
0xef: {  	[hbm4b:s22+s3] =	stream.linear.scatter [tilespmem:s17], [sflag:$0x4], $0x2000, $0x38;
	[tilespmem:$0x8000] =	vst v63  }
0xf0: {  	s21 =	simm.s32 $0x0  }
0xf1: {  	v16 =	vadd.s32 s21, v0  }
0xf2: {  	v26 =	vand.u32 $0x3F, v16  }
0xf3: {  	_ =	swait.ge [sflag:s14], $0x2000;
	v27 =	vshll.u32 v26, $0x7  }
0xf4: {  	[sflag:s14] =	ssyncset.done $0x0;
	v16 =	vor.u32 v0, v27  }
0xf5: {  	[sflag:s14] =	ssyncadd.s32 $0xFFFFE000  }
0xf6: {  	_ =	swait.ge [sflag:s18], $0x2000  }
0xf7: {  	[sflag:s18] =	ssyncset.done $0x0  }
0xf8: {  	s24 =	simm.s32 $0x1;
	[sflag:s18] =	ssyncadd.s32 $0xFFFFE000  }
0xf9: {  	v18 =	vor.u32 v1, v26;
	v17 =	vld.idx.msk [tilespmem:v16+s3+$0x0], $0xffff;
	v16 =	vadd.s32 s24, v0  }
0xfa: {  	v19 =	vor.u32 v2, v27;
	v16 =	vand.u32 $0x3F, v16  }
0xfb: {  	v20 =	vshll.u32 v16, $0x7  }
0xfc: {  	v21 =	vor.u32 v0, v20;
	_ =	sdelay $0x1  }
0xfd: {  	[tilespmem:v18+s15+$0x0] =	vst.idx.msk $0xffff, v17  }
0xfe: {  	v18 =	vld.idx.msk [tilespmem:v19+s3+$0x0], $0xffff;
	v19 =	vor.u32 v3, v26  }
0xff: {  	v22 =	vor.u32 v4, v27  }
0x100: {  	s26 =	simm.s32 $0x2;
	v23 =	vor.u32 v1, v16;
	v21 =	vld.idx.msk [tilespmem:v21+s3+$0x0], $0xffff  }
0x101: {  	v24 =	vor.u32 v2, v20;
	v17 =	vadd.s32 s26, v0  }
0x102: {  	v17 =	vand.u32 $0x3F, v17  }
0x103: {  	[tilespmem:v19+s15+$0x0] =	vst.idx.msk $0xffff, v18;
	v19 =	vshll.u32 v17, $0x7  }
0x104: {  	v25 =	vor.u32 v5, v26;
	v18 =	vld.idx.msk [tilespmem:v22+s3+$0x0], $0xffff;
	v22 =	vor.u32 v0, v19  }
0x105: {  	v28 =	vor.u32 v6, v27;
	[tilespmem:v23+s15+$0x0] =	vst.idx.msk $0xffff, v21  }
0x106: {  	v23 =	vld.idx.msk [tilespmem:v24+s3+$0x0], $0xffff;
	v24 =	vor.u32 v3, v16  }
0x107: {  	v29 =	vor.u32 v4, v20  }
0x108: {  	s28 =	simm.s32 $0x3  }
0x109: {  	v22 =	vld.idx.msk [tilespmem:v22+s3+$0x0], $0xffff;
	[tilespmem:v25+s15+$0x0] =	vst.idx.msk $0xffff, v18;
	v25 =	vor.u32 v1, v17;
	v18 =	vadd.s32 s28, v0  }
0x10a: {  	v31 =	vor.u32 v7, v26;
	v30 =	vor.u32 v2, v19;
	v28 =	vld.idx.msk [tilespmem:v28+s3+$0x0], $0xffff;
	v18 =	vand.u32 $0x3F, v18  }
0x10b: {  	v32 =	vor.u32 v8, v27;
	v21 =	vshll.u32 v18, $0x7;
	[tilespmem:v24+s15+$0x0] =	vst.idx.msk $0xffff, v23  }
0x10c: {  	v23 =	vor.u32 v0, v21;
	v24 =	vld.idx.msk [tilespmem:v29+s3+$0x0], $0xffff;
	v29 =	vor.u32 v5, v16;
	_ =	sdelay $0x1  }
0x10d: {  	[tilespmem:v25+s15+$0x0] =	vst.idx.msk $0xffff, v22;
	v22 =	vor.u32 v6, v20  }
0x10e: {  	v25 =	vld.idx.msk [tilespmem:v30+s3+$0x0], $0xffff;
	[tilespmem:v31+s15+$0x0] =	vst.idx.msk $0xffff, v28;
	v28 =	vor.u32 v3, v17  }
0x10f: {  	v55 =	vor.u32 v9, v26;
	v31 =	vor.u32 v4, v19;
	v30 =	vld.idx.msk [tilespmem:v32+s3+$0x0], $0xffff  }
0x110: {  	s29 =	simm.s32 $0x4;
	v33 =	vld.idx.msk [tilespmem:v23+s3+$0x0], $0xffff;
	[tilespmem:v29+s15+$0x0] =	vst.idx.msk $0xffff, v24;
	v24 =	vor.u32 v10, v27;
	v29 =	vor.u32 v1, v18  }
0x111: {  	v23 =	vadd.s32 s29, v0  }
0x112: {  	v36 =	vor.u32 v7, v16;
	v35 =	vor.u32 v2, v21;
	v34 =	vld.idx.msk [tilespmem:v22+s3+$0x0], $0xffff;
	v22 =	vand.u32 $0x3F, v23  }
0x113: {  	[tilespmem:v28+s15+$0x0] =	vst.idx.msk $0xffff, v25;
	v25 =	vor.u32 v8, v20;
	v23 =	vshll.u32 v22, $0x7  }
0x114: {  	v37 =	vor.u32 v5, v17;
	v28 =	vld.idx.msk [tilespmem:v31+s3+$0x0], $0xffff;
	v31 =	vor.u32 v0, v23;
	[tilespmem:v55+s15+$0x0] =	vst.idx.msk $0xffff, v30  }
0x115: {  	v30 =	vor.u32 v6, v19;
	v24 =	vld.idx.msk [tilespmem:v24+s3+$0x0], $0xffff;
	[tilespmem:v29+s15+$0x0] =	vst.idx.msk $0xffff, v33;
	v29 =	vor.u32 v11, v26  }
0x116: {  	v57 =	vor.u32 v12, v27  }
0x117: {  	v58 =	vor.u32 v3, v18;
	v56 =	vld.idx.msk [tilespmem:v35+s3+$0x0], $0xffff;
	[tilespmem:v36+s15+$0x0] =	vst.idx.msk $0xffff, v34  }
0x118: {  	v38 =	vor.u32 v9, v16;
	v39 =	vor.u32 v7, v17;
	v60 =	vor.u32 v4, v21;
	v59 =	vld.idx.msk [tilespmem:v25+s3+$0x0], $0xffff  }
0x119: {  	s30 =	simm.s32 $0x5;
	v61 =	vor.u32 v1, v22;
	v31 =	vld.idx.msk [tilespmem:v31+s3+$0x0], $0xffff;
	[tilespmem:v37+s15+$0x0] =	vst.idx.msk $0xffff, v28;
	v28 =	vor.u32 v10, v20  }
0x11a: {  	v30 =	vld.idx.msk [tilespmem:v30+s3+$0x0], $0xffff;
	[tilespmem:v29+s15+$0x0] =	vst.idx.msk $0xffff, v24;
	v24 =	vadd.s32 s30, v0;
	v29 =	vor.u32 v2, v23  }
0x11b: {  	v42 =	vor.u32 v13, v26;
	v41 =	vor.u32 v8, v19;
	v40 =	vld.idx.msk [tilespmem:v57+s3+$0x0], $0xffff;
	v24 =	vand.u32 $0x3F, v24  }
0x11c: {  	v27 =	vor.u32 v14, v27;
	[tilespmem:v58+s15+$0x0] =	vst.idx.msk $0xffff, v56;
	v25 =	vshll.u32 v24, $0x7  }
0x11d: {  	v63 =	vor.u32 v5, v18;
	v32 =	vld.idx.msk [tilespmem:v60+s3+$0x0], $0xffff;
	[tilespmem:v38+s15+$0x0] =	vst.idx.msk $0xffff, v59;
	v62 =	vor.u32 v0, v25  }
0x11e: {  	v45 =	vor.u32 v11, v16;
	v44 =	vor.u32 v6, v21;
	v43 =	vld.idx.msk [tilespmem:v28+s3+$0x0], $0xffff;
	[tilespmem:v61+s15+$0x0] =	vst.idx.msk $0xffff, v31  }
0x11f: {  	v46 =	vor.u32 v12, v20;
	v33 =	vld.idx.msk [tilespmem:v29+s3+$0x0], $0xffff;
	[tilespmem:v39+s15+$0x0] =	vst.idx.msk $0xffff, v30  }
0x120: {  	v35 =	vor.u32 v3, v22;
	v28 =	vld.idx.msk [tilespmem:v41+s3+$0x0], $0xffff;
	[tilespmem:v42+s15+$0x0] =	vst.idx.msk $0xffff, v40  }
0x121: {  	v36 =	vor.u32 v4, v23;
	v30 =	vor.u32 v9, v17;
	v27 =	vld.idx.msk [tilespmem:v27+s3+$0x0], $0xffff  }
0x122: {  	v31 =	vor.u32 v10, v19;
	v29 =	vor.u32 v15, v26;
	[tilespmem:v63+s15+$0x0] =	vst.idx.msk $0xffff, v32;
	v37 =	vld.idx.msk [tilespmem:v62+s3+$0x0], $0xffff  }
0x123: {  	s31 =	simm.s32 $0x6;
	v38 =	vor.u32 v1, v24;
	v32 =	vld.idx.msk [tilespmem:v44+s3+$0x0], $0xffff;
	[tilespmem:v45+s15+$0x0] =	vst.idx.msk $0xffff, v43  }
0x124: {  	s21 =	simm.s32 $0x7;
	v34 =	vor.u32 v7, v18;
	v39 =	vor.u32 v2, v25;
	v40 =	vadd.s32 s31, v0;
	v26 =	vld.idx.msk [tilespmem:v46+s3+$0x0], $0xffff  }
.LBB2_8:
0x125: {  	p0 =	sne.s32 s21, $0x3F;
	v40 =	vand.u32 $0x3F, v40;
	[tilespmem:v35+s15+$0x0] =	vst.idx.msk $0xffff, v33;
	v41 =	vor.u32 v8, v21;
	v42 =	vor.u32 v13, v16  }
0x126: {  	v45 =	vor.u32 v14, v20;
	v46 =	vmov v22;
	v43 =	vshll.u32 v40, $0x7;
	v44 =	vld.idx.msk [tilespmem:v36+s3+$0x0], $0xffff;
	[tilespmem:v30+s15+$0x0] =	vst.idx.msk $0xffff, v28  }
0x127: {  	v48 =	vor.u32 v5, v46;
	v47 =	vor.u32 v0, v43;
	v49 =	vld.idx.msk [tilespmem:v31+s3+$0x0], $0xffff;
	[tilespmem:v29+s15+$0x0] =	vst.idx.msk $0xffff, v27  }
0x128: {  	v50 =	vor.u32 v6, v23;
	v51 =	vor.u32 v11, v17;
	v22 =	vmov v24;
	[tilespmem:v38+s15+$0x0] =	vst.idx.msk $0xffff, v37  }
0x129: {  	v52 =	vor.u32 v12, v19;
	v20 =	vmov v19;
	v24 =	vmov v40;
	v33 =	vld.idx.msk [tilespmem:v39+s3+$0x0], $0xffff;
	[tilespmem:v34+s15+$0x0] =	vst.idx.msk $0xffff, v32  }
.Ltmp3:
0x12a: {  	v19 =	vmov v21;
	v21 =	vmov v23;
	v35 =	vor.u32 v3, v22;
	v28 =	vld.idx.msk [tilespmem:v41+s3+$0x0], $0xffff;
	[tilespmem:v42+s15+$0x0] =	vst.idx.msk $0xffff, v26;
	(pc) =	sbr.rel @p0 .LBB2_8-.Ltmp3, $4  }
0x12b: {  	v23 =	vmovc v25;
	v36 =	vor.u32 v4, v25;
	v30 =	vor.u32 v9, v18;
	v25 =	vmov v43;
	v27 =	vld.idx.msk [tilespmem:v45+s3+$0x0], $0xffff  }
0x12c: {  	v31 =	vor.u32 v10, v19;
	v29 =	vor.u32 v15, v16;
	v37 =	vld.idx.msk [tilespmem:v47+s3+$0x0], $0xffff;
	[tilespmem:v48+s15+$0x0] =	vst.idx.msk $0xffff, v44  }
0x12d: {  	v16 =	vmov v17;
	v17 =	vmov v18;
	v38 =	vor.u32 v1, v24;
	v32 =	vld.idx.msk [tilespmem:v50+s3+$0x0], $0xffff;
	[tilespmem:v51+s15+$0x0] =	vst.idx.msk $0xffff, v49  }
0x12e: {  	v40 =	vadd.s32 s21, v0;
	s21 =	sadd.s32 $0x1, s21;
	v18 =	vmovc v46;
	v39 =	vor.u32 v2, v25;
	v34 =	vor.u32 v7, v46;
	v26 =	vld.idx.msk [tilespmem:v52+s3+$0x0], $0xffff  }
0x12f: {  	v40 =	vand.u32 $0x3F, v40  }
0x130: {  	v41 =	vshll.u32 v40, $0x7  }
0x131: {  	v42 =	vor.u32 v0, v41;
	_ =	sdelay $0x4  }
0x132: {  	v43 =	vor.u32 v1, v40;
	v42 =	vld.idx.msk [tilespmem:v42+s3+$0x0], $0xffff  }
0x133: {  	v44 =	vor.u32 v2, v41;
	_ =	sdelay $0x2  }
0x134: {  	[tilespmem:v38+s15+$0x0] =	vst.idx.msk $0xffff, v37  }
0x135: {  	v49 =	vor.u32 v3, v24;
	v37 =	vld.idx.msk [tilespmem:v39+s3+$0x0], $0xffff;
	[tilespmem:v43+s15+$0x0] =	vst.idx.msk $0xffff, v42  }
0x136: {  	v50 =	vor.u32 v4, v25;
	v51 =	vor.u32 v3, v40;
	v42 =	vld.idx.msk [tilespmem:v44+s3+$0x0], $0xffff  }
0x137: {  	v52 =	vor.u32 v4, v41;
	_ =	sdelay $0x1  }
0x138: {  	[tilespmem:v35+s15+$0x0] =	vst.idx.msk $0xffff, v33  }
0x139: {  	v53 =	vor.u32 v5, v22;
	v33 =	vld.idx.msk [tilespmem:v36+s3+$0x0], $0xffff;
	[tilespmem:v49+s15+$0x0] =	vst.idx.msk $0xffff, v37  }
0x13a: {  	v54 =	vor.u32 v6, v23;
	v55 =	vor.u32 v5, v24;
	v37 =	vld.idx.msk [tilespmem:v50+s3+$0x0], $0xffff;
	[tilespmem:v51+s15+$0x0] =	vst.idx.msk $0xffff, v42  }
0x13b: {  	v56 =	vor.u32 v6, v25;
	v57 =	vor.u32 v5, v40;
	v42 =	vld.idx.msk [tilespmem:v52+s3+$0x0], $0xffff  }
0x13c: {  	v58 =	vor.u32 v6, v41;
	_ =	sdelay $0x1  }
0x13d: {  	v59 =	vor.u32 v8, v21;
	[tilespmem:v53+s15+$0x0] =	vst.idx.msk $0xffff, v33  }
0x13e: {  	v60 =	vor.u32 v7, v22;
	v35 =	vld.idx.msk [tilespmem:v54+s3+$0x0], $0xffff;
	[tilespmem:v55+s15+$0x0] =	vst.idx.msk $0xffff, v37  }
0x13f: {  	v61 =	vor.u32 v8, v23;
	v62 =	vor.u32 v7, v24;
	v38 =	vld.idx.msk [tilespmem:v56+s3+$0x0], $0xffff;
	[tilespmem:v57+s15+$0x0] =	vst.idx.msk $0xffff, v42  }
0x140: {  	v63 =	vor.u32 v8, v25;
	v48 =	vor.u32 v7, v40;
	v43 =	vld.idx.msk [tilespmem:v58+s3+$0x0], $0xffff  }
0x141: {  	v45 =	vor.u32 v8, v41;
	[tilespmem:v34+s15+$0x0] =	vst.idx.msk $0xffff, v32  }
0x142: {  	v32 =	vld.idx.msk [tilespmem:v59+s3+$0x0], $0xffff;
	v49 =	vor.u32 v9, v18  }
0x143: {  	v50 =	vor.u32 v10, v21;
	[tilespmem:v60+s15+$0x0] =	vst.idx.msk $0xffff, v35  }
0x144: {  	v35 =	vld.idx.msk [tilespmem:v61+s3+$0x0], $0xffff;
	v51 =	vor.u32 v9, v22;
	[tilespmem:v62+s15+$0x0] =	vst.idx.msk $0xffff, v38  }
0x145: {  	v53 =	vor.u32 v9, v24;
	v52 =	vor.u32 v10, v23;
	v38 =	vld.idx.msk [tilespmem:v63+s3+$0x0], $0xffff;
	[tilespmem:v48+s15+$0x0] =	vst.idx.msk $0xffff, v43  }
0x146: {  	v54 =	vor.u32 v10, v25;
	v55 =	vor.u32 v9, v40;
	v43 =	vld.idx.msk [tilespmem:v45+s3+$0x0], $0xffff  }
0x147: {  	[tilespmem:v49+s15+$0x0] =	vst.idx.msk $0xffff, v32;
	v56 =	vor.u32 v10, v41  }
0x148: {  	[tilespmem:v30+s15+$0x0] =	vst.idx.msk $0xffff, v28;
	v59 =	vor.u32 v11, v18;
	v33 =	vld.idx.msk [tilespmem:v50+s3+$0x0], $0xffff  }
0x149: {  	v30 =	vld.idx.msk [tilespmem:v31+s3+$0x0], $0xffff;
	v60 =	vor.u32 v12, v21;
	[tilespmem:v51+s15+$0x0] =	vst.idx.msk $0xffff, v35;
	v57 =	vor.u32 v11, v17  }
0x14a: {  	v61 =	vor.u32 v11, v22;
	v36 =	vld.idx.msk [tilespmem:v52+s3+$0x0], $0xffff;
	v58 =	vor.u32 v12, v19;
	[tilespmem:v53+s15+$0x0] =	vst.idx.msk $0xffff, v38  }
0x14b: {  	v62 =	vor.u32 v12, v23;
	v63 =	vor.u32 v11, v24;
	v39 =	vld.idx.msk [tilespmem:v54+s3+$0x0], $0xffff;
	[tilespmem:v55+s15+$0x0] =	vst.idx.msk $0xffff, v43  }
0x14c: {  	[tilespmem:v29+s15+$0x0] =	vst.idx.msk $0xffff, v27;
	v46 =	vor.u32 v11, v40;
	v45 =	vor.u32 v12, v25;
	v28 =	vld.idx.msk [tilespmem:v56+s3+$0x0], $0xffff  }
0x14d: {  	v47 =	vor.u32 v13, v16;
	[tilespmem:v59+s15+$0x0] =	vst.idx.msk $0xffff, v33;
	v48 =	vor.u32 v12, v41  }
0x14e: {  	v20 =	vor.u32 v14, v20;
	v34 =	vld.idx.msk [tilespmem:v60+s3+$0x0], $0xffff;
	v51 =	vor.u32 v13, v18;
	[tilespmem:v57+s15+$0x0] =	vst.idx.msk $0xffff, v30  }
0x14f: {  	v49 =	vor.u32 v13, v17;
	v52 =	vor.u32 v14, v21;
	[tilespmem:v61+s15+$0x0] =	vst.idx.msk $0xffff, v36;
	v32 =	vld.idx.msk [tilespmem:v58+s3+$0x0], $0xffff  }
0x150: {  	v50 =	vor.u32 v14, v19;
	v53 =	vor.u32 v13, v22;
	v36 =	vld.idx.msk [tilespmem:v62+s3+$0x0], $0xffff;
	[tilespmem:v63+s15+$0x0] =	vst.idx.msk $0xffff, v39  }
0x151: {  	v54 =	vor.u32 v14, v23;
	v27 =	vld.idx.msk [tilespmem:v45+s3+$0x0], $0xffff;
	v55 =	vor.u32 v13, v24;
	[tilespmem:v46+s15+$0x0] =	vst.idx.msk $0xffff, v28  }
0x152: {  	[tilespmem:v47+s15+$0x0] =	vst.idx.msk $0xffff, v26;
	v58 =	vor.u32 v13, v40;
	v56 =	vor.u32 v14, v25;
	v57 =	vld.idx.msk [tilespmem:v48+s3+$0x0], $0xffff  }
0x153: {  	v16 =	vor.u32 v15, v16;
	v20 =	vld.idx.msk [tilespmem:v20+s3+$0x0], $0xffff;
	v59 =	vor.u32 v14, v41;
	[tilespmem:v51+s15+$0x0] =	vst.idx.msk $0xffff, v34  }
0x154: {  	v60 =	vor.u32 v15, v18;
	v21 =	vld.idx.msk [tilespmem:v52+s3+$0x0], $0xffff;
	[tilespmem:v49+s15+$0x0] =	vst.idx.msk $0xffff, v32  }
0x155: {  	v17 =	vor.u32 v15, v17;
	[tilespmem:v53+s15+$0x0] =	vst.idx.msk $0xffff, v36;
	v19 =	vld.idx.msk [tilespmem:v50+s3+$0x0], $0xffff  }
0x156: {  	v61 =	vor.u32 v15, v22;
	v23 =	vld.idx.msk [tilespmem:v54+s3+$0x0], $0xffff;
	[tilespmem:v55+s15+$0x0] =	vst.idx.msk $0xffff, v27  }
0x157: {  	v62 =	vor.u32 v15, v24;
	v25 =	vld.idx.msk [tilespmem:v56+s3+$0x0], $0xffff;
	[tilespmem:v58+s15+$0x0] =	vst.idx.msk $0xffff, v57  }
0x158: {  	[tilespmem:v16+s15+$0x0] =	vst.idx.msk $0xffff, v20;
	v63 =	vor.u32 v15, v40;
	v16 =	vld.idx.msk [tilespmem:v59+s3+$0x0], $0xffff  }
0x159: {  	[tilespmem:v60+s15+$0x0] =	vst.idx.msk $0xffff, v21  }
0x15a: {  	[tilespmem:v17+s15+$0x0] =	vst.idx.msk $0xffff, v19  }
0x15b: {  	[tilespmem:v61+s15+$0x0] =	vst.idx.msk $0xffff, v23  }
0x15c: {  	[tilespmem:v62+s15+$0x0] =	vst.idx.msk $0xffff, v25  }
0x15d: {  	s20 =	sadd.s32 $0x1, s20;
	[tilespmem:v63+s15+$0x0] =	vst.idx.msk $0xffff, v16  }
0x15e: {  	[hbm4b:s9+s3] =	stream.linear.scatter [tilespmem:s15], [sflag:$0x3], $0x2000, $0x38;
	[tilespmem:$0x8000] =	vst v63  }
0x15f: {  	p0 =	sne.s32 s20, s10;
	_ =	swait.ge [sflag:s18], $0x2000  }
.Ltmp4:
0x160: {  	[sflag:s18] =	ssyncset.done $0x0;
	(pc) =	sbr.rel @p0 .LBB2_1-.Ltmp4, $4  }
0x161: {  	[sflag:s18] =	ssyncadd.s32 $0xFFFFE000  }
0x162: {  	_ =	swait.ge [sflag:s19], $0x2000  }
0x163: {  	[sflag:s19] =	ssyncset.done $0x0  }
0x164: {  	[sflag:s19] =	ssyncadd.s32 $0xFFFFE000  }
0x165: {  	_ =	sfence.sel $0x180000  }
0x166: {  	[bflag:$0x0] =	sbarrier.arrive $0xFFFF  }
0x167: {  	p0 =	sne.s32 s0, $0x0;
	_ =	strace $0x90000047  }
0x168: {  	s0 =	sadd.s32 @!p0 $0x100000, s1;
	[bflag:$0x2] =	sbarrier.arrive $0xFFFF  }
0x169: {  	[sflag:s0] =	ssyncadd.tile.s32 @!p0 $0x1;
	_ =	shalt  }
.Lfunc_end2:
_tile_overlayer_lowered:
.L_overlay_start_2:
0x16a: {  	(tag) =	ssettag $0x2  }
0x16b: {  	s0 =	rddreg [dreg:$0x0];
	s2 =	stileid.u32  }
0x16c: {  	s1 =	rddreg [dreg:$0x1];
	p0 =	sne.s32 s2, $0x0  }
0x16d: {  	s3 =	rddreg [dreg:$0x2];
	[bflag:$0x3] =	sbarrier.arrive $0xFFFF;
	s2 =	simm.s32 @!p0 $0x1C05  }
0x16e: {  	[timem:s3], [sflag:s2] =	dma.local @!p0 [hbm:s0], s1  }
0x16f: {  	s0 =	simm.s32 @!p0 $0x5  }
0x170: {  	_ =	swait.ge @!p0 [sflag:s0], s1  }
0x171: {  	s1 =	ssub.s32 @!p0 $0x0, s1;
	[sflag:s0] =	ssyncset.done @!p0 $0x0  }
0x172: {  	[sflag:s0] =	ssyncadd.s32 @!p0 s1  }
0x173: {  	[bflag:$0x3] =	sbarrier.arrive $0xFFFF  }
0x174: {  	_ =	shalt  }

// kernel: kernel.7.cloned.1.call-start
scs
__scs_entry_jumppad:
0x0: {  	(pc) =	sbr.rel $0x88, $3  }
0x1: {  	(tag) =	ssettag $0x0;
	lr =	simm.s32 $0x1  }
0x2: {  	[smem:$0x3F9F] =	sst lr;
	_ =	strace $0xD0000000  }
0x3: {  	_ = 	snop  }
0x4: {  	_ = 	snop  }
0x5: {  	_ = 	snop  }
0x6: {  	_ = 	snop  }
0x7: {  	_ = 	snop  }
__scs_overlays_trampoline_lowered:
0x8: {  	[smem:$0x3FAE] =	sst s0  }
0x9: {  	[smem:$0x3FAF] =	sst s1  }
0xa: {  	[smem:$0x3FB0] =	sst s2  }
0xb: {  	[smem:$0x3FB1] =	sst s3  }
0xc: {  	[smem:$0x3FB2] =	sst s4  }
0xd: {  	[smem:$0x3FB3] =	sst s5  }
0xe: {  	[smem:$0x3FB4] =	sst s6  }
0xf: {  	[smem:$0x3FB5] =	sst s7  }
0x10: {  	[smem:$0x3FB6] =	sst s8  }
0x11: {  	[smem:$0x3FB7] =	sst s9;
	s0 =	simm.s32 @!p0 $0x0  }
0x12: {  	s1 =	sld [smem:$0x3F9D];
	s0 =	simm.s32 @p0 $0x1  }
0x13: {  	[smem:$0x3FB8] =	sst s0;
	s0 =	simm.s32 @!p1 $0x0  }
0x14: {  	s2 =	sld [smem:$0x3F9C];
	s0 =	simm.s32 @p1 $0x1  }
0x15: {  	[smem:$0x3FB9] =	sst s0;
	s0 =	simm.s32 @!p2 $0x0  }
0x16: {  	s3 =	sld [smem:$0x3FDB];
	s0 =	simm.s32 @p2 $0x1  }
0x17: {  	s4 =	simm.s32 $0x1BF5;
	[smem:$0x3FBB] =	sst s0  }
0x18: {  	s0 =	sld [smem:$0x3F9E];
	_ =	swait.ge [sflag:s4], $0x0  }
0x19: {  	s7 =	sld [smem:$0x3F9F]  }
0x1a: {  	s8 =	sadd.s32 $0xFFFFE003, lr  }
0x1b: {  	s9 =	sadd.s32 $0xFFFFFEF7, lr;
	s5 =	simm.s32 $0xFFFFFFFF;
	p2 =	slt.u32 s8, $0xFFFFF086  }
0x1c: {  	p1 =	slt.u32 s9, $0xF7A;
	s5 =	simm.s32 @!p2 $0x0  }
0x1d: {  	s5 =	simm.s32 @p1 $0x1;
	p0 =	seq.s32 s7, s2  }
0x1e: {  	s7 =	smul.u32 @!p0 $0xF7A, s2;
	p2 =	seq.s32 @!p0 s5, $0x0  }
0x1f: {  	s9 =	smul.u32 $0xF7A, s1;
	s8 =	simm.s32 @!p0 $0x1BF5;
	p2 =	por !p2, p0  }
0x20: {  	[sflag:s8] =	ssyncset.s32 @!p0 $0xFFFFF086;
	s6 =	sadd.s32 @!p0 s3, s7;
	s7 =	simm.s32 @!p0 $0x108  }
0x21: {  	s3 =	sadd.s32 s3, s9;
	s6 =	sadd.s32 @!p0 $0x88, s6;
	s7 =	simm.s32 @p2 $0x1082  }
0x22: {  	[simem:s7], [sflag:s8] =	dma.local @!p0 [hbm:s6], $0xF7A  }
0x23: {  	s9 =	sor.u32 $0xD0000000, s2;
	s6 =	simm.s32 $0x108;
	_ =	swait.ge @!p0 [sflag:s8], $0x0  }
0x24: {  	s3 =	sadd.s32 $0x88, s3;
	s6 =	simm.s32 @!p1 $0x1082;
	[sflag:s4] =	ssyncset.s32 $0xFFFFF086  }
0x25: {  	[simem:s6], [sflag:s4] =	dma.local [hbm:s3], $0xF7A  }
0x26: {  	[smem:$0x3F9F] =	sst s1;
	(tag) =	ssettag s2;
	_ =	strace s9  }
0x27: {  	s1 =	sld [smem:$0x3FAF]  }
0x28: {  	s2 =	sld [smem:$0x3FB0]  }
0x29: {  	s4 =	sld [smem:$0x3FB2]  }
0x2a: {  	p0 =	seq.s32 s5, $0x0;
	s5 =	sld [smem:$0x3FB3]  }
0x2b: {  	s6 =	sld [smem:$0x3FB4]  }
0x2c: {  	s7 =	sld [smem:$0x3FB5]  }
0x2d: {  	s3 =	simm.s32 $0x108;
	s8 =	sld [smem:$0x3FB6]  }
0x2e: {  	s3 =	simm.s32 @!p0 $0x1082;
	s9 =	sld [smem:$0x3FB7]  }
0x2f: {  	lr =	sadd.s32 s0, s3;
	s0 =	sld [smem:$0x3FAE]  }
0x30: {  	s3 =	sld [smem:$0x3FB1]  }
0x31: {  	[smem:$0x3FBA] =	sst s10  }
0x32: {  	s10 =	sld [smem:$0x3FB8];
	_ =	sdelay $0x3  }
0x33: {  	p0 =	seq.s32 s10, $0x1;
	s10 =	sld [smem:$0x3FBA];
	_ =	sdelay $0x3  }
0x34: {  	[smem:$0x3FBA] =	sst s10  }
0x35: {  	s10 =	sld [smem:$0x3FB9];
	_ =	sdelay $0x3  }
0x36: {  	p1 =	seq.s32 s10, $0x1;
	s10 =	sld [smem:$0x3FBA];
	_ =	sdelay $0x3  }
0x37: {  	[smem:$0x3FBA] =	sst s10  }
0x38: {  	s10 =	sld [smem:$0x3FBB]  }
0x39: {  	_ = 	snop;
	(pc) =	sbr.ind lr, $3  }
0x3a: {  	_ = 	snop  }
0x3b: {  	_ = 	snop  }
0x3c: {  	p2 =	seq.s32 s10, $0x1;
	s10 =	sld [smem:$0x3FBA]  }
0x3d: {  	_ =	shalt  }
0x3e: {  	_ =	shalt  }
0x3f: {  	_ =	shalt  }
0x40: {  	_ =	shalt  }
0x41: {  	_ =	shalt  }
0x42: {  	_ =	shalt  }
0x43: {  	_ =	shalt  }
0x44: {  	_ =	shalt  }
0x45: {  	_ =	shalt  }
0x46: {  	_ =	shalt  }
0x47: {  	_ =	shalt  }
0x48: {  	_ =	shalt  }
0x49: {  	_ =	shalt  }
0x4a: {  	_ =	shalt  }
0x4b: {  	_ =	shalt  }
0x4c: {  	_ =	shalt  }
0x4d: {  	_ =	shalt  }
0x4e: {  	_ =	shalt  }
0x4f: {  	_ =	shalt  }
0x50: {  	_ =	shalt  }
0x51: {  	_ =	shalt  }
0x52: {  	_ =	shalt  }
0x53: {  	_ =	shalt  }
0x54: {  	_ =	shalt  }
0x55: {  	_ =	shalt  }
0x56: {  	_ =	shalt  }
0x57: {  	_ =	shalt  }
0x58: {  	_ =	shalt  }
0x59: {  	_ =	shalt  }
0x5a: {  	_ =	shalt  }
0x5b: {  	_ =	shalt  }
0x5c: {  	_ =	shalt  }
0x5d: {  	_ =	shalt  }
0x5e: {  	_ =	shalt  }
0x5f: {  	_ =	shalt  }
0x60: {  	_ =	shalt  }
0x61: {  	_ =	shalt  }
0x62: {  	_ =	shalt  }
0x63: {  	_ =	shalt  }
0x64: {  	_ =	shalt  }
0x65: {  	_ =	shalt  }
0x66: {  	_ =	shalt  }
0x67: {  	_ =	shalt  }
0x68: {  	_ =	shalt  }
0x69: {  	_ =	shalt  }
0x6a: {  	_ =	shalt  }
0x6b: {  	_ =	shalt  }
0x6c: {  	_ =	shalt  }
0x6d: {  	_ =	shalt  }
0x6e: {  	_ =	shalt  }
0x6f: {  	_ =	shalt  }
0x70: {  	_ =	shalt  }
0x71: {  	_ =	shalt  }
0x72: {  	_ =	shalt  }
0x73: {  	_ =	shalt  }
0x74: {  	_ =	shalt  }
0x75: {  	_ =	shalt  }
0x76: {  	_ =	shalt  }
0x77: {  	_ =	shalt  }
0x78: {  	_ =	shalt  }
0x79: {  	_ =	shalt  }
0x7a: {  	_ =	shalt  }
0x7b: {  	_ =	shalt  }
0x7c: {  	_ =	shalt  }
0x7d: {  	_ =	shalt  }
0x7e: {  	_ =	shalt  }
0x7f: {  	_ =	shalt  }
0x80: {  	_ =	shalt  }
0x81: {  	_ =	shalt  }
0x82: {  	_ =	shalt  }
0x83: {  	_ =	shalt  }
0x84: {  	_ =	shalt  }
0x85: {  	_ =	shalt  }
0x86: {  	_ =	shalt  }
0x87: {  	_ =	shalt  }
.Lfunc_end0:
.L_simem_size_0:
called_computation.1_lowered:
.L_overlay_start_0:
0x88: {  	s2 =	sld [smem:$0x3FD9]  }
0x89: {  	s3 =	sld [smem:$0x3FFE];
	_ =	sdelay $0x1  }
0x8a: {  	s1 =	srdreg.scid  }
0x8b: {  	s0 =	sand.u32 $0x1, s1  }
0x8c: {  	s17 =	sshll.u32 s0, $0xA;
	s2 =	sadd.s32 s3, s2  }
0x8d: {  	s2 =	sadd.s32 s2, s17  }
0x8e: {  	[smem:$0x3FC6] =	sst s2  }
0x8f: {  	_ = 	snop  }
0x90: {  	s2 =	sld [smem:$0x3FD0];
	(tm) =	ssettm $0x1  }
0x91: {  	s18 =	sld [smem:$0x3FFB];
	_ =	sdelay $0x3  }
0x92: {  	_ =	strace s18  }
0x93: {  	s3 =	sld [smem:$0x3FFC];
	_ =	sdelay $0x3  }
0x94: {  	_ =	strace s3  }
0x95: {  	s3 =	sld [smem:$0x3FFD];
	_ =	sdelay $0x3  }
0x96: {  	_ =	strace s3  }
0x97: {  	_ =	strace $0x8FFFFFFF  }
0x98: {  	s19 =	sld [smem:$0x3FDB];
	_ =	sdelay $0x1  }
0x99: {  	s4 =	simm.s32 $_scs_section_size  }
0x9a: {  	s5 =	simm.s32 $_size__tile_overlayer_lowered;
	s6 =	simm.s32 $_tile_overlayer_lowered  }
0x9b: {  	s22 =	simm.s32 $0x1BFF;
	s21 =	sshll.u32 s6, $0x1;
	s3 =	sadd.s32 s4, s19  }
0x9c: {  	s7 =	simm.s32 $0x0;
	s20 =	sshll.u32 s5, $0x1;
	s5 =	sadd.s32 s21, s3  }
0x9d: {  	[timem:s7], [sflag:s22] =	dma.local [hbm:s5], s20  }
0x9e: {  	_ =	swait.ge [sflag:s22], s20  }
0x9f: {  	s4 =	ssub.s32 $0x0, s20;
	[sflag:s22] =	ssyncset.done $0x0  }
0xa0: {  	[sflag:s22] =	ssyncadd.s32 s4;
	_ =	sdelay $0x1  }
0xa1: {  	s23 =	simm.s32 $0x1B8B  }
0xa2: {  	_ =	swait.ge [sflag:s23], $0x1  }
0xa3: {  	[sflag:s23] =	ssyncset.done $0x0  }
0xa4: {  	s25 =	simm.s32 $0x1B8E;
	s24 =	sld [smem:$0x3FFE];
	[sflag:s23] =	ssyncadd.s32 $0xFFFFFFFF  }
0xa5: {  	s26 =	simm.s32 $execute0_lowered;
	[smem:$0x3FD2] =	sst s25  }
0xa6: {  	s5 =	sshll.u32 s26, $0x1;
	_ =	strace $0x80000049;
	[dreg:$0x1] =	wrdreg $0xFFFFFFFF  }
0xa7: {  	s28 =	simm.s32 $_size_execute0_lowered;
	s3 =	sadd.s32 s3, s5;
	[dreg:$0x0] =	wrdreg $0x0  }
0xa8: {  	s5 =	sshll.u32 s28, $0x1;
	[dreg:$0x2] =	wrdreg s3  }
0xa9: {  	[dreg:$0x3] =	wrdreg s5  }
0xaa: {  	[dreg:$0x4] =	wrdreg $0xC0  }
0xab: {  	_ =	task [dreg:s7], $0x5FFFF  }
0xac: {  	[dreg:$0x1] =	wrdreg $0xFFFFFFFF  }
0xad: {  	[dreg:$0x0] =	wrdreg $0x60  }
0xae: {  	[dreg:$0x2] =	wrdreg s24  }
0xaf: {  	[dreg:$0x3] =	wrdreg s2  }
0xb0: {  	[dreg:$0x4] =	wrdreg $0x9  }
0xb1: {  	_ =	task.clear_ibuf [dreg:s7], $0x5FFFF;
	_ =	strace $0x90000049  }
0xb2: {  	s29 =	simm.s32 $0x9;
	_ =	strace $0x8000004B  }
0xb3: {  	_ =	swait.ge [sflag:s29], $0x1  }
0xb4: {  	[sflag:s29] =	ssyncadd.s32 $0xFFFFFFFF  }
0xb5: {  	_ =	strace $0x9000004B  }
0xb6: {  	_ =	sfence  }
0xb7: {  	s30 =	sld [smem:$0x0];
	_ =	sdelay $0x2  }
0xb8: {  	s31 =	sshll.u32 s1, $0xD;
	s1 =	sshrl.u32 s1, $0x2  }
0xb9: {  	s3 =	sand.u32 $0x4000, s31;
	s1 =	sadd.s32 s1, s30  }
0xba: {  	s0 =	sor.u32 s3, s0;
	s1 =	sshll.u32 s1, $0x11  }
0xbb: {  	s0 =	sor.u32 s1, s0  }
0xbc: {  	s0 =	sadd.s32 $0x8F2B, s0  }
0xbd: {  	[sflag:s0] =	ssyncadd.remote.s32 $0x1  }
0xbe: {  	_ =	sfence.sel $0xFFFF  }
0xbf: {  	[dreg:$0x0] =	wrdreg $0xFFFFFFFF;
	(pc) =	sbr.abs _section_cstart, $3  }
0xc0: {  	[dreg:$0x1] =	wrdreg $0xFFFFFFFF  }
0xc1: {  	_ =	task.clear_ibuf [dreg:s7], $0x2FFFF;
	_ =	strace $0x9FFFFFFF  }
0xc2: {  	(tm) =	ssettm $0x7FFFFFFF  }
0xc3: {  	_ =	shalt  }
tec
execute0_lowered:
.L_overlay_start_1:
0x0: {  	(tag) =	ssettag $0x1  }
0x1: {  	s0 =	srdreg.scid;
	s2 =	stileid.u32  }
0x2: {  	s1 =	rddreg [dreg:$0x0];
	s29 =	simm.s32 $0x13C00;
	s30 =	simm.s32 $0x14400  }
0x3: {  	s31 =	simm.s32 $0x14C00;
	s0 =	sand.u32 $0x1, s0;
	s3 =	sshll.u32 s2, $0x1  }
0x4: {  	s2 =	rddreg [dreg:$0x1];
	s5 =	sor.u32 s0, s3;
	s3 =	simm.s32 $0x0  }
0x5: {  	s0 =	ssub.s32 $0x2, s0;
	s7 =	sadd.s32 $0x1000, s2;
	s8 =	sadd.s32 $0x2000, s2  }
0x6: {  	s9 =	sadd.s32 $0x3000, s2;
	s10 =	sadd.s32 $0x4000, s2;
	s4 =	smul.u32 $0xC80, s5  }
0x7: {  	s11 =	sadd.s32 $0x5000, s2;
	[smem:$0x7FF] =	sst s3;
	s5 =	smul.u32 $0xC8, s5  }
0x8: {  	s12 =	sadd.s32 $0x6000, s2;
	s22 =	sshrl.u32 s0, $0x1;
	_ =	strace $0x8000004A  }
0x9: {  	s0 =	ssub.s32 s0, s22;
	s6 =	sadd.s32 s4, s1;
	s24 =	sadd.s32 $0xC4, s5  }
0xa: {  	s4 =	sadd.s32 $0xA00, s1;
	s0 =	smax.u32 s0, $0x1;
	s1 =	sshll.u32 s24, $0x7  }
0xb: {  	s23 =	sadd.s32 $0x7A1E00, s6;
	s25 =	sshll.u32 s24, $0xA;
	s1 =	sand.u32 $0xE00, s1  }
0xc: {  	[dreg:$0x14] =	wrdreg s0;
	s6 =	sand.u32 $0xFF8000, s25;
	s14 =	sadd.s32 s2, s1  }
0xd: {  	[dreg:$0x3] =	wrdreg s23;
	s1 =	sor.u32 s1, s6;
	s6 =	sadd.s32 s6, s14  }
0xe: {  	s13 =	sadd.s32 $0x7000, s2;
	s26 =	sadd.s32 s1, s7;
	[dreg:$0x4] =	wrdreg s6  }
0xf: {  	s15 =	sadd.s32 $0xC6, s5;
	s28 =	sadd.s32 s1, s8;
	[dreg:$0x5] =	wrdreg s26  }
0x10: {  	s17 =	sshll.u32 s15, $0xA;
	s14 =	sadd.s32 s1, s9;
	[dreg:$0x6] =	wrdreg s28  }
0x11: {  	s16 =	sadd.s32 s1, s10;
	s18 =	sadd.s32 s1, s12;
	[dreg:$0x7] =	wrdreg s14  }
0x12: {  	[dreg:$0x8] =	wrdreg s16;
	s6 =	sshll.u32 s15, $0x7;
	s15 =	sadd.s32 s1, s11  }
0x13: {  	v0 =	vlaneseq.u32;
	s14 =	sand.u32 $0xFF8000, s17;
	[dreg:$0xa] =	wrdreg s18;
	s6 =	sand.u32 $0xF00, s6  }
0x14: {  	v1 =	vmul.u32 $0x40, v0;
	s1 =	sadd.s32 s1, s13;
	[dreg:$0x9] =	wrdreg s15;
	s19 =	sadd.s32 s2, s6  }
0x15: {  	v3 =	vor.u32 $0x10, v0;
	v5 =	vor.u32 $0x20, v0;
	v7 =	vor.u32 $0x30, v0;
	[dreg:$0xb] =	wrdreg s1;
	s6 =	sor.u32 s6, s14;
	s20 =	sadd.s32 s14, s19  }
0x16: {  	v9 =	vor.u32 $0x40, v0;
	v11 =	vor.u32 $0x50, v0;
	v13 =	vor.u32 $0x60, v0;
	s0 =	simm.s32 $0x100;
	s21 =	sadd.s32 s6, s7;
	[dreg:$0xc] =	wrdreg s20  }
0x17: {  	v15 =	vor.u32 $0x70, v0;
	v17 =	vor.u32 $0x400, v0;
	v19 =	vor.u32 $0x410, v0;
	s16 =	simm.s32 $0xE400;
	s22 =	sadd.s32 s6, s8;
	[dreg:$0xd] =	wrdreg s21  }
0x18: {  	v21 =	vor.u32 $0x420, v0;
	v23 =	vor.u32 $0x430, v0;
	v25 =	vor.u32 $0x440, v0;
	s17 =	simm.s32 $0x15C00;
	s23 =	sadd.s32 s6, s9;
	[dreg:$0xe] =	wrdreg s22  }
0x19: {  	v27 =	vor.u32 $0x450, v0;
	v29 =	vor.u32 $0x460, v0;
	v31 =	vor.u32 $0x470, v0;
	s18 =	simm.s32 $0x3;
	s24 =	sadd.s32 s6, s10;
	[dreg:$0xf] =	wrdreg s23  }
0x1a: {  	v2 =	vor.u32 $0x400, v1;
	v4 =	vor.u32 $0x800, v1;
	v6 =	vor.u32 $0xC00, v1;
	s15 =	simm.s32 $0x1;
	s25 =	sadd.s32 s6, s11;
	[dreg:$0x10] =	wrdreg s24  }
0x1b: {  	v8 =	vor.u32 $0x1000, v1;
	v10 =	vor.u32 $0x1400, v1;
	v12 =	vor.u32 $0x1800, v1;
	s1 =	simm.s32 $0x15400;
	s26 =	sadd.s32 s6, s12;
	[dreg:$0x11] =	wrdreg s25  }
0x1c: {  	v14 =	vor.u32 $0x1C00, v1;
	v16 =	vor.u32 $0x2000, v1;
	v18 =	vor.u32 $0x2400, v1;
	s28 =	sadd.s32 s6, s13;
	s6 =	simm.s32 $0x6400;
	[dreg:$0x12] =	wrdreg s26  }
0x1d: {  	v20 =	vor.u32 $0x2800, v1;
	v22 =	vor.u32 $0x2C00, v1;
	v24 =	vor.u32 $0x3000, v1;
	s14 =	simm.s32 $0xA400;
	s19 =	simm.s32 $0x4;
	[dreg:$0x13] =	wrdreg s28  }
0x1e: {  	v26 =	vor.u32 $0x3400, v1;
	v28 =	vor.u32 $0x3800, v1;
	v30 =	vor.u32 $0x3C00, v1;
	s24 =	simm.s32 $0x2;
	s25 =	simm.s32 $0x12400;
	s21 =	simm.s32 $0x0  }
.LBB2_1:
0x1f: {  	[dreg:$0x15] =	wrdreg s21  }
0x20: {  	s20 =	rddreg [dreg:$0x3];
	s28 =	simm.s32 $0x5  }
0x21: {  	[tilespmem:s3], [sflag:$0x5] =	stream.linear.gather [hbm4b:s20+s3], $0x6400, $0x38;
	[tilespmem:$0x16400] =	vst v63  }
0x22: {  	_ =	swait.ge [sflag:s28], $0x6400  }
0x23: {  	[sflag:s28] =	ssyncset.done $0x0  }
0x24: {  	s20 =	simm.s32 $0x0;
	[sflag:s28] =	ssyncadd.s32 $0xFFFF9C00  }
0x25: {  	[tilespmem:s6], [sflag:$0x1] =	stream.indirect.gather [hbm4b:s4+s0], $0x40, s3, s0, $0xb8;
	[tilespmem:$0x16400] =	vst v63  }
.LBB2_2:
0x26: {  	s21 =	sshllo.u32 s20, $0x1  }
0x27: {  	s22 =	sshll.u32 s21, $0x8  }
0x28: {  	s22 =	sand.u32 $0x3FFFFF00, s22  }
0x29: {  	[tilespmem:s14], [sflag:$0x2] =	stream.indirect.gather [hbm4b:s4+s0], $0x40, s22, s0, $0xb8;
	[tilespmem:$0x16400] =	vst v63  }
0x2a: {  	_ =	swait.ge [sflag:s15], $0x4000  }
0x2b: {  	p0 =	seq.s32 s20, $0x0;
	[sflag:s15] =	ssyncset.done $0x0  }
0x2c: {  	s22 =	simm.s32 @!p0 $0x3;
	[sflag:s15] =	ssyncadd.s32 $0xFFFFC000  }
0x2d: {  	_ =	swait.ge @!p0 [sflag:s22], $0x800  }
0x2e: {  	[sflag:s22] =	ssyncset.done @!p0 $0x0  }
0x2f: {  	[sflag:s22] =	ssyncadd.s32 @!p0 $0xFFFFF800  }
0x30: {  	_ =	swait.ge @!p0 [sflag:s22], $0x800  }
0x31: {  	[sflag:s22] =	ssyncset.done @!p0 $0x0  }
0x32: {  	[sflag:s22] =	ssyncadd.s32 @!p0 $0xFFFFF800  }
0x33: {  	_ =	swait.ge @!p0 [sflag:s22], $0x800  }
0x34: {  	[sflag:s22] =	ssyncset.done @!p0 $0x0  }
0x35: {  	[sflag:s22] =	ssyncadd.s32 @!p0 $0xFFFFF800  }
0x36: {  	_ =	swait.ge @!p0 [sflag:s22], $0x800  }
0x37: {  	[sflag:s22] =	ssyncset.done @!p0 $0x0  }
0x38: {  	[sflag:s22] =	ssyncadd.s32 @!p0 $0xFFFFF800  }
0x39: {  	_ =	swait.ge @!p0 [sflag:s22], $0x800  }
0x3a: {  	[sflag:s22] =	ssyncset.done @!p0 $0x0  }
0x3b: {  	[sflag:s22] =	ssyncadd.s32 @!p0 $0xFFFFF800  }
0x3c: {  	_ =	swait.ge @!p0 [sflag:s22], $0x800  }
0x3d: {  	s23 =	simm.s32 $0x0;
	[sflag:s22] =	ssyncset.done @!p0 $0x0  }
0x3e: {  	v32 =	vadd.s32 s23, v0;
	[sflag:s22] =	ssyncadd.s32 @!p0 $0xFFFFF800  }
0x3f: {  	v43 =	vand.u32 $0x3F, v32;
	_ =	swait.ge @!p0 [sflag:s22], $0x800  }
0x40: {  	v33 =	vor.u32 v1, v43;
	[sflag:s22] =	ssyncset.done @!p0 $0x0  }
0x41: {  	[sflag:s22] =	ssyncadd.s32 @!p0 $0xFFFFF800  }
0x42: {  	v34 =	vshll.u32 v32, $0x8;
	v32 =	vshll.u32 v32, $0x7;
	_ =	swait.ge @!p0 [sflag:s22], $0x800  }
0x43: {  	v34 =	vand.u32 $0x3800, v34;
	v32 =	vand.u32 $0x380, v32;
	[sflag:s22] =	ssyncset.done @!p0 $0x0  }
0x44: {  	v42 =	vor.u32 v32, v34;
	[sflag:s22] =	ssyncadd.s32 @!p0 $0xFFFFF800  }
0x45: {  	v53 =	vor.u32 v0, v42;
	v52 =	vld.idx.msk [tilespmem:v33+s6+$0x0], $0xffff  }
0x46: {  	v54 =	vor.u32 v2, v43;
	_ =	sdelay $0x3  }
0x47: {  	[tilespmem:v53+s16+$0x0] =	vst.idx.msk $0xffff, v52  }
0x48: {  	v55 =	vor.u32 v3, v42;
	v32 =	vld.idx.msk [tilespmem:v54+s6+$0x0], $0xffff  }
0x49: {  	v35 =	vor.u32 v4, v43  }
0x4a: {  	s23 =	simm.s32 $0x1  }
0x4b: {  	v36 =	vadd.s32 s23, v0  }
0x4c: {  	v33 =	vand.u32 $0x3F, v36  }
0x4d: {  	v56 =	vor.u32 v1, v33;
	[tilespmem:v55+s16+$0x0] =	vst.idx.msk $0xffff, v32  }
0x4e: {  	v37 =	vor.u32 v5, v42;
	v35 =	vld.idx.msk [tilespmem:v35+s6+$0x0], $0xffff  }
0x4f: {  	v57 =	vshll.u32 v36, $0x8;
	v38 =	vor.u32 v6, v43;
	v36 =	vshll.u32 v36, $0x7  }
0x50: {  	v36 =	vand.u32 $0x380, v36;
	v32 =	vand.u32 $0x3800, v57  }
0x51: {  	v32 =	vor.u32 v36, v32  }
0x52: {  	v34 =	vld.idx.msk [tilespmem:v56+s6+$0x0], $0xffff;
	v36 =	vor.u32 v0, v32  }
0x53: {  	v58 =	vor.u32 v2, v33;
	[tilespmem:v37+s16+$0x0] =	vst.idx.msk $0xffff, v35  }
0x54: {  	v59 =	vor.u32 v7, v42;
	v37 =	vld.idx.msk [tilespmem:v38+s6+$0x0], $0xffff  }
0x55: {  	v39 =	vor.u32 v8, v43;
	_ =	sdelay $0x1  }
0x56: {  	[tilespmem:v36+s16+$0x0] =	vst.idx.msk $0xffff, v34  }
0x57: {  	v60 =	vor.u32 v3, v32;
	v34 =	vld.idx.msk [tilespmem:v58+s6+$0x0], $0xffff  }
0x58: {  	v61 =	vor.u32 v4, v33;
	[tilespmem:v59+s16+$0x0] =	vst.idx.msk $0xffff, v37  }
0x59: {  	v62 =	vor.u32 v9, v42;
	v38 =	vld.idx.msk [tilespmem:v39+s6+$0x0], $0xffff  }
0x5a: {  	s26 =	simm.s32 $0x2;
	v40 =	vor.u32 v10, v43  }
0x5b: {  	v41 =	vadd.s32 s26, v0  }
0x5c: {  	v35 =	vand.u32 $0x3F, v41;
	[tilespmem:v60+s16+$0x0] =	vst.idx.msk $0xffff, v34  }
0x5d: {  	v44 =	vor.u32 v5, v32;
	v63 =	vor.u32 v1, v35;
	v37 =	vld.idx.msk [tilespmem:v61+s6+$0x0], $0xffff  }
0x5e: {  	v48 =	vor.u32 v6, v33;
	[tilespmem:v62+s16+$0x0] =	vst.idx.msk $0xffff, v38  }
0x5f: {  	v49 =	vshll.u32 v41, $0x8;
	v50 =	vshll.u32 v41, $0x7;
	v51 =	vor.u32 v11, v42;
	v39 =	vld.idx.msk [tilespmem:v40+s6+$0x0], $0xffff  }
0x60: {  	v45 =	vor.u32 v12, v43;
	v34 =	vand.u32 $0x3800, v49;
	v40 =	vand.u32 $0x380, v50  }
0x61: {  	v34 =	vor.u32 v40, v34  }
0x62: {  	v36 =	vld.idx.msk [tilespmem:v63+s6+$0x0], $0xffff;
	[tilespmem:v44+s16+$0x0] =	vst.idx.msk $0xffff, v37;
	v40 =	vor.u32 v0, v34  }
0x63: {  	v53 =	vor.u32 v7, v32;
	v52 =	vor.u32 v2, v35;
	v38 =	vld.idx.msk [tilespmem:v48+s6+$0x0], $0xffff  }
0x64: {  	v54 =	vor.u32 v8, v33;
	[tilespmem:v51+s16+$0x0] =	vst.idx.msk $0xffff, v39  }
0x65: {  	v55 =	vor.u32 v13, v42;
	v41 =	vld.idx.msk [tilespmem:v45+s6+$0x0], $0xffff  }
0x66: {  	v46 =	vor.u32 v14, v43  }
0x67: {  	[tilespmem:v40+s16+$0x0] =	vst.idx.msk $0xffff, v36  }
0x68: {  	v56 =	vor.u32 v3, v34;
	[tilespmem:v53+s16+$0x0] =	vst.idx.msk $0xffff, v38;
	v37 =	vld.idx.msk [tilespmem:v52+s6+$0x0], $0xffff  }
0x69: {  	v57 =	vor.u32 v4, v35;
	v58 =	vor.u32 v9, v32;
	v39 =	vld.idx.msk [tilespmem:v54+s6+$0x0], $0xffff  }
0x6a: {  	s28 =	simm.s32 $0x3;
	v59 =	vor.u32 v10, v33;
	[tilespmem:v55+s16+$0x0] =	vst.idx.msk $0xffff, v41  }
0x6b: {  	v47 =	vor.u32 v15, v42;
	v60 =	vadd.s32 s28, v0;
	v45 =	vld.idx.msk [tilespmem:v46+s6+$0x0], $0xffff  }
0x6c: {  	v48 =	vor.u32 v16, v43;
	v36 =	vand.u32 $0x3F, v60  }
0x6d: {  	v61 =	vor.u32 v1, v36;
	[tilespmem:v56+s16+$0x0] =	vst.idx.msk $0xffff, v37  }
0x6e: {  	v63 =	vor.u32 v6, v35;
	v49 =	vor.u32 v5, v34;
	[tilespmem:v58+s16+$0x0] =	vst.idx.msk $0xffff, v39;
	v38 =	vld.idx.msk [tilespmem:v57+s6+$0x0], $0xffff  }
0x6f: {  	v62 =	vshll.u32 v60, $0x8;
	v53 =	vor.u32 v11, v32;
	v52 =	vshll.u32 v60, $0x7;
	v41 =	vld.idx.msk [tilespmem:v59+s6+$0x0], $0xffff  }
0x70: {  	v54 =	vor.u32 v12, v33;
	v44 =	vand.u32 $0x380, v52;
	v37 =	vand.u32 $0x3800, v62;
	[tilespmem:v47+s16+$0x0] =	vst.idx.msk $0xffff, v45  }
0x71: {  	v55 =	vor.u32 v17, v42;
	v37 =	vor.u32 v44, v37;
	v47 =	vld.idx.msk [tilespmem:v48+s6+$0x0], $0xffff  }
0x72: {  	v50 =	vor.u32 v18, v43;
	v40 =	vld.idx.msk [tilespmem:v61+s6+$0x0], $0xffff;
	v56 =	vor.u32 v0, v37  }
0x73: {  	v57 =	vor.u32 v2, v36;
	[tilespmem:v49+s16+$0x0] =	vst.idx.msk $0xffff, v38  }
0x74: {  	v58 =	vor.u32 v7, v34;
	[tilespmem:v53+s16+$0x0] =	vst.idx.msk $0xffff, v41;
	v39 =	vld.idx.msk [tilespmem:v63+s6+$0x0], $0xffff  }
0x75: {  	v60 =	vor.u32 v13, v32;
	v59 =	vor.u32 v8, v35;
	v45 =	vld.idx.msk [tilespmem:v54+s6+$0x0], $0xffff  }
0x76: {  	v61 =	vor.u32 v14, v33;
	[tilespmem:v55+s16+$0x0] =	vst.idx.msk $0xffff, v47  }
0x77: {  	[tilespmem:v56+s16+$0x0] =	vst.idx.msk $0xffff, v40;
	v63 =	vor.u32 v19, v42;
	v62 =	vld.idx.msk [tilespmem:v50+s6+$0x0], $0xffff  }
0x78: {  	v56 =	vor.u32 v3, v37;
	v38 =	vld.idx.msk [tilespmem:v57+s6+$0x0], $0xffff;
	v57 =	vor.u32 v20, v43  }
0x79: {  	[tilespmem:v58+s16+$0x0] =	vst.idx.msk $0xffff, v39;
	v58 =	vor.u32 v4, v36  }
0x7a: {  	s23 =	simm.s32 $0x4;
	v51 =	vor.u32 v9, v34;
	[tilespmem:v60+s16+$0x0] =	vst.idx.msk $0xffff, v45;
	v41 =	vld.idx.msk [tilespmem:v59+s6+$0x0], $0xffff  }
0x7b: {  	v52 =	vor.u32 v15, v32;
	v60 =	vadd.s32 s23, v0;
	v44 =	vld.idx.msk [tilespmem:v61+s6+$0x0], $0xffff;
	v59 =	vor.u32 v10, v35  }
0x7c: {  	v39 =	vand.u32 $0x3F, v60;
	v61 =	vor.u32 v16, v33;
	[tilespmem:v63+s16+$0x0] =	vst.idx.msk $0xffff, v62  }
0x7d: {  	[tilespmem:v56+s16+$0x0] =	vst.idx.msk $0xffff, v38;
	v62 =	vor.u32 v1, v39;
	v63 =	vor.u32 v21, v42;
	v47 =	vld.idx.msk [tilespmem:v57+s6+$0x0], $0xffff  }
0x7e: {  	v53 =	vor.u32 v5, v37;
	v54 =	vor.u32 v22, v43;
	v49 =	vld.idx.msk [tilespmem:v58+s6+$0x0], $0xffff  }
0x7f: {  	v55 =	vshll.u32 v60, $0x8;
	v46 =	vshll.u32 v60, $0x7;
	v56 =	vor.u32 v6, v36;
	[tilespmem:v51+s16+$0x0] =	vst.idx.msk $0xffff, v41  }
0x80: {  	v38 =	vand.u32 $0x3800, v55;
	[tilespmem:v52+s16+$0x0] =	vst.idx.msk $0xffff, v44;
	v57 =	vand.u32 $0x380, v46;
	v51 =	vor.u32 v11, v34;
	v45 =	vld.idx.msk [tilespmem:v59+s6+$0x0], $0xffff  }
0x81: {  	v58 =	vor.u32 v12, v35;
	v44 =	vor.u32 v17, v32;
	v40 =	vld.idx.msk [tilespmem:v61+s6+$0x0], $0xffff;
	v38 =	vor.u32 v57, v38  }
0x82: {  	v59 =	vor.u32 v0, v38;
	v48 =	vld.idx.msk [tilespmem:v62+s6+$0x0], $0xffff;
	[tilespmem:v63+s16+$0x0] =	vst.idx.msk $0xffff, v47  }
0x83: {  	v50 =	vor.u32 v18, v33;
	v62 =	vor.u32 v23, v42;
	[tilespmem:v53+s16+$0x0] =	vst.idx.msk $0xffff, v49;
	v60 =	vld.idx.msk [tilespmem:v54+s6+$0x0], $0xffff  }
0x84: {  	v61 =	vor.u32 v2, v39;
	v63 =	vor.u32 v7, v37;
	v41 =	vld.idx.msk [tilespmem:v56+s6+$0x0], $0xffff  }
0x85: {  	v55 =	vor.u32 v24, v43;
	[tilespmem:v51+s16+$0x0] =	vst.idx.msk $0xffff, v45  }
0x86: {  	v57 =	vor.u32 v8, v36;
	[tilespmem:v44+s16+$0x0] =	vst.idx.msk $0xffff, v40;
	v46 =	vld.idx.msk [tilespmem:v58+s6+$0x0], $0xffff;
	v58 =	vor.u32 v13, v34  }
0x87: {  	[tilespmem:v59+s16+$0x0] =	vst.idx.msk $0xffff, v48;
	v59 =	vor.u32 v14, v35  }
0x88: {  	v47 =	vor.u32 v19, v32;
	v44 =	vld.idx.msk [tilespmem:v50+s6+$0x0], $0xffff;
	[tilespmem:v62+s16+$0x0] =	vst.idx.msk $0xffff, v60  }
0x89: {  	v49 =	vor.u32 v3, v38;
	v48 =	vld.idx.msk [tilespmem:v61+s6+$0x0], $0xffff;
	[tilespmem:v63+s16+$0x0] =	vst.idx.msk $0xffff, v41;
	v41 =	vor.u32 v20, v33  }
0x8a: {  	v52 =	vor.u32 v25, v42;
	v50 =	vld.idx.msk [tilespmem:v55+s6+$0x0], $0xffff  }
0x8b: {  	v60 =	vor.u32 v9, v37;
	v45 =	vld.idx.msk [tilespmem:v57+s6+$0x0], $0xffff;
	[tilespmem:v58+s16+$0x0] =	vst.idx.msk $0xffff, v46  }
0x8c: {  	v57 =	vor.u32 v15, v34;
	v56 =	vld.idx.msk [tilespmem:v59+s6+$0x0], $0xffff  }
0x8d: {  	[tilespmem:v47+s16+$0x0] =	vst.idx.msk $0xffff, v44;
	v47 =	vor.u32 v16, v35  }
0x8e: {  	s26 =	simm.s32 $0x5;
	v63 =	vor.u32 v4, v39;
	v58 =	vor.u32 v21, v32;
	[tilespmem:v49+s16+$0x0] =	vst.idx.msk $0xffff, v48;
	v49 =	vld.idx.msk [tilespmem:v41+s6+$0x0], $0xffff  }
0x8f: {  	v51 =	vor.u32 v10, v36;
	v61 =	vor.u32 v26, v43;
	v62 =	vadd.s32 s26, v0;
	[tilespmem:v52+s16+$0x0] =	vst.idx.msk $0xffff, v50  }
0x90: {  	v40 =	vand.u32 $0x3F, v62;
	v44 =	vshll.u32 v62, $0x8;
	[tilespmem:v60+s16+$0x0] =	vst.idx.msk $0xffff, v45;
	v60 =	vshll.u32 v62, $0x7  }
0x91: {  	v44 =	vand.u32 $0x3800, v44;
	v48 =	vor.u32 v1, v40;
	v41 =	vand.u32 $0x380, v60;
	[tilespmem:v57+s16+$0x0] =	vst.idx.msk $0xffff, v56  }
0x92: {  	v45 =	vor.u32 v22, v33;
	v41 =	vor.u32 v41, v44;
	v44 =	vor.u32 v17, v34;
	v47 =	vld.idx.msk [tilespmem:v47+s6+$0x0], $0xffff  }
0x93: {  	v50 =	vor.u32 v5, v38;
	v52 =	vld.idx.msk [tilespmem:v63+s6+$0x0], $0xffff;
	[tilespmem:v58+s16+$0x0] =	vst.idx.msk $0xffff, v49;
	v58 =	vor.u32 v18, v35  }
0x94: {  	v53 =	vor.u32 v6, v39;
	v63 =	vor.u32 v27, v42;
	v46 =	vld.idx.msk [tilespmem:v61+s6+$0x0], $0xffff  }
0x95: {  	v62 =	vor.u32 v28, v43;
	v61 =	vor.u32 v11, v37;
	v51 =	vld.idx.msk [tilespmem:v51+s6+$0x0], $0xffff  }
0x96: {  	v57 =	vor.u32 v12, v36;
	v48 =	vld.idx.msk [tilespmem:v48+s6+$0x0], $0xffff  }
0x97: {  	v49 =	vor.u32 v0, v41;
	v45 =	vld.idx.msk [tilespmem:v45+s6+$0x0], $0xffff;
	[tilespmem:v44+s16+$0x0] =	vst.idx.msk $0xffff, v47  }
0x98: {  	[tilespmem:v50+s16+$0x0] =	vst.idx.msk $0xffff, v52;
	v44 =	vld.idx.msk [tilespmem:v58+s6+$0x0], $0xffff  }
0x99: {  	v52 =	vor.u32 v23, v32;
	v53 =	vld.idx.msk [tilespmem:v53+s6+$0x0], $0xffff;
	[tilespmem:v63+s16+$0x0] =	vst.idx.msk $0xffff, v46  }
0x9a: {  	v46 =	vor.u32 v7, v38;
	[tilespmem:v61+s16+$0x0] =	vst.idx.msk $0xffff, v51;
	v51 =	vld.idx.msk [tilespmem:v62+s6+$0x0], $0xffff  }
0x9b: {  	v50 =	vor.u32 v2, v40;
	v61 =	vld.idx.msk [tilespmem:v57+s6+$0x0], $0xffff;
	v62 =	vor.u32 v13, v37  }
0x9c: {  	v60 =	vor.u32 v29, v42;
	v63 =	vor.u32 v14, v36;
	[tilespmem:v49+s16+$0x0] =	vst.idx.msk $0xffff, v48  }
0x9d: {  	[tilespmem:$0x1FFF0] =	vst v44  }
0x9e: {  	[tilespmem:v52+s16+$0x0] =	vst.idx.msk $0xffff, v45  }
0x9f: {  	v54 =	vor.u32 v24, v33;
	[tilespmem:v46+s16+$0x0] =	vst.idx.msk $0xffff, v53  }
0xa0: {  	v59 =	vor.u32 v8, v39;
	v55 =	vld.idx.msk [tilespmem:v50+s6+$0x0], $0xffff;
	[tilespmem:v62+s16+$0x0] =	vst.idx.msk $0xffff, v61  }
0xa1: {  	v43 =	vor.u32 v30, v43;
	[tilespmem:v60+s16+$0x0] =	vst.idx.msk $0xffff, v51;
	v50 =	vld.idx.msk [tilespmem:v63+s6+$0x0], $0xffff  }
0xa2: {  	v58 =	vor.u32 v19, v34;
	v63 =	vld [tilespmem:$0x1FFF0]  }
0xa3: {  	v56 =	vor.u32 v3, v41;
	v49 =	vor.u32 v20, v35  }
0xa4: {  	v57 =	vor.u32 v4, v40;
	v48 =	vor.u32 v25, v32;
	v47 =	vld.idx.msk [tilespmem:v54+s6+$0x0], $0xffff  }
0xa5: {  	v53 =	vor.u32 v9, v38;
	v45 =	vor.u32 v26, v33;
	v52 =	vld.idx.msk [tilespmem:v59+s6+$0x0], $0xffff  }
0xa6: {  	s28 =	simm.s32 $0x6;
	v46 =	vor.u32 v31, v42;
	v44 =	vld.idx.msk [tilespmem:v43+s6+$0x0], $0xffff;
	v54 =	vor.u32 v10, v39  }
0xa7: {  	s22 =	simm.s32 $0x7;
	v42 =	vadd.s32 s28, v0;
	v51 =	vor.u32 v15, v37;
	[tilespmem:v58+s16+$0x0] =	vst.idx.msk $0xffff, v63  }
.LBB2_3:
0xa8: {  	p1 =	sne.s32 s22, $0x3F;
	v43 =	vshll.u32 v42, $0x8;
	v58 =	vand.u32 $0x3F, v42;
	[tilespmem:v56+s16+$0x0] =	vst.idx.msk $0xffff, v55;
	v55 =	vor.u32 v16, v36;
	v49 =	vld.idx.msk [tilespmem:v49+s6+$0x0], $0xffff  }
0xa9: {  	v59 =	vor.u32 v21, v34;
	v56 =	vor.u32 v1, v58;
	v57 =	vld.idx.msk [tilespmem:v57+s6+$0x0], $0xffff;
	[tilespmem:v48+s16+$0x0] =	vst.idx.msk $0xffff, v47  }
0xaa: {  	v47 =	vor.u32 v5, v41;
	v48 =	vor.u32 v22, v35;
	[tilespmem:v53+s16+$0x0] =	vst.idx.msk $0xffff, v52;
	v45 =	vld.idx.msk [tilespmem:v45+s6+$0x0], $0xffff  }
0xab: {  	v52 =	vor.u32 v6, v40;
	v53 =	vld.idx.msk [tilespmem:v54+s6+$0x0], $0xffff;
	v54 =	vor.u32 v27, v32;
	[tilespmem:v46+s16+$0x0] =	vst.idx.msk $0xffff, v44  }
0xac: {  	v42 =	vshll.u32 v42, $0x7;
	v44 =	vor.u32 v11, v38;
	v46 =	vor.u32 v28, v33;
	[tilespmem:v51+s16+$0x0] =	vst.idx.msk $0xffff, v50  }
0xad: {  	v60 =	vmovc v41;
	v43 =	vand.u32 $0x3800, v43;
	v42 =	vand.u32 $0x380, v42;
	v50 =	vor.u32 v12, v39;
	v51 =	vld.idx.msk [tilespmem:v55+s6+$0x0], $0xffff  }
0xae: {  	v41 =	vor.u32 v42, v43;
	v43 =	vor.u32 v17, v37;
	v42 =	vld.idx.msk [tilespmem:v56+s6+$0x0], $0xffff;
	[tilespmem:v59+s16+$0x0] =	vst.idx.msk $0xffff, v49  }
0xaf: {  	v49 =	vor.u32 v0, v41;
	[tilespmem:v47+s16+$0x0] =	vst.idx.msk $0xffff, v57;
	v47 =	vor.u32 v18, v36;
	v48 =	vld.idx.msk [tilespmem:v48+s6+$0x0], $0xffff  }
0xb0: {  	v55 =	vor.u32 v2, v58;
	v56 =	vor.u32 v23, v34;
	v52 =	vld.idx.msk [tilespmem:v52+s6+$0x0], $0xffff;
	[tilespmem:v54+s16+$0x0] =	vst.idx.msk $0xffff, v45  }
0xb1: {  	v45 =	vor.u32 v7, v60;
	[tilespmem:v44+s16+$0x0] =	vst.idx.msk $0xffff, v53;
	v44 =	vor.u32 v24, v35;
	v46 =	vld.idx.msk [tilespmem:v46+s6+$0x0], $0xffff  }
0xb2: {  	v54 =	vor.u32 v29, v32;
	v53 =	vor.u32 v8, v40;
	v50 =	vld.idx.msk [tilespmem:v50+s6+$0x0], $0xffff  }
0xb3: {  	v59 =	vor.u32 v13, v38;
	[tilespmem:v43+s16+$0x0] =	vst.idx.msk $0xffff, v51;
	v43 =	vor.u32 v30, v33;
	v33 =	vmov v35  }
0xb4: {  	v35 =	vmov v36;
	v36 =	vmov v39;
	[tilespmem:v49+s16+$0x0] =	vst.idx.msk $0xffff, v42;
	v42 =	vor.u32 v14, v39;
	v61 =	vld.idx.msk [tilespmem:v47+s6+$0x0], $0xffff  }
0xb5: {  	v62 =	vor.u32 v19, v37;
	v39 =	vmov v40;
	v40 =	vmov v58;
	v55 =	vld.idx.msk [tilespmem:v55+s6+$0x0], $0xffff;
	[tilespmem:v56+s16+$0x0] =	vst.idx.msk $0xffff, v48  }
.Ltmp0:
0xb6: {  	v49 =	vor.u32 v20, v35;
	v56 =	vor.u32 v3, v41;
	[tilespmem:v45+s16+$0x0] =	vst.idx.msk $0xffff, v52;
	v47 =	vld.idx.msk [tilespmem:v44+s6+$0x0], $0xffff;
	(pc) =	sbr.rel @p1 .LBB2_3-.Ltmp0, $4  }
0xb7: {  	v57 =	vor.u32 v4, v40;
	v48 =	vor.u32 v25, v34;
	v52 =	vld.idx.msk [tilespmem:v53+s6+$0x0], $0xffff;
	[tilespmem:v54+s16+$0x0] =	vst.idx.msk $0xffff, v46  }
0xb8: {  	v45 =	vor.u32 v26, v33;
	v53 =	vor.u32 v9, v60;
	[tilespmem:v59+s16+$0x0] =	vst.idx.msk $0xffff, v50;
	v44 =	vld.idx.msk [tilespmem:v43+s6+$0x0], $0xffff  }
0xb9: {  	v54 =	vor.u32 v10, v39;
	v46 =	vor.u32 v31, v32;
	v32 =	vmovc v34;
	v34 =	vmov v37;
	v50 =	vld.idx.msk [tilespmem:v42+s6+$0x0], $0xffff  }
0xba: {  	v51 =	vor.u32 v15, v38;
	v37 =	vmovc v38;
	v38 =	vmov v60;
	v42 =	vadd.s32 s22, v0;
	s22 =	sadd.s32 $0x1, s22;
	[tilespmem:v62+s16+$0x0] =	vst.idx.msk $0xffff, v61  }
0xbb: {  	v43 =	vand.u32 $0x3F, v42  }
0xbc: {  	v58 =	vor.u32 v1, v43;
	_ =	sdelay $0x1  }
0xbd: {  	v59 =	vshll.u32 v42, $0x8;
	v60 =	vshll.u32 v42, $0x7  }
0xbe: {  	v59 =	vand.u32 $0x3800, v59;
	v42 =	vand.u32 $0x380, v60  }
0xbf: {  	v42 =	vor.u32 v42, v59  }
0xc0: {  	v59 =	vor.u32 v0, v42;
	v58 =	vld.idx.msk [tilespmem:v58+s6+$0x0], $0xffff  }
0xc1: {  	v60 =	vor.u32 v2, v43;
	_ =	sdelay $0x2  }
0xc2: {  	[tilespmem:v56+s16+$0x0] =	vst.idx.msk $0xffff, v55  }
0xc3: {  	v56 =	vor.u32 v5, v41;
	v55 =	vld.idx.msk [tilespmem:v57+s6+$0x0], $0xffff;
	[tilespmem:v59+s16+$0x0] =	vst.idx.msk $0xffff, v58  }
0xc4: {  	v57 =	vor.u32 v6, v40;
	v59 =	vor.u32 v3, v42;
	v58 =	vld.idx.msk [tilespmem:v60+s6+$0x0], $0xffff  }
0xc5: {  	v60 =	vor.u32 v4, v43;
	_ =	sdelay $0x2  }
0xc6: {  	[tilespmem:v56+s16+$0x0] =	vst.idx.msk $0xffff, v55  }
0xc7: {  	v56 =	vor.u32 v7, v41;
	v55 =	vld.idx.msk [tilespmem:v57+s6+$0x0], $0xffff;
	[tilespmem:v59+s16+$0x0] =	vst.idx.msk $0xffff, v58  }
0xc8: {  	v57 =	vor.u32 v8, v40;
	v59 =	vor.u32 v5, v42;
	v58 =	vld.idx.msk [tilespmem:v60+s6+$0x0], $0xffff  }
0xc9: {  	v60 =	vor.u32 v6, v43;
	_ =	sdelay $0x2  }
0xca: {  	[tilespmem:v56+s16+$0x0] =	vst.idx.msk $0xffff, v55  }
0xcb: {  	v56 =	vor.u32 v9, v41;
	v55 =	vld.idx.msk [tilespmem:v57+s6+$0x0], $0xffff;
	[tilespmem:v59+s16+$0x0] =	vst.idx.msk $0xffff, v58  }
0xcc: {  	v57 =	vor.u32 v10, v40;
	v59 =	vor.u32 v7, v42;
	v58 =	vld.idx.msk [tilespmem:v60+s6+$0x0], $0xffff  }
0xcd: {  	v60 =	vor.u32 v8, v43;
	_ =	sdelay $0x1  }
0xce: {  	[tilespmem:v53+s16+$0x0] =	vst.idx.msk $0xffff, v52  }
0xcf: {  	v53 =	vor.u32 v11, v38;
	v52 =	vld.idx.msk [tilespmem:v54+s6+$0x0], $0xffff;
	[tilespmem:v56+s16+$0x0] =	vst.idx.msk $0xffff, v55  }
0xd0: {  	v54 =	vor.u32 v12, v39;
	v56 =	vor.u32 v11, v41;
	v55 =	vld.idx.msk [tilespmem:v57+s6+$0x0], $0xffff;
	[tilespmem:v59+s16+$0x0] =	vst.idx.msk $0xffff, v58  }
0xd1: {  	v57 =	vor.u32 v12, v40;
	v59 =	vor.u32 v9, v42;
	v58 =	vld.idx.msk [tilespmem:v60+s6+$0x0], $0xffff  }
0xd2: {  	v60 =	vor.u32 v10, v43;
	_ =	sdelay $0x1  }
0xd3: {  	[tilespmem:v53+s16+$0x0] =	vst.idx.msk $0xffff, v52  }
0xd4: {  	v53 =	vor.u32 v13, v38;
	v52 =	vld.idx.msk [tilespmem:v54+s6+$0x0], $0xffff;
	[tilespmem:v56+s16+$0x0] =	vst.idx.msk $0xffff, v55  }
0xd5: {  	v54 =	vor.u32 v14, v39;
	v56 =	vor.u32 v13, v41;
	v55 =	vld.idx.msk [tilespmem:v57+s6+$0x0], $0xffff;
	[tilespmem:v59+s16+$0x0] =	vst.idx.msk $0xffff, v58  }
0xd6: {  	v59 =	vor.u32 v11, v42;
	v58 =	vld.idx.msk [tilespmem:v60+s6+$0x0], $0xffff  }
0xd7: {  	v60 =	vor.u32 v12, v43;
	_ =	sdelay $0x1  }
0xd8: {  	[tilespmem:v53+s16+$0x0] =	vst.idx.msk $0xffff, v52  }
0xd9: {  	v52 =	vor.u32 v16, v36;
	v53 =	vld.idx.msk [tilespmem:v54+s6+$0x0], $0xffff;
	v54 =	vor.u32 v15, v38;
	[tilespmem:v56+s16+$0x0] =	vst.idx.msk $0xffff, v55  }
0xda: {  	v55 =	vor.u32 v16, v39;
	[tilespmem:v59+s16+$0x0] =	vst.idx.msk $0xffff, v58  }
0xdb: {  	v57 =	vor.u32 v14, v40;
	v59 =	vor.u32 v13, v42;
	v58 =	vld.idx.msk [tilespmem:v60+s6+$0x0], $0xffff  }
0xdc: {  	v60 =	vor.u32 v14, v43  }
0xdd: {  	[tilespmem:v51+s16+$0x0] =	vst.idx.msk $0xffff, v50  }
0xde: {  	v51 =	vor.u32 v17, v37;
	v50 =	vld.idx.msk [tilespmem:v52+s6+$0x0], $0xffff;
	[tilespmem:v54+s16+$0x0] =	vst.idx.msk $0xffff, v53  }
0xdf: {  	v52 =	vor.u32 v18, v36;
	v54 =	vor.u32 v17, v38;
	v53 =	vld.idx.msk [tilespmem:v55+s6+$0x0], $0xffff  }
0xe0: {  	v56 =	vld.idx.msk [tilespmem:v57+s6+$0x0], $0xffff;
	v57 =	vor.u32 v15, v41;
	v55 =	vor.u32 v18, v39;
	[tilespmem:v59+s16+$0x0] =	vst.idx.msk $0xffff, v58  }
0xe1: {  	v58 =	vor.u32 v16, v40;
	v59 =	vld.idx.msk [tilespmem:v60+s6+$0x0], $0xffff;
	v60 =	vor.u32 v15, v42  }
0xe2: {  	v61 =	vor.u32 v16, v43  }
0xe3: {  	[tilespmem:v51+s16+$0x0] =	vst.idx.msk $0xffff, v50  }
0xe4: {  	v51 =	vor.u32 v19, v37;
	v50 =	vld.idx.msk [tilespmem:v52+s6+$0x0], $0xffff;
	[tilespmem:v54+s16+$0x0] =	vst.idx.msk $0xffff, v53  }
0xe5: {  	v52 =	vor.u32 v20, v36;
	[tilespmem:v57+s16+$0x0] =	vst.idx.msk $0xffff, v56;
	v54 =	vor.u32 v19, v38;
	v53 =	vld.idx.msk [tilespmem:v55+s6+$0x0], $0xffff  }
0xe6: {  	v57 =	vor.u32 v17, v41;
	v55 =	vor.u32 v20, v39;
	v56 =	vld.idx.msk [tilespmem:v58+s6+$0x0], $0xffff;
	[tilespmem:v60+s16+$0x0] =	vst.idx.msk $0xffff, v59  }
0xe7: {  	v58 =	vor.u32 v18, v40;
	v60 =	vor.u32 v17, v42;
	v59 =	vld.idx.msk [tilespmem:v61+s6+$0x0], $0xffff  }
0xe8: {  	v61 =	vor.u32 v18, v43  }
0xe9: {  	v49 =	vld.idx.msk [tilespmem:v49+s6+$0x0], $0xffff;
	v62 =	vor.u32 v21, v34;
	[tilespmem:v51+s16+$0x0] =	vst.idx.msk $0xffff, v50  }
0xea: {  	v50 =	vor.u32 v22, v35;
	v51 =	vld.idx.msk [tilespmem:v52+s6+$0x0], $0xffff;
	v52 =	vor.u32 v21, v37;
	[tilespmem:v54+s16+$0x0] =	vst.idx.msk $0xffff, v53  }
0xeb: {  	v53 =	vor.u32 v22, v36;
	v54 =	vld.idx.msk [tilespmem:v55+s6+$0x0], $0xffff;
	v55 =	vor.u32 v21, v38;
	[tilespmem:v57+s16+$0x0] =	vst.idx.msk $0xffff, v56  }
0xec: {  	v57 =	vor.u32 v19, v41;
	v56 =	vld.idx.msk [tilespmem:v58+s6+$0x0], $0xffff;
	[tilespmem:v60+s16+$0x0] =	vst.idx.msk $0xffff, v59  }
0xed: {  	v58 =	vor.u32 v20, v40;
	v60 =	vor.u32 v19, v42;
	v59 =	vld.idx.msk [tilespmem:v61+s6+$0x0], $0xffff  }
0xee: {  	[tilespmem:v62+s16+$0x0] =	vst.idx.msk $0xffff, v49;
	v61 =	vor.u32 v20, v43  }
0xef: {  	v50 =	vld.idx.msk [tilespmem:v50+s6+$0x0], $0xffff;
	[tilespmem:v52+s16+$0x0] =	vst.idx.msk $0xffff, v51;
	v51 =	vor.u32 v23, v34  }
0xf0: {  	v52 =	vor.u32 v24, v35;
	v53 =	vld.idx.msk [tilespmem:v53+s6+$0x0], $0xffff;
	[tilespmem:v55+s16+$0x0] =	vst.idx.msk $0xffff, v54;
	v54 =	vor.u32 v23, v37  }
0xf1: {  	v55 =	vor.u32 v24, v36;
	[tilespmem:v57+s16+$0x0] =	vst.idx.msk $0xffff, v56  }
0xf2: {  	v56 =	vor.u32 v22, v39;
	v57 =	vld.idx.msk [tilespmem:v58+s6+$0x0], $0xffff;
	v58 =	vor.u32 v21, v41;
	[tilespmem:v60+s16+$0x0] =	vst.idx.msk $0xffff, v59  }
0xf3: {  	v59 =	vor.u32 v22, v40;
	v60 =	vld.idx.msk [tilespmem:v61+s6+$0x0], $0xffff;
	v61 =	vor.u32 v21, v42  }
0xf4: {  	v49 =	vor.u32 v22, v43;
	[tilespmem:v51+s16+$0x0] =	vst.idx.msk $0xffff, v50  }
0xf5: {  	v62 =	vor.u32 v25, v34;
	v51 =	vld.idx.msk [tilespmem:v52+s6+$0x0], $0xffff;
	[tilespmem:v54+s16+$0x0] =	vst.idx.msk $0xffff, v53  }
0xf6: {  	v63 =	vor.u32 v25, v37;
	v53 =	vor.u32 v26, v35;
	v54 =	vld.idx.msk [tilespmem:v55+s6+$0x0], $0xffff  }
0xf7: {  	v56 =	vld.idx.msk [tilespmem:v56+s6+$0x0], $0xffff;
	[tilespmem:v58+s16+$0x0] =	vst.idx.msk $0xffff, v57;
	v57 =	vor.u32 v23, v38  }
0xf8: {  	v58 =	vor.u32 v24, v39;
	v59 =	vld.idx.msk [tilespmem:v59+s6+$0x0], $0xffff;
	[tilespmem:v61+s16+$0x0] =	vst.idx.msk $0xffff, v60;
	v60 =	vor.u32 v23, v41  }
0xf9: {  	[tilespmem:v48+s16+$0x0] =	vst.idx.msk $0xffff, v47;
	v47 =	vor.u32 v24, v40;
	v48 =	vld.idx.msk [tilespmem:v49+s6+$0x0], $0xffff;
	v49 =	vor.u32 v23, v42  }
0xfa: {  	[tilespmem:v62+s16+$0x0] =	vst.idx.msk $0xffff, v51;
	v61 =	vor.u32 v24, v43  }
0xfb: {  	v53 =	vld.idx.msk [tilespmem:v53+s6+$0x0], $0xffff;
	[tilespmem:v63+s16+$0x0] =	vst.idx.msk $0xffff, v54;
	v63 =	vor.u32 v27, v34  }
0xfc: {  	v55 =	vor.u32 v28, v35;
	[tilespmem:v57+s16+$0x0] =	vst.idx.msk $0xffff, v56  }
0xfd: {  	v56 =	vor.u32 v26, v36;
	v57 =	vld.idx.msk [tilespmem:v58+s6+$0x0], $0xffff;
	v58 =	vor.u32 v25, v38;
	[tilespmem:v60+s16+$0x0] =	vst.idx.msk $0xffff, v59  }
0xfe: {  	v59 =	vor.u32 v26, v39;
	v47 =	vld.idx.msk [tilespmem:v47+s6+$0x0], $0xffff;
	[tilespmem:v49+s16+$0x0] =	vst.idx.msk $0xffff, v48;
	v48 =	vor.u32 v25, v41  }
0xff: {  	[tilespmem:v46+s16+$0x0] =	vst.idx.msk $0xffff, v44;
	v44 =	vor.u32 v26, v40;
	v60 =	vor.u32 v25, v42;
	v46 =	vld.idx.msk [tilespmem:v61+s6+$0x0], $0xffff  }
0x100: {  	v45 =	vld.idx.msk [tilespmem:v45+s6+$0x0], $0xffff;
	v51 =	vor.u32 v26, v43;
	[tilespmem:v63+s16+$0x0] =	vst.idx.msk $0xffff, v53;
	v61 =	vor.u32 v27, v32  }
0x101: {  	v62 =	vor.u32 v28, v33;
	v54 =	vld.idx.msk [tilespmem:v55+s6+$0x0], $0xffff;
	v55 =	vor.u32 v29, v34  }
0x102: {  	v56 =	vld.idx.msk [tilespmem:v56+s6+$0x0], $0xffff;
	[tilespmem:v58+s16+$0x0] =	vst.idx.msk $0xffff, v57;
	v57 =	vor.u32 v27, v37  }
0x103: {  	v58 =	vor.u32 v28, v36;
	v59 =	vld.idx.msk [tilespmem:v59+s6+$0x0], $0xffff;
	[tilespmem:v48+s16+$0x0] =	vst.idx.msk $0xffff, v47;
	v47 =	vor.u32 v27, v38  }
0x104: {  	v48 =	vor.u32 v28, v39;
	v44 =	vld.idx.msk [tilespmem:v44+s6+$0x0], $0xffff;
	[tilespmem:v60+s16+$0x0] =	vst.idx.msk $0xffff, v46;
	v60 =	vor.u32 v27, v41  }
0x105: {  	v50 =	vor.u32 v27, v42;
	[tilespmem:v61+s16+$0x0] =	vst.idx.msk $0xffff, v45;
	v61 =	vor.u32 v28, v40;
	v49 =	vld.idx.msk [tilespmem:v51+s6+$0x0], $0xffff  }
0x106: {  	v63 =	vor.u32 v28, v43;
	[tilespmem:v55+s16+$0x0] =	vst.idx.msk $0xffff, v54;
	v51 =	vld.idx.msk [tilespmem:v62+s6+$0x0], $0xffff;
	v62 =	vor.u32 v29, v32  }
0x107: {  	v35 =	vor.u32 v30, v35;
	[tilespmem:v57+s16+$0x0] =	vst.idx.msk $0xffff, v56  }
0x108: {  	v33 =	vor.u32 v30, v33;
	v57 =	vor.u32 v29, v37;
	v56 =	vld.idx.msk [tilespmem:v58+s6+$0x0], $0xffff;
	[tilespmem:v47+s16+$0x0] =	vst.idx.msk $0xffff, v59  }
0x109: {  	v58 =	vor.u32 v30, v36;
	v59 =	vor.u32 v29, v38;
	v47 =	vld.idx.msk [tilespmem:v48+s6+$0x0], $0xffff;
	[tilespmem:v60+s16+$0x0] =	vst.idx.msk $0xffff, v44  }
0x10a: {  	v60 =	vor.u32 v30, v39;
	v44 =	vld.idx.msk [tilespmem:v61+s6+$0x0], $0xffff;
	v61 =	vor.u32 v29, v41;
	[tilespmem:v50+s16+$0x0] =	vst.idx.msk $0xffff, v49  }
0x10b: {  	v52 =	vor.u32 v29, v42;
	[tilespmem:v62+s16+$0x0] =	vst.idx.msk $0xffff, v51;
	v62 =	vor.u32 v30, v40;
	v63 =	vld.idx.msk [tilespmem:v63+s6+$0x0], $0xffff  }
0x10c: {  	v43 =	vor.u32 v30, v43;
	v55 =	vor.u32 v31, v34;
	v35 =	vld.idx.msk [tilespmem:v35+s6+$0x0], $0xffff  }
0x10d: {  	v53 =	vor.u32 v31, v32;
	v33 =	vld.idx.msk [tilespmem:v33+s6+$0x0], $0xffff;
	[tilespmem:v57+s16+$0x0] =	vst.idx.msk $0xffff, v56  }
0x10e: {  	v57 =	vor.u32 v31, v37;
	v36 =	vld.idx.msk [tilespmem:v58+s6+$0x0], $0xffff;
	[tilespmem:v59+s16+$0x0] =	vst.idx.msk $0xffff, v47  }
0x10f: {  	v58 =	vor.u32 v31, v38;
	v39 =	vld.idx.msk [tilespmem:v60+s6+$0x0], $0xffff;
	[tilespmem:v61+s16+$0x0] =	vst.idx.msk $0xffff, v44  }
0x110: {  	v59 =	vor.u32 v31, v41;
	v40 =	vld.idx.msk [tilespmem:v62+s6+$0x0], $0xffff;
	[tilespmem:v52+s16+$0x0] =	vst.idx.msk $0xffff, v63  }
0x111: {  	s22 =	sshll.u32 s20, $0x2;
	[tilespmem:v55+s16+$0x0] =	vst.idx.msk $0xffff, v35;
	v61 =	vor.u32 v31, v42;
	v60 =	vld.idx.msk [tilespmem:v43+s6+$0x0], $0xffff  }
0x112: {  	s22 =	sadd.s32 s5, s22;
	[tilespmem:v53+s16+$0x0] =	vst.idx.msk $0xffff, v33  }
0x113: {  	s23 =	sshll.u32 s22, $0x7;
	[tilespmem:v57+s16+$0x0] =	vst.idx.msk $0xffff, v36  }
0x114: {  	s22 =	sshll.u32 s22, $0xA;
	s23 =	sand.u32 $0xE00, s23;
	[tilespmem:v58+s16+$0x0] =	vst.idx.msk $0xffff, v39  }
0x115: {  	s26 =	sand.u32 $0x7FFF8000, s22;
	s22 =	sand.u32 $0x1FFF8000, s22;
	s28 =	sadd.s32 s2, s23;
	[tilespmem:v59+s16+$0x0] =	vst.idx.msk $0xffff, v40  }
0x116: {  	s22 =	sor.u32 s23, s22;
	s26 =	sadd.s32 s26, s28;
	[tilespmem:v61+s16+$0x0] =	vst.idx.msk $0xffff, v60  }
0x117: {  	[hbm4b:s26+s3] =	stream.linear.scatter [tilespmem:s16], [sflag:$0x3], $0x800, $0x38;
	[tilespmem:$0x16400] =	vst v63  }
0x118: {  	s23 =	sadd.s32 s22, s7;
	s28 =	simm.s32 $0xEC00  }
0x119: {  	[hbm4b:s23+s3] =	stream.linear.scatter [tilespmem:s28], [sflag:$0x3], $0x800, $0x38;
	[tilespmem:$0x16400] =	vst v63  }
0x11a: {  	s26 =	sadd.s32 s22, s8;
	s28 =	simm.s32 $0xF400  }
0x11b: {  	[hbm4b:s26+s3] =	stream.linear.scatter [tilespmem:s28], [sflag:$0x3], $0x800, $0x38;
	[tilespmem:$0x16400] =	vst v63  }
0x11c: {  	s26 =	sadd.s32 s22, s9;
	s28 =	simm.s32 $0xFC00  }
0x11d: {  	[hbm4b:s26+s3] =	stream.linear.scatter [tilespmem:s28], [sflag:$0x3], $0x800, $0x38;
	[tilespmem:$0x16400] =	vst v63  }
0x11e: {  	s26 =	sadd.s32 s22, s10;
	s28 =	simm.s32 $0x10400  }
0x11f: {  	[hbm4b:s26+s3] =	stream.linear.scatter [tilespmem:s28], [sflag:$0x3], $0x800, $0x38;
	[tilespmem:$0x16400] =	vst v63  }
0x120: {  	s26 =	sadd.s32 s22, s11;
	s28 =	simm.s32 $0x10C00  }
0x121: {  	[hbm4b:s26+s3] =	stream.linear.scatter [tilespmem:s28], [sflag:$0x3], $0x800, $0x38;
	[tilespmem:$0x16400] =	vst v63  }
0x122: {  	s26 =	sadd.s32 s22, s12;
	s28 =	simm.s32 $0x11400  }
0x123: {  	[hbm4b:s26+s3] =	stream.linear.scatter [tilespmem:s28], [sflag:$0x3], $0x800, $0x38;
	[tilespmem:$0x16400] =	vst v63  }
0x124: {  	s22 =	sadd.s32 s22, s13;
	s28 =	simm.s32 $0x11C00;
	s26 =	sshll.u32 s20, $0x9  }
0x125: {  	[hbm4b:s22+s3] =	stream.linear.scatter [tilespmem:s28], [sflag:$0x3], $0x800, $0x38;
	[tilespmem:$0x16400] =	vst v63  }
0x126: {  	s22 =	sand.u32 $0x3FFFFE00, s26  }
0x127: {  	s22 =	sadd.s32 $0x200, s22  }
0x128: {  	[tilespmem:s6], [sflag:$0x1] =	stream.indirect.gather [hbm4b:s4+s0], $0x40, s22, s0, $0xb8;
	[tilespmem:$0x16400] =	vst v63  }
0x129: {  	_ =	swait.ge [sflag:s24], $0x4000  }
0x12a: {  	[sflag:s24] =	ssyncset.done $0x0  }
0x12b: {  	s22 =	simm.s32 @!p0 $0x4;
	[sflag:s24] =	ssyncadd.s32 $0xFFFFC000  }
0x12c: {  	_ =	swait.ge @!p0 [sflag:s22], $0x800  }
0x12d: {  	[sflag:s22] =	ssyncset.done @!p0 $0x0  }
0x12e: {  	[sflag:s22] =	ssyncadd.s32 @!p0 $0xFFFFF800  }
0x12f: {  	_ =	swait.ge @!p0 [sflag:s22], $0x800  }
0x130: {  	[sflag:s22] =	ssyncset.done @!p0 $0x0  }
0x131: {  	[sflag:s22] =	ssyncadd.s32 @!p0 $0xFFFFF800  }
0x132: {  	_ =	swait.ge @!p0 [sflag:s22], $0x800  }
0x133: {  	[sflag:s22] =	ssyncset.done @!p0 $0x0  }
0x134: {  	[sflag:s22] =	ssyncadd.s32 @!p0 $0xFFFFF800  }
0x135: {  	_ =	swait.ge @!p0 [sflag:s22], $0x800  }
0x136: {  	[sflag:s22] =	ssyncset.done @!p0 $0x0  }
0x137: {  	[sflag:s22] =	ssyncadd.s32 @!p0 $0xFFFFF800  }
0x138: {  	_ =	swait.ge @!p0 [sflag:s22], $0x800  }
0x139: {  	[sflag:s22] =	ssyncset.done @!p0 $0x0  }
0x13a: {  	[sflag:s22] =	ssyncadd.s32 @!p0 $0xFFFFF800  }
0x13b: {  	_ =	swait.ge @!p0 [sflag:s22], $0x800  }
0x13c: {  	s28 =	simm.s32 $0x0;
	[sflag:s22] =	ssyncset.done @!p0 $0x0  }
0x13d: {  	v62 =	vadd.s32 s28, v0;
	[sflag:s22] =	ssyncadd.s32 @!p0 $0xFFFFF800  }
0x13e: {  	v43 =	vand.u32 $0x3F, v62;
	_ =	swait.ge @!p0 [sflag:s22], $0x800  }
0x13f: {  	v63 =	vor.u32 v1, v43;
	[sflag:s22] =	ssyncset.done @!p0 $0x0  }
0x140: {  	[sflag:s22] =	ssyncadd.s32 @!p0 $0xFFFFF800  }
0x141: {  	v36 =	vshll.u32 v62, $0x8;
	v32 =	vshll.u32 v62, $0x7;
	_ =	swait.ge @!p0 [sflag:s22], $0x800  }
0x142: {  	v34 =	vand.u32 $0x3800, v36;
	v32 =	vand.u32 $0x380, v32;
	[sflag:s22] =	ssyncset.done @!p0 $0x0  }
0x143: {  	v42 =	vor.u32 v32, v34;
	[sflag:s22] =	ssyncadd.s32 @!p0 $0xFFFFF800  }
0x144: {  	v38 =	vor.u32 v0, v42;
	v37 =	vld.idx.msk [tilespmem:v63+s14+$0x0], $0xffff  }
0x145: {  	v39 =	vor.u32 v2, v43;
	_ =	sdelay $0x3  }
0x146: {  	[tilespmem:v38+s25+$0x0] =	vst.idx.msk $0xffff, v37  }
0x147: {  	v40 =	vor.u32 v3, v42;
	v32 =	vld.idx.msk [tilespmem:v39+s14+$0x0], $0xffff  }
0x148: {  	v41 =	vor.u32 v4, v43  }
0x149: {  	s23 =	simm.s32 $0x1  }
0x14a: {  	v44 =	vadd.s32 s23, v0  }
0x14b: {  	v33 =	vand.u32 $0x3F, v44  }
0x14c: {  	v45 =	vor.u32 v1, v33;
	[tilespmem:v40+s25+$0x0] =	vst.idx.msk $0xffff, v32  }
0x14d: {  	v46 =	vor.u32 v5, v42;
	v35 =	vld.idx.msk [tilespmem:v41+s14+$0x0], $0xffff  }
0x14e: {  	v47 =	vshll.u32 v44, $0x8;
	v48 =	vor.u32 v6, v43;
	v36 =	vshll.u32 v44, $0x7  }
0x14f: {  	v36 =	vand.u32 $0x380, v36;
	v32 =	vand.u32 $0x3800, v47  }
0x150: {  	v32 =	vor.u32 v36, v32  }
0x151: {  	v34 =	vld.idx.msk [tilespmem:v45+s14+$0x0], $0xffff;
	v36 =	vor.u32 v0, v32  }
0x152: {  	v49 =	vor.u32 v2, v33;
	[tilespmem:v46+s25+$0x0] =	vst.idx.msk $0xffff, v35  }
0x153: {  	v50 =	vor.u32 v7, v42;
	v37 =	vld.idx.msk [tilespmem:v48+s14+$0x0], $0xffff  }
0x154: {  	v51 =	vor.u32 v8, v43;
	_ =	sdelay $0x1  }
0x155: {  	[tilespmem:v36+s25+$0x0] =	vst.idx.msk $0xffff, v34  }
0x156: {  	v52 =	vor.u32 v3, v32;
	v34 =	vld.idx.msk [tilespmem:v49+s14+$0x0], $0xffff  }
0x157: {  	v53 =	vor.u32 v4, v33;
	[tilespmem:v50+s25+$0x0] =	vst.idx.msk $0xffff, v37  }
0x158: {  	v54 =	vor.u32 v9, v42;
	v38 =	vld.idx.msk [tilespmem:v51+s14+$0x0], $0xffff  }
0x159: {  	s26 =	simm.s32 $0x2;
	v55 =	vor.u32 v10, v43  }
0x15a: {  	v56 =	vadd.s32 s26, v0  }
0x15b: {  	v35 =	vand.u32 $0x3F, v56;
	[tilespmem:v52+s25+$0x0] =	vst.idx.msk $0xffff, v34  }
0x15c: {  	v58 =	vor.u32 v5, v32;
	v57 =	vor.u32 v1, v35;
	v37 =	vld.idx.msk [tilespmem:v53+s14+$0x0], $0xffff  }
0x15d: {  	v59 =	vor.u32 v6, v33;
	[tilespmem:v54+s25+$0x0] =	vst.idx.msk $0xffff, v38  }
0x15e: {  	v60 =	vshll.u32 v56, $0x8;
	v61 =	vshll.u32 v56, $0x7;
	v62 =	vor.u32 v11, v42;
	v39 =	vld.idx.msk [tilespmem:v55+s14+$0x0], $0xffff  }
0x15f: {  	v63 =	vor.u32 v12, v43;
	v40 =	vand.u32 $0x380, v61;
	v34 =	vand.u32 $0x3800, v60  }
0x160: {  	v34 =	vor.u32 v40, v34  }
0x161: {  	v36 =	vld.idx.msk [tilespmem:v57+s14+$0x0], $0xffff;
	v40 =	vor.u32 v0, v34;
	[tilespmem:v58+s25+$0x0] =	vst.idx.msk $0xffff, v37  }
0x162: {  	v48 =	vor.u32 v2, v35;
	v49 =	vor.u32 v7, v32;
	v38 =	vld.idx.msk [tilespmem:v59+s14+$0x0], $0xffff  }
0x163: {  	v50 =	vor.u32 v8, v33;
	[tilespmem:v62+s25+$0x0] =	vst.idx.msk $0xffff, v39  }
0x164: {  	v51 =	vor.u32 v13, v42;
	v41 =	vld.idx.msk [tilespmem:v63+s14+$0x0], $0xffff  }
0x165: {  	v52 =	vor.u32 v14, v43  }
0x166: {  	[tilespmem:v40+s25+$0x0] =	vst.idx.msk $0xffff, v36  }
0x167: {  	v53 =	vor.u32 v3, v34;
	v37 =	vld.idx.msk [tilespmem:v48+s14+$0x0], $0xffff;
	[tilespmem:v49+s25+$0x0] =	vst.idx.msk $0xffff, v38  }
0x168: {  	v54 =	vor.u32 v4, v35;
	v55 =	vor.u32 v9, v32;
	v39 =	vld.idx.msk [tilespmem:v50+s14+$0x0], $0xffff  }
0x169: {  	s28 =	simm.s32 $0x3;
	v56 =	vor.u32 v10, v33;
	[tilespmem:v51+s25+$0x0] =	vst.idx.msk $0xffff, v41  }
0x16a: {  	v57 =	vadd.s32 s28, v0;
	v58 =	vor.u32 v15, v42;
	v45 =	vld.idx.msk [tilespmem:v52+s14+$0x0], $0xffff  }
0x16b: {  	v36 =	vand.u32 $0x3F, v57;
	v59 =	vor.u32 v16, v43  }
0x16c: {  	v60 =	vor.u32 v1, v36;
	[tilespmem:v53+s25+$0x0] =	vst.idx.msk $0xffff, v37  }
0x16d: {  	v61 =	vshll.u32 v57, $0x8;
	v62 =	vor.u32 v5, v34;
	v38 =	vld.idx.msk [tilespmem:v54+s14+$0x0], $0xffff;
	[tilespmem:v55+s25+$0x0] =	vst.idx.msk $0xffff, v39  }
0x16e: {  	v63 =	vor.u32 v6, v35;
	v51 =	vshll.u32 v57, $0x7;
	v52 =	vor.u32 v11, v32;
	v41 =	vld.idx.msk [tilespmem:v56+s14+$0x0], $0xffff  }
0x16f: {  	v37 =	vand.u32 $0x3800, v61;
	v53 =	vor.u32 v12, v33;
	v44 =	vand.u32 $0x380, v51;
	[tilespmem:v58+s25+$0x0] =	vst.idx.msk $0xffff, v45  }
0x170: {  	v54 =	vor.u32 v17, v42;
	v37 =	vor.u32 v44, v37;
	v47 =	vld.idx.msk [tilespmem:v59+s14+$0x0], $0xffff  }
0x171: {  	v40 =	vld.idx.msk [tilespmem:v60+s14+$0x0], $0xffff;
	v56 =	vor.u32 v18, v43;
	v55 =	vor.u32 v0, v37  }
0x172: {  	v57 =	vor.u32 v2, v36;
	[tilespmem:v62+s25+$0x0] =	vst.idx.msk $0xffff, v38  }
0x173: {  	v39 =	vld.idx.msk [tilespmem:v63+s14+$0x0], $0xffff;
	v58 =	vor.u32 v7, v34;
	[tilespmem:v52+s25+$0x0] =	vst.idx.msk $0xffff, v41  }
0x174: {  	v60 =	vor.u32 v13, v32;
	v59 =	vor.u32 v8, v35;
	v45 =	vld.idx.msk [tilespmem:v53+s14+$0x0], $0xffff  }
0x175: {  	v61 =	vor.u32 v14, v33;
	[tilespmem:v54+s25+$0x0] =	vst.idx.msk $0xffff, v47  }
0x176: {  	v63 =	vor.u32 v19, v42;
	[tilespmem:v55+s25+$0x0] =	vst.idx.msk $0xffff, v40;
	v62 =	vld.idx.msk [tilespmem:v56+s14+$0x0], $0xffff  }
0x177: {  	v38 =	vld.idx.msk [tilespmem:v57+s14+$0x0], $0xffff;
	v57 =	vor.u32 v20, v43;
	v56 =	vor.u32 v3, v37  }
0x178: {  	[tilespmem:v58+s25+$0x0] =	vst.idx.msk $0xffff, v39;
	v58 =	vor.u32 v4, v36  }
0x179: {  	s23 =	simm.s32 $0x4;
	v41 =	vld.idx.msk [tilespmem:v59+s14+$0x0], $0xffff;
	v59 =	vor.u32 v9, v34;
	[tilespmem:v60+s25+$0x0] =	vst.idx.msk $0xffff, v45  }
0x17a: {  	v45 =	vor.u32 v10, v35;
	v60 =	vadd.s32 s23, v0;
	v44 =	vld.idx.msk [tilespmem:v61+s14+$0x0], $0xffff;
	v61 =	vor.u32 v15, v32  }
0x17b: {  	v40 =	vor.u32 v16, v33;
	v39 =	vand.u32 $0x3F, v60;
	[tilespmem:v63+s25+$0x0] =	vst.idx.msk $0xffff, v62  }
0x17c: {  	v48 =	vor.u32 v1, v39;
	[tilespmem:v56+s25+$0x0] =	vst.idx.msk $0xffff, v38;
	v62 =	vor.u32 v21, v42;
	v47 =	vld.idx.msk [tilespmem:v57+s14+$0x0], $0xffff  }
0x17d: {  	v63 =	vor.u32 v5, v37;
	v49 =	vld.idx.msk [tilespmem:v58+s14+$0x0], $0xffff;
	v57 =	vor.u32 v22, v43  }
0x17e: {  	v46 =	vshll.u32 v60, $0x7;
	[tilespmem:v59+s25+$0x0] =	vst.idx.msk $0xffff, v41;
	v59 =	vor.u32 v6, v36;
	v58 =	vshll.u32 v60, $0x8  }
0x17f: {  	v51 =	vor.u32 v11, v34;
	v45 =	vld.idx.msk [tilespmem:v45+s14+$0x0], $0xffff;
	[tilespmem:v61+s25+$0x0] =	vst.idx.msk $0xffff, v44;
	v60 =	vand.u32 $0x380, v46;
	v38 =	vand.u32 $0x3800, v58  }
0x180: {  	v61 =	vor.u32 v12, v35;
	v44 =	vor.u32 v17, v32;
	v40 =	vld.idx.msk [tilespmem:v40+s14+$0x0], $0xffff;
	v38 =	vor.u32 v60, v38  }
0x181: {  	v48 =	vld.idx.msk [tilespmem:v48+s14+$0x0], $0xffff;
	[tilespmem:v62+s25+$0x0] =	vst.idx.msk $0xffff, v47;
	v62 =	vor.u32 v0, v38  }
0x182: {  	v50 =	vor.u32 v18, v33;
	[tilespmem:v63+s25+$0x0] =	vst.idx.msk $0xffff, v49;
	v49 =	vld.idx.msk [tilespmem:v57+s14+$0x0], $0xffff;
	v57 =	vor.u32 v23, v42  }
0x183: {  	v58 =	vor.u32 v7, v37;
	v63 =	vor.u32 v2, v39;
	v41 =	vld.idx.msk [tilespmem:v59+s14+$0x0], $0xffff  }
0x184: {  	[tilespmem:v51+s25+$0x0] =	vst.idx.msk $0xffff, v45;
	v59 =	vor.u32 v24, v43  }
0x185: {  	v60 =	vor.u32 v8, v36;
	v46 =	vld.idx.msk [tilespmem:v61+s14+$0x0], $0xffff;
	v61 =	vor.u32 v13, v34;
	[tilespmem:v44+s25+$0x0] =	vst.idx.msk $0xffff, v40  }
0x186: {  	[tilespmem:v62+s25+$0x0] =	vst.idx.msk $0xffff, v48;
	v62 =	vor.u32 v14, v35  }
0x187: {  	v47 =	vor.u32 v19, v32;
	v44 =	vld.idx.msk [tilespmem:v50+s14+$0x0], $0xffff;
	[tilespmem:v57+s25+$0x0] =	vst.idx.msk $0xffff, v49  }
0x188: {  	v48 =	vld.idx.msk [tilespmem:v63+s14+$0x0], $0xffff;
	v49 =	vor.u32 v3, v38;
	[tilespmem:v58+s25+$0x0] =	vst.idx.msk $0xffff, v41;
	v41 =	vor.u32 v20, v33  }
0x189: {  	v52 =	vor.u32 v25, v42;
	v50 =	vld.idx.msk [tilespmem:v59+s14+$0x0], $0xffff  }
0x18a: {  	[tilespmem:v61+s25+$0x0] =	vst.idx.msk $0xffff, v46;
	v63 =	vor.u32 v9, v37;
	v45 =	vld.idx.msk [tilespmem:v60+s14+$0x0], $0xffff;
	v60 =	vor.u32 v26, v43  }
0x18b: {  	v56 =	vld.idx.msk [tilespmem:v62+s14+$0x0], $0xffff;
	v62 =	vor.u32 v15, v34  }
0x18c: {  	[tilespmem:v47+s25+$0x0] =	vst.idx.msk $0xffff, v44;
	v47 =	vor.u32 v16, v35  }
0x18d: {  	s26 =	simm.s32 $0x5;
	v53 =	vor.u32 v4, v39;
	v58 =	vor.u32 v21, v32;
	[tilespmem:v49+s25+$0x0] =	vst.idx.msk $0xffff, v48;
	v49 =	vld.idx.msk [tilespmem:v41+s14+$0x0], $0xffff  }
0x18e: {  	v51 =	vor.u32 v10, v36;
	v61 =	vadd.s32 s26, v0;
	[tilespmem:v52+s25+$0x0] =	vst.idx.msk $0xffff, v50  }
0x18f: {  	v40 =	vand.u32 $0x3F, v61;
	v44 =	vshll.u32 v61, $0x8;
	[tilespmem:v63+s25+$0x0] =	vst.idx.msk $0xffff, v45;
	v46 =	vld.idx.msk [tilespmem:v60+s14+$0x0], $0xffff;
	v60 =	vshll.u32 v61, $0x7  }
0x190: {  	v44 =	vand.u32 $0x3800, v44;
	v48 =	vor.u32 v1, v40;
	v41 =	vand.u32 $0x380, v60;
	[tilespmem:v62+s25+$0x0] =	vst.idx.msk $0xffff, v56  }
0x191: {  	v45 =	vor.u32 v22, v33;
	v41 =	vor.u32 v41, v44;
	v44 =	vor.u32 v17, v34;
	v47 =	vld.idx.msk [tilespmem:v47+s14+$0x0], $0xffff  }
0x192: {  	v50 =	vor.u32 v5, v38;
	v52 =	vld.idx.msk [tilespmem:v53+s14+$0x0], $0xffff;
	[tilespmem:v58+s25+$0x0] =	vst.idx.msk $0xffff, v49;
	v58 =	vor.u32 v18, v35  }
0x193: {  	v53 =	vor.u32 v6, v39;
	v61 =	vor.u32 v11, v37;
	v51 =	vld.idx.msk [tilespmem:v51+s14+$0x0], $0xffff  }
0x194: {  	v57 =	vor.u32 v12, v36;
	v63 =	vor.u32 v27, v42  }
0x195: {  	v62 =	vor.u32 v28, v43;
	v48 =	vld.idx.msk [tilespmem:v48+s14+$0x0], $0xffff  }
0x196: {  	v49 =	vor.u32 v0, v41;
	v45 =	vld.idx.msk [tilespmem:v45+s14+$0x0], $0xffff;
	[tilespmem:v44+s25+$0x0] =	vst.idx.msk $0xffff, v47  }
0x197: {  	[tilespmem:v50+s25+$0x0] =	vst.idx.msk $0xffff, v52;
	v44 =	vld.idx.msk [tilespmem:v58+s14+$0x0], $0xffff  }
0x198: {  	v52 =	vor.u32 v23, v32;
	v53 =	vld.idx.msk [tilespmem:v53+s14+$0x0], $0xffff;
	[tilespmem:v61+s25+$0x0] =	vst.idx.msk $0xffff, v51  }
0x199: {  	[tilespmem:v63+s25+$0x0] =	vst.idx.msk $0xffff, v46;
	v46 =	vor.u32 v7, v38;
	v61 =	vld.idx.msk [tilespmem:v57+s14+$0x0], $0xffff  }
0x19a: {  	v50 =	vor.u32 v2, v40;
	v51 =	vld.idx.msk [tilespmem:v62+s14+$0x0], $0xffff;
	v62 =	vor.u32 v13, v37  }
0x19b: {  	v60 =	vor.u32 v29, v42;
	v63 =	vor.u32 v14, v36;
	[tilespmem:v49+s25+$0x0] =	vst.idx.msk $0xffff, v48  }
0x19c: {  	[tilespmem:$0x1FFE0] =	vst v44  }
0x19d: {  	[tilespmem:v52+s25+$0x0] =	vst.idx.msk $0xffff, v45  }
0x19e: {  	v54 =	vor.u32 v24, v33;
	[tilespmem:v46+s25+$0x0] =	vst.idx.msk $0xffff, v53  }
0x19f: {  	v59 =	vor.u32 v8, v39;
	v55 =	vld.idx.msk [tilespmem:v50+s14+$0x0], $0xffff;
	[tilespmem:v62+s25+$0x0] =	vst.idx.msk $0xffff, v61  }
0x1a0: {  	v43 =	vor.u32 v30, v43;
	[tilespmem:v60+s25+$0x0] =	vst.idx.msk $0xffff, v51;
	v50 =	vld.idx.msk [tilespmem:v63+s14+$0x0], $0xffff  }
0x1a1: {  	v58 =	vor.u32 v19, v34;
	v63 =	vld [tilespmem:$0x1FFE0]  }
0x1a2: {  	v56 =	vor.u32 v3, v41;
	v49 =	vor.u32 v20, v35  }
0x1a3: {  	v57 =	vor.u32 v4, v40;
	v48 =	vor.u32 v25, v32;
	v47 =	vld.idx.msk [tilespmem:v54+s14+$0x0], $0xffff  }
0x1a4: {  	v53 =	vor.u32 v9, v38;
	v45 =	vor.u32 v26, v33;
	v52 =	vld.idx.msk [tilespmem:v59+s14+$0x0], $0xffff  }
0x1a5: {  	s28 =	simm.s32 $0x6;
	v46 =	vor.u32 v31, v42;
	v44 =	vld.idx.msk [tilespmem:v43+s14+$0x0], $0xffff;
	v54 =	vor.u32 v10, v39  }
0x1a6: {  	s22 =	simm.s32 $0x7;
	v42 =	vadd.s32 s28, v0;
	v51 =	vor.u32 v15, v37;
	[tilespmem:v58+s25+$0x0] =	vst.idx.msk $0xffff, v63  }
.LBB2_5:
0x1a7: {  	p0 =	sne.s32 s22, $0x3F;
	v43 =	vshll.u32 v42, $0x8;
	v58 =	vand.u32 $0x3F, v42;
	[tilespmem:v56+s25+$0x0] =	vst.idx.msk $0xffff, v55;
	v55 =	vor.u32 v16, v36;
	v49 =	vld.idx.msk [tilespmem:v49+s14+$0x0], $0xffff  }
0x1a8: {  	v59 =	vor.u32 v21, v34;
	v56 =	vor.u32 v1, v58;
	v57 =	vld.idx.msk [tilespmem:v57+s14+$0x0], $0xffff;
	[tilespmem:v48+s25+$0x0] =	vst.idx.msk $0xffff, v47  }
0x1a9: {  	v47 =	vor.u32 v5, v41;
	v48 =	vor.u32 v22, v35;
	[tilespmem:v53+s25+$0x0] =	vst.idx.msk $0xffff, v52;
	v45 =	vld.idx.msk [tilespmem:v45+s14+$0x0], $0xffff  }
0x1aa: {  	v52 =	vor.u32 v6, v40;
	v53 =	vld.idx.msk [tilespmem:v54+s14+$0x0], $0xffff;
	v54 =	vor.u32 v27, v32;
	[tilespmem:v46+s25+$0x0] =	vst.idx.msk $0xffff, v44  }
0x1ab: {  	v42 =	vshll.u32 v42, $0x7;
	v44 =	vor.u32 v11, v38;
	v46 =	vor.u32 v28, v33;
	[tilespmem:v51+s25+$0x0] =	vst.idx.msk $0xffff, v50  }
0x1ac: {  	v60 =	vmovc v41;
	v43 =	vand.u32 $0x3800, v43;
	v42 =	vand.u32 $0x380, v42;
	v50 =	vor.u32 v12, v39;
	v51 =	vld.idx.msk [tilespmem:v55+s14+$0x0], $0xffff  }
0x1ad: {  	v41 =	vor.u32 v42, v43;
	v43 =	vor.u32 v17, v37;
	v42 =	vld.idx.msk [tilespmem:v56+s14+$0x0], $0xffff;
	[tilespmem:v59+s25+$0x0] =	vst.idx.msk $0xffff, v49  }
0x1ae: {  	v49 =	vor.u32 v0, v41;
	[tilespmem:v47+s25+$0x0] =	vst.idx.msk $0xffff, v57;
	v47 =	vor.u32 v18, v36;
	v48 =	vld.idx.msk [tilespmem:v48+s14+$0x0], $0xffff  }
0x1af: {  	v55 =	vor.u32 v2, v58;
	v56 =	vor.u32 v23, v34;
	v52 =	vld.idx.msk [tilespmem:v52+s14+$0x0], $0xffff;
	[tilespmem:v54+s25+$0x0] =	vst.idx.msk $0xffff, v45  }
0x1b0: {  	v45 =	vor.u32 v7, v60;
	[tilespmem:v44+s25+$0x0] =	vst.idx.msk $0xffff, v53;
	v44 =	vor.u32 v24, v35;
	v46 =	vld.idx.msk [tilespmem:v46+s14+$0x0], $0xffff  }
0x1b1: {  	v54 =	vor.u32 v29, v32;
	v53 =	vor.u32 v8, v40;
	v50 =	vld.idx.msk [tilespmem:v50+s14+$0x0], $0xffff  }
0x1b2: {  	v59 =	vor.u32 v13, v38;
	[tilespmem:v43+s25+$0x0] =	vst.idx.msk $0xffff, v51;
	v43 =	vor.u32 v30, v33;
	v33 =	vmov v35  }
0x1b3: {  	v35 =	vmov v36;
	v36 =	vmov v39;
	[tilespmem:v49+s25+$0x0] =	vst.idx.msk $0xffff, v42;
	v42 =	vor.u32 v14, v39;
	v61 =	vld.idx.msk [tilespmem:v47+s14+$0x0], $0xffff  }
0x1b4: {  	v62 =	vor.u32 v19, v37;
	v39 =	vmov v40;
	v40 =	vmov v58;
	v55 =	vld.idx.msk [tilespmem:v55+s14+$0x0], $0xffff;
	[tilespmem:v56+s25+$0x0] =	vst.idx.msk $0xffff, v48  }
.Ltmp1:
0x1b5: {  	v49 =	vor.u32 v20, v35;
	v56 =	vor.u32 v3, v41;
	[tilespmem:v45+s25+$0x0] =	vst.idx.msk $0xffff, v52;
	v47 =	vld.idx.msk [tilespmem:v44+s14+$0x0], $0xffff;
	(pc) =	sbr.rel @p0 .LBB2_5-.Ltmp1, $4  }
0x1b6: {  	v57 =	vor.u32 v4, v40;
	v48 =	vor.u32 v25, v34;
	v52 =	vld.idx.msk [tilespmem:v53+s14+$0x0], $0xffff;
	[tilespmem:v54+s25+$0x0] =	vst.idx.msk $0xffff, v46  }
0x1b7: {  	v45 =	vor.u32 v26, v33;
	v53 =	vor.u32 v9, v60;
	[tilespmem:v59+s25+$0x0] =	vst.idx.msk $0xffff, v50;
	v44 =	vld.idx.msk [tilespmem:v43+s14+$0x0], $0xffff  }
0x1b8: {  	v54 =	vor.u32 v10, v39;
	v46 =	vor.u32 v31, v32;
	v32 =	vmovc v34;
	v34 =	vmov v37;
	v50 =	vld.idx.msk [tilespmem:v42+s14+$0x0], $0xffff  }
0x1b9: {  	v51 =	vor.u32 v15, v38;
	v37 =	vmovc v38;
	v38 =	vmov v60;
	v42 =	vadd.s32 s22, v0;
	s22 =	sadd.s32 $0x1, s22;
	[tilespmem:v62+s25+$0x0] =	vst.idx.msk $0xffff, v61  }
0x1ba: {  	v43 =	vand.u32 $0x3F, v42  }
0x1bb: {  	v58 =	vor.u32 v1, v43;
	_ =	sdelay $0x1  }
0x1bc: {  	v59 =	vshll.u32 v42, $0x8;
	v60 =	vshll.u32 v42, $0x7  }
0x1bd: {  	v59 =	vand.u32 $0x3800, v59;
	v42 =	vand.u32 $0x380, v60  }
0x1be: {  	v42 =	vor.u32 v42, v59  }
0x1bf: {  	v59 =	vor.u32 v0, v42;
	v58 =	vld.idx.msk [tilespmem:v58+s14+$0x0], $0xffff  }
0x1c0: {  	v60 =	vor.u32 v2, v43;
	_ =	sdelay $0x2  }
0x1c1: {  	[tilespmem:v56+s25+$0x0] =	vst.idx.msk $0xffff, v55  }
0x1c2: {  	v56 =	vor.u32 v5, v41;
	v55 =	vld.idx.msk [tilespmem:v57+s14+$0x0], $0xffff;
	[tilespmem:v59+s25+$0x0] =	vst.idx.msk $0xffff, v58  }
0x1c3: {  	v57 =	vor.u32 v6, v40;
	v59 =	vor.u32 v3, v42;
	v58 =	vld.idx.msk [tilespmem:v60+s14+$0x0], $0xffff  }
0x1c4: {  	v60 =	vor.u32 v4, v43;
	_ =	sdelay $0x2  }
0x1c5: {  	[tilespmem:v56+s25+$0x0] =	vst.idx.msk $0xffff, v55  }
0x1c6: {  	v56 =	vor.u32 v7, v41;
	v55 =	vld.idx.msk [tilespmem:v57+s14+$0x0], $0xffff;
	[tilespmem:v59+s25+$0x0] =	vst.idx.msk $0xffff, v58  }
0x1c7: {  	v57 =	vor.u32 v8, v40;
	v59 =	vor.u32 v5, v42;
	v58 =	vld.idx.msk [tilespmem:v60+s14+$0x0], $0xffff  }
0x1c8: {  	v60 =	vor.u32 v6, v43;
	_ =	sdelay $0x2  }
0x1c9: {  	[tilespmem:v56+s25+$0x0] =	vst.idx.msk $0xffff, v55  }
0x1ca: {  	v56 =	vor.u32 v9, v41;
	v55 =	vld.idx.msk [tilespmem:v57+s14+$0x0], $0xffff;
	[tilespmem:v59+s25+$0x0] =	vst.idx.msk $0xffff, v58  }
0x1cb: {  	v57 =	vor.u32 v10, v40;
	v59 =	vor.u32 v7, v42;
	v58 =	vld.idx.msk [tilespmem:v60+s14+$0x0], $0xffff  }
0x1cc: {  	v60 =	vor.u32 v8, v43;
	_ =	sdelay $0x1  }
0x1cd: {  	[tilespmem:v53+s25+$0x0] =	vst.idx.msk $0xffff, v52  }
0x1ce: {  	v53 =	vor.u32 v11, v38;
	v52 =	vld.idx.msk [tilespmem:v54+s14+$0x0], $0xffff;
	[tilespmem:v56+s25+$0x0] =	vst.idx.msk $0xffff, v55  }
0x1cf: {  	v54 =	vor.u32 v12, v39;
	v56 =	vor.u32 v11, v41;
	v55 =	vld.idx.msk [tilespmem:v57+s14+$0x0], $0xffff;
	[tilespmem:v59+s25+$0x0] =	vst.idx.msk $0xffff, v58  }
0x1d0: {  	v57 =	vor.u32 v12, v40;
	v59 =	vor.u32 v9, v42;
	v58 =	vld.idx.msk [tilespmem:v60+s14+$0x0], $0xffff  }
0x1d1: {  	v60 =	vor.u32 v10, v43;
	_ =	sdelay $0x1  }
0x1d2: {  	[tilespmem:v53+s25+$0x0] =	vst.idx.msk $0xffff, v52  }
0x1d3: {  	v53 =	vor.u32 v13, v38;
	v52 =	vld.idx.msk [tilespmem:v54+s14+$0x0], $0xffff;
	[tilespmem:v56+s25+$0x0] =	vst.idx.msk $0xffff, v55  }
0x1d4: {  	v54 =	vor.u32 v14, v39;
	v56 =	vor.u32 v13, v41;
	v55 =	vld.idx.msk [tilespmem:v57+s14+$0x0], $0xffff;
	[tilespmem:v59+s25+$0x0] =	vst.idx.msk $0xffff, v58  }
0x1d5: {  	v59 =	vor.u32 v11, v42;
	v58 =	vld.idx.msk [tilespmem:v60+s14+$0x0], $0xffff  }
0x1d6: {  	v60 =	vor.u32 v12, v43;
	_ =	sdelay $0x1  }
0x1d7: {  	[tilespmem:v53+s25+$0x0] =	vst.idx.msk $0xffff, v52  }
0x1d8: {  	v52 =	vor.u32 v16, v36;
	v53 =	vld.idx.msk [tilespmem:v54+s14+$0x0], $0xffff;
	v54 =	vor.u32 v15, v38;
	[tilespmem:v56+s25+$0x0] =	vst.idx.msk $0xffff, v55  }
0x1d9: {  	v55 =	vor.u32 v16, v39;
	[tilespmem:v59+s25+$0x0] =	vst.idx.msk $0xffff, v58  }
0x1da: {  	v57 =	vor.u32 v14, v40;
	v59 =	vor.u32 v13, v42;
	v58 =	vld.idx.msk [tilespmem:v60+s14+$0x0], $0xffff  }
0x1db: {  	v60 =	vor.u32 v14, v43  }
0x1dc: {  	[tilespmem:v51+s25+$0x0] =	vst.idx.msk $0xffff, v50  }
0x1dd: {  	v51 =	vor.u32 v17, v37;
	v50 =	vld.idx.msk [tilespmem:v52+s14+$0x0], $0xffff;
	[tilespmem:v54+s25+$0x0] =	vst.idx.msk $0xffff, v53  }
0x1de: {  	v52 =	vor.u32 v18, v36;
	v54 =	vor.u32 v17, v38;
	v53 =	vld.idx.msk [tilespmem:v55+s14+$0x0], $0xffff  }
0x1df: {  	v56 =	vld.idx.msk [tilespmem:v57+s14+$0x0], $0xffff;
	v57 =	vor.u32 v15, v41;
	v55 =	vor.u32 v18, v39;
	[tilespmem:v59+s25+$0x0] =	vst.idx.msk $0xffff, v58  }
0x1e0: {  	v58 =	vor.u32 v16, v40;
	v59 =	vld.idx.msk [tilespmem:v60+s14+$0x0], $0xffff;
	v60 =	vor.u32 v15, v42  }
0x1e1: {  	v61 =	vor.u32 v16, v43  }
0x1e2: {  	[tilespmem:v51+s25+$0x0] =	vst.idx.msk $0xffff, v50  }
0x1e3: {  	v51 =	vor.u32 v19, v37;
	v50 =	vld.idx.msk [tilespmem:v52+s14+$0x0], $0xffff;
	[tilespmem:v54+s25+$0x0] =	vst.idx.msk $0xffff, v53  }
0x1e4: {  	v52 =	vor.u32 v20, v36;
	[tilespmem:v57+s25+$0x0] =	vst.idx.msk $0xffff, v56;
	v54 =	vor.u32 v19, v38;
	v53 =	vld.idx.msk [tilespmem:v55+s14+$0x0], $0xffff  }
0x1e5: {  	v57 =	vor.u32 v17, v41;
	v55 =	vor.u32 v20, v39;
	v56 =	vld.idx.msk [tilespmem:v58+s14+$0x0], $0xffff;
	[tilespmem:v60+s25+$0x0] =	vst.idx.msk $0xffff, v59  }
0x1e6: {  	v58 =	vor.u32 v18, v40;
	v60 =	vor.u32 v17, v42;
	v59 =	vld.idx.msk [tilespmem:v61+s14+$0x0], $0xffff  }
0x1e7: {  	v61 =	vor.u32 v18, v43  }
0x1e8: {  	v49 =	vld.idx.msk [tilespmem:v49+s14+$0x0], $0xffff;
	v62 =	vor.u32 v21, v34;
	[tilespmem:v51+s25+$0x0] =	vst.idx.msk $0xffff, v50  }
0x1e9: {  	v50 =	vor.u32 v22, v35;
	v51 =	vld.idx.msk [tilespmem:v52+s14+$0x0], $0xffff;
	v52 =	vor.u32 v21, v37;
	[tilespmem:v54+s25+$0x0] =	vst.idx.msk $0xffff, v53  }
0x1ea: {  	v53 =	vor.u32 v22, v36;
	v54 =	vld.idx.msk [tilespmem:v55+s14+$0x0], $0xffff;
	v55 =	vor.u32 v21, v38;
	[tilespmem:v57+s25+$0x0] =	vst.idx.msk $0xffff, v56  }
0x1eb: {  	v57 =	vor.u32 v19, v41;
	v56 =	vld.idx.msk [tilespmem:v58+s14+$0x0], $0xffff;
	[tilespmem:v60+s25+$0x0] =	vst.idx.msk $0xffff, v59  }
0x1ec: {  	v58 =	vor.u32 v20, v40;
	v60 =	vor.u32 v19, v42;
	v59 =	vld.idx.msk [tilespmem:v61+s14+$0x0], $0xffff  }
0x1ed: {  	[tilespmem:v62+s25+$0x0] =	vst.idx.msk $0xffff, v49;
	v61 =	vor.u32 v20, v43  }
0x1ee: {  	v50 =	vld.idx.msk [tilespmem:v50+s14+$0x0], $0xffff;
	[tilespmem:v52+s25+$0x0] =	vst.idx.msk $0xffff, v51;
	v51 =	vor.u32 v23, v34  }
0x1ef: {  	v52 =	vor.u32 v24, v35;
	v53 =	vld.idx.msk [tilespmem:v53+s14+$0x0], $0xffff;
	[tilespmem:v55+s25+$0x0] =	vst.idx.msk $0xffff, v54;
	v54 =	vor.u32 v23, v37  }
0x1f0: {  	v55 =	vor.u32 v24, v36;
	[tilespmem:v57+s25+$0x0] =	vst.idx.msk $0xffff, v56  }
0x1f1: {  	v56 =	vor.u32 v22, v39;
	v57 =	vld.idx.msk [tilespmem:v58+s14+$0x0], $0xffff;
	v58 =	vor.u32 v21, v41;
	[tilespmem:v60+s25+$0x0] =	vst.idx.msk $0xffff, v59  }
0x1f2: {  	v59 =	vor.u32 v22, v40;
	v60 =	vld.idx.msk [tilespmem:v61+s14+$0x0], $0xffff;
	v61 =	vor.u32 v21, v42  }
0x1f3: {  	v49 =	vor.u32 v22, v43;
	[tilespmem:v51+s25+$0x0] =	vst.idx.msk $0xffff, v50  }
0x1f4: {  	v62 =	vor.u32 v25, v34;
	v51 =	vld.idx.msk [tilespmem:v52+s14+$0x0], $0xffff;
	[tilespmem:v54+s25+$0x0] =	vst.idx.msk $0xffff, v53  }
0x1f5: {  	v63 =	vor.u32 v25, v37;
	v53 =	vor.u32 v26, v35;
	v54 =	vld.idx.msk [tilespmem:v55+s14+$0x0], $0xffff  }
0x1f6: {  	v56 =	vld.idx.msk [tilespmem:v56+s14+$0x0], $0xffff;
	[tilespmem:v58+s25+$0x0] =	vst.idx.msk $0xffff, v57;
	v57 =	vor.u32 v23, v38  }
0x1f7: {  	v58 =	vor.u32 v24, v39;
	v59 =	vld.idx.msk [tilespmem:v59+s14+$0x0], $0xffff;
	[tilespmem:v61+s25+$0x0] =	vst.idx.msk $0xffff, v60;
	v60 =	vor.u32 v23, v41  }
0x1f8: {  	[tilespmem:v48+s25+$0x0] =	vst.idx.msk $0xffff, v47;
	v47 =	vor.u32 v24, v40;
	v48 =	vld.idx.msk [tilespmem:v49+s14+$0x0], $0xffff;
	v49 =	vor.u32 v23, v42  }
0x1f9: {  	[tilespmem:v62+s25+$0x0] =	vst.idx.msk $0xffff, v51;
	v61 =	vor.u32 v24, v43  }
0x1fa: {  	v53 =	vld.idx.msk [tilespmem:v53+s14+$0x0], $0xffff;
	[tilespmem:v63+s25+$0x0] =	vst.idx.msk $0xffff, v54;
	v63 =	vor.u32 v27, v34  }
0x1fb: {  	v55 =	vor.u32 v28, v35;
	[tilespmem:v57+s25+$0x0] =	vst.idx.msk $0xffff, v56  }
0x1fc: {  	v56 =	vor.u32 v26, v36;
	v57 =	vld.idx.msk [tilespmem:v58+s14+$0x0], $0xffff;
	v58 =	vor.u32 v25, v38;
	[tilespmem:v60+s25+$0x0] =	vst.idx.msk $0xffff, v59  }
0x1fd: {  	v59 =	vor.u32 v26, v39;
	v47 =	vld.idx.msk [tilespmem:v47+s14+$0x0], $0xffff;
	[tilespmem:v49+s25+$0x0] =	vst.idx.msk $0xffff, v48;
	v48 =	vor.u32 v25, v41  }
0x1fe: {  	[tilespmem:v46+s25+$0x0] =	vst.idx.msk $0xffff, v44;
	v44 =	vor.u32 v26, v40;
	v60 =	vor.u32 v25, v42;
	v46 =	vld.idx.msk [tilespmem:v61+s14+$0x0], $0xffff  }
0x1ff: {  	v45 =	vld.idx.msk [tilespmem:v45+s14+$0x0], $0xffff;
	v51 =	vor.u32 v26, v43;
	[tilespmem:v63+s25+$0x0] =	vst.idx.msk $0xffff, v53;
	v61 =	vor.u32 v27, v32  }
0x200: {  	v62 =	vor.u32 v28, v33;
	v54 =	vld.idx.msk [tilespmem:v55+s14+$0x0], $0xffff;
	v55 =	vor.u32 v29, v34  }
0x201: {  	v56 =	vld.idx.msk [tilespmem:v56+s14+$0x0], $0xffff;
	[tilespmem:v58+s25+$0x0] =	vst.idx.msk $0xffff, v57;
	v57 =	vor.u32 v27, v37  }
0x202: {  	v58 =	vor.u32 v28, v36;
	v59 =	vld.idx.msk [tilespmem:v59+s14+$0x0], $0xffff;
	[tilespmem:v48+s25+$0x0] =	vst.idx.msk $0xffff, v47;
	v47 =	vor.u32 v27, v38  }
0x203: {  	v48 =	vor.u32 v28, v39;
	v44 =	vld.idx.msk [tilespmem:v44+s14+$0x0], $0xffff;
	[tilespmem:v60+s25+$0x0] =	vst.idx.msk $0xffff, v46;
	v60 =	vor.u32 v27, v41  }
0x204: {  	v50 =	vor.u32 v27, v42;
	[tilespmem:v61+s25+$0x0] =	vst.idx.msk $0xffff, v45;
	v61 =	vor.u32 v28, v40;
	v49 =	vld.idx.msk [tilespmem:v51+s14+$0x0], $0xffff  }
0x205: {  	v63 =	vor.u32 v28, v43;
	[tilespmem:v55+s25+$0x0] =	vst.idx.msk $0xffff, v54;
	v51 =	vld.idx.msk [tilespmem:v62+s14+$0x0], $0xffff;
	v62 =	vor.u32 v29, v32  }
0x206: {  	v35 =	vor.u32 v30, v35;
	[tilespmem:v57+s25+$0x0] =	vst.idx.msk $0xffff, v56  }
0x207: {  	v33 =	vor.u32 v30, v33;
	v57 =	vor.u32 v29, v37;
	v56 =	vld.idx.msk [tilespmem:v58+s14+$0x0], $0xffff;
	[tilespmem:v47+s25+$0x0] =	vst.idx.msk $0xffff, v59  }
0x208: {  	v59 =	vor.u32 v30, v36;
	v47 =	vld.idx.msk [tilespmem:v48+s14+$0x0], $0xffff;
	v48 =	vor.u32 v29, v38;
	[tilespmem:v60+s25+$0x0] =	vst.idx.msk $0xffff, v44  }
0x209: {  	v60 =	vor.u32 v30, v39;
	v44 =	vld.idx.msk [tilespmem:v61+s14+$0x0], $0xffff;
	v61 =	vor.u32 v29, v41;
	[tilespmem:v50+s25+$0x0] =	vst.idx.msk $0xffff, v49  }
0x20a: {  	v52 =	vor.u32 v29, v42;
	[tilespmem:v62+s25+$0x0] =	vst.idx.msk $0xffff, v51;
	v62 =	vor.u32 v30, v40;
	v63 =	vld.idx.msk [tilespmem:v63+s14+$0x0], $0xffff  }
0x20b: {  	v43 =	vor.u32 v30, v43;
	v35 =	vld.idx.msk [tilespmem:v35+s14+$0x0], $0xffff;
	v58 =	vor.u32 v31, v34  }
0x20c: {  	v53 =	vor.u32 v31, v32;
	v33 =	vld.idx.msk [tilespmem:v33+s14+$0x0], $0xffff;
	[tilespmem:v57+s25+$0x0] =	vst.idx.msk $0xffff, v56  }
0x20d: {  	v36 =	vld.idx.msk [tilespmem:v59+s14+$0x0], $0xffff;
	v59 =	vor.u32 v31, v37;
	[tilespmem:v48+s25+$0x0] =	vst.idx.msk $0xffff, v47  }
0x20e: {  	v39 =	vld.idx.msk [tilespmem:v60+s14+$0x0], $0xffff;
	v60 =	vor.u32 v31, v38;
	[tilespmem:v61+s25+$0x0] =	vst.idx.msk $0xffff, v44  }
0x20f: {  	v61 =	vor.u32 v31, v41;
	v40 =	vld.idx.msk [tilespmem:v62+s14+$0x0], $0xffff;
	[tilespmem:v52+s25+$0x0] =	vst.idx.msk $0xffff, v63  }
0x210: {  	s21 =	sshll.u32 s21, $0x1;
	[tilespmem:v58+s25+$0x0] =	vst.idx.msk $0xffff, v35;
	v63 =	vor.u32 v31, v42;
	v62 =	vld.idx.msk [tilespmem:v43+s14+$0x0], $0xffff  }
0x211: {  	s21 =	sadd.s32 s5, s21;
	[tilespmem:v53+s25+$0x0] =	vst.idx.msk $0xffff, v33  }
0x212: {  	s22 =	sshll.u32 s21, $0x7;
	[tilespmem:v59+s25+$0x0] =	vst.idx.msk $0xffff, v36  }
0x213: {  	s21 =	sshll.u32 s21, $0xA;
	s22 =	sand.u32 $0xF00, s22;
	[tilespmem:v60+s25+$0x0] =	vst.idx.msk $0xffff, v39  }
0x214: {  	s23 =	sand.u32 $0x7FFF8000, s21;
	s21 =	sand.u32 $0x1FFF8000, s21;
	s26 =	sadd.s32 s2, s22;
	[tilespmem:v61+s25+$0x0] =	vst.idx.msk $0xffff, v40  }
0x215: {  	s21 =	sor.u32 s22, s21;
	s23 =	sadd.s32 s23, s26;
	[tilespmem:v63+s25+$0x0] =	vst.idx.msk $0xffff, v62  }
0x216: {  	[hbm4b:s23+s3] =	stream.linear.scatter [tilespmem:s25], [sflag:$0x4], $0x800, $0x38;
	[tilespmem:$0x16400] =	vst v63  }
0x217: {  	s28 =	simm.s32 $0x12C00;
	s22 =	sadd.s32 s21, s7  }
0x218: {  	[hbm4b:s22+s3] =	stream.linear.scatter [tilespmem:s28], [sflag:$0x4], $0x800, $0x38;
	[tilespmem:$0x16400] =	vst v63  }
0x219: {  	s26 =	simm.s32 $0x13400;
	s23 =	sadd.s32 s21, s8  }
0x21a: {  	[hbm4b:s23+s3] =	stream.linear.scatter [tilespmem:s26], [sflag:$0x4], $0x800, $0x38;
	[tilespmem:$0x16400] =	vst v63  }
0x21b: {  	s28 =	sadd.s32 s21, s9  }
0x21c: {  	[hbm4b:s28+s3] =	stream.linear.scatter [tilespmem:s29], [sflag:$0x4], $0x800, $0x38;
	[tilespmem:$0x16400] =	vst v63  }
0x21d: {  	s20 =	sadd.s32 $0x1, s20;
	s23 =	sadd.s32 s21, s10  }
0x21e: {  	[hbm4b:s23+s3] =	stream.linear.scatter [tilespmem:s30], [sflag:$0x4], $0x800, $0x38;
	[tilespmem:$0x16400] =	vst v63  }
0x21f: {  	p0 =	sne.s32 s20, $0x31;
	s26 =	sadd.s32 s21, s11  }
0x220: {  	[hbm4b:s26+s3] =	stream.linear.scatter [tilespmem:s31], [sflag:$0x4], $0x800, $0x38;
	[tilespmem:$0x16400] =	vst v63  }
.Ltmp2:
0x221: {  	_ = 	snop;
	(pc) =	sbr.rel @p0 .LBB2_2-.Ltmp2, $4  }
0x222: {  	s28 =	sadd.s32 s21, s12  }
0x223: {  	[hbm4b:s28+s3] =	stream.linear.scatter [tilespmem:s1], [sflag:$0x4], $0x800, $0x38;
	[tilespmem:$0x16400] =	vst v63  }
0x224: {  	s21 =	sadd.s32 s21, s13  }
0x225: {  	[hbm4b:s21+s3] =	stream.linear.scatter [tilespmem:s17], [sflag:$0x4], $0x800, $0x38;
	[tilespmem:$0x16400] =	vst v63  }
0x226: {  	s20 =	simm.s32 $0x6300  }
0x227: {  	[tilespmem:s14], [sflag:$0x2] =	stream.indirect.gather [hbm4b:s4+s0], $0x40, s20, s0, $0xb8;
	[tilespmem:$0x16400] =	vst v63  }
0x228: {  	_ =	swait.ge [sflag:s15], $0x4000  }
0x229: {  	[sflag:s15] =	ssyncset.done $0x0  }
0x22a: {  	[sflag:s15] =	ssyncadd.s32 $0xFFFFC000  }
0x22b: {  	_ =	swait.ge [sflag:s18], $0x800  }
0x22c: {  	[sflag:s18] =	ssyncset.done $0x0  }
0x22d: {  	[sflag:s18] =	ssyncadd.s32 $0xFFFFF800  }
0x22e: {  	_ =	swait.ge [sflag:s18], $0x800  }
0x22f: {  	[sflag:s18] =	ssyncset.done $0x0  }
0x230: {  	[sflag:s18] =	ssyncadd.s32 $0xFFFFF800  }
0x231: {  	_ =	swait.ge [sflag:s18], $0x800  }
0x232: {  	[sflag:s18] =	ssyncset.done $0x0  }
0x233: {  	[sflag:s18] =	ssyncadd.s32 $0xFFFFF800  }
0x234: {  	_ =	swait.ge [sflag:s18], $0x800  }
0x235: {  	[sflag:s18] =	ssyncset.done $0x0  }
0x236: {  	[sflag:s18] =	ssyncadd.s32 $0xFFFFF800  }
0x237: {  	_ =	swait.ge [sflag:s18], $0x800  }
0x238: {  	[sflag:s18] =	ssyncset.done $0x0  }
0x239: {  	[sflag:s18] =	ssyncadd.s32 $0xFFFFF800  }
0x23a: {  	_ =	swait.ge [sflag:s18], $0x800  }
0x23b: {  	s26 =	simm.s32 $0x0;
	[sflag:s18] =	ssyncset.done $0x0  }
0x23c: {  	v32 =	vadd.s32 s26, v0;
	[sflag:s18] =	ssyncadd.s32 $0xFFFFF800  }
0x23d: {  	v43 =	vand.u32 $0x3F, v32;
	_ =	swait.ge [sflag:s18], $0x800  }
0x23e: {  	v33 =	vor.u32 v1, v43;
	[sflag:s18] =	ssyncset.done $0x0  }
0x23f: {  	[sflag:s18] =	ssyncadd.s32 $0xFFFFF800  }
0x240: {  	v34 =	vshll.u32 v32, $0x8;
	v32 =	vshll.u32 v32, $0x7;
	_ =	swait.ge [sflag:s18], $0x800  }
0x241: {  	v34 =	vand.u32 $0x3800, v34;
	v32 =	vand.u32 $0x380, v32;
	[sflag:s18] =	ssyncset.done $0x0  }
0x242: {  	v42 =	vor.u32 v32, v34;
	[sflag:s18] =	ssyncadd.s32 $0xFFFFF800  }
0x243: {  	v53 =	vor.u32 v0, v42;
	v52 =	vld.idx.msk [tilespmem:v33+s6+$0x0], $0xffff  }
0x244: {  	v54 =	vor.u32 v2, v43;
	_ =	sdelay $0x3  }
0x245: {  	[tilespmem:v53+s16+$0x0] =	vst.idx.msk $0xffff, v52  }
0x246: {  	v55 =	vor.u32 v3, v42;
	v32 =	vld.idx.msk [tilespmem:v54+s6+$0x0], $0xffff  }
0x247: {  	v35 =	vor.u32 v4, v43  }
0x248: {  	s28 =	simm.s32 $0x1  }
0x249: {  	v36 =	vadd.s32 s28, v0  }
0x24a: {  	v33 =	vand.u32 $0x3F, v36  }
0x24b: {  	v56 =	vor.u32 v1, v33;
	[tilespmem:v55+s16+$0x0] =	vst.idx.msk $0xffff, v32  }
0x24c: {  	v37 =	vor.u32 v5, v42;
	v35 =	vld.idx.msk [tilespmem:v35+s6+$0x0], $0xffff  }
0x24d: {  	v57 =	vshll.u32 v36, $0x8;
	v38 =	vor.u32 v6, v43;
	v36 =	vshll.u32 v36, $0x7  }
0x24e: {  	v36 =	vand.u32 $0x380, v36;
	v32 =	vand.u32 $0x3800, v57  }
0x24f: {  	v32 =	vor.u32 v36, v32  }
0x250: {  	v34 =	vld.idx.msk [tilespmem:v56+s6+$0x0], $0xffff;
	v36 =	vor.u32 v0, v32  }
0x251: {  	v58 =	vor.u32 v2, v33;
	[tilespmem:v37+s16+$0x0] =	vst.idx.msk $0xffff, v35  }
0x252: {  	v59 =	vor.u32 v7, v42;
	v37 =	vld.idx.msk [tilespmem:v38+s6+$0x0], $0xffff  }
0x253: {  	v39 =	vor.u32 v8, v43;
	_ =	sdelay $0x1  }
0x254: {  	[tilespmem:v36+s16+$0x0] =	vst.idx.msk $0xffff, v34  }
0x255: {  	v60 =	vor.u32 v3, v32;
	v34 =	vld.idx.msk [tilespmem:v58+s6+$0x0], $0xffff  }
0x256: {  	v61 =	vor.u32 v4, v33;
	[tilespmem:v59+s16+$0x0] =	vst.idx.msk $0xffff, v37  }
0x257: {  	v62 =	vor.u32 v9, v42;
	v38 =	vld.idx.msk [tilespmem:v39+s6+$0x0], $0xffff  }
0x258: {  	s21 =	simm.s32 $0x2;
	v40 =	vor.u32 v10, v43  }
0x259: {  	v41 =	vadd.s32 s21, v0  }
0x25a: {  	v35 =	vand.u32 $0x3F, v41;
	[tilespmem:v60+s16+$0x0] =	vst.idx.msk $0xffff, v34  }
0x25b: {  	v44 =	vor.u32 v5, v32;
	v63 =	vor.u32 v1, v35;
	v37 =	vld.idx.msk [tilespmem:v61+s6+$0x0], $0xffff  }
0x25c: {  	v48 =	vor.u32 v6, v33;
	[tilespmem:v62+s16+$0x0] =	vst.idx.msk $0xffff, v38  }
0x25d: {  	v49 =	vshll.u32 v41, $0x8;
	v50 =	vshll.u32 v41, $0x7;
	v51 =	vor.u32 v11, v42;
	v39 =	vld.idx.msk [tilespmem:v40+s6+$0x0], $0xffff  }
0x25e: {  	v45 =	vor.u32 v12, v43;
	v34 =	vand.u32 $0x3800, v49;
	v40 =	vand.u32 $0x380, v50  }
0x25f: {  	v34 =	vor.u32 v40, v34  }
0x260: {  	v36 =	vld.idx.msk [tilespmem:v63+s6+$0x0], $0xffff;
	[tilespmem:v44+s16+$0x0] =	vst.idx.msk $0xffff, v37;
	v40 =	vor.u32 v0, v34  }
0x261: {  	v53 =	vor.u32 v7, v32;
	v52 =	vor.u32 v2, v35;
	v38 =	vld.idx.msk [tilespmem:v48+s6+$0x0], $0xffff  }
0x262: {  	v54 =	vor.u32 v8, v33;
	[tilespmem:v51+s16+$0x0] =	vst.idx.msk $0xffff, v39  }
0x263: {  	v55 =	vor.u32 v13, v42;
	v41 =	vld.idx.msk [tilespmem:v45+s6+$0x0], $0xffff  }
0x264: {  	v46 =	vor.u32 v14, v43  }
0x265: {  	[tilespmem:v40+s16+$0x0] =	vst.idx.msk $0xffff, v36  }
0x266: {  	v56 =	vor.u32 v3, v34;
	[tilespmem:v53+s16+$0x0] =	vst.idx.msk $0xffff, v38;
	v37 =	vld.idx.msk [tilespmem:v52+s6+$0x0], $0xffff  }
0x267: {  	v57 =	vor.u32 v4, v35;
	v58 =	vor.u32 v9, v32;
	v39 =	vld.idx.msk [tilespmem:v54+s6+$0x0], $0xffff  }
0x268: {  	s22 =	simm.s32 $0x3;
	v59 =	vor.u32 v10, v33;
	[tilespmem:v55+s16+$0x0] =	vst.idx.msk $0xffff, v41  }
0x269: {  	v47 =	vor.u32 v15, v42;
	v60 =	vadd.s32 s22, v0;
	v45 =	vld.idx.msk [tilespmem:v46+s6+$0x0], $0xffff  }
0x26a: {  	v48 =	vor.u32 v16, v43;
	v36 =	vand.u32 $0x3F, v60  }
0x26b: {  	v61 =	vor.u32 v1, v36;
	[tilespmem:v56+s16+$0x0] =	vst.idx.msk $0xffff, v37  }
0x26c: {  	v63 =	vor.u32 v6, v35;
	v49 =	vor.u32 v5, v34;
	[tilespmem:v58+s16+$0x0] =	vst.idx.msk $0xffff, v39;
	v38 =	vld.idx.msk [tilespmem:v57+s6+$0x0], $0xffff  }
0x26d: {  	v62 =	vshll.u32 v60, $0x8;
	v53 =	vor.u32 v11, v32;
	v52 =	vshll.u32 v60, $0x7;
	v41 =	vld.idx.msk [tilespmem:v59+s6+$0x0], $0xffff  }
0x26e: {  	v54 =	vor.u32 v12, v33;
	v44 =	vand.u32 $0x380, v52;
	v37 =	vand.u32 $0x3800, v62;
	[tilespmem:v47+s16+$0x0] =	vst.idx.msk $0xffff, v45  }
0x26f: {  	v55 =	vor.u32 v17, v42;
	v37 =	vor.u32 v44, v37;
	v47 =	vld.idx.msk [tilespmem:v48+s6+$0x0], $0xffff  }
0x270: {  	v50 =	vor.u32 v18, v43;
	v40 =	vld.idx.msk [tilespmem:v61+s6+$0x0], $0xffff;
	v56 =	vor.u32 v0, v37  }
0x271: {  	v57 =	vor.u32 v2, v36;
	[tilespmem:v49+s16+$0x0] =	vst.idx.msk $0xffff, v38  }
0x272: {  	v58 =	vor.u32 v7, v34;
	[tilespmem:v53+s16+$0x0] =	vst.idx.msk $0xffff, v41;
	v39 =	vld.idx.msk [tilespmem:v63+s6+$0x0], $0xffff  }
0x273: {  	v60 =	vor.u32 v13, v32;
	v59 =	vor.u32 v8, v35;
	v45 =	vld.idx.msk [tilespmem:v54+s6+$0x0], $0xffff  }
0x274: {  	v61 =	vor.u32 v14, v33;
	[tilespmem:v55+s16+$0x0] =	vst.idx.msk $0xffff, v47  }
0x275: {  	[tilespmem:v56+s16+$0x0] =	vst.idx.msk $0xffff, v40;
	v63 =	vor.u32 v19, v42;
	v62 =	vld.idx.msk [tilespmem:v50+s6+$0x0], $0xffff  }
0x276: {  	v56 =	vor.u32 v3, v37;
	v38 =	vld.idx.msk [tilespmem:v57+s6+$0x0], $0xffff;
	v57 =	vor.u32 v20, v43  }
0x277: {  	[tilespmem:v58+s16+$0x0] =	vst.idx.msk $0xffff, v39;
	v58 =	vor.u32 v4, v36  }
0x278: {  	s23 =	simm.s32 $0x4;
	v51 =	vor.u32 v9, v34;
	[tilespmem:v60+s16+$0x0] =	vst.idx.msk $0xffff, v45;
	v41 =	vld.idx.msk [tilespmem:v59+s6+$0x0], $0xffff  }
0x279: {  	v52 =	vor.u32 v15, v32;
	v60 =	vadd.s32 s23, v0;
	v44 =	vld.idx.msk [tilespmem:v61+s6+$0x0], $0xffff;
	v59 =	vor.u32 v10, v35  }
0x27a: {  	v39 =	vand.u32 $0x3F, v60;
	v61 =	vor.u32 v16, v33;
	[tilespmem:v63+s16+$0x0] =	vst.idx.msk $0xffff, v62  }
0x27b: {  	[tilespmem:v56+s16+$0x0] =	vst.idx.msk $0xffff, v38;
	v62 =	vor.u32 v1, v39;
	v63 =	vor.u32 v21, v42;
	v47 =	vld.idx.msk [tilespmem:v57+s6+$0x0], $0xffff  }
0x27c: {  	v53 =	vor.u32 v5, v37;
	v54 =	vor.u32 v22, v43;
	v49 =	vld.idx.msk [tilespmem:v58+s6+$0x0], $0xffff  }
0x27d: {  	v55 =	vshll.u32 v60, $0x8;
	v46 =	vshll.u32 v60, $0x7;
	v56 =	vor.u32 v6, v36;
	[tilespmem:v51+s16+$0x0] =	vst.idx.msk $0xffff, v41  }
0x27e: {  	v38 =	vand.u32 $0x3800, v55;
	[tilespmem:v52+s16+$0x0] =	vst.idx.msk $0xffff, v44;
	v57 =	vand.u32 $0x380, v46;
	v51 =	vor.u32 v11, v34;
	v45 =	vld.idx.msk [tilespmem:v59+s6+$0x0], $0xffff  }
0x27f: {  	v58 =	vor.u32 v12, v35;
	v44 =	vor.u32 v17, v32;
	v40 =	vld.idx.msk [tilespmem:v61+s6+$0x0], $0xffff;
	v38 =	vor.u32 v57, v38  }
0x280: {  	v59 =	vor.u32 v0, v38;
	v48 =	vld.idx.msk [tilespmem:v62+s6+$0x0], $0xffff;
	[tilespmem:v63+s16+$0x0] =	vst.idx.msk $0xffff, v47  }
0x281: {  	v50 =	vor.u32 v18, v33;
	v62 =	vor.u32 v23, v42;
	[tilespmem:v53+s16+$0x0] =	vst.idx.msk $0xffff, v49;
	v60 =	vld.idx.msk [tilespmem:v54+s6+$0x0], $0xffff  }
0x282: {  	v61 =	vor.u32 v2, v39;
	v63 =	vor.u32 v7, v37;
	v41 =	vld.idx.msk [tilespmem:v56+s6+$0x0], $0xffff  }
0x283: {  	v55 =	vor.u32 v24, v43;
	[tilespmem:v51+s16+$0x0] =	vst.idx.msk $0xffff, v45  }
0x284: {  	v57 =	vor.u32 v8, v36;
	[tilespmem:v44+s16+$0x0] =	vst.idx.msk $0xffff, v40;
	v46 =	vld.idx.msk [tilespmem:v58+s6+$0x0], $0xffff;
	v58 =	vor.u32 v13, v34  }
0x285: {  	[tilespmem:v59+s16+$0x0] =	vst.idx.msk $0xffff, v48;
	v59 =	vor.u32 v14, v35  }
0x286: {  	v47 =	vor.u32 v19, v32;
	v44 =	vld.idx.msk [tilespmem:v50+s6+$0x0], $0xffff;
	[tilespmem:v62+s16+$0x0] =	vst.idx.msk $0xffff, v60  }
0x287: {  	v49 =	vor.u32 v3, v38;
	v48 =	vld.idx.msk [tilespmem:v61+s6+$0x0], $0xffff;
	[tilespmem:v63+s16+$0x0] =	vst.idx.msk $0xffff, v41;
	v41 =	vor.u32 v20, v33  }
0x288: {  	v52 =	vor.u32 v25, v42;
	v50 =	vld.idx.msk [tilespmem:v55+s6+$0x0], $0xffff  }
0x289: {  	v60 =	vor.u32 v9, v37;
	v45 =	vld.idx.msk [tilespmem:v57+s6+$0x0], $0xffff;
	[tilespmem:v58+s16+$0x0] =	vst.idx.msk $0xffff, v46  }
0x28a: {  	v57 =	vor.u32 v15, v34;
	v56 =	vld.idx.msk [tilespmem:v59+s6+$0x0], $0xffff  }
0x28b: {  	[tilespmem:v47+s16+$0x0] =	vst.idx.msk $0xffff, v44;
	v47 =	vor.u32 v16, v35  }
0x28c: {  	s26 =	simm.s32 $0x5;
	v63 =	vor.u32 v4, v39;
	v58 =	vor.u32 v21, v32;
	[tilespmem:v49+s16+$0x0] =	vst.idx.msk $0xffff, v48;
	v49 =	vld.idx.msk [tilespmem:v41+s6+$0x0], $0xffff  }
0x28d: {  	v51 =	vor.u32 v10, v36;
	v61 =	vor.u32 v26, v43;
	v62 =	vadd.s32 s26, v0;
	[tilespmem:v52+s16+$0x0] =	vst.idx.msk $0xffff, v50  }
0x28e: {  	v40 =	vand.u32 $0x3F, v62;
	v44 =	vshll.u32 v62, $0x8;
	[tilespmem:v60+s16+$0x0] =	vst.idx.msk $0xffff, v45;
	v60 =	vshll.u32 v62, $0x7  }
0x28f: {  	v44 =	vand.u32 $0x3800, v44;
	v48 =	vor.u32 v1, v40;
	v41 =	vand.u32 $0x380, v60;
	[tilespmem:v57+s16+$0x0] =	vst.idx.msk $0xffff, v56  }
0x290: {  	v45 =	vor.u32 v22, v33;
	v41 =	vor.u32 v41, v44;
	v44 =	vor.u32 v17, v34;
	v47 =	vld.idx.msk [tilespmem:v47+s6+$0x0], $0xffff  }
0x291: {  	v50 =	vor.u32 v5, v38;
	v52 =	vld.idx.msk [tilespmem:v63+s6+$0x0], $0xffff;
	[tilespmem:v58+s16+$0x0] =	vst.idx.msk $0xffff, v49;
	v58 =	vor.u32 v18, v35  }
0x292: {  	v53 =	vor.u32 v6, v39;
	v63 =	vor.u32 v27, v42;
	v46 =	vld.idx.msk [tilespmem:v61+s6+$0x0], $0xffff  }
0x293: {  	v62 =	vor.u32 v28, v43;
	v61 =	vor.u32 v11, v37;
	v51 =	vld.idx.msk [tilespmem:v51+s6+$0x0], $0xffff  }
0x294: {  	v57 =	vor.u32 v12, v36;
	v48 =	vld.idx.msk [tilespmem:v48+s6+$0x0], $0xffff  }
0x295: {  	v49 =	vor.u32 v0, v41;
	v45 =	vld.idx.msk [tilespmem:v45+s6+$0x0], $0xffff;
	[tilespmem:v44+s16+$0x0] =	vst.idx.msk $0xffff, v47  }
0x296: {  	[tilespmem:v50+s16+$0x0] =	vst.idx.msk $0xffff, v52;
	v44 =	vld.idx.msk [tilespmem:v58+s6+$0x0], $0xffff  }
0x297: {  	v52 =	vor.u32 v23, v32;
	v53 =	vld.idx.msk [tilespmem:v53+s6+$0x0], $0xffff;
	[tilespmem:v63+s16+$0x0] =	vst.idx.msk $0xffff, v46  }
0x298: {  	v46 =	vor.u32 v7, v38;
	[tilespmem:v61+s16+$0x0] =	vst.idx.msk $0xffff, v51;
	v51 =	vld.idx.msk [tilespmem:v62+s6+$0x0], $0xffff  }
0x299: {  	v50 =	vor.u32 v2, v40;
	v61 =	vld.idx.msk [tilespmem:v57+s6+$0x0], $0xffff;
	v62 =	vor.u32 v13, v37  }
0x29a: {  	v60 =	vor.u32 v29, v42;
	v63 =	vor.u32 v14, v36;
	[tilespmem:v49+s16+$0x0] =	vst.idx.msk $0xffff, v48  }
0x29b: {  	[tilespmem:$0x1FFD0] =	vst v44  }
0x29c: {  	[tilespmem:v52+s16+$0x0] =	vst.idx.msk $0xffff, v45  }
0x29d: {  	v54 =	vor.u32 v24, v33;
	[tilespmem:v46+s16+$0x0] =	vst.idx.msk $0xffff, v53  }
0x29e: {  	v59 =	vor.u32 v8, v39;
	v55 =	vld.idx.msk [tilespmem:v50+s6+$0x0], $0xffff;
	[tilespmem:v62+s16+$0x0] =	vst.idx.msk $0xffff, v61  }
0x29f: {  	v43 =	vor.u32 v30, v43;
	[tilespmem:v60+s16+$0x0] =	vst.idx.msk $0xffff, v51;
	v50 =	vld.idx.msk [tilespmem:v63+s6+$0x0], $0xffff  }
0x2a0: {  	v58 =	vor.u32 v19, v34;
	v63 =	vld [tilespmem:$0x1FFD0]  }
0x2a1: {  	v56 =	vor.u32 v3, v41;
	v49 =	vor.u32 v20, v35  }
0x2a2: {  	v57 =	vor.u32 v4, v40;
	v48 =	vor.u32 v25, v32;
	v47 =	vld.idx.msk [tilespmem:v54+s6+$0x0], $0xffff  }
0x2a3: {  	v53 =	vor.u32 v9, v38;
	v45 =	vor.u32 v26, v33;
	v52 =	vld.idx.msk [tilespmem:v59+s6+$0x0], $0xffff  }
0x2a4: {  	s28 =	simm.s32 $0x6;
	v46 =	vor.u32 v31, v42;
	v44 =	vld.idx.msk [tilespmem:v43+s6+$0x0], $0xffff;
	v54 =	vor.u32 v10, v39  }
0x2a5: {  	s20 =	simm.s32 $0x7;
	v42 =	vadd.s32 s28, v0;
	v51 =	vor.u32 v15, v37;
	[tilespmem:v58+s16+$0x0] =	vst.idx.msk $0xffff, v63  }
.LBB2_8:
0x2a6: {  	p0 =	sne.s32 s20, $0x3F;
	v43 =	vshll.u32 v42, $0x8;
	v58 =	vand.u32 $0x3F, v42;
	[tilespmem:v56+s16+$0x0] =	vst.idx.msk $0xffff, v55;
	v55 =	vor.u32 v16, v36;
	v49 =	vld.idx.msk [tilespmem:v49+s6+$0x0], $0xffff  }
0x2a7: {  	v59 =	vor.u32 v21, v34;
	v56 =	vor.u32 v1, v58;
	v57 =	vld.idx.msk [tilespmem:v57+s6+$0x0], $0xffff;
	[tilespmem:v48+s16+$0x0] =	vst.idx.msk $0xffff, v47  }
0x2a8: {  	v47 =	vor.u32 v5, v41;
	v48 =	vor.u32 v22, v35;
	[tilespmem:v53+s16+$0x0] =	vst.idx.msk $0xffff, v52;
	v45 =	vld.idx.msk [tilespmem:v45+s6+$0x0], $0xffff  }
0x2a9: {  	v52 =	vor.u32 v6, v40;
	v53 =	vld.idx.msk [tilespmem:v54+s6+$0x0], $0xffff;
	v54 =	vor.u32 v27, v32;
	[tilespmem:v46+s16+$0x0] =	vst.idx.msk $0xffff, v44  }
0x2aa: {  	v42 =	vshll.u32 v42, $0x7;
	v44 =	vor.u32 v11, v38;
	v46 =	vor.u32 v28, v33;
	[tilespmem:v51+s16+$0x0] =	vst.idx.msk $0xffff, v50  }
0x2ab: {  	v60 =	vmovc v41;
	v43 =	vand.u32 $0x3800, v43;
	v42 =	vand.u32 $0x380, v42;
	v50 =	vor.u32 v12, v39;
	v51 =	vld.idx.msk [tilespmem:v55+s6+$0x0], $0xffff  }
0x2ac: {  	v41 =	vor.u32 v42, v43;
	v43 =	vor.u32 v17, v37;
	v42 =	vld.idx.msk [tilespmem:v56+s6+$0x0], $0xffff;
	[tilespmem:v59+s16+$0x0] =	vst.idx.msk $0xffff, v49  }
0x2ad: {  	v49 =	vor.u32 v0, v41;
	[tilespmem:v47+s16+$0x0] =	vst.idx.msk $0xffff, v57;
	v47 =	vor.u32 v18, v36;
	v48 =	vld.idx.msk [tilespmem:v48+s6+$0x0], $0xffff  }
0x2ae: {  	v55 =	vor.u32 v2, v58;
	v56 =	vor.u32 v23, v34;
	v52 =	vld.idx.msk [tilespmem:v52+s6+$0x0], $0xffff;
	[tilespmem:v54+s16+$0x0] =	vst.idx.msk $0xffff, v45  }
0x2af: {  	v45 =	vor.u32 v7, v60;
	[tilespmem:v44+s16+$0x0] =	vst.idx.msk $0xffff, v53;
	v44 =	vor.u32 v24, v35;
	v46 =	vld.idx.msk [tilespmem:v46+s6+$0x0], $0xffff  }
0x2b0: {  	v54 =	vor.u32 v29, v32;
	v53 =	vor.u32 v8, v40;
	v50 =	vld.idx.msk [tilespmem:v50+s6+$0x0], $0xffff  }
0x2b1: {  	v59 =	vor.u32 v13, v38;
	[tilespmem:v43+s16+$0x0] =	vst.idx.msk $0xffff, v51;
	v43 =	vor.u32 v30, v33;
	v33 =	vmov v35  }
0x2b2: {  	v35 =	vmov v36;
	v36 =	vmov v39;
	[tilespmem:v49+s16+$0x0] =	vst.idx.msk $0xffff, v42;
	v42 =	vor.u32 v14, v39;
	v61 =	vld.idx.msk [tilespmem:v47+s6+$0x0], $0xffff  }
0x2b3: {  	v62 =	vor.u32 v19, v37;
	v39 =	vmov v40;
	v40 =	vmov v58;
	v55 =	vld.idx.msk [tilespmem:v55+s6+$0x0], $0xffff;
	[tilespmem:v56+s16+$0x0] =	vst.idx.msk $0xffff, v48  }
.Ltmp3:
0x2b4: {  	v49 =	vor.u32 v20, v35;
	v56 =	vor.u32 v3, v41;
	[tilespmem:v45+s16+$0x0] =	vst.idx.msk $0xffff, v52;
	v47 =	vld.idx.msk [tilespmem:v44+s6+$0x0], $0xffff;
	(pc) =	sbr.rel @p0 .LBB2_8-.Ltmp3, $4  }
0x2b5: {  	v57 =	vor.u32 v4, v40;
	v48 =	vor.u32 v25, v34;
	v52 =	vld.idx.msk [tilespmem:v53+s6+$0x0], $0xffff;
	[tilespmem:v54+s16+$0x0] =	vst.idx.msk $0xffff, v46  }
0x2b6: {  	v45 =	vor.u32 v26, v33;
	v53 =	vor.u32 v9, v60;
	[tilespmem:v59+s16+$0x0] =	vst.idx.msk $0xffff, v50;
	v44 =	vld.idx.msk [tilespmem:v43+s6+$0x0], $0xffff  }
0x2b7: {  	v54 =	vor.u32 v10, v39;
	v46 =	vor.u32 v31, v32;
	v32 =	vmovc v34;
	v34 =	vmov v37;
	v50 =	vld.idx.msk [tilespmem:v42+s6+$0x0], $0xffff  }
0x2b8: {  	v51 =	vor.u32 v15, v38;
	v37 =	vmovc v38;
	v38 =	vmov v60;
	v42 =	vadd.s32 s20, v0;
	s20 =	sadd.s32 $0x1, s20;
	[tilespmem:v62+s16+$0x0] =	vst.idx.msk $0xffff, v61  }
0x2b9: {  	v43 =	vand.u32 $0x3F, v42  }
0x2ba: {  	v58 =	vor.u32 v1, v43;
	_ =	sdelay $0x1  }
0x2bb: {  	v59 =	vshll.u32 v42, $0x8;
	v60 =	vshll.u32 v42, $0x7  }
0x2bc: {  	v59 =	vand.u32 $0x3800, v59;
	v42 =	vand.u32 $0x380, v60  }
0x2bd: {  	v42 =	vor.u32 v42, v59  }
0x2be: {  	v59 =	vor.u32 v0, v42;
	v58 =	vld.idx.msk [tilespmem:v58+s6+$0x0], $0xffff  }
0x2bf: {  	v60 =	vor.u32 v2, v43;
	_ =	sdelay $0x2  }
0x2c0: {  	[tilespmem:v56+s16+$0x0] =	vst.idx.msk $0xffff, v55  }
0x2c1: {  	v56 =	vor.u32 v5, v41;
	v55 =	vld.idx.msk [tilespmem:v57+s6+$0x0], $0xffff;
	[tilespmem:v59+s16+$0x0] =	vst.idx.msk $0xffff, v58  }
0x2c2: {  	v57 =	vor.u32 v6, v40;
	v59 =	vor.u32 v3, v42;
	v58 =	vld.idx.msk [tilespmem:v60+s6+$0x0], $0xffff  }
0x2c3: {  	v60 =	vor.u32 v4, v43;
	_ =	sdelay $0x2  }
0x2c4: {  	[tilespmem:v56+s16+$0x0] =	vst.idx.msk $0xffff, v55  }
0x2c5: {  	v56 =	vor.u32 v7, v41;
	v55 =	vld.idx.msk [tilespmem:v57+s6+$0x0], $0xffff;
	[tilespmem:v59+s16+$0x0] =	vst.idx.msk $0xffff, v58  }
0x2c6: {  	v57 =	vor.u32 v8, v40;
	v59 =	vor.u32 v5, v42;
	v58 =	vld.idx.msk [tilespmem:v60+s6+$0x0], $0xffff  }
0x2c7: {  	v60 =	vor.u32 v6, v43;
	_ =	sdelay $0x2  }
0x2c8: {  	[tilespmem:v56+s16+$0x0] =	vst.idx.msk $0xffff, v55  }
0x2c9: {  	v56 =	vor.u32 v9, v41;
	v55 =	vld.idx.msk [tilespmem:v57+s6+$0x0], $0xffff;
	[tilespmem:v59+s16+$0x0] =	vst.idx.msk $0xffff, v58  }
0x2ca: {  	v57 =	vor.u32 v10, v40;
	v59 =	vor.u32 v7, v42;
	v58 =	vld.idx.msk [tilespmem:v60+s6+$0x0], $0xffff  }
0x2cb: {  	v60 =	vor.u32 v8, v43;
	_ =	sdelay $0x1  }
0x2cc: {  	[tilespmem:v53+s16+$0x0] =	vst.idx.msk $0xffff, v52  }
0x2cd: {  	v53 =	vor.u32 v11, v38;
	v52 =	vld.idx.msk [tilespmem:v54+s6+$0x0], $0xffff;
	[tilespmem:v56+s16+$0x0] =	vst.idx.msk $0xffff, v55  }
0x2ce: {  	v54 =	vor.u32 v12, v39;
	v56 =	vor.u32 v11, v41;
	v55 =	vld.idx.msk [tilespmem:v57+s6+$0x0], $0xffff;
	[tilespmem:v59+s16+$0x0] =	vst.idx.msk $0xffff, v58  }
0x2cf: {  	v57 =	vor.u32 v12, v40;
	v59 =	vor.u32 v9, v42;
	v58 =	vld.idx.msk [tilespmem:v60+s6+$0x0], $0xffff  }
0x2d0: {  	v60 =	vor.u32 v10, v43;
	_ =	sdelay $0x1  }
0x2d1: {  	[tilespmem:v53+s16+$0x0] =	vst.idx.msk $0xffff, v52  }
0x2d2: {  	v53 =	vor.u32 v13, v38;
	v52 =	vld.idx.msk [tilespmem:v54+s6+$0x0], $0xffff;
	[tilespmem:v56+s16+$0x0] =	vst.idx.msk $0xffff, v55  }
0x2d3: {  	v54 =	vor.u32 v14, v39;
	v56 =	vor.u32 v13, v41;
	v55 =	vld.idx.msk [tilespmem:v57+s6+$0x0], $0xffff;
	[tilespmem:v59+s16+$0x0] =	vst.idx.msk $0xffff, v58  }
0x2d4: {  	v59 =	vor.u32 v11, v42;
	v58 =	vld.idx.msk [tilespmem:v60+s6+$0x0], $0xffff  }
0x2d5: {  	v60 =	vor.u32 v12, v43;
	_ =	sdelay $0x1  }
0x2d6: {  	[tilespmem:v53+s16+$0x0] =	vst.idx.msk $0xffff, v52  }
0x2d7: {  	v52 =	vor.u32 v16, v36;
	v53 =	vld.idx.msk [tilespmem:v54+s6+$0x0], $0xffff;
	v54 =	vor.u32 v15, v38;
	[tilespmem:v56+s16+$0x0] =	vst.idx.msk $0xffff, v55  }
0x2d8: {  	v55 =	vor.u32 v16, v39;
	[tilespmem:v59+s16+$0x0] =	vst.idx.msk $0xffff, v58  }
0x2d9: {  	v57 =	vor.u32 v14, v40;
	v59 =	vor.u32 v13, v42;
	v58 =	vld.idx.msk [tilespmem:v60+s6+$0x0], $0xffff  }
0x2da: {  	v60 =	vor.u32 v14, v43  }
0x2db: {  	[tilespmem:v51+s16+$0x0] =	vst.idx.msk $0xffff, v50  }
0x2dc: {  	v51 =	vor.u32 v17, v37;
	v50 =	vld.idx.msk [tilespmem:v52+s6+$0x0], $0xffff;
	[tilespmem:v54+s16+$0x0] =	vst.idx.msk $0xffff, v53  }
0x2dd: {  	v52 =	vor.u32 v18, v36;
	v54 =	vor.u32 v17, v38;
	v53 =	vld.idx.msk [tilespmem:v55+s6+$0x0], $0xffff  }
0x2de: {  	v56 =	vld.idx.msk [tilespmem:v57+s6+$0x0], $0xffff;
	v57 =	vor.u32 v15, v41;
	v55 =	vor.u32 v18, v39;
	[tilespmem:v59+s16+$0x0] =	vst.idx.msk $0xffff, v58  }
0x2df: {  	v58 =	vor.u32 v16, v40;
	v59 =	vld.idx.msk [tilespmem:v60+s6+$0x0], $0xffff;
	v60 =	vor.u32 v15, v42  }
0x2e0: {  	v61 =	vor.u32 v16, v43  }
0x2e1: {  	[tilespmem:v51+s16+$0x0] =	vst.idx.msk $0xffff, v50  }
0x2e2: {  	v51 =	vor.u32 v19, v37;
	v50 =	vld.idx.msk [tilespmem:v52+s6+$0x0], $0xffff;
	[tilespmem:v54+s16+$0x0] =	vst.idx.msk $0xffff, v53  }
0x2e3: {  	v52 =	vor.u32 v20, v36;
	[tilespmem:v57+s16+$0x0] =	vst.idx.msk $0xffff, v56;
	v54 =	vor.u32 v19, v38;
	v53 =	vld.idx.msk [tilespmem:v55+s6+$0x0], $0xffff  }
0x2e4: {  	v57 =	vor.u32 v17, v41;
	v55 =	vor.u32 v20, v39;
	v56 =	vld.idx.msk [tilespmem:v58+s6+$0x0], $0xffff;
	[tilespmem:v60+s16+$0x0] =	vst.idx.msk $0xffff, v59  }
0x2e5: {  	v58 =	vor.u32 v18, v40;
	v60 =	vor.u32 v17, v42;
	v59 =	vld.idx.msk [tilespmem:v61+s6+$0x0], $0xffff  }
0x2e6: {  	v61 =	vor.u32 v18, v43  }
0x2e7: {  	v49 =	vld.idx.msk [tilespmem:v49+s6+$0x0], $0xffff;
	v62 =	vor.u32 v21, v34;
	[tilespmem:v51+s16+$0x0] =	vst.idx.msk $0xffff, v50  }
0x2e8: {  	v50 =	vor.u32 v22, v35;
	v51 =	vld.idx.msk [tilespmem:v52+s6+$0x0], $0xffff;
	v52 =	vor.u32 v21, v37;
	[tilespmem:v54+s16+$0x0] =	vst.idx.msk $0xffff, v53  }
0x2e9: {  	v53 =	vor.u32 v22, v36;
	v54 =	vld.idx.msk [tilespmem:v55+s6+$0x0], $0xffff;
	v55 =	vor.u32 v21, v38;
	[tilespmem:v57+s16+$0x0] =	vst.idx.msk $0xffff, v56  }
0x2ea: {  	v57 =	vor.u32 v19, v41;
	v56 =	vld.idx.msk [tilespmem:v58+s6+$0x0], $0xffff;
	[tilespmem:v60+s16+$0x0] =	vst.idx.msk $0xffff, v59  }
0x2eb: {  	v58 =	vor.u32 v20, v40;
	v60 =	vor.u32 v19, v42;
	v59 =	vld.idx.msk [tilespmem:v61+s6+$0x0], $0xffff  }
0x2ec: {  	[tilespmem:v62+s16+$0x0] =	vst.idx.msk $0xffff, v49;
	v61 =	vor.u32 v20, v43  }
0x2ed: {  	v50 =	vld.idx.msk [tilespmem:v50+s6+$0x0], $0xffff;
	[tilespmem:v52+s16+$0x0] =	vst.idx.msk $0xffff, v51;
	v51 =	vor.u32 v23, v34  }
0x2ee: {  	v52 =	vor.u32 v24, v35;
	v53 =	vld.idx.msk [tilespmem:v53+s6+$0x0], $0xffff;
	[tilespmem:v55+s16+$0x0] =	vst.idx.msk $0xffff, v54;
	v54 =	vor.u32 v23, v37  }
0x2ef: {  	v55 =	vor.u32 v24, v36;
	[tilespmem:v57+s16+$0x0] =	vst.idx.msk $0xffff, v56  }
0x2f0: {  	v56 =	vor.u32 v22, v39;
	v57 =	vld.idx.msk [tilespmem:v58+s6+$0x0], $0xffff;
	v58 =	vor.u32 v21, v41;
	[tilespmem:v60+s16+$0x0] =	vst.idx.msk $0xffff, v59  }
0x2f1: {  	v59 =	vor.u32 v22, v40;
	v60 =	vld.idx.msk [tilespmem:v61+s6+$0x0], $0xffff;
	v61 =	vor.u32 v21, v42  }
0x2f2: {  	v49 =	vor.u32 v22, v43;
	[tilespmem:v51+s16+$0x0] =	vst.idx.msk $0xffff, v50  }
0x2f3: {  	v62 =	vor.u32 v25, v34;
	v51 =	vld.idx.msk [tilespmem:v52+s6+$0x0], $0xffff;
	[tilespmem:v54+s16+$0x0] =	vst.idx.msk $0xffff, v53  }
0x2f4: {  	v63 =	vor.u32 v25, v37;
	v53 =	vor.u32 v26, v35;
	v54 =	vld.idx.msk [tilespmem:v55+s6+$0x0], $0xffff  }
0x2f5: {  	v56 =	vld.idx.msk [tilespmem:v56+s6+$0x0], $0xffff;
	[tilespmem:v58+s16+$0x0] =	vst.idx.msk $0xffff, v57;
	v57 =	vor.u32 v23, v38  }
0x2f6: {  	v58 =	vor.u32 v24, v39;
	v59 =	vld.idx.msk [tilespmem:v59+s6+$0x0], $0xffff;
	[tilespmem:v61+s16+$0x0] =	vst.idx.msk $0xffff, v60;
	v60 =	vor.u32 v23, v41  }
0x2f7: {  	[tilespmem:v48+s16+$0x0] =	vst.idx.msk $0xffff, v47;
	v47 =	vor.u32 v24, v40;
	v48 =	vld.idx.msk [tilespmem:v49+s6+$0x0], $0xffff;
	v49 =	vor.u32 v23, v42  }
0x2f8: {  	[tilespmem:v62+s16+$0x0] =	vst.idx.msk $0xffff, v51;
	v61 =	vor.u32 v24, v43  }
0x2f9: {  	v53 =	vld.idx.msk [tilespmem:v53+s6+$0x0], $0xffff;
	[tilespmem:v63+s16+$0x0] =	vst.idx.msk $0xffff, v54;
	v63 =	vor.u32 v27, v34  }
0x2fa: {  	v55 =	vor.u32 v28, v35;
	[tilespmem:v57+s16+$0x0] =	vst.idx.msk $0xffff, v56  }
0x2fb: {  	v56 =	vor.u32 v26, v36;
	v57 =	vld.idx.msk [tilespmem:v58+s6+$0x0], $0xffff;
	v58 =	vor.u32 v25, v38;
	[tilespmem:v60+s16+$0x0] =	vst.idx.msk $0xffff, v59  }
0x2fc: {  	v59 =	vor.u32 v26, v39;
	v47 =	vld.idx.msk [tilespmem:v47+s6+$0x0], $0xffff;
	[tilespmem:v49+s16+$0x0] =	vst.idx.msk $0xffff, v48;
	v48 =	vor.u32 v25, v41  }
0x2fd: {  	[tilespmem:v46+s16+$0x0] =	vst.idx.msk $0xffff, v44;
	v44 =	vor.u32 v26, v40;
	v60 =	vor.u32 v25, v42;
	v46 =	vld.idx.msk [tilespmem:v61+s6+$0x0], $0xffff  }
0x2fe: {  	v45 =	vld.idx.msk [tilespmem:v45+s6+$0x0], $0xffff;
	v51 =	vor.u32 v26, v43;
	[tilespmem:v63+s16+$0x0] =	vst.idx.msk $0xffff, v53;
	v61 =	vor.u32 v27, v32  }
0x2ff: {  	v62 =	vor.u32 v28, v33;
	v54 =	vld.idx.msk [tilespmem:v55+s6+$0x0], $0xffff;
	v55 =	vor.u32 v29, v34  }
0x300: {  	v56 =	vld.idx.msk [tilespmem:v56+s6+$0x0], $0xffff;
	[tilespmem:v58+s16+$0x0] =	vst.idx.msk $0xffff, v57;
	v57 =	vor.u32 v27, v37  }
0x301: {  	v58 =	vor.u32 v28, v36;
	v59 =	vld.idx.msk [tilespmem:v59+s6+$0x0], $0xffff;
	[tilespmem:v48+s16+$0x0] =	vst.idx.msk $0xffff, v47;
	v47 =	vor.u32 v27, v38  }
0x302: {  	v48 =	vor.u32 v28, v39;
	v44 =	vld.idx.msk [tilespmem:v44+s6+$0x0], $0xffff;
	[tilespmem:v60+s16+$0x0] =	vst.idx.msk $0xffff, v46;
	v60 =	vor.u32 v27, v41  }
0x303: {  	v50 =	vor.u32 v27, v42;
	[tilespmem:v61+s16+$0x0] =	vst.idx.msk $0xffff, v45;
	v61 =	vor.u32 v28, v40;
	v49 =	vld.idx.msk [tilespmem:v51+s6+$0x0], $0xffff  }
0x304: {  	v63 =	vor.u32 v28, v43;
	[tilespmem:v55+s16+$0x0] =	vst.idx.msk $0xffff, v54;
	v51 =	vld.idx.msk [tilespmem:v62+s6+$0x0], $0xffff;
	v62 =	vor.u32 v29, v32  }
0x305: {  	v35 =	vor.u32 v30, v35;
	[tilespmem:v57+s16+$0x0] =	vst.idx.msk $0xffff, v56  }
0x306: {  	v33 =	vor.u32 v30, v33;
	v57 =	vor.u32 v29, v37;
	v56 =	vld.idx.msk [tilespmem:v58+s6+$0x0], $0xffff;
	[tilespmem:v47+s16+$0x0] =	vst.idx.msk $0xffff, v59  }
0x307: {  	v58 =	vor.u32 v30, v36;
	v59 =	vor.u32 v29, v38;
	v47 =	vld.idx.msk [tilespmem:v48+s6+$0x0], $0xffff;
	[tilespmem:v60+s16+$0x0] =	vst.idx.msk $0xffff, v44  }
0x308: {  	v60 =	vor.u32 v30, v39;
	v44 =	vld.idx.msk [tilespmem:v61+s6+$0x0], $0xffff;
	v61 =	vor.u32 v29, v41;
	[tilespmem:v50+s16+$0x0] =	vst.idx.msk $0xffff, v49  }
0x309: {  	v52 =	vor.u32 v29, v42;
	[tilespmem:v62+s16+$0x0] =	vst.idx.msk $0xffff, v51;
	v62 =	vor.u32 v30, v40;
	v63 =	vld.idx.msk [tilespmem:v63+s6+$0x0], $0xffff  }
0x30a: {  	v43 =	vor.u32 v30, v43;
	v55 =	vor.u32 v31, v34;
	v35 =	vld.idx.msk [tilespmem:v35+s6+$0x0], $0xffff  }
0x30b: {  	v53 =	vor.u32 v31, v32;
	v33 =	vld.idx.msk [tilespmem:v33+s6+$0x0], $0xffff;
	[tilespmem:v57+s16+$0x0] =	vst.idx.msk $0xffff, v56  }
0x30c: {  	v57 =	vor.u32 v31, v37;
	v36 =	vld.idx.msk [tilespmem:v58+s6+$0x0], $0xffff;
	[tilespmem:v59+s16+$0x0] =	vst.idx.msk $0xffff, v47  }
0x30d: {  	v58 =	vor.u32 v31, v38;
	v39 =	vld.idx.msk [tilespmem:v60+s6+$0x0], $0xffff;
	[tilespmem:v61+s16+$0x0] =	vst.idx.msk $0xffff, v44  }
0x30e: {  	v59 =	vor.u32 v31, v41;
	v40 =	vld.idx.msk [tilespmem:v62+s6+$0x0], $0xffff;
	[tilespmem:v52+s16+$0x0] =	vst.idx.msk $0xffff, v63  }
0x30f: {  	[tilespmem:v55+s16+$0x0] =	vst.idx.msk $0xffff, v35;
	v61 =	vor.u32 v31, v42;
	v60 =	vld.idx.msk [tilespmem:v43+s6+$0x0], $0xffff  }
0x310: {  	[tilespmem:v53+s16+$0x0] =	vst.idx.msk $0xffff, v33  }
0x311: {  	[tilespmem:v57+s16+$0x0] =	vst.idx.msk $0xffff, v36  }
0x312: {  	[tilespmem:v58+s16+$0x0] =	vst.idx.msk $0xffff, v39  }
0x313: {  	[tilespmem:v59+s16+$0x0] =	vst.idx.msk $0xffff, v40  }
0x314: {  	[tilespmem:v61+s16+$0x0] =	vst.idx.msk $0xffff, v60  }
0x315: {  	s20 =	simm.s32 $0x0;
	s21 =	rddreg [dreg:$0x4]  }
0x316: {  	[hbm4b:s21+s20] =	stream.linear.scatter [tilespmem:s16], [sflag:$0x3], $0x800, $0x38;
	[tilespmem:$0x16400] =	vst v63  }
0x317: {  	s22 =	simm.s32 $0xEC00;
	s23 =	rddreg [dreg:$0x5]  }
0x318: {  	[hbm4b:s23+s20] =	stream.linear.scatter [tilespmem:s22], [sflag:$0x3], $0x800, $0x38;
	[tilespmem:$0x16400] =	vst v63  }
0x319: {  	s28 =	simm.s32 $0xF400;
	s26 =	rddreg [dreg:$0x6]  }
0x31a: {  	[hbm4b:s26+s20] =	stream.linear.scatter [tilespmem:s28], [sflag:$0x3], $0x800, $0x38;
	[tilespmem:$0x16400] =	vst v63  }
0x31b: {  	s22 =	rddreg [dreg:$0x7];
	s23 =	simm.s32 $0xFC00  }
0x31c: {  	[hbm4b:s22+s20] =	stream.linear.scatter [tilespmem:s23], [sflag:$0x3], $0x800, $0x38;
	[tilespmem:$0x16400] =	vst v63  }
0x31d: {  	s26 =	rddreg [dreg:$0x8];
	s28 =	simm.s32 $0x10400  }
0x31e: {  	[hbm4b:s26+s20] =	stream.linear.scatter [tilespmem:s28], [sflag:$0x3], $0x800, $0x38;
	[tilespmem:$0x16400] =	vst v63  }
0x31f: {  	s22 =	rddreg [dreg:$0x9];
	s23 =	simm.s32 $0x10C00  }
0x320: {  	[hbm4b:s22+s20] =	stream.linear.scatter [tilespmem:s23], [sflag:$0x3], $0x800, $0x38;
	[tilespmem:$0x16400] =	vst v63  }
0x321: {  	s26 =	rddreg [dreg:$0xa];
	s28 =	simm.s32 $0x11400  }
0x322: {  	[hbm4b:s26+s20] =	stream.linear.scatter [tilespmem:s28], [sflag:$0x3], $0x800, $0x38;
	[tilespmem:$0x16400] =	vst v63  }
0x323: {  	s23 =	rddreg [dreg:$0xb];
	s26 =	simm.s32 $0x11C00  }
0x324: {  	[hbm4b:s23+s20] =	stream.linear.scatter [tilespmem:s26], [sflag:$0x3], $0x800, $0x38;
	[tilespmem:$0x16400] =	vst v63  }
0x325: {  	_ =	swait.ge [sflag:s24], $0x4000  }
0x326: {  	[sflag:s24] =	ssyncset.done $0x0  }
0x327: {  	[sflag:s24] =	ssyncadd.s32 $0xFFFFC000  }
0x328: {  	_ =	swait.ge [sflag:s19], $0x800  }
0x329: {  	[sflag:s19] =	ssyncset.done $0x0  }
0x32a: {  	[sflag:s19] =	ssyncadd.s32 $0xFFFFF800  }
0x32b: {  	_ =	swait.ge [sflag:s19], $0x800  }
0x32c: {  	[sflag:s19] =	ssyncset.done $0x0  }
0x32d: {  	[sflag:s19] =	ssyncadd.s32 $0xFFFFF800  }
0x32e: {  	_ =	swait.ge [sflag:s19], $0x800  }
0x32f: {  	[sflag:s19] =	ssyncset.done $0x0  }
0x330: {  	[sflag:s19] =	ssyncadd.s32 $0xFFFFF800  }
0x331: {  	_ =	swait.ge [sflag:s19], $0x800  }
0x332: {  	[sflag:s19] =	ssyncset.done $0x0  }
0x333: {  	[sflag:s19] =	ssyncadd.s32 $0xFFFFF800  }
0x334: {  	_ =	swait.ge [sflag:s19], $0x800  }
0x335: {  	[sflag:s19] =	ssyncset.done $0x0  }
0x336: {  	[sflag:s19] =	ssyncadd.s32 $0xFFFFF800  }
0x337: {  	_ =	swait.ge [sflag:s19], $0x800  }
0x338: {  	[sflag:s19] =	ssyncset.done $0x0  }
0x339: {  	v62 =	vadd.s32 s20, v0;
	[sflag:s19] =	ssyncadd.s32 $0xFFFFF800  }
0x33a: {  	v43 =	vand.u32 $0x3F, v62;
	_ =	swait.ge [sflag:s19], $0x800  }
0x33b: {  	v63 =	vor.u32 v1, v43;
	[sflag:s19] =	ssyncset.done $0x0  }
0x33c: {  	[sflag:s19] =	ssyncadd.s32 $0xFFFFF800  }
0x33d: {  	v32 =	vshll.u32 v62, $0x7;
	v36 =	vshll.u32 v62, $0x8;
	_ =	swait.ge [sflag:s19], $0x800  }
0x33e: {  	v32 =	vand.u32 $0x380, v32;
	v34 =	vand.u32 $0x3800, v36;
	[sflag:s19] =	ssyncset.done $0x0  }
0x33f: {  	v42 =	vor.u32 v32, v34;
	[sflag:s19] =	ssyncadd.s32 $0xFFFFF800  }
0x340: {  	v38 =	vor.u32 v0, v42;
	v37 =	vld.idx.msk [tilespmem:v63+s14+$0x0], $0xffff  }
0x341: {  	v39 =	vor.u32 v2, v43;
	_ =	sdelay $0x3  }
0x342: {  	[tilespmem:v38+s25+$0x0] =	vst.idx.msk $0xffff, v37  }
0x343: {  	v40 =	vor.u32 v3, v42;
	v32 =	vld.idx.msk [tilespmem:v39+s14+$0x0], $0xffff  }
0x344: {  	v41 =	vor.u32 v4, v43  }
0x345: {  	s28 =	simm.s32 $0x1  }
0x346: {  	v44 =	vadd.s32 s28, v0  }
0x347: {  	v33 =	vand.u32 $0x3F, v44  }
0x348: {  	v45 =	vor.u32 v1, v33;
	[tilespmem:v40+s25+$0x0] =	vst.idx.msk $0xffff, v32  }
0x349: {  	v46 =	vor.u32 v5, v42;
	v35 =	vld.idx.msk [tilespmem:v41+s14+$0x0], $0xffff  }
0x34a: {  	v48 =	vor.u32 v6, v43;
	v47 =	vshll.u32 v44, $0x8;
	v36 =	vshll.u32 v44, $0x7  }
0x34b: {  	v36 =	vand.u32 $0x380, v36;
	v32 =	vand.u32 $0x3800, v47  }
0x34c: {  	v32 =	vor.u32 v36, v32  }
0x34d: {  	v34 =	vld.idx.msk [tilespmem:v45+s14+$0x0], $0xffff;
	v36 =	vor.u32 v0, v32  }
0x34e: {  	v49 =	vor.u32 v2, v33;
	[tilespmem:v46+s25+$0x0] =	vst.idx.msk $0xffff, v35  }
0x34f: {  	v50 =	vor.u32 v7, v42;
	v37 =	vld.idx.msk [tilespmem:v48+s14+$0x0], $0xffff  }
0x350: {  	v51 =	vor.u32 v8, v43;
	_ =	sdelay $0x1  }
0x351: {  	[tilespmem:v36+s25+$0x0] =	vst.idx.msk $0xffff, v34  }
0x352: {  	v52 =	vor.u32 v3, v32;
	v34 =	vld.idx.msk [tilespmem:v49+s14+$0x0], $0xffff  }
0x353: {  	v53 =	vor.u32 v4, v33;
	[tilespmem:v50+s25+$0x0] =	vst.idx.msk $0xffff, v37  }
0x354: {  	v54 =	vor.u32 v9, v42;
	v38 =	vld.idx.msk [tilespmem:v51+s14+$0x0], $0xffff  }
0x355: {  	v55 =	vor.u32 v10, v43;
	s21 =	simm.s32 $0x2  }
0x356: {  	v56 =	vadd.s32 s21, v0  }
0x357: {  	v35 =	vand.u32 $0x3F, v56;
	[tilespmem:v52+s25+$0x0] =	vst.idx.msk $0xffff, v34  }
0x358: {  	v58 =	vor.u32 v5, v32;
	v57 =	vor.u32 v1, v35;
	v37 =	vld.idx.msk [tilespmem:v53+s14+$0x0], $0xffff  }
0x359: {  	v59 =	vor.u32 v6, v33;
	[tilespmem:v54+s25+$0x0] =	vst.idx.msk $0xffff, v38  }
0x35a: {  	v62 =	vor.u32 v11, v42;
	v60 =	vshll.u32 v56, $0x8;
	v61 =	vshll.u32 v56, $0x7;
	v39 =	vld.idx.msk [tilespmem:v55+s14+$0x0], $0xffff  }
0x35b: {  	v63 =	vor.u32 v12, v43;
	v40 =	vand.u32 $0x380, v61;
	v34 =	vand.u32 $0x3800, v60  }
0x35c: {  	v34 =	vor.u32 v40, v34  }
0x35d: {  	v36 =	vld.idx.msk [tilespmem:v57+s14+$0x0], $0xffff;
	v40 =	vor.u32 v0, v34;
	[tilespmem:v58+s25+$0x0] =	vst.idx.msk $0xffff, v37  }
0x35e: {  	v48 =	vor.u32 v2, v35;
	v49 =	vor.u32 v7, v32;
	v38 =	vld.idx.msk [tilespmem:v59+s14+$0x0], $0xffff  }
0x35f: {  	v50 =	vor.u32 v8, v33;
	[tilespmem:v62+s25+$0x0] =	vst.idx.msk $0xffff, v39  }
0x360: {  	v51 =	vor.u32 v13, v42;
	v41 =	vld.idx.msk [tilespmem:v63+s14+$0x0], $0xffff  }
0x361: {  	v52 =	vor.u32 v14, v43  }
0x362: {  	[tilespmem:v40+s25+$0x0] =	vst.idx.msk $0xffff, v36  }
0x363: {  	v53 =	vor.u32 v3, v34;
	v37 =	vld.idx.msk [tilespmem:v48+s14+$0x0], $0xffff;
	[tilespmem:v49+s25+$0x0] =	vst.idx.msk $0xffff, v38  }
0x364: {  	v54 =	vor.u32 v4, v35;
	v55 =	vor.u32 v9, v32;
	v39 =	vld.idx.msk [tilespmem:v50+s14+$0x0], $0xffff  }
0x365: {  	s22 =	simm.s32 $0x3;
	v56 =	vor.u32 v10, v33;
	[tilespmem:v51+s25+$0x0] =	vst.idx.msk $0xffff, v41  }
0x366: {  	v57 =	vadd.s32 s22, v0;
	v58 =	vor.u32 v15, v42;
	v45 =	vld.idx.msk [tilespmem:v52+s14+$0x0], $0xffff  }
0x367: {  	v36 =	vand.u32 $0x3F, v57;
	v59 =	vor.u32 v16, v43  }
0x368: {  	v60 =	vor.u32 v1, v36;
	[tilespmem:v53+s25+$0x0] =	vst.idx.msk $0xffff, v37  }
0x369: {  	v61 =	vshll.u32 v57, $0x8;
	v62 =	vor.u32 v5, v34;
	v38 =	vld.idx.msk [tilespmem:v54+s14+$0x0], $0xffff;
	[tilespmem:v55+s25+$0x0] =	vst.idx.msk $0xffff, v39  }
0x36a: {  	v63 =	vor.u32 v6, v35;
	v51 =	vshll.u32 v57, $0x7;
	v52 =	vor.u32 v11, v32;
	v41 =	vld.idx.msk [tilespmem:v56+s14+$0x0], $0xffff  }
0x36b: {  	v37 =	vand.u32 $0x3800, v61;
	v53 =	vor.u32 v12, v33;
	v44 =	vand.u32 $0x380, v51;
	[tilespmem:v58+s25+$0x0] =	vst.idx.msk $0xffff, v45  }
0x36c: {  	v54 =	vor.u32 v17, v42;
	v37 =	vor.u32 v44, v37;
	v47 =	vld.idx.msk [tilespmem:v59+s14+$0x0], $0xffff  }
0x36d: {  	v40 =	vld.idx.msk [tilespmem:v60+s14+$0x0], $0xffff;
	v56 =	vor.u32 v18, v43;
	v55 =	vor.u32 v0, v37  }
0x36e: {  	v57 =	vor.u32 v2, v36;
	[tilespmem:v62+s25+$0x0] =	vst.idx.msk $0xffff, v38  }
0x36f: {  	v39 =	vld.idx.msk [tilespmem:v63+s14+$0x0], $0xffff;
	v58 =	vor.u32 v7, v34;
	[tilespmem:v52+s25+$0x0] =	vst.idx.msk $0xffff, v41  }
0x370: {  	v60 =	vor.u32 v13, v32;
	v59 =	vor.u32 v8, v35;
	v45 =	vld.idx.msk [tilespmem:v53+s14+$0x0], $0xffff  }
0x371: {  	v61 =	vor.u32 v14, v33;
	[tilespmem:v54+s25+$0x0] =	vst.idx.msk $0xffff, v47  }
0x372: {  	v63 =	vor.u32 v19, v42;
	[tilespmem:v55+s25+$0x0] =	vst.idx.msk $0xffff, v40;
	v62 =	vld.idx.msk [tilespmem:v56+s14+$0x0], $0xffff  }
0x373: {  	v38 =	vld.idx.msk [tilespmem:v57+s14+$0x0], $0xffff;
	v57 =	vor.u32 v20, v43;
	v56 =	vor.u32 v3, v37  }
0x374: {  	[tilespmem:v58+s25+$0x0] =	vst.idx.msk $0xffff, v39;
	v58 =	vor.u32 v4, v36  }
0x375: {  	s23 =	simm.s32 $0x4;
	v41 =	vld.idx.msk [tilespmem:v59+s14+$0x0], $0xffff;
	v59 =	vor.u32 v9, v34;
	[tilespmem:v60+s25+$0x0] =	vst.idx.msk $0xffff, v45  }
0x376: {  	v45 =	vor.u32 v10, v35;
	v60 =	vadd.s32 s23, v0;
	v44 =	vld.idx.msk [tilespmem:v61+s14+$0x0], $0xffff;
	v61 =	vor.u32 v15, v32  }
0x377: {  	v40 =	vor.u32 v16, v33;
	v39 =	vand.u32 $0x3F, v60;
	[tilespmem:v63+s25+$0x0] =	vst.idx.msk $0xffff, v62  }
0x378: {  	v48 =	vor.u32 v1, v39;
	[tilespmem:v56+s25+$0x0] =	vst.idx.msk $0xffff, v38;
	v62 =	vor.u32 v21, v42;
	v47 =	vld.idx.msk [tilespmem:v57+s14+$0x0], $0xffff  }
0x379: {  	v63 =	vor.u32 v5, v37;
	v49 =	vld.idx.msk [tilespmem:v58+s14+$0x0], $0xffff;
	v57 =	vor.u32 v22, v43  }
0x37a: {  	v46 =	vshll.u32 v60, $0x7;
	[tilespmem:v59+s25+$0x0] =	vst.idx.msk $0xffff, v41;
	v59 =	vor.u32 v6, v36;
	v58 =	vshll.u32 v60, $0x8  }
0x37b: {  	v51 =	vor.u32 v11, v34;
	v45 =	vld.idx.msk [tilespmem:v45+s14+$0x0], $0xffff;
	[tilespmem:v61+s25+$0x0] =	vst.idx.msk $0xffff, v44;
	v60 =	vand.u32 $0x380, v46;
	v38 =	vand.u32 $0x3800, v58  }
0x37c: {  	v61 =	vor.u32 v12, v35;
	v44 =	vor.u32 v17, v32;
	v40 =	vld.idx.msk [tilespmem:v40+s14+$0x0], $0xffff;
	v38 =	vor.u32 v60, v38  }
0x37d: {  	v48 =	vld.idx.msk [tilespmem:v48+s14+$0x0], $0xffff;
	[tilespmem:v62+s25+$0x0] =	vst.idx.msk $0xffff, v47;
	v62 =	vor.u32 v0, v38  }
0x37e: {  	v50 =	vor.u32 v18, v33;
	[tilespmem:v63+s25+$0x0] =	vst.idx.msk $0xffff, v49;
	v49 =	vld.idx.msk [tilespmem:v57+s14+$0x0], $0xffff;
	v57 =	vor.u32 v23, v42  }
0x37f: {  	v58 =	vor.u32 v7, v37;
	v63 =	vor.u32 v2, v39;
	v41 =	vld.idx.msk [tilespmem:v59+s14+$0x0], $0xffff  }
0x380: {  	[tilespmem:v51+s25+$0x0] =	vst.idx.msk $0xffff, v45;
	v59 =	vor.u32 v24, v43  }
0x381: {  	v60 =	vor.u32 v8, v36;
	v46 =	vld.idx.msk [tilespmem:v61+s14+$0x0], $0xffff;
	v61 =	vor.u32 v13, v34;
	[tilespmem:v44+s25+$0x0] =	vst.idx.msk $0xffff, v40  }
0x382: {  	[tilespmem:v62+s25+$0x0] =	vst.idx.msk $0xffff, v48;
	v62 =	vor.u32 v14, v35  }
0x383: {  	v47 =	vor.u32 v19, v32;
	v44 =	vld.idx.msk [tilespmem:v50+s14+$0x0], $0xffff;
	[tilespmem:v57+s25+$0x0] =	vst.idx.msk $0xffff, v49  }
0x384: {  	v48 =	vld.idx.msk [tilespmem:v63+s14+$0x0], $0xffff;
	v49 =	vor.u32 v3, v38;
	[tilespmem:v58+s25+$0x0] =	vst.idx.msk $0xffff, v41;
	v41 =	vor.u32 v20, v33  }
0x385: {  	v52 =	vor.u32 v25, v42;
	v50 =	vld.idx.msk [tilespmem:v59+s14+$0x0], $0xffff  }
0x386: {  	[tilespmem:v61+s25+$0x0] =	vst.idx.msk $0xffff, v46;
	v63 =	vor.u32 v9, v37;
	v45 =	vld.idx.msk [tilespmem:v60+s14+$0x0], $0xffff;
	v60 =	vor.u32 v26, v43  }
0x387: {  	v56 =	vld.idx.msk [tilespmem:v62+s14+$0x0], $0xffff;
	v62 =	vor.u32 v15, v34  }
0x388: {  	[tilespmem:v47+s25+$0x0] =	vst.idx.msk $0xffff, v44;
	v47 =	vor.u32 v16, v35  }
0x389: {  	s26 =	simm.s32 $0x5;
	v53 =	vor.u32 v4, v39;
	v58 =	vor.u32 v21, v32;
	[tilespmem:v49+s25+$0x0] =	vst.idx.msk $0xffff, v48;
	v49 =	vld.idx.msk [tilespmem:v41+s14+$0x0], $0xffff  }
0x38a: {  	v51 =	vor.u32 v10, v36;
	v61 =	vadd.s32 s26, v0;
	[tilespmem:v52+s25+$0x0] =	vst.idx.msk $0xffff, v50  }
0x38b: {  	v40 =	vand.u32 $0x3F, v61;
	v44 =	vshll.u32 v61, $0x8;
	[tilespmem:v63+s25+$0x0] =	vst.idx.msk $0xffff, v45;
	v46 =	vld.idx.msk [tilespmem:v60+s14+$0x0], $0xffff;
	v60 =	vshll.u32 v61, $0x7  }
0x38c: {  	v44 =	vand.u32 $0x3800, v44;
	v48 =	vor.u32 v1, v40;
	v41 =	vand.u32 $0x380, v60;
	[tilespmem:v62+s25+$0x0] =	vst.idx.msk $0xffff, v56  }
0x38d: {  	v45 =	vor.u32 v22, v33;
	v41 =	vor.u32 v41, v44;
	v44 =	vor.u32 v17, v34;
	v47 =	vld.idx.msk [tilespmem:v47+s14+$0x0], $0xffff  }
0x38e: {  	v50 =	vor.u32 v5, v38;
	v52 =	vld.idx.msk [tilespmem:v53+s14+$0x0], $0xffff;
	[tilespmem:v58+s25+$0x0] =	vst.idx.msk $0xffff, v49;
	v58 =	vor.u32 v18, v35  }
0x38f: {  	v53 =	vor.u32 v6, v39;
	v61 =	vor.u32 v11, v37;
	v51 =	vld.idx.msk [tilespmem:v51+s14+$0x0], $0xffff  }
0x390: {  	v57 =	vor.u32 v12, v36;
	v63 =	vor.u32 v27, v42  }
0x391: {  	v62 =	vor.u32 v28, v43;
	v48 =	vld.idx.msk [tilespmem:v48+s14+$0x0], $0xffff  }
0x392: {  	v49 =	vor.u32 v0, v41;
	v45 =	vld.idx.msk [tilespmem:v45+s14+$0x0], $0xffff;
	[tilespmem:v44+s25+$0x0] =	vst.idx.msk $0xffff, v47  }
0x393: {  	[tilespmem:v50+s25+$0x0] =	vst.idx.msk $0xffff, v52;
	v44 =	vld.idx.msk [tilespmem:v58+s14+$0x0], $0xffff  }
0x394: {  	v52 =	vor.u32 v23, v32;
	v53 =	vld.idx.msk [tilespmem:v53+s14+$0x0], $0xffff;
	[tilespmem:v61+s25+$0x0] =	vst.idx.msk $0xffff, v51  }
0x395: {  	[tilespmem:v63+s25+$0x0] =	vst.idx.msk $0xffff, v46;
	v46 =	vor.u32 v7, v38;
	v61 =	vld.idx.msk [tilespmem:v57+s14+$0x0], $0xffff  }
0x396: {  	v50 =	vor.u32 v2, v40;
	v51 =	vld.idx.msk [tilespmem:v62+s14+$0x0], $0xffff;
	v62 =	vor.u32 v13, v37  }
0x397: {  	v60 =	vor.u32 v29, v42;
	v63 =	vor.u32 v14, v36;
	[tilespmem:v49+s25+$0x0] =	vst.idx.msk $0xffff, v48  }
0x398: {  	[tilespmem:$0x1FFC0] =	vst v44  }
0x399: {  	[tilespmem:v52+s25+$0x0] =	vst.idx.msk $0xffff, v45  }
0x39a: {  	v54 =	vor.u32 v24, v33;
	[tilespmem:v46+s25+$0x0] =	vst.idx.msk $0xffff, v53  }
0x39b: {  	v59 =	vor.u32 v8, v39;
	v55 =	vld.idx.msk [tilespmem:v50+s14+$0x0], $0xffff;
	[tilespmem:v62+s25+$0x0] =	vst.idx.msk $0xffff, v61  }
0x39c: {  	v43 =	vor.u32 v30, v43;
	[tilespmem:v60+s25+$0x0] =	vst.idx.msk $0xffff, v51;
	v50 =	vld.idx.msk [tilespmem:v63+s14+$0x0], $0xffff  }
0x39d: {  	v58 =	vor.u32 v19, v34;
	v63 =	vld [tilespmem:$0x1FFC0]  }
0x39e: {  	v56 =	vor.u32 v3, v41;
	v49 =	vor.u32 v20, v35  }
0x39f: {  	v57 =	vor.u32 v4, v40;
	v48 =	vor.u32 v25, v32;
	v47 =	vld.idx.msk [tilespmem:v54+s14+$0x0], $0xffff  }
0x3a0: {  	v53 =	vor.u32 v9, v38;
	v45 =	vor.u32 v26, v33;
	v52 =	vld.idx.msk [tilespmem:v59+s14+$0x0], $0xffff  }
0x3a1: {  	s28 =	simm.s32 $0x6;
	v46 =	vor.u32 v31, v42;
	v44 =	vld.idx.msk [tilespmem:v43+s14+$0x0], $0xffff;
	v54 =	vor.u32 v10, v39  }
0x3a2: {  	s20 =	simm.s32 $0x7;
	v42 =	vadd.s32 s28, v0;
	v51 =	vor.u32 v15, v37;
	[tilespmem:v58+s25+$0x0] =	vst.idx.msk $0xffff, v63  }
.LBB2_10:
0x3a3: {  	p0 =	sne.s32 s20, $0x3F;
	v43 =	vshll.u32 v42, $0x8;
	v58 =	vand.u32 $0x3F, v42;
	[tilespmem:v56+s25+$0x0] =	vst.idx.msk $0xffff, v55;
	v55 =	vor.u32 v16, v36;
	v49 =	vld.idx.msk [tilespmem:v49+s14+$0x0], $0xffff  }
0x3a4: {  	v59 =	vor.u32 v21, v34;
	v56 =	vor.u32 v1, v58;
	v57 =	vld.idx.msk [tilespmem:v57+s14+$0x0], $0xffff;
	[tilespmem:v48+s25+$0x0] =	vst.idx.msk $0xffff, v47  }
0x3a5: {  	v47 =	vor.u32 v5, v41;
	v48 =	vor.u32 v22, v35;
	[tilespmem:v53+s25+$0x0] =	vst.idx.msk $0xffff, v52;
	v45 =	vld.idx.msk [tilespmem:v45+s14+$0x0], $0xffff  }
0x3a6: {  	v52 =	vor.u32 v6, v40;
	v53 =	vld.idx.msk [tilespmem:v54+s14+$0x0], $0xffff;
	v54 =	vor.u32 v27, v32;
	[tilespmem:v46+s25+$0x0] =	vst.idx.msk $0xffff, v44  }
0x3a7: {  	v42 =	vshll.u32 v42, $0x7;
	v44 =	vor.u32 v11, v38;
	v46 =	vor.u32 v28, v33;
	[tilespmem:v51+s25+$0x0] =	vst.idx.msk $0xffff, v50  }
0x3a8: {  	v60 =	vmovc v41;
	v43 =	vand.u32 $0x3800, v43;
	v42 =	vand.u32 $0x380, v42;
	v50 =	vor.u32 v12, v39;
	v51 =	vld.idx.msk [tilespmem:v55+s14+$0x0], $0xffff  }
0x3a9: {  	v41 =	vor.u32 v42, v43;
	v43 =	vor.u32 v17, v37;
	v42 =	vld.idx.msk [tilespmem:v56+s14+$0x0], $0xffff;
	[tilespmem:v59+s25+$0x0] =	vst.idx.msk $0xffff, v49  }
0x3aa: {  	v49 =	vor.u32 v0, v41;
	[tilespmem:v47+s25+$0x0] =	vst.idx.msk $0xffff, v57;
	v47 =	vor.u32 v18, v36;
	v48 =	vld.idx.msk [tilespmem:v48+s14+$0x0], $0xffff  }
0x3ab: {  	v55 =	vor.u32 v2, v58;
	v56 =	vor.u32 v23, v34;
	v52 =	vld.idx.msk [tilespmem:v52+s14+$0x0], $0xffff;
	[tilespmem:v54+s25+$0x0] =	vst.idx.msk $0xffff, v45  }
0x3ac: {  	v45 =	vor.u32 v7, v60;
	[tilespmem:v44+s25+$0x0] =	vst.idx.msk $0xffff, v53;
	v44 =	vor.u32 v24, v35;
	v46 =	vld.idx.msk [tilespmem:v46+s14+$0x0], $0xffff  }
0x3ad: {  	v54 =	vor.u32 v29, v32;
	v53 =	vor.u32 v8, v40;
	v50 =	vld.idx.msk [tilespmem:v50+s14+$0x0], $0xffff  }
0x3ae: {  	v59 =	vor.u32 v13, v38;
	[tilespmem:v43+s25+$0x0] =	vst.idx.msk $0xffff, v51;
	v43 =	vor.u32 v30, v33;
	v33 =	vmov v35  }
0x3af: {  	v35 =	vmov v36;
	v36 =	vmov v39;
	[tilespmem:v49+s25+$0x0] =	vst.idx.msk $0xffff, v42;
	v42 =	vor.u32 v14, v39;
	v61 =	vld.idx.msk [tilespmem:v47+s14+$0x0], $0xffff  }
0x3b0: {  	v62 =	vor.u32 v19, v37;
	v39 =	vmov v40;
	v40 =	vmov v58;
	v55 =	vld.idx.msk [tilespmem:v55+s14+$0x0], $0xffff;
	[tilespmem:v56+s25+$0x0] =	vst.idx.msk $0xffff, v48  }
.Ltmp4:
0x3b1: {  	v49 =	vor.u32 v20, v35;
	v56 =	vor.u32 v3, v41;
	[tilespmem:v45+s25+$0x0] =	vst.idx.msk $0xffff, v52;
	v47 =	vld.idx.msk [tilespmem:v44+s14+$0x0], $0xffff;
	(pc) =	sbr.rel @p0 .LBB2_10-.Ltmp4, $4  }
0x3b2: {  	v57 =	vor.u32 v4, v40;
	v48 =	vor.u32 v25, v34;
	v52 =	vld.idx.msk [tilespmem:v53+s14+$0x0], $0xffff;
	[tilespmem:v54+s25+$0x0] =	vst.idx.msk $0xffff, v46  }
0x3b3: {  	v45 =	vor.u32 v26, v33;
	v53 =	vor.u32 v9, v60;
	[tilespmem:v59+s25+$0x0] =	vst.idx.msk $0xffff, v50;
	v44 =	vld.idx.msk [tilespmem:v43+s14+$0x0], $0xffff  }
0x3b4: {  	v54 =	vor.u32 v10, v39;
	v46 =	vor.u32 v31, v32;
	v32 =	vmovc v34;
	v34 =	vmov v37;
	v50 =	vld.idx.msk [tilespmem:v42+s14+$0x0], $0xffff  }
0x3b5: {  	v51 =	vor.u32 v15, v38;
	v37 =	vmovc v38;
	v38 =	vmov v60;
	v42 =	vadd.s32 s20, v0;
	s20 =	sadd.s32 $0x1, s20;
	[tilespmem:v62+s25+$0x0] =	vst.idx.msk $0xffff, v61  }
0x3b6: {  	v43 =	vand.u32 $0x3F, v42  }
0x3b7: {  	v58 =	vor.u32 v1, v43;
	_ =	sdelay $0x1  }
0x3b8: {  	v59 =	vshll.u32 v42, $0x8;
	v60 =	vshll.u32 v42, $0x7  }
0x3b9: {  	v59 =	vand.u32 $0x3800, v59;
	v42 =	vand.u32 $0x380, v60  }
0x3ba: {  	v42 =	vor.u32 v42, v59  }
0x3bb: {  	v59 =	vor.u32 v0, v42;
	v58 =	vld.idx.msk [tilespmem:v58+s14+$0x0], $0xffff  }
0x3bc: {  	v60 =	vor.u32 v2, v43;
	_ =	sdelay $0x2  }
0x3bd: {  	[tilespmem:v56+s25+$0x0] =	vst.idx.msk $0xffff, v55  }
0x3be: {  	v56 =	vor.u32 v5, v41;
	v55 =	vld.idx.msk [tilespmem:v57+s14+$0x0], $0xffff;
	[tilespmem:v59+s25+$0x0] =	vst.idx.msk $0xffff, v58  }
0x3bf: {  	v57 =	vor.u32 v6, v40;
	v59 =	vor.u32 v3, v42;
	v58 =	vld.idx.msk [tilespmem:v60+s14+$0x0], $0xffff  }
0x3c0: {  	v60 =	vor.u32 v4, v43;
	_ =	sdelay $0x2  }
0x3c1: {  	[tilespmem:v56+s25+$0x0] =	vst.idx.msk $0xffff, v55  }
0x3c2: {  	v56 =	vor.u32 v7, v41;
	v55 =	vld.idx.msk [tilespmem:v57+s14+$0x0], $0xffff;
	[tilespmem:v59+s25+$0x0] =	vst.idx.msk $0xffff, v58  }
0x3c3: {  	v57 =	vor.u32 v8, v40;
	v59 =	vor.u32 v5, v42;
	v58 =	vld.idx.msk [tilespmem:v60+s14+$0x0], $0xffff  }
0x3c4: {  	v60 =	vor.u32 v6, v43;
	_ =	sdelay $0x2  }
0x3c5: {  	[tilespmem:v56+s25+$0x0] =	vst.idx.msk $0xffff, v55  }
0x3c6: {  	v56 =	vor.u32 v9, v41;
	v55 =	vld.idx.msk [tilespmem:v57+s14+$0x0], $0xffff;
	[tilespmem:v59+s25+$0x0] =	vst.idx.msk $0xffff, v58  }
0x3c7: {  	v57 =	vor.u32 v10, v40;
	v59 =	vor.u32 v7, v42;
	v58 =	vld.idx.msk [tilespmem:v60+s14+$0x0], $0xffff  }
0x3c8: {  	v60 =	vor.u32 v8, v43;
	_ =	sdelay $0x1  }
0x3c9: {  	[tilespmem:v53+s25+$0x0] =	vst.idx.msk $0xffff, v52  }
0x3ca: {  	v53 =	vor.u32 v11, v38;
	v52 =	vld.idx.msk [tilespmem:v54+s14+$0x0], $0xffff;
	[tilespmem:v56+s25+$0x0] =	vst.idx.msk $0xffff, v55  }
0x3cb: {  	v54 =	vor.u32 v12, v39;
	v56 =	vor.u32 v11, v41;
	v55 =	vld.idx.msk [tilespmem:v57+s14+$0x0], $0xffff;
	[tilespmem:v59+s25+$0x0] =	vst.idx.msk $0xffff, v58  }
0x3cc: {  	v57 =	vor.u32 v12, v40;
	v59 =	vor.u32 v9, v42;
	v58 =	vld.idx.msk [tilespmem:v60+s14+$0x0], $0xffff  }
0x3cd: {  	v60 =	vor.u32 v10, v43;
	_ =	sdelay $0x1  }
0x3ce: {  	[tilespmem:v53+s25+$0x0] =	vst.idx.msk $0xffff, v52  }
0x3cf: {  	v53 =	vor.u32 v13, v38;
	v52 =	vld.idx.msk [tilespmem:v54+s14+$0x0], $0xffff;
	[tilespmem:v56+s25+$0x0] =	vst.idx.msk $0xffff, v55  }
0x3d0: {  	v54 =	vor.u32 v14, v39;
	v56 =	vor.u32 v13, v41;
	v55 =	vld.idx.msk [tilespmem:v57+s14+$0x0], $0xffff;
	[tilespmem:v59+s25+$0x0] =	vst.idx.msk $0xffff, v58  }
0x3d1: {  	v59 =	vor.u32 v11, v42;
	v58 =	vld.idx.msk [tilespmem:v60+s14+$0x0], $0xffff  }
0x3d2: {  	v60 =	vor.u32 v12, v43;
	_ =	sdelay $0x1  }
0x3d3: {  	[tilespmem:v53+s25+$0x0] =	vst.idx.msk $0xffff, v52  }
0x3d4: {  	v52 =	vor.u32 v16, v36;
	v53 =	vld.idx.msk [tilespmem:v54+s14+$0x0], $0xffff;
	v54 =	vor.u32 v15, v38;
	[tilespmem:v56+s25+$0x0] =	vst.idx.msk $0xffff, v55  }
0x3d5: {  	v55 =	vor.u32 v16, v39;
	[tilespmem:v59+s25+$0x0] =	vst.idx.msk $0xffff, v58  }
0x3d6: {  	v57 =	vor.u32 v14, v40;
	v59 =	vor.u32 v13, v42;
	v58 =	vld.idx.msk [tilespmem:v60+s14+$0x0], $0xffff  }
0x3d7: {  	v60 =	vor.u32 v14, v43  }
0x3d8: {  	[tilespmem:v51+s25+$0x0] =	vst.idx.msk $0xffff, v50  }
0x3d9: {  	v51 =	vor.u32 v17, v37;
	v50 =	vld.idx.msk [tilespmem:v52+s14+$0x0], $0xffff;
	[tilespmem:v54+s25+$0x0] =	vst.idx.msk $0xffff, v53  }
0x3da: {  	v52 =	vor.u32 v18, v36;
	v54 =	vor.u32 v17, v38;
	v53 =	vld.idx.msk [tilespmem:v55+s14+$0x0], $0xffff  }
0x3db: {  	v56 =	vld.idx.msk [tilespmem:v57+s14+$0x0], $0xffff;
	v57 =	vor.u32 v15, v41;
	v55 =	vor.u32 v18, v39;
	[tilespmem:v59+s25+$0x0] =	vst.idx.msk $0xffff, v58  }
0x3dc: {  	v58 =	vor.u32 v16, v40;
	v59 =	vld.idx.msk [tilespmem:v60+s14+$0x0], $0xffff;
	v60 =	vor.u32 v15, v42  }
0x3dd: {  	v61 =	vor.u32 v16, v43  }
0x3de: {  	[tilespmem:v51+s25+$0x0] =	vst.idx.msk $0xffff, v50  }
0x3df: {  	v51 =	vor.u32 v19, v37;
	v50 =	vld.idx.msk [tilespmem:v52+s14+$0x0], $0xffff;
	[tilespmem:v54+s25+$0x0] =	vst.idx.msk $0xffff, v53  }
0x3e0: {  	v52 =	vor.u32 v20, v36;
	[tilespmem:v57+s25+$0x0] =	vst.idx.msk $0xffff, v56;
	v54 =	vor.u32 v19, v38;
	v53 =	vld.idx.msk [tilespmem:v55+s14+$0x0], $0xffff  }
0x3e1: {  	v57 =	vor.u32 v17, v41;
	v55 =	vor.u32 v20, v39;
	v56 =	vld.idx.msk [tilespmem:v58+s14+$0x0], $0xffff;
	[tilespmem:v60+s25+$0x0] =	vst.idx.msk $0xffff, v59  }
0x3e2: {  	v58 =	vor.u32 v18, v40;
	v60 =	vor.u32 v17, v42;
	v59 =	vld.idx.msk [tilespmem:v61+s14+$0x0], $0xffff  }
0x3e3: {  	v61 =	vor.u32 v18, v43  }
0x3e4: {  	v49 =	vld.idx.msk [tilespmem:v49+s14+$0x0], $0xffff;
	v62 =	vor.u32 v21, v34;
	[tilespmem:v51+s25+$0x0] =	vst.idx.msk $0xffff, v50  }
0x3e5: {  	v50 =	vor.u32 v22, v35;
	v51 =	vld.idx.msk [tilespmem:v52+s14+$0x0], $0xffff;
	v52 =	vor.u32 v21, v37;
	[tilespmem:v54+s25+$0x0] =	vst.idx.msk $0xffff, v53  }
0x3e6: {  	v53 =	vor.u32 v22, v36;
	v54 =	vld.idx.msk [tilespmem:v55+s14+$0x0], $0xffff;
	v55 =	vor.u32 v21, v38;
	[tilespmem:v57+s25+$0x0] =	vst.idx.msk $0xffff, v56  }
0x3e7: {  	v57 =	vor.u32 v19, v41;
	v56 =	vld.idx.msk [tilespmem:v58+s14+$0x0], $0xffff;
	[tilespmem:v60+s25+$0x0] =	vst.idx.msk $0xffff, v59  }
0x3e8: {  	v58 =	vor.u32 v20, v40;
	v60 =	vor.u32 v19, v42;
	v59 =	vld.idx.msk [tilespmem:v61+s14+$0x0], $0xffff  }
0x3e9: {  	[tilespmem:v62+s25+$0x0] =	vst.idx.msk $0xffff, v49;
	v61 =	vor.u32 v20, v43  }
0x3ea: {  	v50 =	vld.idx.msk [tilespmem:v50+s14+$0x0], $0xffff;
	[tilespmem:v52+s25+$0x0] =	vst.idx.msk $0xffff, v51;
	v51 =	vor.u32 v23, v34  }
0x3eb: {  	v52 =	vor.u32 v24, v35;
	v53 =	vld.idx.msk [tilespmem:v53+s14+$0x0], $0xffff;
	[tilespmem:v55+s25+$0x0] =	vst.idx.msk $0xffff, v54;
	v54 =	vor.u32 v23, v37  }
0x3ec: {  	v55 =	vor.u32 v24, v36;
	[tilespmem:v57+s25+$0x0] =	vst.idx.msk $0xffff, v56  }
0x3ed: {  	v56 =	vor.u32 v22, v39;
	v57 =	vld.idx.msk [tilespmem:v58+s14+$0x0], $0xffff;
	v58 =	vor.u32 v21, v41;
	[tilespmem:v60+s25+$0x0] =	vst.idx.msk $0xffff, v59  }
0x3ee: {  	v59 =	vor.u32 v22, v40;
	v60 =	vld.idx.msk [tilespmem:v61+s14+$0x0], $0xffff;
	v61 =	vor.u32 v21, v42  }
0x3ef: {  	v49 =	vor.u32 v22, v43;
	[tilespmem:v51+s25+$0x0] =	vst.idx.msk $0xffff, v50  }
0x3f0: {  	v62 =	vor.u32 v25, v34;
	v51 =	vld.idx.msk [tilespmem:v52+s14+$0x0], $0xffff;
	[tilespmem:v54+s25+$0x0] =	vst.idx.msk $0xffff, v53  }
0x3f1: {  	v63 =	vor.u32 v25, v37;
	v53 =	vor.u32 v26, v35;
	v54 =	vld.idx.msk [tilespmem:v55+s14+$0x0], $0xffff  }
0x3f2: {  	v56 =	vld.idx.msk [tilespmem:v56+s14+$0x0], $0xffff;
	[tilespmem:v58+s25+$0x0] =	vst.idx.msk $0xffff, v57;
	v57 =	vor.u32 v23, v38  }
0x3f3: {  	v58 =	vor.u32 v24, v39;
	v59 =	vld.idx.msk [tilespmem:v59+s14+$0x0], $0xffff;
	[tilespmem:v61+s25+$0x0] =	vst.idx.msk $0xffff, v60;
	v60 =	vor.u32 v23, v41  }
0x3f4: {  	[tilespmem:v48+s25+$0x0] =	vst.idx.msk $0xffff, v47;
	v47 =	vor.u32 v24, v40;
	v48 =	vld.idx.msk [tilespmem:v49+s14+$0x0], $0xffff;
	v49 =	vor.u32 v23, v42  }
0x3f5: {  	[tilespmem:v62+s25+$0x0] =	vst.idx.msk $0xffff, v51;
	v61 =	vor.u32 v24, v43  }
0x3f6: {  	v53 =	vld.idx.msk [tilespmem:v53+s14+$0x0], $0xffff;
	[tilespmem:v63+s25+$0x0] =	vst.idx.msk $0xffff, v54;
	v63 =	vor.u32 v27, v34  }
0x3f7: {  	v55 =	vor.u32 v28, v35;
	[tilespmem:v57+s25+$0x0] =	vst.idx.msk $0xffff, v56  }
0x3f8: {  	v56 =	vor.u32 v26, v36;
	v57 =	vld.idx.msk [tilespmem:v58+s14+$0x0], $0xffff;
	v58 =	vor.u32 v25, v38;
	[tilespmem:v60+s25+$0x0] =	vst.idx.msk $0xffff, v59  }
0x3f9: {  	v59 =	vor.u32 v26, v39;
	v47 =	vld.idx.msk [tilespmem:v47+s14+$0x0], $0xffff;
	[tilespmem:v49+s25+$0x0] =	vst.idx.msk $0xffff, v48;
	v48 =	vor.u32 v25, v41  }
0x3fa: {  	[tilespmem:v46+s25+$0x0] =	vst.idx.msk $0xffff, v44;
	v44 =	vor.u32 v26, v40;
	v60 =	vor.u32 v25, v42;
	v46 =	vld.idx.msk [tilespmem:v61+s14+$0x0], $0xffff  }
0x3fb: {  	v45 =	vld.idx.msk [tilespmem:v45+s14+$0x0], $0xffff;
	v51 =	vor.u32 v26, v43;
	[tilespmem:v63+s25+$0x0] =	vst.idx.msk $0xffff, v53;
	v61 =	vor.u32 v27, v32  }
0x3fc: {  	v62 =	vor.u32 v28, v33;
	v54 =	vld.idx.msk [tilespmem:v55+s14+$0x0], $0xffff;
	v55 =	vor.u32 v29, v34  }
0x3fd: {  	v56 =	vld.idx.msk [tilespmem:v56+s14+$0x0], $0xffff;
	[tilespmem:v58+s25+$0x0] =	vst.idx.msk $0xffff, v57;
	v57 =	vor.u32 v27, v37  }
0x3fe: {  	v58 =	vor.u32 v28, v36;
	v59 =	vld.idx.msk [tilespmem:v59+s14+$0x0], $0xffff;
	[tilespmem:v48+s25+$0x0] =	vst.idx.msk $0xffff, v47;
	v47 =	vor.u32 v27, v38  }
0x3ff: {  	v48 =	vor.u32 v28, v39;
	v44 =	vld.idx.msk [tilespmem:v44+s14+$0x0], $0xffff;
	[tilespmem:v60+s25+$0x0] =	vst.idx.msk $0xffff, v46;
	v60 =	vor.u32 v27, v41  }
0x400: {  	v50 =	vor.u32 v27, v42;
	[tilespmem:v61+s25+$0x0] =	vst.idx.msk $0xffff, v45;
	v61 =	vor.u32 v28, v40;
	v49 =	vld.idx.msk [tilespmem:v51+s14+$0x0], $0xffff  }
0x401: {  	v63 =	vor.u32 v28, v43;
	[tilespmem:v55+s25+$0x0] =	vst.idx.msk $0xffff, v54;
	v51 =	vld.idx.msk [tilespmem:v62+s14+$0x0], $0xffff;
	v62 =	vor.u32 v29, v32  }
0x402: {  	v35 =	vor.u32 v30, v35;
	[tilespmem:v57+s25+$0x0] =	vst.idx.msk $0xffff, v56  }
0x403: {  	v33 =	vor.u32 v30, v33;
	v57 =	vor.u32 v29, v37;
	v56 =	vld.idx.msk [tilespmem:v58+s14+$0x0], $0xffff;
	[tilespmem:v47+s25+$0x0] =	vst.idx.msk $0xffff, v59  }
0x404: {  	v59 =	vor.u32 v30, v36;
	v47 =	vld.idx.msk [tilespmem:v48+s14+$0x0], $0xffff;
	v48 =	vor.u32 v29, v38;
	[tilespmem:v60+s25+$0x0] =	vst.idx.msk $0xffff, v44  }
0x405: {  	v60 =	vor.u32 v30, v39;
	v44 =	vld.idx.msk [tilespmem:v61+s14+$0x0], $0xffff;
	v61 =	vor.u32 v29, v41;
	[tilespmem:v50+s25+$0x0] =	vst.idx.msk $0xffff, v49  }
0x406: {  	v52 =	vor.u32 v29, v42;
	[tilespmem:v62+s25+$0x0] =	vst.idx.msk $0xffff, v51;
	v62 =	vor.u32 v30, v40;
	v63 =	vld.idx.msk [tilespmem:v63+s14+$0x0], $0xffff  }
0x407: {  	v43 =	vor.u32 v30, v43;
	v35 =	vld.idx.msk [tilespmem:v35+s14+$0x0], $0xffff;
	v58 =	vor.u32 v31, v34  }
0x408: {  	v53 =	vor.u32 v31, v32;
	v33 =	vld.idx.msk [tilespmem:v33+s14+$0x0], $0xffff;
	[tilespmem:v57+s25+$0x0] =	vst.idx.msk $0xffff, v56  }
0x409: {  	v36 =	vld.idx.msk [tilespmem:v59+s14+$0x0], $0xffff;
	v59 =	vor.u32 v31, v37;
	[tilespmem:v48+s25+$0x0] =	vst.idx.msk $0xffff, v47  }
0x40a: {  	v39 =	vld.idx.msk [tilespmem:v60+s14+$0x0], $0xffff;
	v60 =	vor.u32 v31, v38;
	[tilespmem:v61+s25+$0x0] =	vst.idx.msk $0xffff, v44  }
0x40b: {  	v61 =	vor.u32 v31, v41;
	v40 =	vld.idx.msk [tilespmem:v62+s14+$0x0], $0xffff;
	[tilespmem:v52+s25+$0x0] =	vst.idx.msk $0xffff, v63  }
0x40c: {  	[tilespmem:v58+s25+$0x0] =	vst.idx.msk $0xffff, v35;
	v63 =	vor.u32 v31, v42;
	v62 =	vld.idx.msk [tilespmem:v43+s14+$0x0], $0xffff  }
0x40d: {  	[tilespmem:v53+s25+$0x0] =	vst.idx.msk $0xffff, v33  }
0x40e: {  	[tilespmem:v59+s25+$0x0] =	vst.idx.msk $0xffff, v36  }
0x40f: {  	[tilespmem:v60+s25+$0x0] =	vst.idx.msk $0xffff, v39  }
0x410: {  	[tilespmem:v61+s25+$0x0] =	vst.idx.msk $0xffff, v40  }
0x411: {  	[tilespmem:v63+s25+$0x0] =	vst.idx.msk $0xffff, v62  }
0x412: {  	s20 =	rddreg [dreg:$0xc]  }
0x413: {  	[hbm4b:s20+s3] =	stream.linear.scatter [tilespmem:s25], [sflag:$0x4], $0x800, $0x38;
	[tilespmem:$0x16400] =	vst v63  }
0x414: {  	s21 =	simm.s32 $0x12C00;
	s28 =	rddreg [dreg:$0xd]  }
0x415: {  	[hbm4b:s28+s3] =	stream.linear.scatter [tilespmem:s21], [sflag:$0x4], $0x800, $0x38;
	[tilespmem:$0x16400] =	vst v63  }
0x416: {  	s23 =	simm.s32 $0x13400;
	s22 =	rddreg [dreg:$0xe]  }
0x417: {  	[hbm4b:s22+s3] =	stream.linear.scatter [tilespmem:s23], [sflag:$0x4], $0x800, $0x38;
	[tilespmem:$0x16400] =	vst v63  }
0x418: {  	s26 =	rddreg [dreg:$0xf]  }
0x419: {  	[hbm4b:s26+s3] =	stream.linear.scatter [tilespmem:s29], [sflag:$0x4], $0x800, $0x38;
	[tilespmem:$0x16400] =	vst v63  }
0x41a: {  	s28 =	rddreg [dreg:$0x10]  }
0x41b: {  	[hbm4b:s28+s3] =	stream.linear.scatter [tilespmem:s30], [sflag:$0x4], $0x800, $0x38;
	[tilespmem:$0x16400] =	vst v63  }
0x41c: {  	s21 =	rddreg [dreg:$0x11]  }
0x41d: {  	[hbm4b:s21+s3] =	stream.linear.scatter [tilespmem:s31], [sflag:$0x4], $0x800, $0x38;
	[tilespmem:$0x16400] =	vst v63  }
0x41e: {  	s22 =	rddreg [dreg:$0x12]  }
0x41f: {  	[hbm4b:s22+s3] =	stream.linear.scatter [tilespmem:s1], [sflag:$0x4], $0x800, $0x38;
	[tilespmem:$0x16400] =	vst v63  }
0x420: {  	s23 =	rddreg [dreg:$0x13]  }
0x421: {  	[hbm4b:s23+s3] =	stream.linear.scatter [tilespmem:s17], [sflag:$0x4], $0x800, $0x38;
	[tilespmem:$0x16400] =	vst v63  }
0x422: {  	_ =	swait.ge [sflag:s18], $0x800  }
0x423: {  	[sflag:s18] =	ssyncset.done $0x0  }
0x424: {  	[sflag:s18] =	ssyncadd.s32 $0xFFFFF800  }
0x425: {  	_ =	swait.ge [sflag:s18], $0x800  }
0x426: {  	[sflag:s18] =	ssyncset.done $0x0  }
0x427: {  	[sflag:s18] =	ssyncadd.s32 $0xFFFFF800  }
0x428: {  	_ =	swait.ge [sflag:s18], $0x800  }
0x429: {  	[sflag:s18] =	ssyncset.done $0x0  }
0x42a: {  	[sflag:s18] =	ssyncadd.s32 $0xFFFFF800  }
0x42b: {  	_ =	swait.ge [sflag:s18], $0x800  }
0x42c: {  	[sflag:s18] =	ssyncset.done $0x0  }
0x42d: {  	[sflag:s18] =	ssyncadd.s32 $0xFFFFF800  }
0x42e: {  	_ =	swait.ge [sflag:s18], $0x800  }
0x42f: {  	[sflag:s18] =	ssyncset.done $0x0  }
0x430: {  	[sflag:s18] =	ssyncadd.s32 $0xFFFFF800  }
0x431: {  	_ =	swait.ge [sflag:s18], $0x800  }
0x432: {  	[sflag:s18] =	ssyncset.done $0x0  }
0x433: {  	[sflag:s18] =	ssyncadd.s32 $0xFFFFF800  }
0x434: {  	_ =	swait.ge [sflag:s18], $0x800  }
0x435: {  	[sflag:s18] =	ssyncset.done $0x0  }
0x436: {  	[sflag:s18] =	ssyncadd.s32 $0xFFFFF800  }
0x437: {  	_ =	swait.ge [sflag:s18], $0x800  }
0x438: {  	[sflag:s18] =	ssyncset.done $0x0  }
0x439: {  	[sflag:s18] =	ssyncadd.s32 $0xFFFFF800  }
0x43a: {  	_ =	swait.ge [sflag:s19], $0x800  }
0x43b: {  	[sflag:s19] =	ssyncset.done $0x0  }
0x43c: {  	[sflag:s19] =	ssyncadd.s32 $0xFFFFF800  }
0x43d: {  	_ =	swait.ge [sflag:s19], $0x800  }
0x43e: {  	[sflag:s19] =	ssyncset.done $0x0  }
0x43f: {  	[sflag:s19] =	ssyncadd.s32 $0xFFFFF800  }
0x440: {  	_ =	swait.ge [sflag:s19], $0x800  }
0x441: {  	[sflag:s19] =	ssyncset.done $0x0  }
0x442: {  	[sflag:s19] =	ssyncadd.s32 $0xFFFFF800  }
0x443: {  	_ =	swait.ge [sflag:s19], $0x800  }
0x444: {  	[sflag:s19] =	ssyncset.done $0x0  }
0x445: {  	[sflag:s19] =	ssyncadd.s32 $0xFFFFF800  }
0x446: {  	_ =	swait.ge [sflag:s19], $0x800  }
0x447: {  	[sflag:s19] =	ssyncset.done $0x0  }
0x448: {  	[sflag:s19] =	ssyncadd.s32 $0xFFFFF800  }
0x449: {  	_ =	swait.ge [sflag:s19], $0x800  }
0x44a: {  	[sflag:s19] =	ssyncset.done $0x0  }
0x44b: {  	[sflag:s19] =	ssyncadd.s32 $0xFFFFF800  }
0x44c: {  	_ =	swait.ge [sflag:s19], $0x800  }
0x44d: {  	[sflag:s19] =	ssyncset.done $0x0  }
0x44e: {  	[sflag:s19] =	ssyncadd.s32 $0xFFFFF800  }
0x44f: {  	_ =	swait.ge [sflag:s19], $0x800  }
0x450: {  	s26 =	rddreg [dreg:$0x15]  }
0x451: {  	s28 =	rddreg [dreg:$0x14];
	s21 =	sadd.s32 $0x1, s26  }
0x452: {  	p0 =	sne.s32 s21, s28  }
.Ltmp5:
0x453: {  	_ = 	snop;
	(pc) =	sbr.rel @p0 .LBB2_1-.Ltmp5, $3  }
0x454: {  	_ =	sdelay $0x1  }
0x455: {  	[sflag:s19] =	ssyncset.done $0x0  }
0x456: {  	[sflag:s19] =	ssyncadd.s32 $0xFFFFF800  }
0x457: {  	_ =	sfence.sel $0x180000  }
0x458: {  	[bflag:$0x0] =	sbarrier.arrive $0xFFFF  }
0x459: {  	_ =	strace $0x9000004A  }
0x45a: {  	s0 =	stileid.u32;
	[bflag:$0x2] =	sbarrier.arrive $0xFFFF  }
0x45b: {  	p0 =	sne.s32 s0, $0x0;
	s0 =	rddreg [dreg:$0x2]  }
0x45c: {  	s0 =	sadd.s32 @!p0 $0x100000, s0  }
0x45d: {  	[sflag:s0] =	ssyncadd.tile.s32 @!p0 $0x1;
	_ =	shalt  }
.Lfunc_end2:
_tile_overlayer_lowered:
.L_overlay_start_2:
0x45e: {  	(tag) =	ssettag $0x2  }
0x45f: {  	s0 =	rddreg [dreg:$0x0];
	s2 =	stileid.u32  }
0x460: {  	s1 =	rddreg [dreg:$0x1];
	p0 =	sne.s32 s2, $0x0  }
0x461: {  	s3 =	rddreg [dreg:$0x2];
	[bflag:$0x3] =	sbarrier.arrive $0xFFFF;
	s2 =	simm.s32 @!p0 $0x1C05  }
0x462: {  	[timem:s3], [sflag:s2] =	dma.local @!p0 [hbm:s0], s1  }
0x463: {  	s0 =	simm.s32 @!p0 $0x5  }
0x464: {  	_ =	swait.ge @!p0 [sflag:s0], s1  }
0x465: {  	s1 =	ssub.s32 @!p0 $0x0, s1;
	[sflag:s0] =	ssyncset.done @!p0 $0x0  }
0x466: {  	[sflag:s0] =	ssyncadd.s32 @!p0 s1  }
0x467: {  	[bflag:$0x3] =	sbarrier.arrive $0xFFFF  }
0x468: {  	_ =	shalt  }

</sc_bundles>
